<compile_context>
chip_gen: v7x
topology: tpu7x:2x2x1
jax: 0.10.2.dev20260603
libtpu: 0.0.44.dev20260713+nightly
codegen_flags: <defaults>
</compile_context>

<pallas_src>
import functools

import jax
import jax.numpy as jnp
from jax import lax
from jax.experimental import pallas as pl
from jax.experimental.pallas import tpu as pltpu
from jax.experimental.pallas import tpu_sc as plsc

N = 10000
E = 160000
Nd = 10240
NC = 2
NS = 16
CH = 64
G = 2
E1P = 163840
E3P = 57344
BM = 1024
KT = Nd // BM
RB = 256
RL = 512

_NEG = -1e30


def _dinv(deg):
    return jnp.where(deg > 0, jax.lax.rsqrt(jnp.maximum(deg, 1e-12)), 0.0)


def _xn_body(x_ref, o_ref):
    x = x_ref[...]
    s = jnp.sum(x * x, axis=1, keepdims=True)
    o_ref[...] = x / (jnp.sqrt(s) + 1e-12)


def _xn(x_pad):
    return pl.pallas_call(
        _xn_body,
        grid=(Nd // RL,),
        in_specs=[pl.BlockSpec((RL, 128), lambda i: (i, 0))],
        out_specs=pl.BlockSpec((RL, 128), lambda i: (i, 0)),
        out_shape=jax.ShapeDtypeStruct((Nd, 128), jnp.float32),
    )(x_pad)


def _knn_body(xn_ref, xnt_ref, o_ref):
    i = pl.program_id(0)
    a = xn_ref[...]
    b = xnt_ref[...]
    sim = jnp.dot(a, b, preferred_element_type=jnp.float32)
    rows = jax.lax.broadcasted_iota(jnp.int32, (RB, Nd), 0) + i * RB
    cols = jax.lax.broadcasted_iota(jnp.int32, (RB, Nd), 1)
    sim = jnp.where((cols == rows) | (cols >= N), _NEG, sim)
    idxs = []
    for _ in range(5):
        m = jnp.max(sim, axis=1, keepdims=True)
        isel = jnp.min(jnp.where(sim >= m, cols, jnp.int32(1 << 30)),
                       axis=1, keepdims=True)
        idxs.append(isel)
        sim = jnp.where(cols == isel, _NEG, sim)
    nbr = jnp.concatenate(idxs + [jnp.zeros((RB, 3), jnp.int32)], axis=1)
    o_ref[...] = nbr


def _knn(xn, xnt):
    return pl.pallas_call(
        _knn_body,
        grid=(Nd // RB,),
        in_specs=[
            pl.BlockSpec((RB, 128), lambda i: (i, 0)),
            pl.BlockSpec((128, Nd), lambda i: (0, 0)),
        ],
        out_specs=pl.BlockSpec((RB, 8), lambda i: (i, 0)),
        out_shape=jax.ShapeDtypeStruct((Nd, 8), jnp.int32),
    )(xn, xnt)


def _m2_body(a_ik, a_kj, a_ij, m2_ref, deg_ref, acc_ref, dacc_ref):
    i, j, k = pl.program_id(0), pl.program_id(1), pl.program_id(2)

    @pl.when(k == 0)
    def _():
        acc_ref[...] = jnp.zeros_like(acc_ref)

    acc_ref[...] += jnp.dot(a_ik[...], a_kj[...],
                            preferred_element_type=jnp.float32)

    @pl.when(k == KT - 1)
    def _():
        p = acc_ref[...]
        rows = jax.lax.broadcasted_iota(jnp.int32, (BM, BM), 0) + i * BM
        cols = jax.lax.broadcasted_iota(jnp.int32, (BM, BM), 1) + j * BM
        m2 = (p > 0) & (a_ij[...] == 0) & (rows != cols)
        m2f = m2.astype(jnp.float32)
        m2_ref[...] = m2f.astype(jnp.bfloat16)
        part = jnp.dot(m2f, jnp.ones((BM, 64), jnp.float32),
                       preferred_element_type=jnp.float32)

        @pl.when(j == 0)
        def _():
            dacc_ref[...] = jnp.zeros_like(dacc_ref)

        dacc_ref[...] += part

        @pl.when(j == KT - 1)
        def _():
            deg_ref[...] = dacc_ref[...]


def _m2(atl):
    return pl.pallas_call(
        _m2_body,
        grid=(KT, KT, KT),
        in_specs=[
            pl.BlockSpec((BM, BM), lambda i, j, k: (i, k)),
            pl.BlockSpec((BM, BM), lambda i, j, k: (k, j)),
            pl.BlockSpec((BM, BM), lambda i, j, k: (i, j)),
        ],
        out_specs=[
            pl.BlockSpec((BM, BM), lambda i, j, k: (i, j)),
            pl.BlockSpec((BM, 64), lambda i, j, k: (i, 0)),
        ],
        out_shape=[
            jax.ShapeDtypeStruct((Nd, Nd), jnp.bfloat16),
            jax.ShapeDtypeStruct((Nd, 64), jnp.float32),
        ],
        scratch_shapes=[
            pltpu.VMEM((BM, BM), jnp.float32),
            pltpu.VMEM((BM, 64), jnp.float32),
        ],
        compiler_params=pltpu.CompilerParams(
            dimension_semantics=("parallel", "arbitrary", "arbitrary")),
    )(atl, atl, atl)


def _dgcn_body(m2_ref, h_ref, degk_ref, degi_ref, o_ref, acc_ref):
    k = pl.program_id(1)

    @pl.when(k == 0)
    def _():
        acc_ref[...] = jnp.zeros_like(acc_ref)

    g = _dinv(degk_ref[...]) * h_ref[...]
    m2 = m2_ref[...].astype(jnp.float32)
    acc_ref[...] += jnp.dot(m2, g, preferred_element_type=jnp.float32,
                            precision=jax.lax.Precision.HIGHEST)

    @pl.when(k == KT - 1)
    def _():
        o_ref[...] = _dinv(degi_ref[...]) * acc_ref[...]


def _dgcn(m2t, h, deg2):
    return pl.pallas_call(
        _dgcn_body,
        grid=(KT, KT),
        in_specs=[
            pl.BlockSpec((BM, BM), lambda i, k: (i, k)),
            pl.BlockSpec((BM, 64), lambda i, k: (k, 0)),
            pl.BlockSpec((BM, 64), lambda i, k: (k, 0)),
            pl.BlockSpec((BM, 64), lambda i, k: (i, 0)),
        ],
        out_specs=pl.BlockSpec((BM, 64), lambda i, k: (i, 0)),
        out_shape=jax.ShapeDtypeStruct((Nd, 64), jnp.float32),
        scratch_shapes=[pltpu.VMEM((BM, 64), jnp.float32)],
        compiler_params=pltpu.CompilerParams(
            dimension_semantics=("parallel", "arbitrary")),
    )(m2t, h, deg2, deg2)


def _head1_body(x_ref, w_ref, d1_ref, d3_ref, h_ref, hs1_ref, hs3_ref):
    h = jnp.dot(x_ref[...], w_ref[...], preferred_element_type=jnp.float32)
    z = jnp.zeros_like(h)
    h_ref[...] = h
    hs1_ref[...] = jnp.concatenate([_dinv(d1_ref[...]) * h, z], axis=1)
    hs3_ref[...] = jnp.concatenate([z, _dinv(d3_ref[...]) * h], axis=1)


def _head1(x_pad, W1, deg1, deg3):
    return pl.pallas_call(
        _head1_body,
        grid=(Nd // RL,),
        in_specs=[
            pl.BlockSpec((RL, 128), lambda i: (i, 0)),
            pl.BlockSpec((128, 64), lambda i: (0, 0)),
            pl.BlockSpec((RL, 1), lambda i: (i, 0)),
            pl.BlockSpec((RL, 1), lambda i: (i, 0)),
        ],
        out_specs=[
            pl.BlockSpec((RL, 64), lambda i: (i, 0)),
            pl.BlockSpec((RL, 128), lambda i: (i, 0)),
            pl.BlockSpec((RL, 128), lambda i: (i, 0)),
        ],
        out_shape=[
            jax.ShapeDtypeStruct((Nd, 64), jnp.float32),
            jax.ShapeDtypeStruct((Nd, 128), jnp.float32),
            jax.ShapeDtypeStruct((Nd, 128), jnp.float32),
        ],
    )(x_pad, W1, deg1, deg3)


def _combine_body(op0_ref, op1_ref, ob, h_ref, keep_ref,
                  d1_ref, d3_ref, w_ref, bias_ref, h2_ref, hs1_ref, hs3_ref):
    b = bias_ref[...]
    op = op0_ref[...] + op1_ref[...]
    a1 = _dinv(d1_ref[...]) * op[:, :64] + b
    a2 = ob[...] + b
    a3 = _dinv(d3_ref[...]) * op[:, 64:] + b
    keepf = (keep_ref[...] == 0).astype(jnp.float32)
    a4 = keepf * h_ref[...] + b
    r = jax.nn.relu(jnp.concatenate([a1, a2, a3, a4], axis=1))
    h2 = jnp.dot(r, w_ref[...], preferred_element_type=jnp.float32)
    z = jnp.zeros_like(h2)
    h2_ref[...] = h2
    hs1_ref[...] = jnp.concatenate([_dinv(d1_ref[...]) * h2, z], axis=1)
    hs3_ref[...] = jnp.concatenate([z, _dinv(d3_ref[...]) * h2], axis=1)


def _combine(op0, op1, ob, h, keep, deg1, deg3, W2, b1r):
    return pl.pallas_call(
        _combine_body,
        grid=(Nd // RL,),
        in_specs=[
            pl.BlockSpec((RL, 128), lambda i: (i, 0)),
            pl.BlockSpec((RL, 128), lambda i: (i, 0)),
            pl.BlockSpec((RL, 64), lambda i: (i, 0)),
            pl.BlockSpec((RL, 64), lambda i: (i, 0)),
            pl.BlockSpec((RL, 1), lambda i: (i, 0)),
            pl.BlockSpec((RL, 1), lambda i: (i, 0)),
            pl.BlockSpec((RL, 1), lambda i: (i, 0)),
            pl.BlockSpec((256, 64), lambda i: (0, 0)),
            pl.BlockSpec((1, 64), lambda i: (0, 0)),
        ],
        out_specs=[
            pl.BlockSpec((RL, 64), lambda i: (i, 0)),
            pl.BlockSpec((RL, 128), lambda i: (i, 0)),
            pl.BlockSpec((RL, 128), lambda i: (i, 0)),
        ],
        out_shape=[
            jax.ShapeDtypeStruct((Nd, 64), jnp.float32),
            jax.ShapeDtypeStruct((Nd, 128), jnp.float32),
            jax.ShapeDtypeStruct((Nd, 128), jnp.float32),
        ],
    )(op0, op1, ob, h, keep, deg1, deg3, W2, b1r)


def _final_body(op0_ref, op1_ref, ob, h_ref, keep_ref,
                d1_ref, d3_ref, w_ref, bias_ref, bl_ref, o_ref):
    b = bias_ref[...]
    op = op0_ref[...] + op1_ref[...]
    a1 = _dinv(d1_ref[...]) * op[:, :64] + b
    a2 = ob[...] + b
    a3 = _dinv(d3_ref[...]) * op[:, 64:] + b
    keepf = (keep_ref[...] == 0).astype(jnp.float32)
    a4 = keepf * h_ref[...] + b
    r = jnp.concatenate([a1, a2, a3, a4], axis=1)
    z = jnp.dot(r, w_ref[...], preferred_element_type=jnp.float32) + bl_ref[...]
    m = jnp.max(z, axis=1, keepdims=True)
    lse = m + jnp.log(jnp.sum(jnp.exp(z - m), axis=1, keepdims=True))
    o_ref[...] = z - lse


def _final(op0, op1, ob, h, keep, deg1, deg3, Wl, b2r, blr):
    return pl.pallas_call(
        _final_body,
        grid=(Nd // RL,),
        in_specs=[
            pl.BlockSpec((RL, 128), lambda i: (i, 0)),
            pl.BlockSpec((RL, 128), lambda i: (i, 0)),
            pl.BlockSpec((RL, 64), lambda i: (i, 0)),
            pl.BlockSpec((RL, 64), lambda i: (i, 0)),
            pl.BlockSpec((RL, 1), lambda i: (i, 0)),
            pl.BlockSpec((RL, 1), lambda i: (i, 0)),
            pl.BlockSpec((RL, 1), lambda i: (i, 0)),
            pl.BlockSpec((256, 64), lambda i: (0, 0)),
            pl.BlockSpec((1, 64), lambda i: (0, 0)),
            pl.BlockSpec((1, 64), lambda i: (0, 0)),
        ],
        out_specs=pl.BlockSpec((RL, 64), lambda i: (i, 0)),
        out_shape=jax.ShapeDtypeStruct((Nd, 64), jnp.float32),
    )(op0, op1, ob, h, keep, deg1, deg3, Wl, b2r, blr)



HALF = Nd // 2
SHR = HALF + CH
TRASH = HALF
ZR = SHR // NS
OR_ = HALF // NS


def _sc_mesh():
    return plsc.VectorSubcoreMesh(core_axis_name="c", subcore_axis_name="s")


def _redirect(svm, dvm, g):
    for v in range(CH // 16):
        sl = pl.ds(v * 16, 16)
        sv = svm[g, sl]
        dv = dvm[g, sl]
        dvm[g, sl] = jnp.where(sv == dv, jnp.int32(N), dv)


def _localize(svm, dvm, g, base, check_loop):
    for v in range(CH // 16):
        sl = pl.ds(v * 16, 16)
        dv = dvm[g, sl]
        lo = dv - base
        bad = (lo < 0) | (lo >= HALF)
        if check_loop:
            bad = bad | (svm[g, sl] == dv)
        dvm[g, sl] = jnp.where(bad, jnp.int32(TRASH), lo)


def _sc_deg(s1p2, d1p2, d3p2, ones16, zeros16):
    ng1 = E1P // (NS * CH * G)
    ng3 = E3P // (NS * CH * G)

    @functools.partial(
        pl.kernel,
        out_type=[
            jax.ShapeDtypeStruct((Nd, 16), jnp.float32),
            jax.ShapeDtypeStruct((Nd, 16), jnp.float32),
            jax.ShapeDtypeStruct((Nd, 16), jnp.float32),
        ],
        mesh=_sc_mesh(),
        scratch_types=[
            pltpu.VMEM((G, CH), jnp.int32),
            pltpu.VMEM((G, CH), jnp.int32),
            pltpu.VMEM((G, CH), jnp.int32),
            pltpu.VMEM((CH, 16), jnp.float32),
            pltpu.VMEM_SHARED((Nd, 16), jnp.float32),
            pltpu.VMEM_SHARED((Nd, 16), jnp.float32),
            pltpu.VMEM_SHARED((Nd, 16), jnp.float32),
        ],
    )
    def k(s1_hbm, d1_hbm, d3_hbm, ones_hbm, z_hbm, o1_hbm, o3_hbm, oS_hbm,
          svm, dvm, dvm2, ones_v, sh1, sh3, shS):
        c = lax.axis_index("c")
        s = lax.axis_index("s")
        stripe = s * (Nd // NS)
        pltpu.sync_copy(ones_hbm, ones_v)
        for t in range(Nd // NS // CH):
            pltpu.sync_copy(z_hbm, sh1.at[pl.ds(stripe + t * CH, CH)])
            pltpu.sync_copy(z_hbm, sh3.at[pl.ds(stripe + t * CH, CH)])
            pltpu.sync_copy(z_hbm, shS.at[pl.ds(stripe + t * CH, CH)])
        plsc.subcore_barrier()

        @pl.when(c == 0)
        def _():
            def body1(t, _):
                row0 = (s * ng1 + t) * G
                pltpu.sync_copy(s1_hbm.at[pl.ds(row0, G)], svm)
                pltpu.sync_copy(d1_hbm.at[pl.ds(row0, G)], dvm)
                for g in range(G):
                    for v in range(CH // 16):
                        sl = pl.ds(v * 16, 16)
                        sv = svm[g, sl]
                        dv = dvm[g, sl]
                        is_self = sv == dv
                        dvm2[g, sl] = jnp.where(is_self, dv, jnp.int32(N))
                        dvm[g, sl] = jnp.where(is_self, jnp.int32(N), dv)
                    pltpu.sync_copy(ones_v, sh1.at[dvm.at[g]], add=True)
                    pltpu.sync_copy(ones_v, shS.at[dvm2.at[g]], add=True)
                return 0

            lax.fori_loop(0, ng1, body1, 0)

        @pl.when(c == 1)
        def _():
            def body3(t, _):
                row0 = (s * ng3 + t) * G
                pltpu.sync_copy(d3_hbm.at[pl.ds(row0, G)], dvm)
                for g in range(G):
                    pltpu.sync_copy(ones_v, sh3.at[dvm.at[g]], add=True)
                return 0

            lax.fori_loop(0, ng3, body3, 0)

        plsc.subcore_barrier()
        rows = Nd // NS

        @pl.when(c == 0)
        def _():
            pltpu.sync_copy(sh1.at[pl.ds(stripe, rows)],
                            o1_hbm.at[pl.ds(stripe, rows)])
            pltpu.sync_copy(shS.at[pl.ds(stripe, rows)],
                            oS_hbm.at[pl.ds(stripe, rows)])

        @pl.when(c == 1)
        def _():
            pltpu.sync_copy(sh3.at[pl.ds(stripe, rows)],
                            o3_hbm.at[pl.ds(stripe, rows)])

    return k(s1p2, d1p2, d3p2, ones16, zeros16)


C1 = E1P // CH
C3 = E3P // CH
X0 = 108
X1 = (C1 - NS * X0) // NS
X3 = C3 // NS
ZL = Nd // NS


def _sc_layer(hs1p, hs3p, s1p2, d1p2, s3p2, d3p2, zeros640):

    @functools.partial(
        pl.kernel,
        out_type=jax.ShapeDtypeStruct((NC, Nd, 128), jnp.float32),
        mesh=_sc_mesh(),
        scratch_types=[
            pltpu.VMEM((G, CH), jnp.int32),
            pltpu.VMEM((G, CH), jnp.int32),
            pltpu.VMEM((G, CH, 128), jnp.float32),
            pltpu.VMEM_SHARED((Nd, 128), jnp.float32),
            pltpu.SemaphoreType.DMA,
        ],
    )
    def k(hs1_hbm, hs3_hbm, s1_hbm, d1_hbm, s3_hbm, d3_hbm, z_hbm, o_hbm,
          svm, dvm, rows_v, sh, sem):
        c = lax.axis_index("c")
        s = lax.axis_index("s")
        pltpu.sync_copy(z_hbm, sh.at[pl.ds(s * ZL, ZL)])
        plsc.subcore_barrier()

        def group_body(tab_hbm, sidx_hbm, didx_hbm, chunk0, check_loop):
            def body(t, _):
                row0 = chunk0 + t * G
                pltpu.sync_copy(sidx_hbm.at[pl.ds(row0, G)], svm)
                pltpu.sync_copy(didx_hbm.at[pl.ds(row0, G)], dvm)
                descs = []
                for g in range(G):
                    if check_loop:
                        _redirect(svm, dvm, g)
                    descs.append(pltpu.async_copy(
                        tab_hbm.at[svm.at[g]], rows_v.at[g], sem))
                for g in range(G):
                    descs[g].wait()
                    pltpu.sync_copy(rows_v.at[g], sh.at[dvm.at[g]], add=True)
                return 0

            return body

        @pl.when(c == 0)
        def _():
            lax.fori_loop(0, X0 // G,
                          group_body(hs1_hbm, s1_hbm, d1_hbm, s * X0, True),
                          0)

        @pl.when(c == 1)
        def _():
            lax.fori_loop(0, X1 // G,
                          group_body(hs1_hbm, s1_hbm, d1_hbm,
                                     NS * X0 + s * X1, True), 0)
            lax.fori_loop(0, X3 // G,
                          group_body(hs3_hbm, s3_hbm, d3_hbm, s * X3, False),
                          0)

        plsc.subcore_barrier()
        pltpu.sync_copy(sh.at[pl.ds(s * ZL, ZL)],
                        o_hbm.at[c, pl.ds(s * ZL, ZL)])

    return k(hs1p, hs3p, s1p2, d1p2, s3p2, d3p2, zeros640)


def kernel(x, edge_index, W1, b1, W2, b2, Wl, bl):
    src0 = edge_index[0].astype(jnp.int32)
    dst0 = edge_index[1].astype(jnp.int32)
    x_pad = jnp.pad(x, ((0, Nd - N), (0, 0)))

    loops = jnp.arange(N, dtype=jnp.int32)
    atl = jnp.zeros((Nd, Nd), jnp.bfloat16).at[
        jnp.concatenate([dst0, loops]), jnp.concatenate([src0, loops])
    ].set(1.0)

    s1p = jnp.concatenate(
        [src0, jnp.full((E1P - E,), N, jnp.int32)]).reshape(-1, CH)
    d1p = jnp.concatenate(
        [dst0, jnp.full((E1P - E,), N, jnp.int32)]).reshape(-1, CH)
    ones16 = jnp.ones((CH, 16), jnp.float32)
    zeros16 = jnp.zeros((CH, 16), jnp.float32)
    zeros640 = jnp.zeros((ZL, 128), jnp.float32)

    xn = _xn(x_pad)
    nbr = _knn(xn, xn.T)
    knn_dst = nbr[:N, :5].reshape(-1)
    knn_src = jnp.repeat(jnp.arange(N, dtype=jnp.int32), 5)
    s3p = jnp.concatenate(
        [knn_src, jnp.full((E3P - 5 * N,), N, jnp.int32)]).reshape(-1, CH)
    d3p = jnp.concatenate(
        [knn_dst, jnp.full((E3P - 5 * N,), N, jnp.int32)]).reshape(-1, CH)

    m2t, deg2 = _m2(atl)

    deg1f, deg3f, selff = _sc_deg(s1p, d1p, d3p, ones16, zeros16)
    deg1 = deg1f[:, :1]
    deg3 = deg3f[:, :1]
    keep = selff[:, :1]

    b1r = b1[None, :]
    b2r = b2[None, :]
    blr = bl[None, :]

    h1, hs1p, hs3p = _head1(x_pad, W1, deg1, deg3)
    op1 = _sc_layer(hs1p, hs3p, s1p, d1p, s3p, d3p, zeros640)
    ob1 = _dgcn(m2t, h1, deg2)

    h2, hs1p2, hs3p2 = _combine(op1[0], op1[1], ob1, h1, keep, deg1, deg3,
                                W2, b1r)
    op2 = _sc_layer(hs1p2, hs3p2, s1p, d1p, s3p, d3p, zeros640)
    ob2 = _dgcn(m2t, h2, deg2)

    out = _final(op2[0], op2[1], ob2, h2, keep, deg1, deg3, Wl, b2r, blr)
    return out[:N]

# --- scband reference (transcript-rebuilt; emitter-appended) ---
"""Pipeline reference for scband-gcn1110-20469814133405 (READ-ONLY COPY).

The authoritative reference and input builder live on the scoring server;
editing this copy changes nothing except your own understanding.
"""

import jax, jax.numpy as jnp
import numpy as np

N_NODES = 10000
N_EDGES = 160000
D_FEAT = 128
N_HID = 64
N_CLS = 64


def setup_inputs(seed: int = 0):
    key = jax.random.key(seed)
    ks = jax.random.split(key, 8)
    x = jax.random.normal(ks[0], (N_NODES, D_FEAT), dtype=jnp.float32)
    edge_index = jax.random.randint(ks[1], (2, N_EDGES), 0, N_NODES, dtype=jnp.int32)
    W1 = jax.random.normal(ks[2], (D_FEAT, N_HID), dtype=jnp.float32) * 0.05
    b1 = jnp.zeros((N_HID,), jnp.float32)
    W2 = jax.random.normal(ks[3], (4 * N_HID, N_CLS), dtype=jnp.float32) * 0.05
    b2 = jnp.zeros((N_CLS,), jnp.float32)
    Wl = jax.random.normal(ks[4], (4 * N_CLS, N_CLS), dtype=jnp.float32) * 0.05
    bl = jnp.zeros((N_CLS,), jnp.float32)
    return {"x": x, "edge_index": edge_index, "W1": W1, "b1": b1, "W2": W2, "b2": b2, "Wl": Wl, "bl": bl}


def _isin_sorted(queries, table):
    t = jnp.sort(table)
    idx = jnp.clip(jnp.searchsorted(t, queries), 0, t.shape[0] - 1)
    return t[idx] == queries


def _build_edge_sets(x, edge_index):
    # Recreates: remove_self_loops / add_self_loops bookkeeping, 2-hop edges via
    # sparse (A+I)@(A+I) indices, identity edges, and the cosine-KNN graph built in __init__.
    N = x.shape[0]
    src0 = edge_index[0].astype(jnp.int32)
    dst0 = edge_index[1].astype(jnp.int32)
    keys_orig = src0 * N + dst0
    loops = jnp.arange(N, dtype=jnp.int32)
    # identify_edge_index = add_self_loops(E) with edges of E removed
    t_src = jnp.concatenate([src0, loops])
    t_dst = jnp.concatenate([dst0, loops])
    keep = ~_isin_sorted(t_src * N + t_dst, keys_orig)
    # data.edge_index = remove_self_loops(E)
    m = src0 != dst0
    # A_loop = coalesced(E_noself + self loops); 2-hop mask from dense A_loop @ A_loop
    A = jnp.zeros((N, N), x.dtype).at[src0, dst0].set(1.0)
    A_E = A.at[loops, loops].set(0.0)
    A_loop = A.at[loops, loops].set(1.0)
    P = jnp.matmul(A_loop, A_loop, precision=jax.lax.Precision.HIGHEST)
    M2 = (P > 0) & (A_E == 0)
    M2 = M2.at[loops, loops].set(False)
    # brute-force cosine KNN (5 neighbors, excluding self) as in __init__
    xn = x / (jnp.linalg.norm(x, axis=1, keepdims=True) + 1e-12)
    sim = xn @ xn.T
    sim = sim.at[jnp.arange(N), jnp.arange(N)].set(-jnp.inf)
    _, nbr = jax.lax.top_k(sim, 5)
    knn_src = jnp.repeat(jnp.arange(N, dtype=jnp.int32), 5)
    knn_dst = nbr.reshape(-1).astype(jnp.int32)
    set1 = (src0, dst0, m.astype(x.dtype))
    set3 = (knn_src, knn_dst, jnp.ones(knn_src.shape[0], x.dtype))
    set4 = (t_src, t_dst, keep.astype(x.dtype))
    return set1, M2, set3, set4


def _gcn(x, W, b, s, d, w, N):
    # GCNConv with add_self_loops=False, normalize=True
    h = x @ W
    deg = jax.ops.segment_sum(w, d, num_segments=N)
    dinv = jnp.where(deg > 0, 1.0 / jnp.sqrt(jnp.maximum(deg, 1e-12)), 0.0)
    norm = dinv[s] * dinv[d] * w
    out = jax.ops.segment_sum(h[s] * norm[:, None], d, num_segments=N)
    return out + b


def _gcn_dense(x, W, b, M, N):
    # GCNConv over edges (u, d) where M[u, d] is True; same normalization as _gcn
    h = x @ W
    Mf = M.astype(x.dtype)
    deg = jnp.sum(Mf, axis=0)
    dinv = jnp.where(deg > 0, 1.0 / jnp.sqrt(jnp.maximum(deg, 1e-12)), 0.0)
    Wm = Mf * (dinv[:, None] * dinv[None, :])
    out = jnp.matmul(Wm.T, h, precision=jax.lax.Precision.HIGHEST)
    return out + b


def reference(x, edge_index, W1, b1, W2, b2, Wl, bl):
    N = x.shape[0]
    (s1, d1, w1), M2, (s3, d3, w3), (s4, d4, w4) = _build_edge_sets(x, edge_index)
    h1 = [
        _gcn(x, W1, b1, s1, d1, w1, N),
        _gcn_dense(x, W1, b1, M2, N),
        _gcn(x, W1, b1, s3, d3, w3, N),
        _gcn(x, W1, b1, s4, d4, w4, N),
    ]
    R1 = jax.nn.relu(jnp.concatenate(h1, axis=1))  # dropout is identity in eval mode
    h2 = [
        _gcn(R1, W2, b2, s1, d1, w1, N),
        _gcn_dense(R1, W2, b2, M2, N),
        _gcn(R1, W2, b2, s3, d3, w3, N),
        _gcn(R1, W2, b2, s4, d4, w4, N),
    ]
    R2 = jnp.concatenate(h2, axis=1)
    return jax.nn.log_softmax(R2 @ Wl + bl, axis=1)

if __name__ == "__main__":
    import jax
    _d = setup_inputs()
    print(jax.jit(kernel)(*tuple(_d.values())))

</pallas_src>

<mosaic_0001>
#map = affine_map<(d0, d1) -> (0, 0)>
#map1 = affine_map<(d0, d1) -> (0, 0, 0)>
module attributes {stable_mosaic.version = 14 : i64} {
  func.func @k(%arg0: i32, %arg1: i32, %arg2: memref<10240x128xf32, #tpu.memory_space<hbm>>, %arg3: memref<10240x128xf32, #tpu.memory_space<hbm>>, %arg4: memref<2560x64xi32, #tpu.memory_space<hbm>>, %arg5: memref<2560x64xi32, #tpu.memory_space<hbm>>, %arg6: memref<896x64xi32, #tpu.memory_space<hbm>>, %arg7: memref<896x64xi32, #tpu.memory_space<hbm>>, %arg8: memref<640x128xf32, #tpu.memory_space<hbm>>, %arg9: memref<2x10240x128xf32, #tpu.memory_space<hbm>>, %arg10: memref<2x64xi32, #tpu.memory_space<vmem>>, %arg11: memref<2x64xi32, #tpu.memory_space<vmem>>, %arg12: memref<2x64x128xf32, #tpu.memory_space<vmem>>, %arg13: memref<10240x128xf32, #tpu.memory_space<vmem_shared>>, %arg14: memref<!tpu.dma_semaphore, #tpu.memory_space<semaphore_mem>>) attributes {dimension_semantics = [#tpu.dimension_semantics<core_parallel>, #tpu.dimension_semantics<subcore_parallel>], iteration_bounds = array<i64: 2, 16>, scalar_prefetch = 0 : i64, scratch_operands = 5 : i64, tpu.core_type = #tpu.core_type<sc_vector_subcore>, window_params = [{transform_indices = #map}, {transform_indices = #map}, {transform_indices = #map}, {transform_indices = #map}, {transform_indices = #map}, {transform_indices = #map}, {transform_indices = #map}, {transform_indices = #map1}]} {
    %mul3A = arith.constant 640 : i32
    %mul3A_0 = arith.muli %arg1, %mul3A : i32
    "tpu.region"() ({
      %run_scoped3A = tpu.sem_alloc : memref<!tpu.dma_semaphore, #tpu.memory_space<semaphore_mem>>
      %dma_start3A = arith.constant 0 : i32
      %dma_start3A_13 = tpu.memref_slice %arg13[%mul3A_0, %dma_start3A] : memref<10240x128xf32, #tpu.memory_space<vmem_shared>> -> memref<640x128xf32, #tpu.memory_space<vmem_shared>>
      tpu.enqueue_dma source(%arg8 : memref<640x128xf32, #tpu.memory_space<hbm>>) target(%dma_start3A_13 : memref<640x128xf32, #tpu.memory_space<vmem_shared>>) target_semaphore(%run_scoped3A : memref<!tpu.dma_semaphore, #tpu.memory_space<semaphore_mem>>)
      %dma_wait3A = arith.constant 0 : i32
      %dma_wait3A_14 = tpu.memref_slice %arg13[%mul3A_0, %dma_wait3A] : memref<10240x128xf32, #tpu.memory_space<vmem_shared>> -> memref<640x128xf32, #tpu.memory_space<vmem_shared>>
      tpu.wait_dma2 semaphore(%run_scoped3A : memref<!tpu.dma_semaphore, #tpu.memory_space<semaphore_mem>>) src(%arg8 : memref<640x128xf32, #tpu.memory_space<hbm>>) dst(%dma_wait3A_14 : memref<640x128xf32, #tpu.memory_space<vmem_shared>>)
      tpu.yield
    }) : () -> ()
    %barrier3A = arith.constant 0 : index
    tpu.barrier barrier_id(%barrier3A)
    %eq3A = arith.constant 0 : i32
    %eq3A_1 = arith.cmpi eq, %arg0, %eq3A : i32
    %convert_element_type3A = arith.extui %eq3A_1 : i1 to i32
    %cond3A = arith.constant 0 : i32
    %cond3A_2 = arith.cmpi ne, %convert_element_type3A, %cond3A : i32
    scf.if %cond3A_2 {
      %mul3A_13 = arith.constant 108 : i32
      %mul3A_14 = arith.muli %arg1, %mul3A_13 : i32
      %scan3A = arith.constant 0 : i32
      %scan3A_15 = arith.constant 0 : i32
      %scan3A_16 = arith.constant 54 : i32
      %scan3A_17 = arith.addi %scan3A_15, %scan3A_16 : i32
      %scan3A_18 = arith.constant 1 : i32
      %scan3A_19 = scf.for %scan3A_21 = %scan3A_15 to %scan3A_17 step %scan3A_18 iter_args(%scan3A_22 = %scan3A) -> (i32)  : i32 {
        %mul3A_23 = arith.constant 2 : i32
        %mul3A_24 = arith.muli %scan3A_21, %mul3A_23 : i32
        %add3A = arith.addi %mul3A_14, %mul3A_24 : i32
        "tpu.region"() ({
          %run_scoped3A_230 = tpu.sem_alloc : memref<!tpu.dma_semaphore, #tpu.memory_space<semaphore_mem>>
          %dma_start3A_231 = arith.constant 0 : i32
          %dma_start3A_232 = tpu.memref_slice %arg4[%add3A, %dma_start3A_231] : memref<2560x64xi32, #tpu.memory_space<hbm>> -> memref<2x64xi32, #tpu.memory_space<hbm>>
          %dma_start3A_233 = arith.constant 0 : i32
          %dma_start3A_234 = tpu.memref_slice %arg4[%add3A, %dma_start3A_233] : memref<2560x64xi32, #tpu.memory_space<hbm>> -> memref<2x64xi32, #tpu.memory_space<hbm>>
          tpu.enqueue_dma source(%dma_start3A_234 : memref<2x64xi32, #tpu.memory_space<hbm>>) target(%arg10 : memref<2x64xi32, #tpu.memory_space<vmem>>) target_semaphore(%run_scoped3A_230 : memref<!tpu.dma_semaphore, #tpu.memory_space<semaphore_mem>>)
          %dma_wait3A_235 = arith.constant 0 : i32
          %dma_wait3A_236 = tpu.memref_slice %arg4[%add3A, %dma_wait3A_235] : memref<2560x64xi32, #tpu.memory_space<hbm>> -> memref<2x64xi32, #tpu.memory_space<hbm>>
          %dma_wait3A_237 = arith.constant 0 : i32
          %dma_wait3A_238 = tpu.memref_slice %arg4[%add3A, %dma_wait3A_237] : memref<2560x64xi32, #tpu.memory_space<hbm>> -> memref<2x64xi32, #tpu.memory_space<hbm>>
          tpu.wait_dma2 semaphore(%run_scoped3A_230 : memref<!tpu.dma_semaphore, #tpu.memory_space<semaphore_mem>>) src(%dma_wait3A_238 : memref<2x64xi32, #tpu.memory_space<hbm>>) dst(%arg10 : memref<2x64xi32, #tpu.memory_space<vmem>>)
          tpu.yield
        }) : () -> ()
        "tpu.region"() ({
          %run_scoped3A_230 = tpu.sem_alloc : memref<!tpu.dma_semaphore, #tpu.memory_space<semaphore_mem>>
          %dma_start3A_231 = arith.constant 0 : i32
          %dma_start3A_232 = tpu.memref_slice %arg5[%add3A, %dma_start3A_231] : memref<2560x64xi32, #tpu.memory_space<hbm>> -> memref<2x64xi32, #tpu.memory_space<hbm>>
          %dma_start3A_233 = arith.constant 0 : i32
          %dma_start3A_234 = tpu.memref_slice %arg5[%add3A, %dma_start3A_233] : memref<2560x64xi32, #tpu.memory_space<hbm>> -> memref<2x64xi32, #tpu.memory_space<hbm>>
          tpu.enqueue_dma source(%dma_start3A_234 : memref<2x64xi32, #tpu.memory_space<hbm>>) target(%arg11 : memref<2x64xi32, #tpu.memory_space<vmem>>) target_semaphore(%run_scoped3A_230 : memref<!tpu.dma_semaphore, #tpu.memory_space<semaphore_mem>>)
          %dma_wait3A_235 = arith.constant 0 : i32
          %dma_wait3A_236 = tpu.memref_slice %arg5[%add3A, %dma_wait3A_235] : memref<2560x64xi32, #tpu.memory_space<hbm>> -> memref<2x64xi32, #tpu.memory_space<hbm>>
          %dma_wait3A_237 = arith.constant 0 : i32
          %dma_wait3A_238 = tpu.memref_slice %arg5[%add3A, %dma_wait3A_237] : memref<2560x64xi32, #tpu.memory_space<hbm>> -> memref<2x64xi32, #tpu.memory_space<hbm>>
          tpu.wait_dma2 semaphore(%run_scoped3A_230 : memref<!tpu.dma_semaphore, #tpu.memory_space<semaphore_mem>>) src(%dma_wait3A_238 : memref<2x64xi32, #tpu.memory_space<hbm>>) dst(%arg11 : memref<2x64xi32, #tpu.memory_space<vmem>>)
          tpu.yield
        }) : () -> ()
        %get3A = arith.constant 0 : i32
        %get3A_25 = arith.index_cast %get3A : i32 to index
        %get3A_26 = arith.constant 0 : index
        %get3A_27 = tpu.vector_load %arg10[%get3A_25, %get3A_26] {strides = array<i32>} : memref<2x64xi32, #tpu.memory_space<vmem>>, vector<1x16xi32>,
        %get3A_28 = vector.shape_cast %get3A_27 : vector<1x16xi32> to vector<16xi32>
        %get3A_29 = arith.constant 0 : i32
        %get3A_30 = arith.index_cast %get3A_29 : i32 to index
        %get3A_31 = arith.constant 0 : index
        %get3A_32 = tpu.vector_load %arg11[%get3A_30, %get3A_31] {strides = array<i32>} : memref<2x64xi32, #tpu.memory_space<vmem>>, vector<1x16xi32>,
        %get3A_33 = vector.shape_cast %get3A_32 : vector<1x16xi32> to vector<16xi32>
        %eq3A_34 = arith.cmpi eq, %get3A_28, %get3A_33 : vector<16xi32>
        %jit3A = arith.constant 10000 : i32
        %broadcast_in_dim3A = vector.broadcast %jit3A : i32 to vector<16xi32>
        %select_n3A = arith.select %eq3A_34, %broadcast_in_dim3A, %get3A_33 : vector<16xi1>, vector<16xi32>
        %swap3A = arith.constant 0 : i32
        %swap3A_35 = arith.index_cast %swap3A : i32 to index
        %swap3A_36 = arith.constant 0 : index
        %swap3A_37 = tpu.vector_load %arg11[%swap3A_35, %swap3A_36] {strides = array<i32>} : memref<2x64xi32, #tpu.memory_space<vmem>>, vector<1x16xi32>,
        %swap3A_38 = vector.shape_cast %swap3A_37 : vector<1x16xi32> to vector<16xi32>
        %swap3A_39 = vector.shape_cast %select_n3A : vector<16xi32> to vector<1x16xi32>
        tpu.vector_store %arg11[%swap3A_35, %swap3A_36], %swap3A_39 {strides = array<i32>} : memref<2x64xi32, #tpu.memory_space<vmem>>, vector<1x16xi32>,
        %get3A_40 = arith.constant 0 : i32
        %get3A_41 = arith.index_cast %get3A_40 : i32 to index
        %get3A_42 = arith.constant 16 : index
        %get3A_43 = tpu.vector_load %arg10[%get3A_41, %get3A_42] {strides = array<i32>} : memref<2x64xi32, #tpu.memory_space<vmem>>, vector<1x16xi32>,
        %get3A_44 = vector.shape_cast %get3A_43 : vector<1x16xi32> to vector<16xi32>
        %get3A_45 = arith.constant 0 : i32
        %get3A_46 = arith.index_cast %get3A_45 : i32 to index
        %get3A_47 = arith.constant 16 : index
        %get3A_48 = tpu.vector_load %arg11[%get3A_46, %get3A_47] {strides = array<i32>} : memref<2x64xi32, #tpu.memory_space<vmem>>, vector<1x16xi32>,
        %get3A_49 = vector.shape_cast %get3A_48 : vector<1x16xi32> to vector<16xi32>
        %eq3A_50 = arith.cmpi eq, %get3A_44, %get3A_49 : vector<16xi32>
        %jit3A_51 = arith.constant 10000 : i32
        %broadcast_in_dim3A_52 = vector.broadcast %jit3A_51 : i32 to vector<16xi32>
        %select_n3A_53 = arith.select %eq3A_50, %broadcast_in_dim3A_52, %get3A_49 : vector<16xi1>, vector<16xi32>
        %swap3A_54 = arith.constant 0 : i32
        %swap3A_55 = arith.index_cast %swap3A_54 : i32 to index
        %swap3A_56 = arith.constant 16 : index
        %swap3A_57 = tpu.vector_load %arg11[%swap3A_55, %swap3A_56] {strides = array<i32>} : memref<2x64xi32, #tpu.memory_space<vmem>>, vector<1x16xi32>,
        %swap3A_58 = vector.shape_cast %swap3A_57 : vector<1x16xi32> to vector<16xi32>
        %swap3A_59 = vector.shape_cast %select_n3A_53 : vector<16xi32> to vector<1x16xi32>
        tpu.vector_store %arg11[%swap3A_55, %swap3A_56], %swap3A_59 {strides = array<i32>} : memref<2x64xi32, #tpu.memory_space<vmem>>, vector<1x16xi32>,
        %get3A_60 = arith.constant 0 : i32
        %get3A_61 = arith.index_cast %get3A_60 : i32 to index
        %get3A_62 = arith.constant 32 : index
        %get3A_63 = tpu.vector_load %arg10[%get3A_61, %get3A_62] {strides = array<i32>} : memref<2x64xi32, #tpu.memory_space<vmem>>, vector<1x16xi32>,
        %get3A_64 = vector.shape_cast %get3A_63 : vector<1x16xi32> to vector<16xi32>
        %get3A_65 = arith.constant 0 : i32
        %get3A_66 = arith.index_cast %get3A_65 : i32 to index
        %get3A_67 = arith.constant 32 : index
        %get3A_68 = tpu.vector_load %arg11[%get3A_66, %get3A_67] {strides = array<i32>} : memref<2x64xi32, #tpu.memory_space<vmem>>, vector<1x16xi32>,
        %get3A_69 = vector.shape_cast %get3A_68 : vector<1x16xi32> to vector<16xi32>
        %eq3A_70 = arith.cmpi eq, %get3A_64, %get3A_69 : vector<16xi32>
        %jit3A_71 = arith.constant 10000 : i32
        %broadcast_in_dim3A_72 = vector.broadcast %jit3A_71 : i32 to vector<16xi32>
        %select_n3A_73 = arith.select %eq3A_70, %broadcast_in_dim3A_72, %get3A_69 : vector<16xi1>, vector<16xi32>
        %swap3A_74 = arith.constant 0 : i32
        %swap3A_75 = arith.index_cast %swap3A_74 : i32 to index
        %swap3A_76 = arith.constant 32 : index
        %swap3A_77 = tpu.vector_load %arg11[%swap3A_75, %swap3A_76] {strides = array<i32>} : memref<2x64xi32, #tpu.memory_space<vmem>>, vector<1x16xi32>,
        %swap3A_78 = vector.shape_cast %swap3A_77 : vector<1x16xi32> to vector<16xi32>
        %swap3A_79 = vector.shape_cast %select_n3A_73 : vector<16xi32> to vector<1x16xi32>
        tpu.vector_store %arg11[%swap3A_75, %swap3A_76], %swap3A_79 {strides = array<i32>} : memref<2x64xi32, #tpu.memory_space<vmem>>, vector<1x16xi32>,
        %get3A_80 = arith.constant 0 : i32
        %get3A_81 = arith.index_cast %get3A_80 : i32 to index
        %get3A_82 = arith.constant 48 : index
        %get3A_83 = tpu.vector_load %arg10[%get3A_81, %get3A_82] {strides = array<i32>} : memref<2x64xi32, #tpu.memory_space<vmem>>, vector<1x16xi32>,
        %get3A_84 = vector.shape_cast %get3A_83 : vector<1x16xi32> to vector<16xi32>
        %get3A_85 = arith.constant 0 : i32
        %get3A_86 = arith.index_cast %get3A_85 : i32 to index
        %get3A_87 = arith.constant 48 : index
        %get3A_88 = tpu.vector_load %arg11[%get3A_86, %get3A_87] {strides = array<i32>} : memref<2x64xi32, #tpu.memory_space<vmem>>, vector<1x16xi32>,
        %get3A_89 = vector.shape_cast %get3A_88 : vector<1x16xi32> to vector<16xi32>
        %eq3A_90 = arith.cmpi eq, %get3A_84, %get3A_89 : vector<16xi32>
        %jit3A_91 = arith.constant 10000 : i32
        %broadcast_in_dim3A_92 = vector.broadcast %jit3A_91 : i32 to vector<16xi32>
        %select_n3A_93 = arith.select %eq3A_90, %broadcast_in_dim3A_92, %get3A_89 : vector<16xi1>, vector<16xi32>
        %swap3A_94 = arith.constant 0 : i32
        %swap3A_95 = arith.index_cast %swap3A_94 : i32 to index
        %swap3A_96 = arith.constant 48 : index
        %swap3A_97 = tpu.vector_load %arg11[%swap3A_95, %swap3A_96] {strides = array<i32>} : memref<2x64xi32, #tpu.memory_space<vmem>>, vector<1x16xi32>,
        %swap3A_98 = vector.shape_cast %swap3A_97 : vector<1x16xi32> to vector<16xi32>
        %swap3A_99 = vector.shape_cast %select_n3A_93 : vector<16xi32> to vector<1x16xi32>
        tpu.vector_store %arg11[%swap3A_95, %swap3A_96], %swap3A_99 {strides = array<i32>} : memref<2x64xi32, #tpu.memory_space<vmem>>, vector<1x16xi32>,
        %dma_start3A = arith.constant 0 : i32
        %dma_start3A_100 = arith.constant 0 : i32
        %dma_start3A_101 = arith.constant 0 : i32
        %dma_start3A_102 = arith.constant 0 : i32
        %dma_start3A_103 = tpu.memref_slice %arg12[%dma_start3A_100, %dma_start3A_101, %dma_start3A_102] : memref<2x64x128xf32, #tpu.memory_space<vmem>> -> memref<1x64x128xf32, #tpu.memory_space<vmem>>
        %dma_start3A_104 = tpu.memref_squeeze %dma_start3A_103 : memref<1x64x128xf32, #tpu.memory_space<vmem>> -> memref<64x128xf32, #tpu.memory_space<vmem>>
        %dma_start3A_105 = arith.constant 0 : i32
        %dma_start3A_106 = tpu.memref_slice %arg10[%dma_start3A, %dma_start3A_105] : memref<2x64xi32, #tpu.memory_space<vmem>> -> memref<1x64xi32, #tpu.memory_space<vmem>>
        %dma_start3A_107 = tpu.memref_squeeze %dma_start3A_106 : memref<1x64xi32, #tpu.memory_space<vmem>> -> memref<64xi32, #tpu.memory_space<vmem>>
        %dma_start3A_108 = arith.constant 0 : i32
        %dma_start3A_109 = arith.constant 0 : i32
        %dma_start3A_110 = tpu.memref_slice %arg2[%dma_start3A_108, %dma_start3A_109] : memref<10240x128xf32, #tpu.memory_space<hbm>> -> memref<10240x128xf32, #tpu.memory_space<hbm>>
        tpu.enqueue_indirect_dma source(%dma_start3A_110 : memref<10240x128xf32, #tpu.memory_space<hbm>>) target(%dma_start3A_104 : memref<64x128xf32, #tpu.memory_space<vmem>>) offsets(%dma_start3A_107 : memref<64xi32, #tpu.memory_space<vmem>>) semaphore(%arg14 : memref<!tpu.dma_semaphore, #tpu.memory_space<semaphore_mem>>)
        %get3A_111 = arith.constant 1 : i32
        %get3A_112 = arith.index_cast %get3A_111 : i32 to index
        %get3A_113 = arith.constant 0 : index
        %get3A_114 = tpu.vector_load %arg10[%get3A_112, %get3A_113] {strides = array<i32>} : memref<2x64xi32, #tpu.memory_space<vmem>>, vector<1x16xi32>,
        %get3A_115 = vector.shape_cast %get3A_114 : vector<1x16xi32> to vector<16xi32>
        %get3A_116 = arith.constant 1 : i32
        %get3A_117 = arith.index_cast %get3A_116 : i32 to index
        %get3A_118 = arith.constant 0 : index
        %get3A_119 = tpu.vector_load %arg11[%get3A_117, %get3A_118] {strides = array<i32>} : memref<2x64xi32, #tpu.memory_space<vmem>>, vector<1x16xi32>,
        %get3A_120 = vector.shape_cast %get3A_119 : vector<1x16xi32> to vector<16xi32>
        %eq3A_121 = arith.cmpi eq, %get3A_115, %get3A_120 : vector<16xi32>
        %jit3A_122 = arith.constant 10000 : i32
        %broadcast_in_dim3A_123 = vector.broadcast %jit3A_122 : i32 to vector<16xi32>
        %select_n3A_124 = arith.select %eq3A_121, %broadcast_in_dim3A_123, %get3A_120 : vector<16xi1>, vector<16xi32>
        %swap3A_125 = arith.constant 1 : i32
        %swap3A_126 = arith.index_cast %swap3A_125 : i32 to index
        %swap3A_127 = arith.constant 0 : index
        %swap3A_128 = tpu.vector_load %arg11[%swap3A_126, %swap3A_127] {strides = array<i32>} : memref<2x64xi32, #tpu.memory_space<vmem>>, vector<1x16xi32>,
        %swap3A_129 = vector.shape_cast %swap3A_128 : vector<1x16xi32> to vector<16xi32>
        %swap3A_130 = vector.shape_cast %select_n3A_124 : vector<16xi32> to vector<1x16xi32>
        tpu.vector_store %arg11[%swap3A_126, %swap3A_127], %swap3A_130 {strides = array<i32>} : memref<2x64xi32, #tpu.memory_space<vmem>>, vector<1x16xi32>,
        %get3A_131 = arith.constant 1 : i32
        %get3A_132 = arith.index_cast %get3A_131 : i32 to index
        %get3A_133 = arith.constant 16 : index
        %get3A_134 = tpu.vector_load %arg10[%get3A_132, %get3A_133] {strides = array<i32>} : memref<2x64xi32, #tpu.memory_space<vmem>>, vector<1x16xi32>,
        %get3A_135 = vector.shape_cast %get3A_134 : vector<1x16xi32> to vector<16xi32>
        %get3A_136 = arith.constant 1 : i32
        %get3A_137 = arith.index_cast %get3A_136 : i32 to index
        %get3A_138 = arith.constant 16 : index
        %get3A_139 = tpu.vector_load %arg11[%get3A_137, %get3A_138] {strides = array<i32>} : memref<2x64xi32, #tpu.memory_space<vmem>>, vector<1x16xi32>,
        %get3A_140 = vector.shape_cast %get3A_139 : vector<1x16xi32> to vector<16xi32>
        %eq3A_141 = arith.cmpi eq, %get3A_135, %get3A_140 : vector<16xi32>
        %jit3A_142 = arith.constant 10000 : i32
        %broadcast_in_dim3A_143 = vector.broadcast %jit3A_142 : i32 to vector<16xi32>
        %select_n3A_144 = arith.select %eq3A_141, %broadcast_in_dim3A_143, %get3A_140 : vector<16xi1>, vector<16xi32>
        %swap3A_145 = arith.constant 1 : i32
        %swap3A_146 = arith.index_cast %swap3A_145 : i32 to index
        %swap3A_147 = arith.constant 16 : index
        %swap3A_148 = tpu.vector_load %arg11[%swap3A_146, %swap3A_147] {strides = array<i32>} : memref<2x64xi32, #tpu.memory_space<vmem>>, vector<1x16xi32>,
        %swap3A_149 = vector.shape_cast %swap3A_148 : vector<1x16xi32> to vector<16xi32>
        %swap3A_150 = vector.shape_cast %select_n3A_144 : vector<16xi32> to vector<1x16xi32>
        tpu.vector_store %arg11[%swap3A_146, %swap3A_147], %swap3A_150 {strides = array<i32>} : memref<2x64xi32, #tpu.memory_space<vmem>>, vector<1x16xi32>,
        %get3A_151 = arith.constant 1 : i32
        %get3A_152 = arith.index_cast %get3A_151 : i32 to index
        %get3A_153 = arith.constant 32 : index
        %get3A_154 = tpu.vector_load %arg10[%get3A_152, %get3A_153] {strides = array<i32>} : memref<2x64xi32, #tpu.memory_space<vmem>>, vector<1x16xi32>,
        %get3A_155 = vector.shape_cast %get3A_154 : vector<1x16xi32> to vector<16xi32>
        %get3A_156 = arith.constant 1 : i32
        %get3A_157 = arith.index_cast %get3A_156 : i32 to index
        %get3A_158 = arith.constant 32 : index
        %get3A_159 = tpu.vector_load %arg11[%get3A_157, %get3A_158] {strides = array<i32>} : memref<2x64xi32, #tpu.memory_space<vmem>>, vector<1x16xi32>,
        %get3A_160 = vector.shape_cast %get3A_159 : vector<1x16xi32> to vector<16xi32>
        %eq3A_161 = arith.cmpi eq, %get3A_155, %get3A_160 : vector<16xi32>
        %jit3A_162 = arith.constant 10000 : i32
        %broadcast_in_dim3A_163 = vector.broadcast %jit3A_162 : i32 to vector<16xi32>
        %select_n3A_164 = arith.select %eq3A_161, %broadcast_in_dim3A_163, %get3A_160 : vector<16xi1>, vector<16xi32>
        %swap3A_165 = arith.constant 1 : i32
        %swap3A_166 = arith.index_cast %swap3A_165 : i32 to index
        %swap3A_167 = arith.constant 32 : index
        %swap3A_168 = tpu.vector_load %arg11[%swap3A_166, %swap3A_167] {strides = array<i32>} : memref<2x64xi32, #tpu.memory_space<vmem>>, vector<1x16xi32>,
        %swap3A_169 = vector.shape_cast %swap3A_168 : vector<1x16xi32> to vector<16xi32>
        %swap3A_170 = vector.shape_cast %select_n3A_164 : vector<16xi32> to vector<1x16xi32>
        tpu.vector_store %arg11[%swap3A_166, %swap3A_167], %swap3A_170 {strides = array<i32>} : memref<2x64xi32, #tpu.memory_space<vmem>>, vector<1x16xi32>,
        %get3A_171 = arith.constant 1 : i32
        %get3A_172 = arith.index_cast %get3A_171 : i32 to index
        %get3A_173 = arith.constant 48 : index
        %get3A_174 = tpu.vector_load %arg10[%get3A_172, %get3A_173] {strides = array<i32>} : memref<2x64xi32, #tpu.memory_space<vmem>>, vector<1x16xi32>,
        %get3A_175 = vector.shape_cast %get3A_174 : vector<1x16xi32> to vector<16xi32>
        %get3A_176 = arith.constant 1 : i32
        %get3A_177 = arith.index_cast %get3A_176 : i32 to index
        %get3A_178 = arith.constant 48 : index
        %get3A_179 = tpu.vector_load %arg11[%get3A_177, %get3A_178] {strides = array<i32>} : memref<2x64xi32, #tpu.memory_space<vmem>>, vector<1x16xi32>,
        %get3A_180 = vector.shape_cast %get3A_179 : vector<1x16xi32> to vector<16xi32>
        %eq3A_181 = arith.cmpi eq, %get3A_175, %get3A_180 : vector<16xi32>
        %jit3A_182 = arith.constant 10000 : i32
        %broadcast_in_dim3A_183 = vector.broadcast %jit3A_182 : i32 to vector<16xi32>
        %select_n3A_184 = arith.select %eq3A_181, %broadcast_in_dim3A_183, %get3A_180 : vector<16xi1>, vector<16xi32>
        %swap3A_185 = arith.constant 1 : i32
        %swap3A_186 = arith.index_cast %swap3A_185 : i32 to index
        %swap3A_187 = arith.constant 48 : index
        %swap3A_188 = tpu.vector_load %arg11[%swap3A_186, %swap3A_187] {strides = array<i32>} : memref<2x64xi32, #tpu.memory_space<vmem>>, vector<1x16xi32>,
        %swap3A_189 = vector.shape_cast %swap3A_188 : vector<1x16xi32> to vector<16xi32>
        %swap3A_190 = vector.shape_cast %select_n3A_184 : vector<16xi32> to vector<1x16xi32>
        tpu.vector_store %arg11[%swap3A_186, %swap3A_187], %swap3A_190 {strides = array<i32>} : memref<2x64xi32, #tpu.memory_space<vmem>>, vector<1x16xi32>,
        %dma_start3A_191 = arith.constant 1 : i32
        %dma_start3A_192 = arith.constant 1 : i32
        %dma_start3A_193 = arith.constant 0 : i32
        %dma_start3A_194 = arith.constant 0 : i32
        %dma_start3A_195 = tpu.memref_slice %arg12[%dma_start3A_192, %dma_start3A_193, %dma_start3A_194] : memref<2x64x128xf32, #tpu.memory_space<vmem>> -> memref<1x64x128xf32, #tpu.memory_space<vmem>>
        %dma_start3A_196 = tpu.memref_squeeze %dma_start3A_195 : memref<1x64x128xf32, #tpu.memory_space<vmem>> -> memref<64x128xf32, #tpu.memory_space<vmem>>
        %dma_start3A_197 = arith.constant 0 : i32
        %dma_start3A_198 = tpu.memref_slice %arg10[%dma_start3A_191, %dma_start3A_197] : memref<2x64xi32, #tpu.memory_space<vmem>> -> memref<1x64xi32, #tpu.memory_space<vmem>>
        %dma_start3A_199 = tpu.memref_squeeze %dma_start3A_198 : memref<1x64xi32, #tpu.memory_space<vmem>> -> memref<64xi32, #tpu.memory_space<vmem>>
        %dma_start3A_200 = arith.constant 0 : i32
        %dma_start3A_201 = arith.constant 0 : i32
        %dma_start3A_202 = tpu.memref_slice %arg2[%dma_start3A_200, %dma_start3A_201] : memref<10240x128xf32, #tpu.memory_space<hbm>> -> memref<10240x128xf32, #tpu.memory_space<hbm>>
        tpu.enqueue_indirect_dma source(%dma_start3A_202 : memref<10240x128xf32, #tpu.memory_space<hbm>>) target(%dma_start3A_196 : memref<64x128xf32, #tpu.memory_space<vmem>>) offsets(%dma_start3A_199 : memref<64xi32, #tpu.memory_space<vmem>>) semaphore(%arg14 : memref<!tpu.dma_semaphore, #tpu.memory_space<semaphore_mem>>)
        %dma_wait3A = arith.constant 0 : i32
        %dma_wait3A_203 = arith.constant 0 : i32
        %dma_wait3A_204 = arith.constant 0 : i32
        %dma_wait3A_205 = arith.constant 0 : i32
        %dma_wait3A_206 = tpu.memref_slice %arg12[%dma_wait3A_203, %dma_wait3A_204, %dma_wait3A_205] : memref<2x64x128xf32, #tpu.memory_space<vmem>> -> memref<1x64x128xf32, #tpu.memory_space<vmem>>
        %dma_wait3A_207 = tpu.memref_squeeze %dma_wait3A_206 : memref<1x64x128xf32, #tpu.memory_space<vmem>> -> memref<64x128xf32, #tpu.memory_space<vmem>>
        %dma_wait3A_208 = arith.constant 0 : i32
        %dma_wait3A_209 = tpu.memref_slice %arg10[%dma_wait3A, %dma_wait3A_208] : memref<2x64xi32, #tpu.memory_space<vmem>> -> memref<1x64xi32, #tpu.memory_space<vmem>>
        %dma_wait3A_210 = tpu.memref_squeeze %dma_wait3A_209 : memref<1x64xi32, #tpu.memory_space<vmem>> -> memref<64xi32, #tpu.memory_space<vmem>>
        %dma_wait3A_211 = arith.constant 0 : i32
        %dma_wait3A_212 = arith.constant 0 : i32
        %dma_wait3A_213 = tpu.memref_slice %arg2[%dma_wait3A_211, %dma_wait3A_212] : memref<10240x128xf32, #tpu.memory_space<hbm>> -> memref<10240x128xf32, #tpu.memory_space<hbm>>
        tpu.wait_indirect_dma semaphore(%arg14 : memref<!tpu.dma_semaphore, #tpu.memory_space<semaphore_mem>>) src(%dma_wait3A_213 : memref<10240x128xf32, #tpu.memory_space<hbm>>) dst(%dma_wait3A_207 : memref<64x128xf32, #tpu.memory_space<vmem>>)
        %run_scoped3A = arith.constant 0 : i32
        %run_scoped3A_214 = arith.constant 0 : i32
        "tpu.region"() ({
          %run_scoped3A_230 = tpu.sem_alloc : memref<!tpu.dma_semaphore, #tpu.memory_space<semaphore_mem>>
          %dma_start3A_231 = arith.constant 0 : i32
          %dma_start3A_232 = arith.constant 0 : i32
          %dma_start3A_233 = tpu.memref_slice %arg12[%run_scoped3A, %dma_start3A_231, %dma_start3A_232] : memref<2x64x128xf32, #tpu.memory_space<vmem>> -> memref<1x64x128xf32, #tpu.memory_space<vmem>>
          %dma_start3A_234 = tpu.memref_squeeze %dma_start3A_233 : memref<1x64x128xf32, #tpu.memory_space<vmem>> -> memref<64x128xf32, #tpu.memory_space<vmem>>
          %dma_start3A_235 = arith.constant 0 : i32
          %dma_start3A_236 = tpu.memref_slice %arg11[%run_scoped3A_214, %dma_start3A_235] : memref<2x64xi32, #tpu.memory_space<vmem>> -> memref<1x64xi32, #tpu.memory_space<vmem>>
          %dma_start3A_237 = tpu.memref_squeeze %dma_start3A_236 : memref<1x64xi32, #tpu.memory_space<vmem>> -> memref<64xi32, #tpu.memory_space<vmem>>
          %dma_start3A_238 = arith.constant 0 : i32
          %dma_start3A_239 = arith.constant 0 : i32
          %dma_start3A_240 = tpu.memref_slice %arg13[%dma_start3A_238, %dma_start3A_239] : memref<10240x128xf32, #tpu.memory_space<vmem_shared>> -> memref<10240x128xf32, #tpu.memory_space<vmem_shared>>
          tpu.enqueue_indirect_dma source(%dma_start3A_234 : memref<64x128xf32, #tpu.memory_space<vmem>>) target(%dma_start3A_240 : memref<10240x128xf32, #tpu.memory_space<vmem_shared>>) offsets(%dma_start3A_237 : memref<64xi32, #tpu.memory_space<vmem>>) semaphore(%run_scoped3A_230 : memref<!tpu.dma_semaphore, #tpu.memory_space<semaphore_mem>>) {add = true}
          %dma_wait3A_241 = arith.constant 0 : i32
          %dma_wait3A_242 = arith.constant 0 : i32
          %dma_wait3A_243 = tpu.memref_slice %arg12[%run_scoped3A, %dma_wait3A_241, %dma_wait3A_242] : memref<2x64x128xf32, #tpu.memory_space<vmem>> -> memref<1x64x128xf32, #tpu.memory_space<vmem>>
          %dma_wait3A_244 = tpu.memref_squeeze %dma_wait3A_243 : memref<1x64x128xf32, #tpu.memory_space<vmem>> -> memref<64x128xf32, #tpu.memory_space<vmem>>
          %dma_wait3A_245 = arith.constant 0 : i32
          %dma_wait3A_246 = tpu.memref_slice %arg11[%run_scoped3A_214, %dma_wait3A_245] : memref<2x64xi32, #tpu.memory_space<vmem>> -> memref<1x64xi32, #tpu.memory_space<vmem>>
          %dma_wait3A_247 = tpu.memref_squeeze %dma_wait3A_246 : memref<1x64xi32, #tpu.memory_space<vmem>> -> memref<64xi32, #tpu.memory_space<vmem>>
          %dma_wait3A_248 = arith.constant 0 : i32
          %dma_wait3A_249 = arith.constant 0 : i32
          %dma_wait3A_250 = tpu.memref_slice %arg13[%dma_wait3A_248, %dma_wait3A_249] : memref<10240x128xf32, #tpu.memory_space<vmem_shared>> -> memref<10240x128xf32, #tpu.memory_space<vmem_shared>>
          tpu.wait_indirect_dma semaphore(%run_scoped3A_230 : memref<!tpu.dma_semaphore, #tpu.memory_space<semaphore_mem>>) src(%dma_wait3A_244 : memref<64x128xf32, #tpu.memory_space<vmem>>) dst(%dma_wait3A_250 : memref<10240x128xf32, #tpu.memory_space<vmem_shared>>)
          tpu.yield
        }) : () -> ()
        %dma_wait3A_215 = arith.constant 1 : i32
        %dma_wait3A_216 = arith.constant 1 : i32
        %dma_wait3A_217 = arith.constant 0 : i32
        %dma_wait3A_218 = arith.constant 0 : i32
        %dma_wait3A_219 = tpu.memref_slice %arg12[%dma_wait3A_216, %dma_wait3A_217, %dma_wait3A_218] : memref<2x64x128xf32, #tpu.memory_space<vmem>> -> memref<1x64x128xf32, #tpu.memory_space<vmem>>
        %dma_wait3A_220 = tpu.memref_squeeze %dma_wait3A_219 : memref<1x64x128xf32, #tpu.memory_space<vmem>> -> memref<64x128xf32, #tpu.memory_space<vmem>>
        %dma_wait3A_221 = arith.constant 0 : i32
        %dma_wait3A_222 = tpu.memref_slice %arg10[%dma_wait3A_215, %dma_wait3A_221] : memref<2x64xi32, #tpu.memory_space<vmem>> -> memref<1x64xi32, #tpu.memory_space<vmem>>
        %dma_wait3A_223 = tpu.memref_squeeze %dma_wait3A_222 : memref<1x64xi32, #tpu.memory_space<vmem>> -> memref<64xi32, #tpu.memory_space<vmem>>
        %dma_wait3A_224 = arith.constant 0 : i32
        %dma_wait3A_225 = arith.constant 0 : i32
        %dma_wait3A_226 = tpu.memref_slice %arg2[%dma_wait3A_224, %dma_wait3A_225] : memref<10240x128xf32, #tpu.memory_space<hbm>> -> memref<10240x128xf32, #tpu.memory_space<hbm>>
        tpu.wait_indirect_dma semaphore(%arg14 : memref<!tpu.dma_semaphore, #tpu.memory_space<semaphore_mem>>) src(%dma_wait3A_226 : memref<10240x128xf32, #tpu.memory_space<hbm>>) dst(%dma_wait3A_220 : memref<64x128xf32, #tpu.memory_space<vmem>>)
        %run_scoped3A_227 = arith.constant 1 : i32
        %run_scoped3A_228 = arith.constant 1 : i32
        "tpu.region"() ({
          %run_scoped3A_230 = tpu.sem_alloc : memref<!tpu.dma_semaphore, #tpu.memory_space<semaphore_mem>>
          %dma_start3A_231 = arith.constant 0 : i32
          %dma_start3A_232 = arith.constant 0 : i32
          %dma_start3A_233 = tpu.memref_slice %arg12[%run_scoped3A_227, %dma_start3A_231, %dma_start3A_232] : memref<2x64x128xf32, #tpu.memory_space<vmem>> -> memref<1x64x128xf32, #tpu.memory_space<vmem>>
          %dma_start3A_234 = tpu.memref_squeeze %dma_start3A_233 : memref<1x64x128xf32, #tpu.memory_space<vmem>> -> memref<64x128xf32, #tpu.memory_space<vmem>>
          %dma_start3A_235 = arith.constant 0 : i32
          %dma_start3A_236 = tpu.memref_slice %arg11[%run_scoped3A_228, %dma_start3A_235] : memref<2x64xi32, #tpu.memory_space<vmem>> -> memref<1x64xi32, #tpu.memory_space<vmem>>
          %dma_start3A_237 = tpu.memref_squeeze %dma_start3A_236 : memref<1x64xi32, #tpu.memory_space<vmem>> -> memref<64xi32, #tpu.memory_space<vmem>>
          %dma_start3A_238 = arith.constant 0 : i32
          %dma_start3A_239 = arith.constant 0 : i32
          %dma_start3A_240 = tpu.memref_slice %arg13[%dma_start3A_238, %dma_start3A_239] : memref<10240x128xf32, #tpu.memory_space<vmem_shared>> -> memref<10240x128xf32, #tpu.memory_space<vmem_shared>>
          tpu.enqueue_indirect_dma source(%dma_start3A_234 : memref<64x128xf32, #tpu.memory_space<vmem>>) target(%dma_start3A_240 : memref<10240x128xf32, #tpu.memory_space<vmem_shared>>) offsets(%dma_start3A_237 : memref<64xi32, #tpu.memory_space<vmem>>) semaphore(%run_scoped3A_230 : memref<!tpu.dma_semaphore, #tpu.memory_space<semaphore_mem>>) {add = true}
          %dma_wait3A_241 = arith.constant 0 : i32
          %dma_wait3A_242 = arith.constant 0 : i32
          %dma_wait3A_243 = tpu.memref_slice %arg12[%run_scoped3A_227, %dma_wait3A_241, %dma_wait3A_242] : memref<2x64x128xf32, #tpu.memory_space<vmem>> -> memref<1x64x128xf32, #tpu.memory_space<vmem>>
          %dma_wait3A_244 = tpu.memref_squeeze %dma_wait3A_243 : memref<1x64x128xf32, #tpu.memory_space<vmem>> -> memref<64x128xf32, #tpu.memory_space<vmem>>
          %dma_wait3A_245 = arith.constant 0 : i32
          %dma_wait3A_246 = tpu.memref_slice %arg11[%run_scoped3A_228, %dma_wait3A_245] : memref<2x64xi32, #tpu.memory_space<vmem>> -> memref<1x64xi32, #tpu.memory_space<vmem>>
          %dma_wait3A_247 = tpu.memref_squeeze %dma_wait3A_246 : memref<1x64xi32, #tpu.memory_space<vmem>> -> memref<64xi32, #tpu.memory_space<vmem>>
          %dma_wait3A_248 = arith.constant 0 : i32
          %dma_wait3A_249 = arith.constant 0 : i32
          %dma_wait3A_250 = tpu.memref_slice %arg13[%dma_wait3A_248, %dma_wait3A_249] : memref<10240x128xf32, #tpu.memory_space<vmem_shared>> -> memref<10240x128xf32, #tpu.memory_space<vmem_shared>>
          tpu.wait_indirect_dma semaphore(%run_scoped3A_230 : memref<!tpu.dma_semaphore, #tpu.memory_space<semaphore_mem>>) src(%dma_wait3A_244 : memref<64x128xf32, #tpu.memory_space<vmem>>) dst(%dma_wait3A_250 : memref<10240x128xf32, #tpu.memory_space<vmem_shared>>)
          tpu.yield
        }) : () -> ()
        %scan3A_229 = arith.constant 0 : i32
        scf.yield %scan3A_229 : i32
      }
      %scan3A_20 = arith.constant 54 : i32
    } else {
    }
    %eq3A_3 = arith.constant 1 : i32
    %eq3A_4 = arith.cmpi eq, %arg0, %eq3A_3 : i32
    %convert_element_type3A_5 = arith.extui %eq3A_4 : i1 to i32
    %cond3A_6 = arith.constant 0 : i32
    %cond3A_7 = arith.cmpi ne, %convert_element_type3A_5, %cond3A_6 : i32
    scf.if %cond3A_7 {
      %mul3A_13 = arith.constant 52 : i32
      %mul3A_14 = arith.muli %arg1, %mul3A_13 : i32
      %add3A = arith.constant 1728 : i32
      %add3A_15 = arith.addi %add3A, %mul3A_14 : i32
      %scan3A = arith.constant 0 : i32
      %scan3A_16 = arith.constant 0 : i32
      %scan3A_17 = arith.constant 26 : i32
      %scan3A_18 = arith.addi %scan3A_16, %scan3A_17 : i32
      %scan3A_19 = arith.constant 1 : i32
      %scan3A_20 = scf.for %scan3A_31 = %scan3A_16 to %scan3A_18 step %scan3A_19 iter_args(%scan3A_32 = %scan3A) -> (i32)  : i32 {
        %mul3A_33 = arith.constant 2 : i32
        %mul3A_34 = arith.muli %scan3A_31, %mul3A_33 : i32
        %add3A_35 = arith.addi %add3A_15, %mul3A_34 : i32
        "tpu.region"() ({
          %run_scoped3A_241 = tpu.sem_alloc : memref<!tpu.dma_semaphore, #tpu.memory_space<semaphore_mem>>
          %dma_start3A_242 = arith.constant 0 : i32
          %dma_start3A_243 = tpu.memref_slice %arg4[%add3A_35, %dma_start3A_242] : memref<2560x64xi32, #tpu.memory_space<hbm>> -> memref<2x64xi32, #tpu.memory_space<hbm>>
          %dma_start3A_244 = arith.constant 0 : i32
          %dma_start3A_245 = tpu.memref_slice %arg4[%add3A_35, %dma_start3A_244] : memref<2560x64xi32, #tpu.memory_space<hbm>> -> memref<2x64xi32, #tpu.memory_space<hbm>>
          tpu.enqueue_dma source(%dma_start3A_245 : memref<2x64xi32, #tpu.memory_space<hbm>>) target(%arg10 : memref<2x64xi32, #tpu.memory_space<vmem>>) target_semaphore(%run_scoped3A_241 : memref<!tpu.dma_semaphore, #tpu.memory_space<semaphore_mem>>)
          %dma_wait3A_246 = arith.constant 0 : i32
          %dma_wait3A_247 = tpu.memref_slice %arg4[%add3A_35, %dma_wait3A_246] : memref<2560x64xi32, #tpu.memory_space<hbm>> -> memref<2x64xi32, #tpu.memory_space<hbm>>
          %dma_wait3A_248 = arith.constant 0 : i32
          %dma_wait3A_249 = tpu.memref_slice %arg4[%add3A_35, %dma_wait3A_248] : memref<2560x64xi32, #tpu.memory_space<hbm>> -> memref<2x64xi32, #tpu.memory_space<hbm>>
          tpu.wait_dma2 semaphore(%run_scoped3A_241 : memref<!tpu.dma_semaphore, #tpu.memory_space<semaphore_mem>>) src(%dma_wait3A_249 : memref<2x64xi32, #tpu.memory_space<hbm>>) dst(%arg10 : memref<2x64xi32, #tpu.memory_space<vmem>>)
          tpu.yield
        }) : () -> ()
        "tpu.region"() ({
          %run_scoped3A_241 = tpu.sem_alloc : memref<!tpu.dma_semaphore, #tpu.memory_space<semaphore_mem>>
          %dma_start3A_242 = arith.constant 0 : i32
          %dma_start3A_243 = tpu.memref_slice %arg5[%add3A_35, %dma_start3A_242] : memref<2560x64xi32, #tpu.memory_space<hbm>> -> memref<2x64xi32, #tpu.memory_space<hbm>>
          %dma_start3A_244 = arith.constant 0 : i32
          %dma_start3A_245 = tpu.memref_slice %arg5[%add3A_35, %dma_start3A_244] : memref<2560x64xi32, #tpu.memory_space<hbm>> -> memref<2x64xi32, #tpu.memory_space<hbm>>
          tpu.enqueue_dma source(%dma_start3A_245 : memref<2x64xi32, #tpu.memory_space<hbm>>) target(%arg11 : memref<2x64xi32, #tpu.memory_space<vmem>>) target_semaphore(%run_scoped3A_241 : memref<!tpu.dma_semaphore, #tpu.memory_space<semaphore_mem>>)
          %dma_wait3A_246 = arith.constant 0 : i32
          %dma_wait3A_247 = tpu.memref_slice %arg5[%add3A_35, %dma_wait3A_246] : memref<2560x64xi32, #tpu.memory_space<hbm>> -> memref<2x64xi32, #tpu.memory_space<hbm>>
          %dma_wait3A_248 = arith.constant 0 : i32
          %dma_wait3A_249 = tpu.memref_slice %arg5[%add3A_35, %dma_wait3A_248] : memref<2560x64xi32, #tpu.memory_space<hbm>> -> memref<2x64xi32, #tpu.memory_space<hbm>>
          tpu.wait_dma2 semaphore(%run_scoped3A_241 : memref<!tpu.dma_semaphore, #tpu.memory_space<semaphore_mem>>) src(%dma_wait3A_249 : memref<2x64xi32, #tpu.memory_space<hbm>>) dst(%arg11 : memref<2x64xi32, #tpu.memory_space<vmem>>)
          tpu.yield
        }) : () -> ()
        %get3A = arith.constant 0 : i32
        %get3A_36 = arith.index_cast %get3A : i32 to index
        %get3A_37 = arith.constant 0 : index
        %get3A_38 = tpu.vector_load %arg10[%get3A_36, %get3A_37] {strides = array<i32>} : memref<2x64xi32, #tpu.memory_space<vmem>>, vector<1x16xi32>,
        %get3A_39 = vector.shape_cast %get3A_38 : vector<1x16xi32> to vector<16xi32>
        %get3A_40 = arith.constant 0 : i32
        %get3A_41 = arith.index_cast %get3A_40 : i32 to index
        %get3A_42 = arith.constant 0 : index
        %get3A_43 = tpu.vector_load %arg11[%get3A_41, %get3A_42] {strides = array<i32>} : memref<2x64xi32, #tpu.memory_space<vmem>>, vector<1x16xi32>,
        %get3A_44 = vector.shape_cast %get3A_43 : vector<1x16xi32> to vector<16xi32>
        %eq3A_45 = arith.cmpi eq, %get3A_39, %get3A_44 : vector<16xi32>
        %jit3A = arith.constant 10000 : i32
        %broadcast_in_dim3A = vector.broadcast %jit3A : i32 to vector<16xi32>
        %select_n3A = arith.select %eq3A_45, %broadcast_in_dim3A, %get3A_44 : vector<16xi1>, vector<16xi32>
        %swap3A = arith.constant 0 : i32
        %swap3A_46 = arith.index_cast %swap3A : i32 to index
        %swap3A_47 = arith.constant 0 : index
        %swap3A_48 = tpu.vector_load %arg11[%swap3A_46, %swap3A_47] {strides = array<i32>} : memref<2x64xi32, #tpu.memory_space<vmem>>, vector<1x16xi32>,
        %swap3A_49 = vector.shape_cast %swap3A_48 : vector<1x16xi32> to vector<16xi32>
        %swap3A_50 = vector.shape_cast %select_n3A : vector<16xi32> to vector<1x16xi32>
        tpu.vector_store %arg11[%swap3A_46, %swap3A_47], %swap3A_50 {strides = array<i32>} : memref<2x64xi32, #tpu.memory_space<vmem>>, vector<1x16xi32>,
        %get3A_51 = arith.constant 0 : i32
        %get3A_52 = arith.index_cast %get3A_51 : i32 to index
        %get3A_53 = arith.constant 16 : index
        %get3A_54 = tpu.vector_load %arg10[%get3A_52, %get3A_53] {strides = array<i32>} : memref<2x64xi32, #tpu.memory_space<vmem>>, vector<1x16xi32>,
        %get3A_55 = vector.shape_cast %get3A_54 : vector<1x16xi32> to vector<16xi32>
        %get3A_56 = arith.constant 0 : i32
        %get3A_57 = arith.index_cast %get3A_56 : i32 to index
        %get3A_58 = arith.constant 16 : index
        %get3A_59 = tpu.vector_load %arg11[%get3A_57, %get3A_58] {strides = array<i32>} : memref<2x64xi32, #tpu.memory_space<vmem>>, vector<1x16xi32>,
        %get3A_60 = vector.shape_cast %get3A_59 : vector<1x16xi32> to vector<16xi32>
        %eq3A_61 = arith.cmpi eq, %get3A_55, %get3A_60 : vector<16xi32>
        %jit3A_62 = arith.constant 10000 : i32
        %broadcast_in_dim3A_63 = vector.broadcast %jit3A_62 : i32 to vector<16xi32>
        %select_n3A_64 = arith.select %eq3A_61, %broadcast_in_dim3A_63, %get3A_60 : vector<16xi1>, vector<16xi32>
        %swap3A_65 = arith.constant 0 : i32
        %swap3A_66 = arith.index_cast %swap3A_65 : i32 to index
        %swap3A_67 = arith.constant 16 : index
        %swap3A_68 = tpu.vector_load %arg11[%swap3A_66, %swap3A_67] {strides = array<i32>} : memref<2x64xi32, #tpu.memory_space<vmem>>, vector<1x16xi32>,
        %swap3A_69 = vector.shape_cast %swap3A_68 : vector<1x16xi32> to vector<16xi32>
        %swap3A_70 = vector.shape_cast %select_n3A_64 : vector<16xi32> to vector<1x16xi32>
        tpu.vector_store %arg11[%swap3A_66, %swap3A_67], %swap3A_70 {strides = array<i32>} : memref<2x64xi32, #tpu.memory_space<vmem>>, vector<1x16xi32>,
        %get3A_71 = arith.constant 0 : i32
        %get3A_72 = arith.index_cast %get3A_71 : i32 to index
        %get3A_73 = arith.constant 32 : index
        %get3A_74 = tpu.vector_load %arg10[%get3A_72, %get3A_73] {strides = array<i32>} : memref<2x64xi32, #tpu.memory_space<vmem>>, vector<1x16xi32>,
        %get3A_75 = vector.shape_cast %get3A_74 : vector<1x16xi32> to vector<16xi32>
        %get3A_76 = arith.constant 0 : i32
        %get3A_77 = arith.index_cast %get3A_76 : i32 to index
        %get3A_78 = arith.constant 32 : index
        %get3A_79 = tpu.vector_load %arg11[%get3A_77, %get3A_78] {strides = array<i32>} : memref<2x64xi32, #tpu.memory_space<vmem>>, vector<1x16xi32>,
        %get3A_80 = vector.shape_cast %get3A_79 : vector<1x16xi32> to vector<16xi32>
        %eq3A_81 = arith.cmpi eq, %get3A_75, %get3A_80 : vector<16xi32>
        %jit3A_82 = arith.constant 10000 : i32
        %broadcast_in_dim3A_83 = vector.broadcast %jit3A_82 : i32 to vector<16xi32>
        %select_n3A_84 = arith.select %eq3A_81, %broadcast_in_dim3A_83, %get3A_80 : vector<16xi1>, vector<16xi32>
        %swap3A_85 = arith.constant 0 : i32
        %swap3A_86 = arith.index_cast %swap3A_85 : i32 to index
        %swap3A_87 = arith.constant 32 : index
        %swap3A_88 = tpu.vector_load %arg11[%swap3A_86, %swap3A_87] {strides = array<i32>} : memref<2x64xi32, #tpu.memory_space<vmem>>, vector<1x16xi32>,
        %swap3A_89 = vector.shape_cast %swap3A_88 : vector<1x16xi32> to vector<16xi32>
        %swap3A_90 = vector.shape_cast %select_n3A_84 : vector<16xi32> to vector<1x16xi32>
        tpu.vector_store %arg11[%swap3A_86, %swap3A_87], %swap3A_90 {strides = array<i32>} : memref<2x64xi32, #tpu.memory_space<vmem>>, vector<1x16xi32>,
        %get3A_91 = arith.constant 0 : i32
        %get3A_92 = arith.index_cast %get3A_91 : i32 to index
        %get3A_93 = arith.constant 48 : index
        %get3A_94 = tpu.vector_load %arg10[%get3A_92, %get3A_93] {strides = array<i32>} : memref<2x64xi32, #tpu.memory_space<vmem>>, vector<1x16xi32>,
        %get3A_95 = vector.shape_cast %get3A_94 : vector<1x16xi32> to vector<16xi32>
        %get3A_96 = arith.constant 0 : i32
        %get3A_97 = arith.index_cast %get3A_96 : i32 to index
        %get3A_98 = arith.constant 48 : index
        %get3A_99 = tpu.vector_load %arg11[%get3A_97, %get3A_98] {strides = array<i32>} : memref<2x64xi32, #tpu.memory_space<vmem>>, vector<1x16xi32>,
        %get3A_100 = vector.shape_cast %get3A_99 : vector<1x16xi32> to vector<16xi32>
        %eq3A_101 = arith.cmpi eq, %get3A_95, %get3A_100 : vector<16xi32>
        %jit3A_102 = arith.constant 10000 : i32
        %broadcast_in_dim3A_103 = vector.broadcast %jit3A_102 : i32 to vector<16xi32>
        %select_n3A_104 = arith.select %eq3A_101, %broadcast_in_dim3A_103, %get3A_100 : vector<16xi1>, vector<16xi32>
        %swap3A_105 = arith.constant 0 : i32
        %swap3A_106 = arith.index_cast %swap3A_105 : i32 to index
        %swap3A_107 = arith.constant 48 : index
        %swap3A_108 = tpu.vector_load %arg11[%swap3A_106, %swap3A_107] {strides = array<i32>} : memref<2x64xi32, #tpu.memory_space<vmem>>, vector<1x16xi32>,
        %swap3A_109 = vector.shape_cast %swap3A_108 : vector<1x16xi32> to vector<16xi32>
        %swap3A_110 = vector.shape_cast %select_n3A_104 : vector<16xi32> to vector<1x16xi32>
        tpu.vector_store %arg11[%swap3A_106, %swap3A_107], %swap3A_110 {strides = array<i32>} : memref<2x64xi32, #tpu.memory_space<vmem>>, vector<1x16xi32>,
        %dma_start3A = arith.constant 0 : i32
        %dma_start3A_111 = arith.constant 0 : i32
        %dma_start3A_112 = arith.constant 0 : i32
        %dma_start3A_113 = arith.constant 0 : i32
        %dma_start3A_114 = tpu.memref_slice %arg12[%dma_start3A_111, %dma_start3A_112, %dma_start3A_113] : memref<2x64x128xf32, #tpu.memory_space<vmem>> -> memref<1x64x128xf32, #tpu.memory_space<vmem>>
        %dma_start3A_115 = tpu.memref_squeeze %dma_start3A_114 : memref<1x64x128xf32, #tpu.memory_space<vmem>> -> memref<64x128xf32, #tpu.memory_space<vmem>>
        %dma_start3A_116 = arith.constant 0 : i32
        %dma_start3A_117 = tpu.memref_slice %arg10[%dma_start3A, %dma_start3A_116] : memref<2x64xi32, #tpu.memory_space<vmem>> -> memref<1x64xi32, #tpu.memory_space<vmem>>
        %dma_start3A_118 = tpu.memref_squeeze %dma_start3A_117 : memref<1x64xi32, #tpu.memory_space<vmem>> -> memref<64xi32, #tpu.memory_space<vmem>>
        %dma_start3A_119 = arith.constant 0 : i32
        %dma_start3A_120 = arith.constant 0 : i32
        %dma_start3A_121 = tpu.memref_slice %arg2[%dma_start3A_119, %dma_start3A_120] : memref<10240x128xf32, #tpu.memory_space<hbm>> -> memref<10240x128xf32, #tpu.memory_space<hbm>>
        tpu.enqueue_indirect_dma source(%dma_start3A_121 : memref<10240x128xf32, #tpu.memory_space<hbm>>) target(%dma_start3A_115 : memref<64x128xf32, #tpu.memory_space<vmem>>) offsets(%dma_start3A_118 : memref<64xi32, #tpu.memory_space<vmem>>) semaphore(%arg14 : memref<!tpu.dma_semaphore, #tpu.memory_space<semaphore_mem>>)
        %get3A_122 = arith.constant 1 : i32
        %get3A_123 = arith.index_cast %get3A_122 : i32 to index
        %get3A_124 = arith.constant 0 : index
        %get3A_125 = tpu.vector_load %arg10[%get3A_123, %get3A_124] {strides = array<i32>} : memref<2x64xi32, #tpu.memory_space<vmem>>, vector<1x16xi32>,
        %get3A_126 = vector.shape_cast %get3A_125 : vector<1x16xi32> to vector<16xi32>
        %get3A_127 = arith.constant 1 : i32
        %get3A_128 = arith.index_cast %get3A_127 : i32 to index
        %get3A_129 = arith.constant 0 : index
        %get3A_130 = tpu.vector_load %arg11[%get3A_128, %get3A_129] {strides = array<i32>} : memref<2x64xi32, #tpu.memory_space<vmem>>, vector<1x16xi32>,
        %get3A_131 = vector.shape_cast %get3A_130 : vector<1x16xi32> to vector<16xi32>
        %eq3A_132 = arith.cmpi eq, %get3A_126, %get3A_131 : vector<16xi32>
        %jit3A_133 = arith.constant 10000 : i32
        %broadcast_in_dim3A_134 = vector.broadcast %jit3A_133 : i32 to vector<16xi32>
        %select_n3A_135 = arith.select %eq3A_132, %broadcast_in_dim3A_134, %get3A_131 : vector<16xi1>, vector<16xi32>
        %swap3A_136 = arith.constant 1 : i32
        %swap3A_137 = arith.index_cast %swap3A_136 : i32 to index
        %swap3A_138 = arith.constant 0 : index
        %swap3A_139 = tpu.vector_load %arg11[%swap3A_137, %swap3A_138] {strides = array<i32>} : memref<2x64xi32, #tpu.memory_space<vmem>>, vector<1x16xi32>,
        %swap3A_140 = vector.shape_cast %swap3A_139 : vector<1x16xi32> to vector<16xi32>
        %swap3A_141 = vector.shape_cast %select_n3A_135 : vector<16xi32> to vector<1x16xi32>
        tpu.vector_store %arg11[%swap3A_137, %swap3A_138], %swap3A_141 {strides = array<i32>} : memref<2x64xi32, #tpu.memory_space<vmem>>, vector<1x16xi32>,
        %get3A_142 = arith.constant 1 : i32
        %get3A_143 = arith.index_cast %get3A_142 : i32 to index
        %get3A_144 = arith.constant 16 : index
        %get3A_145 = tpu.vector_load %arg10[%get3A_143, %get3A_144] {strides = array<i32>} : memref<2x64xi32, #tpu.memory_space<vmem>>, vector<1x16xi32>,
        %get3A_146 = vector.shape_cast %get3A_145 : vector<1x16xi32> to vector<16xi32>
        %get3A_147 = arith.constant 1 : i32
        %get3A_148 = arith.index_cast %get3A_147 : i32 to index
        %get3A_149 = arith.constant 16 : index
        %get3A_150 = tpu.vector_load %arg11[%get3A_148, %get3A_149] {strides = array<i32>} : memref<2x64xi32, #tpu.memory_space<vmem>>, vector<1x16xi32>,
        %get3A_151 = vector.shape_cast %get3A_150 : vector<1x16xi32> to vector<16xi32>
        %eq3A_152 = arith.cmpi eq, %get3A_146, %get3A_151 : vector<16xi32>
        %jit3A_153 = arith.constant 10000 : i32
        %broadcast_in_dim3A_154 = vector.broadcast %jit3A_153 : i32 to vector<16xi32>
        %select_n3A_155 = arith.select %eq3A_152, %broadcast_in_dim3A_154, %get3A_151 : vector<16xi1>, vector<16xi32>
        %swap3A_156 = arith.constant 1 : i32
        %swap3A_157 = arith.index_cast %swap3A_156 : i32 to index
        %swap3A_158 = arith.constant 16 : index
        %swap3A_159 = tpu.vector_load %arg11[%swap3A_157, %swap3A_158] {strides = array<i32>} : memref<2x64xi32, #tpu.memory_space<vmem>>, vector<1x16xi32>,
        %swap3A_160 = vector.shape_cast %swap3A_159 : vector<1x16xi32> to vector<16xi32>
        %swap3A_161 = vector.shape_cast %select_n3A_155 : vector<16xi32> to vector<1x16xi32>
        tpu.vector_store %arg11[%swap3A_157, %swap3A_158], %swap3A_161 {strides = array<i32>} : memref<2x64xi32, #tpu.memory_space<vmem>>, vector<1x16xi32>,
        %get3A_162 = arith.constant 1 : i32
        %get3A_163 = arith.index_cast %get3A_162 : i32 to index
        %get3A_164 = arith.constant 32 : index
        %get3A_165 = tpu.vector_load %arg10[%get3A_163, %get3A_164] {strides = array<i32>} : memref<2x64xi32, #tpu.memory_space<vmem>>, vector<1x16xi32>,
        %get3A_166 = vector.shape_cast %get3A_165 : vector<1x16xi32> to vector<16xi32>
        %get3A_167 = arith.constant 1 : i32
        %get3A_168 = arith.index_cast %get3A_167 : i32 to index
        %get3A_169 = arith.constant 32 : index
        %get3A_170 = tpu.vector_load %arg11[%get3A_168, %get3A_169] {strides = array<i32>} : memref<2x64xi32, #tpu.memory_space<vmem>>, vector<1x16xi32>,
        %get3A_171 = vector.shape_cast %get3A_170 : vector<1x16xi32> to vector<16xi32>
        %eq3A_172 = arith.cmpi eq, %get3A_166, %get3A_171 : vector<16xi32>
        %jit3A_173 = arith.constant 10000 : i32
        %broadcast_in_dim3A_174 = vector.broadcast %jit3A_173 : i32 to vector<16xi32>
        %select_n3A_175 = arith.select %eq3A_172, %broadcast_in_dim3A_174, %get3A_171 : vector<16xi1>, vector<16xi32>
        %swap3A_176 = arith.constant 1 : i32
        %swap3A_177 = arith.index_cast %swap3A_176 : i32 to index
        %swap3A_178 = arith.constant 32 : index
        %swap3A_179 = tpu.vector_load %arg11[%swap3A_177, %swap3A_178] {strides = array<i32>} : memref<2x64xi32, #tpu.memory_space<vmem>>, vector<1x16xi32>,
        %swap3A_180 = vector.shape_cast %swap3A_179 : vector<1x16xi32> to vector<16xi32>
        %swap3A_181 = vector.shape_cast %select_n3A_175 : vector<16xi32> to vector<1x16xi32>
        tpu.vector_store %arg11[%swap3A_177, %swap3A_178], %swap3A_181 {strides = array<i32>} : memref<2x64xi32, #tpu.memory_space<vmem>>, vector<1x16xi32>,
        %get3A_182 = arith.constant 1 : i32
        %get3A_183 = arith.index_cast %get3A_182 : i32 to index
        %get3A_184 = arith.constant 48 : index
        %get3A_185 = tpu.vector_load %arg10[%get3A_183, %get3A_184] {strides = array<i32>} : memref<2x64xi32, #tpu.memory_space<vmem>>, vector<1x16xi32>,
        %get3A_186 = vector.shape_cast %get3A_185 : vector<1x16xi32> to vector<16xi32>
        %get3A_187 = arith.constant 1 : i32
        %get3A_188 = arith.index_cast %get3A_187 : i32 to index
        %get3A_189 = arith.constant 48 : index
        %get3A_190 = tpu.vector_load %arg11[%get3A_188, %get3A_189] {strides = array<i32>} : memref<2x64xi32, #tpu.memory_space<vmem>>, vector<1x16xi32>,
        %get3A_191 = vector.shape_cast %get3A_190 : vector<1x16xi32> to vector<16xi32>
        %eq3A_192 = arith.cmpi eq, %get3A_186, %get3A_191 : vector<16xi32>
        %jit3A_193 = arith.constant 10000 : i32
        %broadcast_in_dim3A_194 = vector.broadcast %jit3A_193 : i32 to vector<16xi32>
        %select_n3A_195 = arith.select %eq3A_192, %broadcast_in_dim3A_194, %get3A_191 : vector<16xi1>, vector<16xi32>
        %swap3A_196 = arith.constant 1 : i32
        %swap3A_197 = arith.index_cast %swap3A_196 : i32 to index
        %swap3A_198 = arith.constant 48 : index
        %swap3A_199 = tpu.vector_load %arg11[%swap3A_197, %swap3A_198] {strides = array<i32>} : memref<2x64xi32, #tpu.memory_space<vmem>>, vector<1x16xi32>,
        %swap3A_200 = vector.shape_cast %swap3A_199 : vector<1x16xi32> to vector<16xi32>
        %swap3A_201 = vector.shape_cast %select_n3A_195 : vector<16xi32> to vector<1x16xi32>
        tpu.vector_store %arg11[%swap3A_197, %swap3A_198], %swap3A_201 {strides = array<i32>} : memref<2x64xi32, #tpu.memory_space<vmem>>, vector<1x16xi32>,
        %dma_start3A_202 = arith.constant 1 : i32
        %dma_start3A_203 = arith.constant 1 : i32
        %dma_start3A_204 = arith.constant 0 : i32
        %dma_start3A_205 = arith.constant 0 : i32
        %dma_start3A_206 = tpu.memref_slice %arg12[%dma_start3A_203, %dma_start3A_204, %dma_start3A_205] : memref<2x64x128xf32, #tpu.memory_space<vmem>> -> memref<1x64x128xf32, #tpu.memory_space<vmem>>
        %dma_start3A_207 = tpu.memref_squeeze %dma_start3A_206 : memref<1x64x128xf32, #tpu.memory_space<vmem>> -> memref<64x128xf32, #tpu.memory_space<vmem>>
        %dma_start3A_208 = arith.constant 0 : i32
        %dma_start3A_209 = tpu.memref_slice %arg10[%dma_start3A_202, %dma_start3A_208] : memref<2x64xi32, #tpu.memory_space<vmem>> -> memref<1x64xi32, #tpu.memory_space<vmem>>
        %dma_start3A_210 = tpu.memref_squeeze %dma_start3A_209 : memref<1x64xi32, #tpu.memory_space<vmem>> -> memref<64xi32, #tpu.memory_space<vmem>>
        %dma_start3A_211 = arith.constant 0 : i32
        %dma_start3A_212 = arith.constant 0 : i32
        %dma_start3A_213 = tpu.memref_slice %arg2[%dma_start3A_211, %dma_start3A_212] : memref<10240x128xf32, #tpu.memory_space<hbm>> -> memref<10240x128xf32, #tpu.memory_space<hbm>>
        tpu.enqueue_indirect_dma source(%dma_start3A_213 : memref<10240x128xf32, #tpu.memory_space<hbm>>) target(%dma_start3A_207 : memref<64x128xf32, #tpu.memory_space<vmem>>) offsets(%dma_start3A_210 : memref<64xi32, #tpu.memory_space<vmem>>) semaphore(%arg14 : memref<!tpu.dma_semaphore, #tpu.memory_space<semaphore_mem>>)
        %dma_wait3A = arith.constant 0 : i32
        %dma_wait3A_214 = arith.constant 0 : i32
        %dma_wait3A_215 = arith.constant 0 : i32
        %dma_wait3A_216 = arith.constant 0 : i32
        %dma_wait3A_217 = tpu.memref_slice %arg12[%dma_wait3A_214, %dma_wait3A_215, %dma_wait3A_216] : memref<2x64x128xf32, #tpu.memory_space<vmem>> -> memref<1x64x128xf32, #tpu.memory_space<vmem>>
        %dma_wait3A_218 = tpu.memref_squeeze %dma_wait3A_217 : memref<1x64x128xf32, #tpu.memory_space<vmem>> -> memref<64x128xf32, #tpu.memory_space<vmem>>
        %dma_wait3A_219 = arith.constant 0 : i32
        %dma_wait3A_220 = tpu.memref_slice %arg10[%dma_wait3A, %dma_wait3A_219] : memref<2x64xi32, #tpu.memory_space<vmem>> -> memref<1x64xi32, #tpu.memory_space<vmem>>
        %dma_wait3A_221 = tpu.memref_squeeze %dma_wait3A_220 : memref<1x64xi32, #tpu.memory_space<vmem>> -> memref<64xi32, #tpu.memory_space<vmem>>
        %dma_wait3A_222 = arith.constant 0 : i32
        %dma_wait3A_223 = arith.constant 0 : i32
        %dma_wait3A_224 = tpu.memref_slice %arg2[%dma_wait3A_222, %dma_wait3A_223] : memref<10240x128xf32, #tpu.memory_space<hbm>> -> memref<10240x128xf32, #tpu.memory_space<hbm>>
        tpu.wait_indirect_dma semaphore(%arg14 : memref<!tpu.dma_semaphore, #tpu.memory_space<semaphore_mem>>) src(%dma_wait3A_224 : memref<10240x128xf32, #tpu.memory_space<hbm>>) dst(%dma_wait3A_218 : memref<64x128xf32, #tpu.memory_space<vmem>>)
        %run_scoped3A = arith.constant 0 : i32
        %run_scoped3A_225 = arith.constant 0 : i32
        "tpu.region"() ({
          %run_scoped3A_241 = tpu.sem_alloc : memref<!tpu.dma_semaphore, #tpu.memory_space<semaphore_mem>>
          %dma_start3A_242 = arith.constant 0 : i32
          %dma_start3A_243 = arith.constant 0 : i32
          %dma_start3A_244 = tpu.memref_slice %arg12[%run_scoped3A, %dma_start3A_242, %dma_start3A_243] : memref<2x64x128xf32, #tpu.memory_space<vmem>> -> memref<1x64x128xf32, #tpu.memory_space<vmem>>
          %dma_start3A_245 = tpu.memref_squeeze %dma_start3A_244 : memref<1x64x128xf32, #tpu.memory_space<vmem>> -> memref<64x128xf32, #tpu.memory_space<vmem>>
          %dma_start3A_246 = arith.constant 0 : i32
          %dma_start3A_247 = tpu.memref_slice %arg11[%run_scoped3A_225, %dma_start3A_246] : memref<2x64xi32, #tpu.memory_space<vmem>> -> memref<1x64xi32, #tpu.memory_space<vmem>>
          %dma_start3A_248 = tpu.memref_squeeze %dma_start3A_247 : memref<1x64xi32, #tpu.memory_space<vmem>> -> memref<64xi32, #tpu.memory_space<vmem>>
          %dma_start3A_249 = arith.constant 0 : i32
          %dma_start3A_250 = arith.constant 0 : i32
          %dma_start3A_251 = tpu.memref_slice %arg13[%dma_start3A_249, %dma_start3A_250] : memref<10240x128xf32, #tpu.memory_space<vmem_shared>> -> memref<10240x128xf32, #tpu.memory_space<vmem_shared>>
          tpu.enqueue_indirect_dma source(%dma_start3A_245 : memref<64x128xf32, #tpu.memory_space<vmem>>) target(%dma_start3A_251 : memref<10240x128xf32, #tpu.memory_space<vmem_shared>>) offsets(%dma_start3A_248 : memref<64xi32, #tpu.memory_space<vmem>>) semaphore(%run_scoped3A_241 : memref<!tpu.dma_semaphore, #tpu.memory_space<semaphore_mem>>) {add = true}
          %dma_wait3A_252 = arith.constant 0 : i32
          %dma_wait3A_253 = arith.constant 0 : i32
          %dma_wait3A_254 = tpu.memref_slice %arg12[%run_scoped3A, %dma_wait3A_252, %dma_wait3A_253] : memref<2x64x128xf32, #tpu.memory_space<vmem>> -> memref<1x64x128xf32, #tpu.memory_space<vmem>>
          %dma_wait3A_255 = tpu.memref_squeeze %dma_wait3A_254 : memref<1x64x128xf32, #tpu.memory_space<vmem>> -> memref<64x128xf32, #tpu.memory_space<vmem>>
          %dma_wait3A_256 = arith.constant 0 : i32
          %dma_wait3A_257 = tpu.memref_slice %arg11[%run_scoped3A_225, %dma_wait3A_256] : memref<2x64xi32, #tpu.memory_space<vmem>> -> memref<1x64xi32, #tpu.memory_space<vmem>>
          %dma_wait3A_258 = tpu.memref_squeeze %dma_wait3A_257 : memref<1x64xi32, #tpu.memory_space<vmem>> -> memref<64xi32, #tpu.memory_space<vmem>>
          %dma_wait3A_259 = arith.constant 0 : i32
          %dma_wait3A_260 = arith.constant 0 : i32
          %dma_wait3A_261 = tpu.memref_slice %arg13[%dma_wait3A_259, %dma_wait3A_260] : memref<10240x128xf32, #tpu.memory_space<vmem_shared>> -> memref<10240x128xf32, #tpu.memory_space<vmem_shared>>
          tpu.wait_indirect_dma semaphore(%run_scoped3A_241 : memref<!tpu.dma_semaphore, #tpu.memory_space<semaphore_mem>>) src(%dma_wait3A_255 : memref<64x128xf32, #tpu.memory_space<vmem>>) dst(%dma_wait3A_261 : memref<10240x128xf32, #tpu.memory_space<vmem_shared>>)
          tpu.yield
        }) : () -> ()
        %dma_wait3A_226 = arith.constant 1 : i32
        %dma_wait3A_227 = arith.constant 1 : i32
        %dma_wait3A_228 = arith.constant 0 : i32
        %dma_wait3A_229 = arith.constant 0 : i32
        %dma_wait3A_230 = tpu.memref_slice %arg12[%dma_wait3A_227, %dma_wait3A_228, %dma_wait3A_229] : memref<2x64x128xf32, #tpu.memory_space<vmem>> -> memref<1x64x128xf32, #tpu.memory_space<vmem>>
        %dma_wait3A_231 = tpu.memref_squeeze %dma_wait3A_230 : memref<1x64x128xf32, #tpu.memory_space<vmem>> -> memref<64x128xf32, #tpu.memory_space<vmem>>
        %dma_wait3A_232 = arith.constant 0 : i32
        %dma_wait3A_233 = tpu.memref_slice %arg10[%dma_wait3A_226, %dma_wait3A_232] : memref<2x64xi32, #tpu.memory_space<vmem>> -> memref<1x64xi32, #tpu.memory_space<vmem>>
        %dma_wait3A_234 = tpu.memref_squeeze %dma_wait3A_233 : memref<1x64xi32, #tpu.memory_space<vmem>> -> memref<64xi32, #tpu.memory_space<vmem>>
        %dma_wait3A_235 = arith.constant 0 : i32
        %dma_wait3A_236 = arith.constant 0 : i32
        %dma_wait3A_237 = tpu.memref_slice %arg2[%dma_wait3A_235, %dma_wait3A_236] : memref<10240x128xf32, #tpu.memory_space<hbm>> -> memref<10240x128xf32, #tpu.memory_space<hbm>>
        tpu.wait_indirect_dma semaphore(%arg14 : memref<!tpu.dma_semaphore, #tpu.memory_space<semaphore_mem>>) src(%dma_wait3A_237 : memref<10240x128xf32, #tpu.memory_space<hbm>>) dst(%dma_wait3A_231 : memref<64x128xf32, #tpu.memory_space<vmem>>)
        %run_scoped3A_238 = arith.constant 1 : i32
        %run_scoped3A_239 = arith.constant 1 : i32
        "tpu.region"() ({
          %run_scoped3A_241 = tpu.sem_alloc : memref<!tpu.dma_semaphore, #tpu.memory_space<semaphore_mem>>
          %dma_start3A_242 = arith.constant 0 : i32
          %dma_start3A_243 = arith.constant 0 : i32
          %dma_start3A_244 = tpu.memref_slice %arg12[%run_scoped3A_238, %dma_start3A_242, %dma_start3A_243] : memref<2x64x128xf32, #tpu.memory_space<vmem>> -> memref<1x64x128xf32, #tpu.memory_space<vmem>>
          %dma_start3A_245 = tpu.memref_squeeze %dma_start3A_244 : memref<1x64x128xf32, #tpu.memory_space<vmem>> -> memref<64x128xf32, #tpu.memory_space<vmem>>
          %dma_start3A_246 = arith.constant 0 : i32
          %dma_start3A_247 = tpu.memref_slice %arg11[%run_scoped3A_239, %dma_start3A_246] : memref<2x64xi32, #tpu.memory_space<vmem>> -> memref<1x64xi32, #tpu.memory_space<vmem>>
          %dma_start3A_248 = tpu.memref_squeeze %dma_start3A_247 : memref<1x64xi32, #tpu.memory_space<vmem>> -> memref<64xi32, #tpu.memory_space<vmem>>
          %dma_start3A_249 = arith.constant 0 : i32
          %dma_start3A_250 = arith.constant 0 : i32
          %dma_start3A_251 = tpu.memref_slice %arg13[%dma_start3A_249, %dma_start3A_250] : memref<10240x128xf32, #tpu.memory_space<vmem_shared>> -> memref<10240x128xf32, #tpu.memory_space<vmem_shared>>
          tpu.enqueue_indirect_dma source(%dma_start3A_245 : memref<64x128xf32, #tpu.memory_space<vmem>>) target(%dma_start3A_251 : memref<10240x128xf32, #tpu.memory_space<vmem_shared>>) offsets(%dma_start3A_248 : memref<64xi32, #tpu.memory_space<vmem>>) semaphore(%run_scoped3A_241 : memref<!tpu.dma_semaphore, #tpu.memory_space<semaphore_mem>>) {add = true}
          %dma_wait3A_252 = arith.constant 0 : i32
          %dma_wait3A_253 = arith.constant 0 : i32
          %dma_wait3A_254 = tpu.memref_slice %arg12[%run_scoped3A_238, %dma_wait3A_252, %dma_wait3A_253] : memref<2x64x128xf32, #tpu.memory_space<vmem>> -> memref<1x64x128xf32, #tpu.memory_space<vmem>>
          %dma_wait3A_255 = tpu.memref_squeeze %dma_wait3A_254 : memref<1x64x128xf32, #tpu.memory_space<vmem>> -> memref<64x128xf32, #tpu.memory_space<vmem>>
          %dma_wait3A_256 = arith.constant 0 : i32
          %dma_wait3A_257 = tpu.memref_slice %arg11[%run_scoped3A_239, %dma_wait3A_256] : memref<2x64xi32, #tpu.memory_space<vmem>> -> memref<1x64xi32, #tpu.memory_space<vmem>>
          %dma_wait3A_258 = tpu.memref_squeeze %dma_wait3A_257 : memref<1x64xi32, #tpu.memory_space<vmem>> -> memref<64xi32, #tpu.memory_space<vmem>>
          %dma_wait3A_259 = arith.constant 0 : i32
          %dma_wait3A_260 = arith.constant 0 : i32
          %dma_wait3A_261 = tpu.memref_slice %arg13[%dma_wait3A_259, %dma_wait3A_260] : memref<10240x128xf32, #tpu.memory_space<vmem_shared>> -> memref<10240x128xf32, #tpu.memory_space<vmem_shared>>
          tpu.wait_indirect_dma semaphore(%run_scoped3A_241 : memref<!tpu.dma_semaphore, #tpu.memory_space<semaphore_mem>>) src(%dma_wait3A_255 : memref<64x128xf32, #tpu.memory_space<vmem>>) dst(%dma_wait3A_261 : memref<10240x128xf32, #tpu.memory_space<vmem_shared>>)
          tpu.yield
        }) : () -> ()
        %scan3A_240 = arith.constant 0 : i32
        scf.yield %scan3A_240 : i32
      }
      %scan3A_21 = arith.constant 26 : i32
      %mul3A_22 = arith.constant 56 : i32
      %mul3A_23 = arith.muli %arg1, %mul3A_22 : i32
      %scan3A_24 = arith.constant 0 : i32
      %scan3A_25 = arith.constant 0 : i32
      %scan3A_26 = arith.constant 28 : i32
      %scan3A_27 = arith.addi %scan3A_25, %scan3A_26 : i32
      %scan3A_28 = arith.constant 1 : i32
      %scan3A_29 = scf.for %scan3A_31 = %scan3A_25 to %scan3A_27 step %scan3A_28 iter_args(%scan3A_32 = %scan3A_24) -> (i32)  : i32 {
        %mul3A_33 = arith.constant 2 : i32
        %mul3A_34 = arith.muli %scan3A_31, %mul3A_33 : i32
        %add3A_35 = arith.addi %mul3A_23, %mul3A_34 : i32
        "tpu.region"() ({
          %run_scoped3A_86 = tpu.sem_alloc : memref<!tpu.dma_semaphore, #tpu.memory_space<semaphore_mem>>
          %dma_start3A_87 = arith.constant 0 : i32
          %dma_start3A_88 = tpu.memref_slice %arg6[%add3A_35, %dma_start3A_87] : memref<896x64xi32, #tpu.memory_space<hbm>> -> memref<2x64xi32, #tpu.memory_space<hbm>>
          %dma_start3A_89 = arith.constant 0 : i32
          %dma_start3A_90 = tpu.memref_slice %arg6[%add3A_35, %dma_start3A_89] : memref<896x64xi32, #tpu.memory_space<hbm>> -> memref<2x64xi32, #tpu.memory_space<hbm>>
          tpu.enqueue_dma source(%dma_start3A_90 : memref<2x64xi32, #tpu.memory_space<hbm>>) target(%arg10 : memref<2x64xi32, #tpu.memory_space<vmem>>) target_semaphore(%run_scoped3A_86 : memref<!tpu.dma_semaphore, #tpu.memory_space<semaphore_mem>>)
          %dma_wait3A_91 = arith.constant 0 : i32
          %dma_wait3A_92 = tpu.memref_slice %arg6[%add3A_35, %dma_wait3A_91] : memref<896x64xi32, #tpu.memory_space<hbm>> -> memref<2x64xi32, #tpu.memory_space<hbm>>
          %dma_wait3A_93 = arith.constant 0 : i32
          %dma_wait3A_94 = tpu.memref_slice %arg6[%add3A_35, %dma_wait3A_93] : memref<896x64xi32, #tpu.memory_space<hbm>> -> memref<2x64xi32, #tpu.memory_space<hbm>>
          tpu.wait_dma2 semaphore(%run_scoped3A_86 : memref<!tpu.dma_semaphore, #tpu.memory_space<semaphore_mem>>) src(%dma_wait3A_94 : memref<2x64xi32, #tpu.memory_space<hbm>>) dst(%arg10 : memref<2x64xi32, #tpu.memory_space<vmem>>)
          tpu.yield
        }) : () -> ()
        "tpu.region"() ({
          %run_scoped3A_86 = tpu.sem_alloc : memref<!tpu.dma_semaphore, #tpu.memory_space<semaphore_mem>>
          %dma_start3A_87 = arith.constant 0 : i32
          %dma_start3A_88 = tpu.memref_slice %arg7[%add3A_35, %dma_start3A_87] : memref<896x64xi32, #tpu.memory_space<hbm>> -> memref<2x64xi32, #tpu.memory_space<hbm>>
          %dma_start3A_89 = arith.constant 0 : i32
          %dma_start3A_90 = tpu.memref_slice %arg7[%add3A_35, %dma_start3A_89] : memref<896x64xi32, #tpu.memory_space<hbm>> -> memref<2x64xi32, #tpu.memory_space<hbm>>
          tpu.enqueue_dma source(%dma_start3A_90 : memref<2x64xi32, #tpu.memory_space<hbm>>) target(%arg11 : memref<2x64xi32, #tpu.memory_space<vmem>>) target_semaphore(%run_scoped3A_86 : memref<!tpu.dma_semaphore, #tpu.memory_space<semaphore_mem>>)
          %dma_wait3A_91 = arith.constant 0 : i32
          %dma_wait3A_92 = tpu.memref_slice %arg7[%add3A_35, %dma_wait3A_91] : memref<896x64xi32, #tpu.memory_space<hbm>> -> memref<2x64xi32, #tpu.memory_space<hbm>>
          %dma_wait3A_93 = arith.constant 0 : i32
          %dma_wait3A_94 = tpu.memref_slice %arg7[%add3A_35, %dma_wait3A_93] : memref<896x64xi32, #tpu.memory_space<hbm>> -> memref<2x64xi32, #tpu.memory_space<hbm>>
          tpu.wait_dma2 semaphore(%run_scoped3A_86 : memref<!tpu.dma_semaphore, #tpu.memory_space<semaphore_mem>>) src(%dma_wait3A_94 : memref<2x64xi32, #tpu.memory_space<hbm>>) dst(%arg11 : memref<2x64xi32, #tpu.memory_space<vmem>>)
          tpu.yield
        }) : () -> ()
        %dma_start3A = arith.constant 0 : i32
        %dma_start3A_36 = arith.constant 0 : i32
        %dma_start3A_37 = arith.constant 0 : i32
        %dma_start3A_38 = arith.constant 0 : i32
        %dma_start3A_39 = tpu.memref_slice %arg12[%dma_start3A_36, %dma_start3A_37, %dma_start3A_38] : memref<2x64x128xf32, #tpu.memory_space<vmem>> -> memref<1x64x128xf32, #tpu.memory_space<vmem>>
        %dma_start3A_40 = tpu.memref_squeeze %dma_start3A_39 : memref<1x64x128xf32, #tpu.memory_space<vmem>> -> memref<64x128xf32, #tpu.memory_space<vmem>>
        %dma_start3A_41 = arith.constant 0 : i32
        %dma_start3A_42 = tpu.memref_slice %arg10[%dma_start3A, %dma_start3A_41] : memref<2x64xi32, #tpu.memory_space<vmem>> -> memref<1x64xi32, #tpu.memory_space<vmem>>
        %dma_start3A_43 = tpu.memref_squeeze %dma_start3A_42 : memref<1x64xi32, #tpu.memory_space<vmem>> -> memref<64xi32, #tpu.memory_space<vmem>>
        %dma_start3A_44 = arith.constant 0 : i32
        %dma_start3A_45 = arith.constant 0 : i32
        %dma_start3A_46 = tpu.memref_slice %arg3[%dma_start3A_44, %dma_start3A_45] : memref<10240x128xf32, #tpu.memory_space<hbm>> -> memref<10240x128xf32, #tpu.memory_space<hbm>>
        tpu.enqueue_indirect_dma source(%dma_start3A_46 : memref<10240x128xf32, #tpu.memory_space<hbm>>) target(%dma_start3A_40 : memref<64x128xf32, #tpu.memory_space<vmem>>) offsets(%dma_start3A_43 : memref<64xi32, #tpu.memory_space<vmem>>) semaphore(%arg14 : memref<!tpu.dma_semaphore, #tpu.memory_space<semaphore_mem>>)
        %dma_start3A_47 = arith.constant 1 : i32
        %dma_start3A_48 = arith.constant 1 : i32
        %dma_start3A_49 = arith.constant 0 : i32
        %dma_start3A_50 = arith.constant 0 : i32
        %dma_start3A_51 = tpu.memref_slice %arg12[%dma_start3A_48, %dma_start3A_49, %dma_start3A_50] : memref<2x64x128xf32, #tpu.memory_space<vmem>> -> memref<1x64x128xf32, #tpu.memory_space<vmem>>
        %dma_start3A_52 = tpu.memref_squeeze %dma_start3A_51 : memref<1x64x128xf32, #tpu.memory_space<vmem>> -> memref<64x128xf32, #tpu.memory_space<vmem>>
        %dma_start3A_53 = arith.constant 0 : i32
        %dma_start3A_54 = tpu.memref_slice %arg10[%dma_start3A_47, %dma_start3A_53] : memref<2x64xi32, #tpu.memory_space<vmem>> -> memref<1x64xi32, #tpu.memory_space<vmem>>
        %dma_start3A_55 = tpu.memref_squeeze %dma_start3A_54 : memref<1x64xi32, #tpu.memory_space<vmem>> -> memref<64xi32, #tpu.memory_space<vmem>>
        %dma_start3A_56 = arith.constant 0 : i32
        %dma_start3A_57 = arith.constant 0 : i32
        %dma_start3A_58 = tpu.memref_slice %arg3[%dma_start3A_56, %dma_start3A_57] : memref<10240x128xf32, #tpu.memory_space<hbm>> -> memref<10240x128xf32, #tpu.memory_space<hbm>>
        tpu.enqueue_indirect_dma source(%dma_start3A_58 : memref<10240x128xf32, #tpu.memory_space<hbm>>) target(%dma_start3A_52 : memref<64x128xf32, #tpu.memory_space<vmem>>) offsets(%dma_start3A_55 : memref<64xi32, #tpu.memory_space<vmem>>) semaphore(%arg14 : memref<!tpu.dma_semaphore, #tpu.memory_space<semaphore_mem>>)
        %dma_wait3A = arith.constant 0 : i32
        %dma_wait3A_59 = arith.constant 0 : i32
        %dma_wait3A_60 = arith.constant 0 : i32
        %dma_wait3A_61 = arith.constant 0 : i32
        %dma_wait3A_62 = tpu.memref_slice %arg12[%dma_wait3A_59, %dma_wait3A_60, %dma_wait3A_61] : memref<2x64x128xf32, #tpu.memory_space<vmem>> -> memref<1x64x128xf32, #tpu.memory_space<vmem>>
        %dma_wait3A_63 = tpu.memref_squeeze %dma_wait3A_62 : memref<1x64x128xf32, #tpu.memory_space<vmem>> -> memref<64x128xf32, #tpu.memory_space<vmem>>
        %dma_wait3A_64 = arith.constant 0 : i32
        %dma_wait3A_65 = tpu.memref_slice %arg10[%dma_wait3A, %dma_wait3A_64] : memref<2x64xi32, #tpu.memory_space<vmem>> -> memref<1x64xi32, #tpu.memory_space<vmem>>
        %dma_wait3A_66 = tpu.memref_squeeze %dma_wait3A_65 : memref<1x64xi32, #tpu.memory_space<vmem>> -> memref<64xi32, #tpu.memory_space<vmem>>
        %dma_wait3A_67 = arith.constant 0 : i32
        %dma_wait3A_68 = arith.constant 0 : i32
        %dma_wait3A_69 = tpu.memref_slice %arg3[%dma_wait3A_67, %dma_wait3A_68] : memref<10240x128xf32, #tpu.memory_space<hbm>> -> memref<10240x128xf32, #tpu.memory_space<hbm>>
        tpu.wait_indirect_dma semaphore(%arg14 : memref<!tpu.dma_semaphore, #tpu.memory_space<semaphore_mem>>) src(%dma_wait3A_69 : memref<10240x128xf32, #tpu.memory_space<hbm>>) dst(%dma_wait3A_63 : memref<64x128xf32, #tpu.memory_space<vmem>>)
        %run_scoped3A = arith.constant 0 : i32
        %run_scoped3A_70 = arith.constant 0 : i32
        "tpu.region"() ({
          %run_scoped3A_86 = tpu.sem_alloc : memref<!tpu.dma_semaphore, #tpu.memory_space<semaphore_mem>>
          %dma_start3A_87 = arith.constant 0 : i32
          %dma_start3A_88 = arith.constant 0 : i32
          %dma_start3A_89 = tpu.memref_slice %arg12[%run_scoped3A, %dma_start3A_87, %dma_start3A_88] : memref<2x64x128xf32, #tpu.memory_space<vmem>> -> memref<1x64x128xf32, #tpu.memory_space<vmem>>
          %dma_start3A_90 = tpu.memref_squeeze %dma_start3A_89 : memref<1x64x128xf32, #tpu.memory_space<vmem>> -> memref<64x128xf32, #tpu.memory_space<vmem>>
          %dma_start3A_91 = arith.constant 0 : i32
          %dma_start3A_92 = tpu.memref_slice %arg11[%run_scoped3A_70, %dma_start3A_91] : memref<2x64xi32, #tpu.memory_space<vmem>> -> memref<1x64xi32, #tpu.memory_space<vmem>>
          %dma_start3A_93 = tpu.memref_squeeze %dma_start3A_92 : memref<1x64xi32, #tpu.memory_space<vmem>> -> memref<64xi32, #tpu.memory_space<vmem>>
          %dma_start3A_94 = arith.constant 0 : i32
          %dma_start3A_95 = arith.constant 0 : i32
          %dma_start3A_96 = tpu.memref_slice %arg13[%dma_start3A_94, %dma_start3A_95] : memref<10240x128xf32, #tpu.memory_space<vmem_shared>> -> memref<10240x128xf32, #tpu.memory_space<vmem_shared>>
          tpu.enqueue_indirect_dma source(%dma_start3A_90 : memref<64x128xf32, #tpu.memory_space<vmem>>) target(%dma_start3A_96 : memref<10240x128xf32, #tpu.memory_space<vmem_shared>>) offsets(%dma_start3A_93 : memref<64xi32, #tpu.memory_space<vmem>>) semaphore(%run_scoped3A_86 : memref<!tpu.dma_semaphore, #tpu.memory_space<semaphore_mem>>) {add = true}
          %dma_wait3A_97 = arith.constant 0 : i32
          %dma_wait3A_98 = arith.constant 0 : i32
          %dma_wait3A_99 = tpu.memref_slice %arg12[%run_scoped3A, %dma_wait3A_97, %dma_wait3A_98] : memref<2x64x128xf32, #tpu.memory_space<vmem>> -> memref<1x64x128xf32, #tpu.memory_space<vmem>>
          %dma_wait3A_100 = tpu.memref_squeeze %dma_wait3A_99 : memref<1x64x128xf32, #tpu.memory_space<vmem>> -> memref<64x128xf32, #tpu.memory_space<vmem>>
          %dma_wait3A_101 = arith.constant 0 : i32
          %dma_wait3A_102 = tpu.memref_slice %arg11[%run_scoped3A_70, %dma_wait3A_101] : memref<2x64xi32, #tpu.memory_space<vmem>> -> memref<1x64xi32, #tpu.memory_space<vmem>>
          %dma_wait3A_103 = tpu.memref_squeeze %dma_wait3A_102 : memref<1x64xi32, #tpu.memory_space<vmem>> -> memref<64xi32, #tpu.memory_space<vmem>>
          %dma_wait3A_104 = arith.constant 0 : i32
          %dma_wait3A_105 = arith.constant 0 : i32
          %dma_wait3A_106 = tpu.memref_slice %arg13[%dma_wait3A_104, %dma_wait3A_105] : memref<10240x128xf32, #tpu.memory_space<vmem_shared>> -> memref<10240x128xf32, #tpu.memory_space<vmem_shared>>
          tpu.wait_indirect_dma semaphore(%run_scoped3A_86 : memref<!tpu.dma_semaphore, #tpu.memory_space<semaphore_mem>>) src(%dma_wait3A_100 : memref<64x128xf32, #tpu.memory_space<vmem>>) dst(%dma_wait3A_106 : memref<10240x128xf32, #tpu.memory_space<vmem_shared>>)
          tpu.yield
        }) : () -> ()
        %dma_wait3A_71 = arith.constant 1 : i32
        %dma_wait3A_72 = arith.constant 1 : i32
        %dma_wait3A_73 = arith.constant 0 : i32
        %dma_wait3A_74 = arith.constant 0 : i32
        %dma_wait3A_75 = tpu.memref_slice %arg12[%dma_wait3A_72, %dma_wait3A_73, %dma_wait3A_74] : memref<2x64x128xf32, #tpu.memory_space<vmem>> -> memref<1x64x128xf32, #tpu.memory_space<vmem>>
        %dma_wait3A_76 = tpu.memref_squeeze %dma_wait3A_75 : memref<1x64x128xf32, #tpu.memory_space<vmem>> -> memref<64x128xf32, #tpu.memory_space<vmem>>
        %dma_wait3A_77 = arith.constant 0 : i32
        %dma_wait3A_78 = tpu.memref_slice %arg10[%dma_wait3A_71, %dma_wait3A_77] : memref<2x64xi32, #tpu.memory_space<vmem>> -> memref<1x64xi32, #tpu.memory_space<vmem>>
        %dma_wait3A_79 = tpu.memref_squeeze %dma_wait3A_78 : memref<1x64xi32, #tpu.memory_space<vmem>> -> memref<64xi32, #tpu.memory_space<vmem>>
        %dma_wait3A_80 = arith.constant 0 : i32
        %dma_wait3A_81 = arith.constant 0 : i32
        %dma_wait3A_82 = tpu.memref_slice %arg3[%dma_wait3A_80, %dma_wait3A_81] : memref<10240x128xf32, #tpu.memory_space<hbm>> -> memref<10240x128xf32, #tpu.memory_space<hbm>>
        tpu.wait_indirect_dma semaphore(%arg14 : memref<!tpu.dma_semaphore, #tpu.memory_space<semaphore_mem>>) src(%dma_wait3A_82 : memref<10240x128xf32, #tpu.memory_space<hbm>>) dst(%dma_wait3A_76 : memref<64x128xf32, #tpu.memory_space<vmem>>)
        %run_scoped3A_83 = arith.constant 1 : i32
        %run_scoped3A_84 = arith.constant 1 : i32
        "tpu.region"() ({
          %run_scoped3A_86 = tpu.sem_alloc : memref<!tpu.dma_semaphore, #tpu.memory_space<semaphore_mem>>
          %dma_start3A_87 = arith.constant 0 : i32
          %dma_start3A_88 = arith.constant 0 : i32
          %dma_start3A_89 = tpu.memref_slice %arg12[%run_scoped3A_83, %dma_start3A_87, %dma_start3A_88] : memref<2x64x128xf32, #tpu.memory_space<vmem>> -> memref<1x64x128xf32, #tpu.memory_space<vmem>>
          %dma_start3A_90 = tpu.memref_squeeze %dma_start3A_89 : memref<1x64x128xf32, #tpu.memory_space<vmem>> -> memref<64x128xf32, #tpu.memory_space<vmem>>
          %dma_start3A_91 = arith.constant 0 : i32
          %dma_start3A_92 = tpu.memref_slice %arg11[%run_scoped3A_84, %dma_start3A_91] : memref<2x64xi32, #tpu.memory_space<vmem>> -> memref<1x64xi32, #tpu.memory_space<vmem>>
          %dma_start3A_93 = tpu.memref_squeeze %dma_start3A_92 : memref<1x64xi32, #tpu.memory_space<vmem>> -> memref<64xi32, #tpu.memory_space<vmem>>
          %dma_start3A_94 = arith.constant 0 : i32
          %dma_start3A_95 = arith.constant 0 : i32
          %dma_start3A_96 = tpu.memref_slice %arg13[%dma_start3A_94, %dma_start3A_95] : memref<10240x128xf32, #tpu.memory_space<vmem_shared>> -> memref<10240x128xf32, #tpu.memory_space<vmem_shared>>
          tpu.enqueue_indirect_dma source(%dma_start3A_90 : memref<64x128xf32, #tpu.memory_space<vmem>>) target(%dma_start3A_96 : memref<10240x128xf32, #tpu.memory_space<vmem_shared>>) offsets(%dma_start3A_93 : memref<64xi32, #tpu.memory_space<vmem>>) semaphore(%run_scoped3A_86 : memref<!tpu.dma_semaphore, #tpu.memory_space<semaphore_mem>>) {add = true}
          %dma_wait3A_97 = arith.constant 0 : i32
          %dma_wait3A_98 = arith.constant 0 : i32
          %dma_wait3A_99 = tpu.memref_slice %arg12[%run_scoped3A_83, %dma_wait3A_97, %dma_wait3A_98] : memref<2x64x128xf32, #tpu.memory_space<vmem>> -> memref<1x64x128xf32, #tpu.memory_space<vmem>>
          %dma_wait3A_100 = tpu.memref_squeeze %dma_wait3A_99 : memref<1x64x128xf32, #tpu.memory_space<vmem>> -> memref<64x128xf32, #tpu.memory_space<vmem>>
          %dma_wait3A_101 = arith.constant 0 : i32
          %dma_wait3A_102 = tpu.memref_slice %arg11[%run_scoped3A_84, %dma_wait3A_101] : memref<2x64xi32, #tpu.memory_space<vmem>> -> memref<1x64xi32, #tpu.memory_space<vmem>>
          %dma_wait3A_103 = tpu.memref_squeeze %dma_wait3A_102 : memref<1x64xi32, #tpu.memory_space<vmem>> -> memref<64xi32, #tpu.memory_space<vmem>>
          %dma_wait3A_104 = arith.constant 0 : i32
          %dma_wait3A_105 = arith.constant 0 : i32
          %dma_wait3A_106 = tpu.memref_slice %arg13[%dma_wait3A_104, %dma_wait3A_105] : memref<10240x128xf32, #tpu.memory_space<vmem_shared>> -> memref<10240x128xf32, #tpu.memory_space<vmem_shared>>
          tpu.wait_indirect_dma semaphore(%run_scoped3A_86 : memref<!tpu.dma_semaphore, #tpu.memory_space<semaphore_mem>>) src(%dma_wait3A_100 : memref<64x128xf32, #tpu.memory_space<vmem>>) dst(%dma_wait3A_106 : memref<10240x128xf32, #tpu.memory_space<vmem_shared>>)
          tpu.yield
        }) : () -> ()
        %scan3A_85 = arith.constant 0 : i32
        scf.yield %scan3A_85 : i32
      }
      %scan3A_30 = arith.constant 28 : i32
    } else {
    }
    %barrier3A_8 = arith.constant 0 : index
    tpu.barrier barrier_id(%barrier3A_8)
    %mul3A_9 = arith.constant 640 : i32
    %mul3A_10 = arith.muli %arg1, %mul3A_9 : i32
    %mul3A_11 = arith.constant 640 : i32
    %mul3A_12 = arith.muli %arg1, %mul3A_11 : i32
    "tpu.region"() ({
      %run_scoped3A = tpu.sem_alloc : memref<!tpu.dma_semaphore, #tpu.memory_space<semaphore_mem>>
      %dma_start3A = arith.constant 0 : i32
      %dma_start3A_13 = tpu.memref_slice %arg9[%arg0, %mul3A_12, %dma_start3A] : memref<2x10240x128xf32, #tpu.memory_space<hbm>> -> memref<1x640x128xf32, #tpu.memory_space<hbm>>
      %dma_start3A_14 = tpu.memref_squeeze %dma_start3A_13 : memref<1x640x128xf32, #tpu.memory_space<hbm>> -> memref<640x128xf32, #tpu.memory_space<hbm>>
      %dma_start3A_15 = arith.constant 0 : i32
      %dma_start3A_16 = tpu.memref_slice %arg13[%mul3A_10, %dma_start3A_15] : memref<10240x128xf32, #tpu.memory_space<vmem_shared>> -> memref<640x128xf32, #tpu.memory_space<vmem_shared>>
      tpu.enqueue_dma source(%dma_start3A_16 : memref<640x128xf32, #tpu.memory_space<vmem_shared>>) target(%dma_start3A_14 : memref<640x128xf32, #tpu.memory_space<hbm>>) target_semaphore(%run_scoped3A : memref<!tpu.dma_semaphore, #tpu.memory_space<semaphore_mem>>)
      %dma_wait3A = arith.constant 0 : i32
      %dma_wait3A_17 = tpu.memref_slice %arg9[%arg0, %mul3A_12, %dma_wait3A] : memref<2x10240x128xf32, #tpu.memory_space<hbm>> -> memref<1x640x128xf32, #tpu.memory_space<hbm>>
      %dma_wait3A_18 = tpu.memref_squeeze %dma_wait3A_17 : memref<1x640x128xf32, #tpu.memory_space<hbm>> -> memref<640x128xf32, #tpu.memory_space<hbm>>
      %dma_wait3A_19 = arith.constant 0 : i32
      %dma_wait3A_20 = tpu.memref_slice %arg13[%mul3A_10, %dma_wait3A_19] : memref<10240x128xf32, #tpu.memory_space<vmem_shared>> -> memref<640x128xf32, #tpu.memory_space<vmem_shared>>
      tpu.wait_dma2 semaphore(%run_scoped3A : memref<!tpu.dma_semaphore, #tpu.memory_space<semaphore_mem>>) src(%dma_wait3A_20 : memref<640x128xf32, #tpu.memory_space<vmem_shared>>) dst(%dma_wait3A_18 : memref<640x128xf32, #tpu.memory_space<hbm>>)
      tpu.yield
    }) : () -> ()
    return
  }
}

#map = affine_map<(d0, d1) -> (0, 0)>
module attributes {stable_mosaic.version = 14 : i64} {
  func.func @k(%arg0: i32, %arg1: i32, %arg2: memref<2560x64xi32, #tpu.memory_space<hbm>>, %arg3: memref<2560x64xi32, #tpu.memory_space<hbm>>, %arg4: memref<896x64xi32, #tpu.memory_space<hbm>>, %arg5: memref<64x16xf32, #tpu.memory_space<hbm>>, %arg6: memref<64x16xf32, #tpu.memory_space<hbm>>, %arg7: memref<10240x16xf32, #tpu.memory_space<hbm>>, %arg8: memref<10240x16xf32, #tpu.memory_space<hbm>>, %arg9: memref<10240x16xf32, #tpu.memory_space<hbm>>, %arg10: memref<2x64xi32, #tpu.memory_space<vmem>>, %arg11: memref<2x64xi32, #tpu.memory_space<vmem>>, %arg12: memref<2x64xi32, #tpu.memory_space<vmem>>, %arg13: memref<64x16xf32, #tpu.memory_space<vmem>>, %arg14: memref<10240x16xf32, #tpu.memory_space<vmem_shared>>, %arg15: memref<10240x16xf32, #tpu.memory_space<vmem_shared>>, %arg16: memref<10240x16xf32, #tpu.memory_space<vmem_shared>>) attributes {dimension_semantics = [#tpu.dimension_semantics<core_parallel>, #tpu.dimension_semantics<subcore_parallel>], iteration_bounds = array<i64: 2, 16>, scalar_prefetch = 0 : i64, scratch_operands = 7 : i64, tpu.core_type = #tpu.core_type<sc_vector_subcore>, window_params = [{transform_indices = #map}, {transform_indices = #map}, {transform_indices = #map}, {transform_indices = #map}, {transform_indices = #map}, {transform_indices = #map}, {transform_indices = #map}, {transform_indices = #map}]} {
    %mul3A = arith.constant 640 : i32
    %mul3A_0 = arith.muli %arg1, %mul3A : i32
    "tpu.region"() ({
      %run_scoped3A = tpu.sem_alloc : memref<!tpu.dma_semaphore, #tpu.memory_space<semaphore_mem>>
      tpu.enqueue_dma source(%arg5 : memref<64x16xf32, #tpu.memory_space<hbm>>) target(%arg13 : memref<64x16xf32, #tpu.memory_space<vmem>>) target_semaphore(%run_scoped3A : memref<!tpu.dma_semaphore, #tpu.memory_space<semaphore_mem>>)
      tpu.wait_dma2 semaphore(%run_scoped3A : memref<!tpu.dma_semaphore, #tpu.memory_space<semaphore_mem>>) src(%arg5 : memref<64x16xf32, #tpu.memory_space<hbm>>) dst(%arg13 : memref<64x16xf32, #tpu.memory_space<vmem>>)
      tpu.yield
    }) : () -> ()
    %add3A = arith.constant 0 : i32
    %add3A_1 = arith.addi %mul3A_0, %add3A : i32
    "tpu.region"() ({
      %run_scoped3A = tpu.sem_alloc : memref<!tpu.dma_semaphore, #tpu.memory_space<semaphore_mem>>
      %dma_start3A = arith.constant 0 : i32
      %dma_start3A_78 = tpu.memref_slice %arg14[%add3A_1, %dma_start3A] : memref<10240x16xf32, #tpu.memory_space<vmem_shared>> -> memref<64x16xf32, #tpu.memory_space<vmem_shared>>
      tpu.enqueue_dma source(%arg6 : memref<64x16xf32, #tpu.memory_space<hbm>>) target(%dma_start3A_78 : memref<64x16xf32, #tpu.memory_space<vmem_shared>>) target_semaphore(%run_scoped3A : memref<!tpu.dma_semaphore, #tpu.memory_space<semaphore_mem>>)
      %dma_wait3A = arith.constant 0 : i32
      %dma_wait3A_79 = tpu.memref_slice %arg14[%add3A_1, %dma_wait3A] : memref<10240x16xf32, #tpu.memory_space<vmem_shared>> -> memref<64x16xf32, #tpu.memory_space<vmem_shared>>
      tpu.wait_dma2 semaphore(%run_scoped3A : memref<!tpu.dma_semaphore, #tpu.memory_space<semaphore_mem>>) src(%arg6 : memref<64x16xf32, #tpu.memory_space<hbm>>) dst(%dma_wait3A_79 : memref<64x16xf32, #tpu.memory_space<vmem_shared>>)
      tpu.yield
    }) : () -> ()
    %add3A_2 = arith.constant 0 : i32
    %add3A_3 = arith.addi %mul3A_0, %add3A_2 : i32
    "tpu.region"() ({
      %run_scoped3A = tpu.sem_alloc : memref<!tpu.dma_semaphore, #tpu.memory_space<semaphore_mem>>
      %dma_start3A = arith.constant 0 : i32
      %dma_start3A_78 = tpu.memref_slice %arg15[%add3A_3, %dma_start3A] : memref<10240x16xf32, #tpu.memory_space<vmem_shared>> -> memref<64x16xf32, #tpu.memory_space<vmem_shared>>
      tpu.enqueue_dma source(%arg6 : memref<64x16xf32, #tpu.memory_space<hbm>>) target(%dma_start3A_78 : memref<64x16xf32, #tpu.memory_space<vmem_shared>>) target_semaphore(%run_scoped3A : memref<!tpu.dma_semaphore, #tpu.memory_space<semaphore_mem>>)
      %dma_wait3A = arith.constant 0 : i32
      %dma_wait3A_79 = tpu.memref_slice %arg15[%add3A_3, %dma_wait3A] : memref<10240x16xf32, #tpu.memory_space<vmem_shared>> -> memref<64x16xf32, #tpu.memory_space<vmem_shared>>
      tpu.wait_dma2 semaphore(%run_scoped3A : memref<!tpu.dma_semaphore, #tpu.memory_space<semaphore_mem>>) src(%arg6 : memref<64x16xf32, #tpu.memory_space<hbm>>) dst(%dma_wait3A_79 : memref<64x16xf32, #tpu.memory_space<vmem_shared>>)
      tpu.yield
    }) : () -> ()
    %add3A_4 = arith.constant 0 : i32
    %add3A_5 = arith.addi %mul3A_0, %add3A_4 : i32
    "tpu.region"() ({
      %run_scoped3A = tpu.sem_alloc : memref<!tpu.dma_semaphore, #tpu.memory_space<semaphore_mem>>
      %dma_start3A = arith.constant 0 : i32
      %dma_start3A_78 = tpu.memref_slice %arg16[%add3A_5, %dma_start3A] : memref<10240x16xf32, #tpu.memory_space<vmem_shared>> -> memref<64x16xf32, #tpu.memory_space<vmem_shared>>
      tpu.enqueue_dma source(%arg6 : memref<64x16xf32, #tpu.memory_space<hbm>>) target(%dma_start3A_78 : memref<64x16xf32, #tpu.memory_space<vmem_shared>>) target_semaphore(%run_scoped3A : memref<!tpu.dma_semaphore, #tpu.memory_space<semaphore_mem>>)
      %dma_wait3A = arith.constant 0 : i32
      %dma_wait3A_79 = tpu.memref_slice %arg16[%add3A_5, %dma_wait3A] : memref<10240x16xf32, #tpu.memory_space<vmem_shared>> -> memref<64x16xf32, #tpu.memory_space<vmem_shared>>
      tpu.wait_dma2 semaphore(%run_scoped3A : memref<!tpu.dma_semaphore, #tpu.memory_space<semaphore_mem>>) src(%arg6 : memref<64x16xf32, #tpu.memory_space<hbm>>) dst(%dma_wait3A_79 : memref<64x16xf32, #tpu.memory_space<vmem_shared>>)
      tpu.yield
    }) : () -> ()
    %add3A_6 = arith.constant 64 : i32
    %add3A_7 = arith.addi %mul3A_0, %add3A_6 : i32
    "tpu.region"() ({
      %run_scoped3A = tpu.sem_alloc : memref<!tpu.dma_semaphore, #tpu.memory_space<semaphore_mem>>
      %dma_start3A = arith.constant 0 : i32
      %dma_start3A_78 = tpu.memref_slice %arg14[%add3A_7, %dma_start3A] : memref<10240x16xf32, #tpu.memory_space<vmem_shared>> -> memref<64x16xf32, #tpu.memory_space<vmem_shared>>
      tpu.enqueue_dma source(%arg6 : memref<64x16xf32, #tpu.memory_space<hbm>>) target(%dma_start3A_78 : memref<64x16xf32, #tpu.memory_space<vmem_shared>>) target_semaphore(%run_scoped3A : memref<!tpu.dma_semaphore, #tpu.memory_space<semaphore_mem>>)
      %dma_wait3A = arith.constant 0 : i32
      %dma_wait3A_79 = tpu.memref_slice %arg14[%add3A_7, %dma_wait3A] : memref<10240x16xf32, #tpu.memory_space<vmem_shared>> -> memref<64x16xf32, #tpu.memory_space<vmem_shared>>
      tpu.wait_dma2 semaphore(%run_scoped3A : memref<!tpu.dma_semaphore, #tpu.memory_space<semaphore_mem>>) src(%arg6 : memref<64x16xf32, #tpu.memory_space<hbm>>) dst(%dma_wait3A_79 : memref<64x16xf32, #tpu.memory_space<vmem_shared>>)
      tpu.yield
    }) : () -> ()
    %add3A_8 = arith.constant 64 : i32
    %add3A_9 = arith.addi %mul3A_0, %add3A_8 : i32
    "tpu.region"() ({
      %run_scoped3A = tpu.sem_alloc : memref<!tpu.dma_semaphore, #tpu.memory_space<semaphore_mem>>
      %dma_start3A = arith.constant 0 : i32
      %dma_start3A_78 = tpu.memref_slice %arg15[%add3A_9, %dma_start3A] : memref<10240x16xf32, #tpu.memory_space<vmem_shared>> -> memref<64x16xf32, #tpu.memory_space<vmem_shared>>
      tpu.enqueue_dma source(%arg6 : memref<64x16xf32, #tpu.memory_space<hbm>>) target(%dma_start3A_78 : memref<64x16xf32, #tpu.memory_space<vmem_shared>>) target_semaphore(%run_scoped3A : memref<!tpu.dma_semaphore, #tpu.memory_space<semaphore_mem>>)
      %dma_wait3A = arith.constant 0 : i32
      %dma_wait3A_79 = tpu.memref_slice %arg15[%add3A_9, %dma_wait3A] : memref<10240x16xf32, #tpu.memory_space<vmem_shared>> -> memref<64x16xf32, #tpu.memory_space<vmem_shared>>
      tpu.wait_dma2 semaphore(%run_scoped3A : memref<!tpu.dma_semaphore, #tpu.memory_space<semaphore_mem>>) src(%arg6 : memref<64x16xf32, #tpu.memory_space<hbm>>) dst(%dma_wait3A_79 : memref<64x16xf32, #tpu.memory_space<vmem_shared>>)
      tpu.yield
    }) : () -> ()
    %add3A_10 = arith.constant 64 : i32
    %add3A_11 = arith.addi %mul3A_0, %add3A_10 : i32
    "tpu.region"() ({
      %run_scoped3A = tpu.sem_alloc : memref<!tpu.dma_semaphore, #tpu.memory_space<semaphore_mem>>
      %dma_start3A = arith.constant 0 : i32
      %dma_start3A_78 = tpu.memref_slice %arg16[%add3A_11, %dma_start3A] : memref<10240x16xf32, #tpu.memory_space<vmem_shared>> -> memref<64x16xf32, #tpu.memory_space<vmem_shared>>
      tpu.enqueue_dma source(%arg6 : memref<64x16xf32, #tpu.memory_space<hbm>>) target(%dma_start3A_78 : memref<64x16xf32, #tpu.memory_space<vmem_shared>>) target_semaphore(%run_scoped3A : memref<!tpu.dma_semaphore, #tpu.memory_space<semaphore_mem>>)
      %dma_wait3A = arith.constant 0 : i32
      %dma_wait3A_79 = tpu.memref_slice %arg16[%add3A_11, %dma_wait3A] : memref<10240x16xf32, #tpu.memory_space<vmem_shared>> -> memref<64x16xf32, #tpu.memory_space<vmem_shared>>
      tpu.wait_dma2 semaphore(%run_scoped3A : memref<!tpu.dma_semaphore, #tpu.memory_space<semaphore_mem>>) src(%arg6 : memref<64x16xf32, #tpu.memory_space<hbm>>) dst(%dma_wait3A_79 : memref<64x16xf32, #tpu.memory_space<vmem_shared>>)
      tpu.yield
    }) : () -> ()
    %add3A_12 = arith.constant 128 : i32
    %add3A_13 = arith.addi %mul3A_0, %add3A_12 : i32
    "tpu.region"() ({
      %run_scoped3A = tpu.sem_alloc : memref<!tpu.dma_semaphore, #tpu.memory_space<semaphore_mem>>
      %dma_start3A = arith.constant 0 : i32
      %dma_start3A_78 = tpu.memref_slice %arg14[%add3A_13, %dma_start3A] : memref<10240x16xf32, #tpu.memory_space<vmem_shared>> -> memref<64x16xf32, #tpu.memory_space<vmem_shared>>
      tpu.enqueue_dma source(%arg6 : memref<64x16xf32, #tpu.memory_space<hbm>>) target(%dma_start3A_78 : memref<64x16xf32, #tpu.memory_space<vmem_shared>>) target_semaphore(%run_scoped3A : memref<!tpu.dma_semaphore, #tpu.memory_space<semaphore_mem>>)
      %dma_wait3A = arith.constant 0 : i32
      %dma_wait3A_79 = tpu.memref_slice %arg14[%add3A_13, %dma_wait3A] : memref<10240x16xf32, #tpu.memory_space<vmem_shared>> -> memref<64x16xf32, #tpu.memory_space<vmem_shared>>
      tpu.wait_dma2 semaphore(%run_scoped3A : memref<!tpu.dma_semaphore, #tpu.memory_space<semaphore_mem>>) src(%arg6 : memref<64x16xf32, #tpu.memory_space<hbm>>) dst(%dma_wait3A_79 : memref<64x16xf32, #tpu.memory_space<vmem_shared>>)
      tpu.yield
    }) : () -> ()
    %add3A_14 = arith.constant 128 : i32
    %add3A_15 = arith.addi %mul3A_0, %add3A_14 : i32
    "tpu.region"() ({
      %run_scoped3A = tpu.sem_alloc : memref<!tpu.dma_semaphore, #tpu.memory_space<semaphore_mem>>
      %dma_start3A = arith.constant 0 : i32
      %dma_start3A_78 = tpu.memref_slice %arg15[%add3A_15, %dma_start3A] : memref<10240x16xf32, #tpu.memory_space<vmem_shared>> -> memref<64x16xf32, #tpu.memory_space<vmem_shared>>
      tpu.enqueue_dma source(%arg6 : memref<64x16xf32, #tpu.memory_space<hbm>>) target(%dma_start3A_78 : memref<64x16xf32, #tpu.memory_space<vmem_shared>>) target_semaphore(%run_scoped3A : memref<!tpu.dma_semaphore, #tpu.memory_space<semaphore_mem>>)
      %dma_wait3A = arith.constant 0 : i32
      %dma_wait3A_79 = tpu.memref_slice %arg15[%add3A_15, %dma_wait3A] : memref<10240x16xf32, #tpu.memory_space<vmem_shared>> -> memref<64x16xf32, #tpu.memory_space<vmem_shared>>
      tpu.wait_dma2 semaphore(%run_scoped3A : memref<!tpu.dma_semaphore, #tpu.memory_space<semaphore_mem>>) src(%arg6 : memref<64x16xf32, #tpu.memory_space<hbm>>) dst(%dma_wait3A_79 : memref<64x16xf32, #tpu.memory_space<vmem_shared>>)
      tpu.yield
    }) : () -> ()
    %add3A_16 = arith.constant 128 : i32
    %add3A_17 = arith.addi %mul3A_0, %add3A_16 : i32
    "tpu.region"() ({
      %run_scoped3A = tpu.sem_alloc : memref<!tpu.dma_semaphore, #tpu.memory_space<semaphore_mem>>
      %dma_start3A = arith.constant 0 : i32
      %dma_start3A_78 = tpu.memref_slice %arg16[%add3A_17, %dma_start3A] : memref<10240x16xf32, #tpu.memory_space<vmem_shared>> -> memref<64x16xf32, #tpu.memory_space<vmem_shared>>
      tpu.enqueue_dma source(%arg6 : memref<64x16xf32, #tpu.memory_space<hbm>>) target(%dma_start3A_78 : memref<64x16xf32, #tpu.memory_space<vmem_shared>>) target_semaphore(%run_scoped3A : memref<!tpu.dma_semaphore, #tpu.memory_space<semaphore_mem>>)
      %dma_wait3A = arith.constant 0 : i32
      %dma_wait3A_79 = tpu.memref_slice %arg16[%add3A_17, %dma_wait3A] : memref<10240x16xf32, #tpu.memory_space<vmem_shared>> -> memref<64x16xf32, #tpu.memory_space<vmem_shared>>
      tpu.wait_dma2 semaphore(%run_scoped3A : memref<!tpu.dma_semaphore, #tpu.memory_space<semaphore_mem>>) src(%arg6 : memref<64x16xf32, #tpu.memory_space<hbm>>) dst(%dma_wait3A_79 : memref<64x16xf32, #tpu.memory_space<vmem_shared>>)
      tpu.yield
    }) : () -> ()
    %add3A_18 = arith.constant 192 : i32
    %add3A_19 = arith.addi %mul3A_0, %add3A_18 : i32
    "tpu.region"() ({
      %run_scoped3A = tpu.sem_alloc : memref<!tpu.dma_semaphore, #tpu.memory_space<semaphore_mem>>
      %dma_start3A = arith.constant 0 : i32
      %dma_start3A_78 = tpu.memref_slice %arg14[%add3A_19, %dma_start3A] : memref<10240x16xf32, #tpu.memory_space<vmem_shared>> -> memref<64x16xf32, #tpu.memory_space<vmem_shared>>
      tpu.enqueue_dma source(%arg6 : memref<64x16xf32, #tpu.memory_space<hbm>>) target(%dma_start3A_78 : memref<64x16xf32, #tpu.memory_space<vmem_shared>>) target_semaphore(%run_scoped3A : memref<!tpu.dma_semaphore, #tpu.memory_space<semaphore_mem>>)
      %dma_wait3A = arith.constant 0 : i32
      %dma_wait3A_79 = tpu.memref_slice %arg14[%add3A_19, %dma_wait3A] : memref<10240x16xf32, #tpu.memory_space<vmem_shared>> -> memref<64x16xf32, #tpu.memory_space<vmem_shared>>
      tpu.wait_dma2 semaphore(%run_scoped3A : memref<!tpu.dma_semaphore, #tpu.memory_space<semaphore_mem>>) src(%arg6 : memref<64x16xf32, #tpu.memory_space<hbm>>) dst(%dma_wait3A_79 : memref<64x16xf32, #tpu.memory_space<vmem_shared>>)
      tpu.yield
    }) : () -> ()
    %add3A_20 = arith.constant 192 : i32
    %add3A_21 = arith.addi %mul3A_0, %add3A_20 : i32
    "tpu.region"() ({
      %run_scoped3A = tpu.sem_alloc : memref<!tpu.dma_semaphore, #tpu.memory_space<semaphore_mem>>
      %dma_start3A = arith.constant 0 : i32
      %dma_start3A_78 = tpu.memref_slice %arg15[%add3A_21, %dma_start3A] : memref<10240x16xf32, #tpu.memory_space<vmem_shared>> -> memref<64x16xf32, #tpu.memory_space<vmem_shared>>
      tpu.enqueue_dma source(%arg6 : memref<64x16xf32, #tpu.memory_space<hbm>>) target(%dma_start3A_78 : memref<64x16xf32, #tpu.memory_space<vmem_shared>>) target_semaphore(%run_scoped3A : memref<!tpu.dma_semaphore, #tpu.memory_space<semaphore_mem>>)
      %dma_wait3A = arith.constant 0 : i32
      %dma_wait3A_79 = tpu.memref_slice %arg15[%add3A_21, %dma_wait3A] : memref<10240x16xf32, #tpu.memory_space<vmem_shared>> -> memref<64x16xf32, #tpu.memory_space<vmem_shared>>
      tpu.wait_dma2 semaphore(%run_scoped3A : memref<!tpu.dma_semaphore, #tpu.memory_space<semaphore_mem>>) src(%arg6 : memref<64x16xf32, #tpu.memory_space<hbm>>) dst(%dma_wait3A_79 : memref<64x16xf32, #tpu.memory_space<vmem_shared>>)
      tpu.yield
    }) : () -> ()
    %add3A_22 = arith.constant 192 : i32
    %add3A_23 = arith.addi %mul3A_0, %add3A_22 : i32
    "tpu.region"() ({
      %run_scoped3A = tpu.sem_alloc : memref<!tpu.dma_semaphore, #tpu.memory_space<semaphore_mem>>
      %dma_start3A = arith.constant 0 : i32
      %dma_start3A_78 = tpu.memref_slice %arg16[%add3A_23, %dma_start3A] : memref<10240x16xf32, #tpu.memory_space<vmem_shared>> -> memref<64x16xf32, #tpu.memory_space<vmem_shared>>
      tpu.enqueue_dma source(%arg6 : memref<64x16xf32, #tpu.memory_space<hbm>>) target(%dma_start3A_78 : memref<64x16xf32, #tpu.memory_space<vmem_shared>>) target_semaphore(%run_scoped3A : memref<!tpu.dma_semaphore, #tpu.memory_space<semaphore_mem>>)
      %dma_wait3A = arith.constant 0 : i32
      %dma_wait3A_79 = tpu.memref_slice %arg16[%add3A_23, %dma_wait3A] : memref<10240x16xf32, #tpu.memory_space<vmem_shared>> -> memref<64x16xf32, #tpu.memory_space<vmem_shared>>
      tpu.wait_dma2 semaphore(%run_scoped3A : memref<!tpu.dma_semaphore, #tpu.memory_space<semaphore_mem>>) src(%arg6 : memref<64x16xf32, #tpu.memory_space<hbm>>) dst(%dma_wait3A_79 : memref<64x16xf32, #tpu.memory_space<vmem_shared>>)
      tpu.yield
    }) : () -> ()
    %add3A_24 = arith.constant 256 : i32
    %add3A_25 = arith.addi %mul3A_0, %add3A_24 : i32
    "tpu.region"() ({
      %run_scoped3A = tpu.sem_alloc : memref<!tpu.dma_semaphore, #tpu.memory_space<semaphore_mem>>
      %dma_start3A = arith.constant 0 : i32
      %dma_start3A_78 = tpu.memref_slice %arg14[%add3A_25, %dma_start3A] : memref<10240x16xf32, #tpu.memory_space<vmem_shared>> -> memref<64x16xf32, #tpu.memory_space<vmem_shared>>
      tpu.enqueue_dma source(%arg6 : memref<64x16xf32, #tpu.memory_space<hbm>>) target(%dma_start3A_78 : memref<64x16xf32, #tpu.memory_space<vmem_shared>>) target_semaphore(%run_scoped3A : memref<!tpu.dma_semaphore, #tpu.memory_space<semaphore_mem>>)
      %dma_wait3A = arith.constant 0 : i32
      %dma_wait3A_79 = tpu.memref_slice %arg14[%add3A_25, %dma_wait3A] : memref<10240x16xf32, #tpu.memory_space<vmem_shared>> -> memref<64x16xf32, #tpu.memory_space<vmem_shared>>
      tpu.wait_dma2 semaphore(%run_scoped3A : memref<!tpu.dma_semaphore, #tpu.memory_space<semaphore_mem>>) src(%arg6 : memref<64x16xf32, #tpu.memory_space<hbm>>) dst(%dma_wait3A_79 : memref<64x16xf32, #tpu.memory_space<vmem_shared>>)
      tpu.yield
    }) : () -> ()
    %add3A_26 = arith.constant 256 : i32
    %add3A_27 = arith.addi %mul3A_0, %add3A_26 : i32
    "tpu.region"() ({
      %run_scoped3A = tpu.sem_alloc : memref<!tpu.dma_semaphore, #tpu.memory_space<semaphore_mem>>
      %dma_start3A = arith.constant 0 : i32
      %dma_start3A_78 = tpu.memref_slice %arg15[%add3A_27, %dma_start3A] : memref<10240x16xf32, #tpu.memory_space<vmem_shared>> -> memref<64x16xf32, #tpu.memory_space<vmem_shared>>
      tpu.enqueue_dma source(%arg6 : memref<64x16xf32, #tpu.memory_space<hbm>>) target(%dma_start3A_78 : memref<64x16xf32, #tpu.memory_space<vmem_shared>>) target_semaphore(%run_scoped3A : memref<!tpu.dma_semaphore, #tpu.memory_space<semaphore_mem>>)
      %dma_wait3A = arith.constant 0 : i32
      %dma_wait3A_79 = tpu.memref_slice %arg15[%add3A_27, %dma_wait3A] : memref<10240x16xf32, #tpu.memory_space<vmem_shared>> -> memref<64x16xf32, #tpu.memory_space<vmem_shared>>
      tpu.wait_dma2 semaphore(%run_scoped3A : memref<!tpu.dma_semaphore, #tpu.memory_space<semaphore_mem>>) src(%arg6 : memref<64x16xf32, #tpu.memory_space<hbm>>) dst(%dma_wait3A_79 : memref<64x16xf32, #tpu.memory_space<vmem_shared>>)
      tpu.yield
    }) : () -> ()
    %add3A_28 = arith.constant 256 : i32
    %add3A_29 = arith.addi %mul3A_0, %add3A_28 : i32
    "tpu.region"() ({
      %run_scoped3A = tpu.sem_alloc : memref<!tpu.dma_semaphore, #tpu.memory_space<semaphore_mem>>
      %dma_start3A = arith.constant 0 : i32
      %dma_start3A_78 = tpu.memref_slice %arg16[%add3A_29, %dma_start3A] : memref<10240x16xf32, #tpu.memory_space<vmem_shared>> -> memref<64x16xf32, #tpu.memory_space<vmem_shared>>
      tpu.enqueue_dma source(%arg6 : memref<64x16xf32, #tpu.memory_space<hbm>>) target(%dma_start3A_78 : memref<64x16xf32, #tpu.memory_space<vmem_shared>>) target_semaphore(%run_scoped3A : memref<!tpu.dma_semaphore, #tpu.memory_space<semaphore_mem>>)
      %dma_wait3A = arith.constant 0 : i32
      %dma_wait3A_79 = tpu.memref_slice %arg16[%add3A_29, %dma_wait3A] : memref<10240x16xf32, #tpu.memory_space<vmem_shared>> -> memref<64x16xf32, #tpu.memory_space<vmem_shared>>
      tpu.wait_dma2 semaphore(%run_scoped3A : memref<!tpu.dma_semaphore, #tpu.memory_space<semaphore_mem>>) src(%arg6 : memref<64x16xf32, #tpu.memory_space<hbm>>) dst(%dma_wait3A_79 : memref<64x16xf32, #tpu.memory_space<vmem_shared>>)
      tpu.yield
    }) : () -> ()
    %add3A_30 = arith.constant 320 : i32
    %add3A_31 = arith.addi %mul3A_0, %add3A_30 : i32
    "tpu.region"() ({
      %run_scoped3A = tpu.sem_alloc : memref<!tpu.dma_semaphore, #tpu.memory_space<semaphore_mem>>
      %dma_start3A = arith.constant 0 : i32
      %dma_start3A_78 = tpu.memref_slice %arg14[%add3A_31, %dma_start3A] : memref<10240x16xf32, #tpu.memory_space<vmem_shared>> -> memref<64x16xf32, #tpu.memory_space<vmem_shared>>
      tpu.enqueue_dma source(%arg6 : memref<64x16xf32, #tpu.memory_space<hbm>>) target(%dma_start3A_78 : memref<64x16xf32, #tpu.memory_space<vmem_shared>>) target_semaphore(%run_scoped3A : memref<!tpu.dma_semaphore, #tpu.memory_space<semaphore_mem>>)
      %dma_wait3A = arith.constant 0 : i32
      %dma_wait3A_79 = tpu.memref_slice %arg14[%add3A_31, %dma_wait3A] : memref<10240x16xf32, #tpu.memory_space<vmem_shared>> -> memref<64x16xf32, #tpu.memory_space<vmem_shared>>
      tpu.wait_dma2 semaphore(%run_scoped3A : memref<!tpu.dma_semaphore, #tpu.memory_space<semaphore_mem>>) src(%arg6 : memref<64x16xf32, #tpu.memory_space<hbm>>) dst(%dma_wait3A_79 : memref<64x16xf32, #tpu.memory_space<vmem_shared>>)
      tpu.yield
    }) : () -> ()
    %add3A_32 = arith.constant 320 : i32
    %add3A_33 = arith.addi %mul3A_0, %add3A_32 : i32
    "tpu.region"() ({
      %run_scoped3A = tpu.sem_alloc : memref<!tpu.dma_semaphore, #tpu.memory_space<semaphore_mem>>
      %dma_start3A = arith.constant 0 : i32
      %dma_start3A_78 = tpu.memref_slice %arg15[%add3A_33, %dma_start3A] : memref<10240x16xf32, #tpu.memory_space<vmem_shared>> -> memref<64x16xf32, #tpu.memory_space<vmem_shared>>
      tpu.enqueue_dma source(%arg6 : memref<64x16xf32, #tpu.memory_space<hbm>>) target(%dma_start3A_78 : memref<64x16xf32, #tpu.memory_space<vmem_shared>>) target_semaphore(%run_scoped3A : memref<!tpu.dma_semaphore, #tpu.memory_space<semaphore_mem>>)
      %dma_wait3A = arith.constant 0 : i32
      %dma_wait3A_79 = tpu.memref_slice %arg15[%add3A_33, %dma_wait3A] : memref<10240x16xf32, #tpu.memory_space<vmem_shared>> -> memref<64x16xf32, #tpu.memory_space<vmem_shared>>
      tpu.wait_dma2 semaphore(%run_scoped3A : memref<!tpu.dma_semaphore, #tpu.memory_space<semaphore_mem>>) src(%arg6 : memref<64x16xf32, #tpu.memory_space<hbm>>) dst(%dma_wait3A_79 : memref<64x16xf32, #tpu.memory_space<vmem_shared>>)
      tpu.yield
    }) : () -> ()
    %add3A_34 = arith.constant 320 : i32
    %add3A_35 = arith.addi %mul3A_0, %add3A_34 : i32
    "tpu.region"() ({
      %run_scoped3A = tpu.sem_alloc : memref<!tpu.dma_semaphore, #tpu.memory_space<semaphore_mem>>
      %dma_start3A = arith.constant 0 : i32
      %dma_start3A_78 = tpu.memref_slice %arg16[%add3A_35, %dma_start3A] : memref<10240x16xf32, #tpu.memory_space<vmem_shared>> -> memref<64x16xf32, #tpu.memory_space<vmem_shared>>
      tpu.enqueue_dma source(%arg6 : memref<64x16xf32, #tpu.memory_space<hbm>>) target(%dma_start3A_78 : memref<64x16xf32, #tpu.memory_space<vmem_shared>>) target_semaphore(%run_scoped3A : memref<!tpu.dma_semaphore, #tpu.memory_space<semaphore_mem>>)
      %dma_wait3A = arith.constant 0 : i32
      %dma_wait3A_79 = tpu.memref_slice %arg16[%add3A_35, %dma_wait3A] : memref<10240x16xf32, #tpu.memory_space<vmem_shared>> -> memref<64x16xf32, #tpu.memory_space<vmem_shared>>
      tpu.wait_dma2 semaphore(%run_scoped3A : memref<!tpu.dma_semaphore, #tpu.memory_space<semaphore_mem>>) src(%arg6 : memref<64x16xf32, #tpu.memory_space<hbm>>) dst(%dma_wait3A_79 : memref<64x16xf32, #tpu.memory_space<vmem_shared>>)
      tpu.yield
    }) : () -> ()
    %add3A_36 = arith.constant 384 : i32
    %add3A_37 = arith.addi %mul3A_0, %add3A_36 : i32
    "tpu.region"() ({
      %run_scoped3A = tpu.sem_alloc : memref<!tpu.dma_semaphore, #tpu.memory_space<semaphore_mem>>
      %dma_start3A = arith.constant 0 : i32
      %dma_start3A_78 = tpu.memref_slice %arg14[%add3A_37, %dma_start3A] : memref<10240x16xf32, #tpu.memory_space<vmem_shared>> -> memref<64x16xf32, #tpu.memory_space<vmem_shared>>
      tpu.enqueue_dma source(%arg6 : memref<64x16xf32, #tpu.memory_space<hbm>>) target(%dma_start3A_78 : memref<64x16xf32, #tpu.memory_space<vmem_shared>>) target_semaphore(%run_scoped3A : memref<!tpu.dma_semaphore, #tpu.memory_space<semaphore_mem>>)
      %dma_wait3A = arith.constant 0 : i32
      %dma_wait3A_79 = tpu.memref_slice %arg14[%add3A_37, %dma_wait3A] : memref<10240x16xf32, #tpu.memory_space<vmem_shared>> -> memref<64x16xf32, #tpu.memory_space<vmem_shared>>
      tpu.wait_dma2 semaphore(%run_scoped3A : memref<!tpu.dma_semaphore, #tpu.memory_space<semaphore_mem>>) src(%arg6 : memref<64x16xf32, #tpu.memory_space<hbm>>) dst(%dma_wait3A_79 : memref<64x16xf32, #tpu.memory_space<vmem_shared>>)
      tpu.yield
    }) : () -> ()
    %add3A_38 = arith.constant 384 : i32
    %add3A_39 = arith.addi %mul3A_0, %add3A_38 : i32
    "tpu.region"() ({
      %run_scoped3A = tpu.sem_alloc : memref<!tpu.dma_semaphore, #tpu.memory_space<semaphore_mem>>
      %dma_start3A = arith.constant 0 : i32
      %dma_start3A_78 = tpu.memref_slice %arg15[%add3A_39, %dma_start3A] : memref<10240x16xf32, #tpu.memory_space<vmem_shared>> -> memref<64x16xf32, #tpu.memory_space<vmem_shared>>
      tpu.enqueue_dma source(%arg6 : memref<64x16xf32, #tpu.memory_space<hbm>>) target(%dma_start3A_78 : memref<64x16xf32, #tpu.memory_space<vmem_shared>>) target_semaphore(%run_scoped3A : memref<!tpu.dma_semaphore, #tpu.memory_space<semaphore_mem>>)
      %dma_wait3A = arith.constant 0 : i32
      %dma_wait3A_79 = tpu.memref_slice %arg15[%add3A_39, %dma_wait3A] : memref<10240x16xf32, #tpu.memory_space<vmem_shared>> -> memref<64x16xf32, #tpu.memory_space<vmem_shared>>
      tpu.wait_dma2 semaphore(%run_scoped3A : memref<!tpu.dma_semaphore, #tpu.memory_space<semaphore_mem>>) src(%arg6 : memref<64x16xf32, #tpu.memory_space<hbm>>) dst(%dma_wait3A_79 : memref<64x16xf32, #tpu.memory_space<vmem_shared>>)
      tpu.yield
    }) : () -> ()
    %add3A_40 = arith.constant 384 : i32
    %add3A_41 = arith.addi %mul3A_0, %add3A_40 : i32
    "tpu.region"() ({
      %run_scoped3A = tpu.sem_alloc : memref<!tpu.dma_semaphore, #tpu.memory_space<semaphore_mem>>
      %dma_start3A = arith.constant 0 : i32
      %dma_start3A_78 = tpu.memref_slice %arg16[%add3A_41, %dma_start3A] : memref<10240x16xf32, #tpu.memory_space<vmem_shared>> -> memref<64x16xf32, #tpu.memory_space<vmem_shared>>
      tpu.enqueue_dma source(%arg6 : memref<64x16xf32, #tpu.memory_space<hbm>>) target(%dma_start3A_78 : memref<64x16xf32, #tpu.memory_space<vmem_shared>>) target_semaphore(%run_scoped3A : memref<!tpu.dma_semaphore, #tpu.memory_space<semaphore_mem>>)
      %dma_wait3A = arith.constant 0 : i32
      %dma_wait3A_79 = tpu.memref_slice %arg16[%add3A_41, %dma_wait3A] : memref<10240x16xf32, #tpu.memory_space<vmem_shared>> -> memref<64x16xf32, #tpu.memory_space<vmem_shared>>
      tpu.wait_dma2 semaphore(%run_scoped3A : memref<!tpu.dma_semaphore, #tpu.memory_space<semaphore_mem>>) src(%arg6 : memref<64x16xf32, #tpu.memory_space<hbm>>) dst(%dma_wait3A_79 : memref<64x16xf32, #tpu.memory_space<vmem_shared>>)
      tpu.yield
    }) : () -> ()
    %add3A_42 = arith.constant 448 : i32
    %add3A_43 = arith.addi %mul3A_0, %add3A_42 : i32
    "tpu.region"() ({
      %run_scoped3A = tpu.sem_alloc : memref<!tpu.dma_semaphore, #tpu.memory_space<semaphore_mem>>
      %dma_start3A = arith.constant 0 : i32
      %dma_start3A_78 = tpu.memref_slice %arg14[%add3A_43, %dma_start3A] : memref<10240x16xf32, #tpu.memory_space<vmem_shared>> -> memref<64x16xf32, #tpu.memory_space<vmem_shared>>
      tpu.enqueue_dma source(%arg6 : memref<64x16xf32, #tpu.memory_space<hbm>>) target(%dma_start3A_78 : memref<64x16xf32, #tpu.memory_space<vmem_shared>>) target_semaphore(%run_scoped3A : memref<!tpu.dma_semaphore, #tpu.memory_space<semaphore_mem>>)
      %dma_wait3A = arith.constant 0 : i32
      %dma_wait3A_79 = tpu.memref_slice %arg14[%add3A_43, %dma_wait3A] : memref<10240x16xf32, #tpu.memory_space<vmem_shared>> -> memref<64x16xf32, #tpu.memory_space<vmem_shared>>
      tpu.wait_dma2 semaphore(%run_scoped3A : memref<!tpu.dma_semaphore, #tpu.memory_space<semaphore_mem>>) src(%arg6 : memref<64x16xf32, #tpu.memory_space<hbm>>) dst(%dma_wait3A_79 : memref<64x16xf32, #tpu.memory_space<vmem_shared>>)
      tpu.yield
    }) : () -> ()
    %add3A_44 = arith.constant 448 : i32
    %add3A_45 = arith.addi %mul3A_0, %add3A_44 : i32
    "tpu.region"() ({
      %run_scoped3A = tpu.sem_alloc : memref<!tpu.dma_semaphore, #tpu.memory_space<semaphore_mem>>
      %dma_start3A = arith.constant 0 : i32
      %dma_start3A_78 = tpu.memref_slice %arg15[%add3A_45, %dma_start3A] : memref<10240x16xf32, #tpu.memory_space<vmem_shared>> -> memref<64x16xf32, #tpu.memory_space<vmem_shared>>
      tpu.enqueue_dma source(%arg6 : memref<64x16xf32, #tpu.memory_space<hbm>>) target(%dma_start3A_78 : memref<64x16xf32, #tpu.memory_space<vmem_shared>>) target_semaphore(%run_scoped3A : memref<!tpu.dma_semaphore, #tpu.memory_space<semaphore_mem>>)
      %dma_wait3A = arith.constant 0 : i32
      %dma_wait3A_79 = tpu.memref_slice %arg15[%add3A_45, %dma_wait3A] : memref<10240x16xf32, #tpu.memory_space<vmem_shared>> -> memref<64x16xf32, #tpu.memory_space<vmem_shared>>
      tpu.wait_dma2 semaphore(%run_scoped3A : memref<!tpu.dma_semaphore, #tpu.memory_space<semaphore_mem>>) src(%arg6 : memref<64x16xf32, #tpu.memory_space<hbm>>) dst(%dma_wait3A_79 : memref<64x16xf32, #tpu.memory_space<vmem_shared>>)
      tpu.yield
    }) : () -> ()
    %add3A_46 = arith.constant 448 : i32
    %add3A_47 = arith.addi %mul3A_0, %add3A_46 : i32
    "tpu.region"() ({
      %run_scoped3A = tpu.sem_alloc : memref<!tpu.dma_semaphore, #tpu.memory_space<semaphore_mem>>
      %dma_start3A = arith.constant 0 : i32
      %dma_start3A_78 = tpu.memref_slice %arg16[%add3A_47, %dma_start3A] : memref<10240x16xf32, #tpu.memory_space<vmem_shared>> -> memref<64x16xf32, #tpu.memory_space<vmem_shared>>
      tpu.enqueue_dma source(%arg6 : memref<64x16xf32, #tpu.memory_space<hbm>>) target(%dma_start3A_78 : memref<64x16xf32, #tpu.memory_space<vmem_shared>>) target_semaphore(%run_scoped3A : memref<!tpu.dma_semaphore, #tpu.memory_space<semaphore_mem>>)
      %dma_wait3A = arith.constant 0 : i32
      %dma_wait3A_79 = tpu.memref_slice %arg16[%add3A_47, %dma_wait3A] : memref<10240x16xf32, #tpu.memory_space<vmem_shared>> -> memref<64x16xf32, #tpu.memory_space<vmem_shared>>
      tpu.wait_dma2 semaphore(%run_scoped3A : memref<!tpu.dma_semaphore, #tpu.memory_space<semaphore_mem>>) src(%arg6 : memref<64x16xf32, #tpu.memory_space<hbm>>) dst(%dma_wait3A_79 : memref<64x16xf32, #tpu.memory_space<vmem_shared>>)
      tpu.yield
    }) : () -> ()
    %add3A_48 = arith.constant 512 : i32
    %add3A_49 = arith.addi %mul3A_0, %add3A_48 : i32
    "tpu.region"() ({
      %run_scoped3A = tpu.sem_alloc : memref<!tpu.dma_semaphore, #tpu.memory_space<semaphore_mem>>
      %dma_start3A = arith.constant 0 : i32
      %dma_start3A_78 = tpu.memref_slice %arg14[%add3A_49, %dma_start3A] : memref<10240x16xf32, #tpu.memory_space<vmem_shared>> -> memref<64x16xf32, #tpu.memory_space<vmem_shared>>
      tpu.enqueue_dma source(%arg6 : memref<64x16xf32, #tpu.memory_space<hbm>>) target(%dma_start3A_78 : memref<64x16xf32, #tpu.memory_space<vmem_shared>>) target_semaphore(%run_scoped3A : memref<!tpu.dma_semaphore, #tpu.memory_space<semaphore_mem>>)
      %dma_wait3A = arith.constant 0 : i32
      %dma_wait3A_79 = tpu.memref_slice %arg14[%add3A_49, %dma_wait3A] : memref<10240x16xf32, #tpu.memory_space<vmem_shared>> -> memref<64x16xf32, #tpu.memory_space<vmem_shared>>
      tpu.wait_dma2 semaphore(%run_scoped3A : memref<!tpu.dma_semaphore, #tpu.memory_space<semaphore_mem>>) src(%arg6 : memref<64x16xf32, #tpu.memory_space<hbm>>) dst(%dma_wait3A_79 : memref<64x16xf32, #tpu.memory_space<vmem_shared>>)
      tpu.yield
    }) : () -> ()
    %add3A_50 = arith.constant 512 : i32
    %add3A_51 = arith.addi %mul3A_0, %add3A_50 : i32
    "tpu.region"() ({
      %run_scoped3A = tpu.sem_alloc : memref<!tpu.dma_semaphore, #tpu.memory_space<semaphore_mem>>
      %dma_start3A = arith.constant 0 : i32
      %dma_start3A_78 = tpu.memref_slice %arg15[%add3A_51, %dma_start3A] : memref<10240x16xf32, #tpu.memory_space<vmem_shared>> -> memref<64x16xf32, #tpu.memory_space<vmem_shared>>
      tpu.enqueue_dma source(%arg6 : memref<64x16xf32, #tpu.memory_space<hbm>>) target(%dma_start3A_78 : memref<64x16xf32, #tpu.memory_space<vmem_shared>>) target_semaphore(%run_scoped3A : memref<!tpu.dma_semaphore, #tpu.memory_space<semaphore_mem>>)
      %dma_wait3A = arith.constant 0 : i32
      %dma_wait3A_79 = tpu.memref_slice %arg15[%add3A_51, %dma_wait3A] : memref<10240x16xf32, #tpu.memory_space<vmem_shared>> -> memref<64x16xf32, #tpu.memory_space<vmem_shared>>
      tpu.wait_dma2 semaphore(%run_scoped3A : memref<!tpu.dma_semaphore, #tpu.memory_space<semaphore_mem>>) src(%arg6 : memref<64x16xf32, #tpu.memory_space<hbm>>) dst(%dma_wait3A_79 : memref<64x16xf32, #tpu.memory_space<vmem_shared>>)
      tpu.yield
    }) : () -> ()
    %add3A_52 = arith.constant 512 : i32
    %add3A_53 = arith.addi %mul3A_0, %add3A_52 : i32
    "tpu.region"() ({
      %run_scoped3A = tpu.sem_alloc : memref<!tpu.dma_semaphore, #tpu.memory_space<semaphore_mem>>
      %dma_start3A = arith.constant 0 : i32
      %dma_start3A_78 = tpu.memref_slice %arg16[%add3A_53, %dma_start3A] : memref<10240x16xf32, #tpu.memory_space<vmem_shared>> -> memref<64x16xf32, #tpu.memory_space<vmem_shared>>
      tpu.enqueue_dma source(%arg6 : memref<64x16xf32, #tpu.memory_space<hbm>>) target(%dma_start3A_78 : memref<64x16xf32, #tpu.memory_space<vmem_shared>>) target_semaphore(%run_scoped3A : memref<!tpu.dma_semaphore, #tpu.memory_space<semaphore_mem>>)
      %dma_wait3A = arith.constant 0 : i32
      %dma_wait3A_79 = tpu.memref_slice %arg16[%add3A_53, %dma_wait3A] : memref<10240x16xf32, #tpu.memory_space<vmem_shared>> -> memref<64x16xf32, #tpu.memory_space<vmem_shared>>
      tpu.wait_dma2 semaphore(%run_scoped3A : memref<!tpu.dma_semaphore, #tpu.memory_space<semaphore_mem>>) src(%arg6 : memref<64x16xf32, #tpu.memory_space<hbm>>) dst(%dma_wait3A_79 : memref<64x16xf32, #tpu.memory_space<vmem_shared>>)
      tpu.yield
    }) : () -> ()
    %add3A_54 = arith.constant 576 : i32
    %add3A_55 = arith.addi %mul3A_0, %add3A_54 : i32
    "tpu.region"() ({
      %run_scoped3A = tpu.sem_alloc : memref<!tpu.dma_semaphore, #tpu.memory_space<semaphore_mem>>
      %dma_start3A = arith.constant 0 : i32
      %dma_start3A_78 = tpu.memref_slice %arg14[%add3A_55, %dma_start3A] : memref<10240x16xf32, #tpu.memory_space<vmem_shared>> -> memref<64x16xf32, #tpu.memory_space<vmem_shared>>
      tpu.enqueue_dma source(%arg6 : memref<64x16xf32, #tpu.memory_space<hbm>>) target(%dma_start3A_78 : memref<64x16xf32, #tpu.memory_space<vmem_shared>>) target_semaphore(%run_scoped3A : memref<!tpu.dma_semaphore, #tpu.memory_space<semaphore_mem>>)
      %dma_wait3A = arith.constant 0 : i32
      %dma_wait3A_79 = tpu.memref_slice %arg14[%add3A_55, %dma_wait3A] : memref<10240x16xf32, #tpu.memory_space<vmem_shared>> -> memref<64x16xf32, #tpu.memory_space<vmem_shared>>
      tpu.wait_dma2 semaphore(%run_scoped3A : memref<!tpu.dma_semaphore, #tpu.memory_space<semaphore_mem>>) src(%arg6 : memref<64x16xf32, #tpu.memory_space<hbm>>) dst(%dma_wait3A_79 : memref<64x16xf32, #tpu.memory_space<vmem_shared>>)
      tpu.yield
    }) : () -> ()
    %add3A_56 = arith.constant 576 : i32
    %add3A_57 = arith.addi %mul3A_0, %add3A_56 : i32
    "tpu.region"() ({
      %run_scoped3A = tpu.sem_alloc : memref<!tpu.dma_semaphore, #tpu.memory_space<semaphore_mem>>
      %dma_start3A = arith.constant 0 : i32
      %dma_start3A_78 = tpu.memref_slice %arg15[%add3A_57, %dma_start3A] : memref<10240x16xf32, #tpu.memory_space<vmem_shared>> -> memref<64x16xf32, #tpu.memory_space<vmem_shared>>
      tpu.enqueue_dma source(%arg6 : memref<64x16xf32, #tpu.memory_space<hbm>>) target(%dma_start3A_78 : memref<64x16xf32, #tpu.memory_space<vmem_shared>>) target_semaphore(%run_scoped3A : memref<!tpu.dma_semaphore, #tpu.memory_space<semaphore_mem>>)
      %dma_wait3A = arith.constant 0 : i32
      %dma_wait3A_79 = tpu.memref_slice %arg15[%add3A_57, %dma_wait3A] : memref<10240x16xf32, #tpu.memory_space<vmem_shared>> -> memref<64x16xf32, #tpu.memory_space<vmem_shared>>
      tpu.wait_dma2 semaphore(%run_scoped3A : memref<!tpu.dma_semaphore, #tpu.memory_space<semaphore_mem>>) src(%arg6 : memref<64x16xf32, #tpu.memory_space<hbm>>) dst(%dma_wait3A_79 : memref<64x16xf32, #tpu.memory_space<vmem_shared>>)
      tpu.yield
    }) : () -> ()
    %add3A_58 = arith.constant 576 : i32
    %add3A_59 = arith.addi %mul3A_0, %add3A_58 : i32
    "tpu.region"() ({
      %run_scoped3A = tpu.sem_alloc : memref<!tpu.dma_semaphore, #tpu.memory_space<semaphore_mem>>
      %dma_start3A = arith.constant 0 : i32
      %dma_start3A_78 = tpu.memref_slice %arg16[%add3A_59, %dma_start3A] : memref<10240x16xf32, #tpu.memory_space<vmem_shared>> -> memref<64x16xf32, #tpu.memory_space<vmem_shared>>
      tpu.enqueue_dma source(%arg6 : memref<64x16xf32, #tpu.memory_space<hbm>>) target(%dma_start3A_78 : memref<64x16xf32, #tpu.memory_space<vmem_shared>>) target_semaphore(%run_scoped3A : memref<!tpu.dma_semaphore, #tpu.memory_space<semaphore_mem>>)
      %dma_wait3A = arith.constant 0 : i32
      %dma_wait3A_79 = tpu.memref_slice %arg16[%add3A_59, %dma_wait3A] : memref<10240x16xf32, #tpu.memory_space<vmem_shared>> -> memref<64x16xf32, #tpu.memory_space<vmem_shared>>
      tpu.wait_dma2 semaphore(%run_scoped3A : memref<!tpu.dma_semaphore, #tpu.memory_space<semaphore_mem>>) src(%arg6 : memref<64x16xf32, #tpu.memory_space<hbm>>) dst(%dma_wait3A_79 : memref<64x16xf32, #tpu.memory_space<vmem_shared>>)
      tpu.yield
    }) : () -> ()
    %barrier3A = arith.constant 0 : index
    tpu.barrier barrier_id(%barrier3A)
    %eq3A = arith.constant 0 : i32
    %eq3A_60 = arith.cmpi eq, %arg0, %eq3A : i32
    %convert_element_type3A = arith.extui %eq3A_60 : i1 to i32
    %cond3A = arith.constant 0 : i32
    %cond3A_61 = arith.cmpi ne, %convert_element_type3A, %cond3A : i32
    scf.if %cond3A_61 {
      %scan3A = arith.constant 0 : i32
      %scan3A_78 = arith.constant 0 : i32
      %scan3A_79 = arith.constant 80 : i32
      %scan3A_80 = arith.addi %scan3A_78, %scan3A_79 : i32
      %scan3A_81 = arith.constant 1 : i32
      %scan3A_82 = scf.for %scan3A_84 = %scan3A_78 to %scan3A_80 step %scan3A_81 iter_args(%scan3A_85 = %scan3A) -> (i32)  : i32 {
        %mul3A_86 = arith.constant 80 : i32
        %mul3A_87 = arith.muli %arg1, %mul3A_86 : i32
        %add3A_88 = arith.addi %mul3A_87, %scan3A_84 : i32
        %mul3A_89 = arith.constant 2 : i32
        %mul3A_90 = arith.muli %add3A_88, %mul3A_89 : i32
        "tpu.region"() ({
          %run_scoped3A_322 = tpu.sem_alloc : memref<!tpu.dma_semaphore, #tpu.memory_space<semaphore_mem>>
          %dma_start3A = arith.constant 0 : i32
          %dma_start3A_323 = tpu.memref_slice %arg2[%mul3A_90, %dma_start3A] : memref<2560x64xi32, #tpu.memory_space<hbm>> -> memref<2x64xi32, #tpu.memory_space<hbm>>
          %dma_start3A_324 = arith.constant 0 : i32
          %dma_start3A_325 = tpu.memref_slice %arg2[%mul3A_90, %dma_start3A_324] : memref<2560x64xi32, #tpu.memory_space<hbm>> -> memref<2x64xi32, #tpu.memory_space<hbm>>
          tpu.enqueue_dma source(%dma_start3A_325 : memref<2x64xi32, #tpu.memory_space<hbm>>) target(%arg10 : memref<2x64xi32, #tpu.memory_space<vmem>>) target_semaphore(%run_scoped3A_322 : memref<!tpu.dma_semaphore, #tpu.memory_space<semaphore_mem>>)
          %dma_wait3A = arith.constant 0 : i32
          %dma_wait3A_326 = tpu.memref_slice %arg2[%mul3A_90, %dma_wait3A] : memref<2560x64xi32, #tpu.memory_space<hbm>> -> memref<2x64xi32, #tpu.memory_space<hbm>>
          %dma_wait3A_327 = arith.constant 0 : i32
          %dma_wait3A_328 = tpu.memref_slice %arg2[%mul3A_90, %dma_wait3A_327] : memref<2560x64xi32, #tpu.memory_space<hbm>> -> memref<2x64xi32, #tpu.memory_space<hbm>>
          tpu.wait_dma2 semaphore(%run_scoped3A_322 : memref<!tpu.dma_semaphore, #tpu.memory_space<semaphore_mem>>) src(%dma_wait3A_328 : memref<2x64xi32, #tpu.memory_space<hbm>>) dst(%arg10 : memref<2x64xi32, #tpu.memory_space<vmem>>)
          tpu.yield
        }) : () -> ()
        "tpu.region"() ({
          %run_scoped3A_322 = tpu.sem_alloc : memref<!tpu.dma_semaphore, #tpu.memory_space<semaphore_mem>>
          %dma_start3A = arith.constant 0 : i32
          %dma_start3A_323 = tpu.memref_slice %arg3[%mul3A_90, %dma_start3A] : memref<2560x64xi32, #tpu.memory_space<hbm>> -> memref<2x64xi32, #tpu.memory_space<hbm>>
          %dma_start3A_324 = arith.constant 0 : i32
          %dma_start3A_325 = tpu.memref_slice %arg3[%mul3A_90, %dma_start3A_324] : memref<2560x64xi32, #tpu.memory_space<hbm>> -> memref<2x64xi32, #tpu.memory_space<hbm>>
          tpu.enqueue_dma source(%dma_start3A_325 : memref<2x64xi32, #tpu.memory_space<hbm>>) target(%arg11 : memref<2x64xi32, #tpu.memory_space<vmem>>) target_semaphore(%run_scoped3A_322 : memref<!tpu.dma_semaphore, #tpu.memory_space<semaphore_mem>>)
          %dma_wait3A = arith.constant 0 : i32
          %dma_wait3A_326 = tpu.memref_slice %arg3[%mul3A_90, %dma_wait3A] : memref<2560x64xi32, #tpu.memory_space<hbm>> -> memref<2x64xi32, #tpu.memory_space<hbm>>
          %dma_wait3A_327 = arith.constant 0 : i32
          %dma_wait3A_328 = tpu.memref_slice %arg3[%mul3A_90, %dma_wait3A_327] : memref<2560x64xi32, #tpu.memory_space<hbm>> -> memref<2x64xi32, #tpu.memory_space<hbm>>
          tpu.wait_dma2 semaphore(%run_scoped3A_322 : memref<!tpu.dma_semaphore, #tpu.memory_space<semaphore_mem>>) src(%dma_wait3A_328 : memref<2x64xi32, #tpu.memory_space<hbm>>) dst(%arg11 : memref<2x64xi32, #tpu.memory_space<vmem>>)
          tpu.yield
        }) : () -> ()
        %get3A = arith.constant 0 : i32
        %get3A_91 = arith.index_cast %get3A : i32 to index
        %get3A_92 = arith.constant 0 : index
        %get3A_93 = tpu.vector_load %arg10[%get3A_91, %get3A_92] {strides = array<i32>} : memref<2x64xi32, #tpu.memory_space<vmem>>, vector<1x16xi32>,
        %get3A_94 = vector.shape_cast %get3A_93 : vector<1x16xi32> to vector<16xi32>
        %get3A_95 = arith.constant 0 : i32
        %get3A_96 = arith.index_cast %get3A_95 : i32 to index
        %get3A_97 = arith.constant 0 : index
        %get3A_98 = tpu.vector_load %arg11[%get3A_96, %get3A_97] {strides = array<i32>} : memref<2x64xi32, #tpu.memory_space<vmem>>, vector<1x16xi32>,
        %get3A_99 = vector.shape_cast %get3A_98 : vector<1x16xi32> to vector<16xi32>
        %eq3A_100 = arith.cmpi eq, %get3A_94, %get3A_99 : vector<16xi32>
        %jit3A = arith.constant 10000 : i32
        %broadcast_in_dim3A = vector.broadcast %jit3A : i32 to vector<16xi32>
        %select_n3A = arith.select %eq3A_100, %get3A_99, %broadcast_in_dim3A : vector<16xi1>, vector<16xi32>
        %swap3A = arith.constant 0 : i32
        %swap3A_101 = arith.index_cast %swap3A : i32 to index
        %swap3A_102 = arith.constant 0 : index
        %swap3A_103 = tpu.vector_load %arg12[%swap3A_101, %swap3A_102] {strides = array<i32>} : memref<2x64xi32, #tpu.memory_space<vmem>>, vector<1x16xi32>,
        %swap3A_104 = vector.shape_cast %swap3A_103 : vector<1x16xi32> to vector<16xi32>
        %swap3A_105 = vector.shape_cast %select_n3A : vector<16xi32> to vector<1x16xi32>
        tpu.vector_store %arg12[%swap3A_101, %swap3A_102], %swap3A_105 {strides = array<i32>} : memref<2x64xi32, #tpu.memory_space<vmem>>, vector<1x16xi32>,
        %jit3A_106 = arith.constant 10000 : i32
        %broadcast_in_dim3A_107 = vector.broadcast %jit3A_106 : i32 to vector<16xi32>
        %select_n3A_108 = arith.select %eq3A_100, %broadcast_in_dim3A_107, %get3A_99 : vector<16xi1>, vector<16xi32>
        %swap3A_109 = arith.constant 0 : i32
        %swap3A_110 = arith.index_cast %swap3A_109 : i32 to index
        %swap3A_111 = arith.constant 0 : index
        %swap3A_112 = tpu.vector_load %arg11[%swap3A_110, %swap3A_111] {strides = array<i32>} : memref<2x64xi32, #tpu.memory_space<vmem>>, vector<1x16xi32>,
        %swap3A_113 = vector.shape_cast %swap3A_112 : vector<1x16xi32> to vector<16xi32>
        %swap3A_114 = vector.shape_cast %select_n3A_108 : vector<16xi32> to vector<1x16xi32>
        tpu.vector_store %arg11[%swap3A_110, %swap3A_111], %swap3A_114 {strides = array<i32>} : memref<2x64xi32, #tpu.memory_space<vmem>>, vector<1x16xi32>,
        %get3A_115 = arith.constant 0 : i32
        %get3A_116 = arith.index_cast %get3A_115 : i32 to index
        %get3A_117 = arith.constant 16 : index
        %get3A_118 = tpu.vector_load %arg10[%get3A_116, %get3A_117] {strides = array<i32>} : memref<2x64xi32, #tpu.memory_space<vmem>>, vector<1x16xi32>,
        %get3A_119 = vector.shape_cast %get3A_118 : vector<1x16xi32> to vector<16xi32>
        %get3A_120 = arith.constant 0 : i32
        %get3A_121 = arith.index_cast %get3A_120 : i32 to index
        %get3A_122 = arith.constant 16 : index
        %get3A_123 = tpu.vector_load %arg11[%get3A_121, %get3A_122] {strides = array<i32>} : memref<2x64xi32, #tpu.memory_space<vmem>>, vector<1x16xi32>,
        %get3A_124 = vector.shape_cast %get3A_123 : vector<1x16xi32> to vector<16xi32>
        %eq3A_125 = arith.cmpi eq, %get3A_119, %get3A_124 : vector<16xi32>
        %jit3A_126 = arith.constant 10000 : i32
        %broadcast_in_dim3A_127 = vector.broadcast %jit3A_126 : i32 to vector<16xi32>
        %select_n3A_128 = arith.select %eq3A_125, %get3A_124, %broadcast_in_dim3A_127 : vector<16xi1>, vector<16xi32>
        %swap3A_129 = arith.constant 0 : i32
        %swap3A_130 = arith.index_cast %swap3A_129 : i32 to index
        %swap3A_131 = arith.constant 16 : index
        %swap3A_132 = tpu.vector_load %arg12[%swap3A_130, %swap3A_131] {strides = array<i32>} : memref<2x64xi32, #tpu.memory_space<vmem>>, vector<1x16xi32>,
        %swap3A_133 = vector.shape_cast %swap3A_132 : vector<1x16xi32> to vector<16xi32>
        %swap3A_134 = vector.shape_cast %select_n3A_128 : vector<16xi32> to vector<1x16xi32>
        tpu.vector_store %arg12[%swap3A_130, %swap3A_131], %swap3A_134 {strides = array<i32>} : memref<2x64xi32, #tpu.memory_space<vmem>>, vector<1x16xi32>,
        %jit3A_135 = arith.constant 10000 : i32
        %broadcast_in_dim3A_136 = vector.broadcast %jit3A_135 : i32 to vector<16xi32>
        %select_n3A_137 = arith.select %eq3A_125, %broadcast_in_dim3A_136, %get3A_124 : vector<16xi1>, vector<16xi32>
        %swap3A_138 = arith.constant 0 : i32
        %swap3A_139 = arith.index_cast %swap3A_138 : i32 to index
        %swap3A_140 = arith.constant 16 : index
        %swap3A_141 = tpu.vector_load %arg11[%swap3A_139, %swap3A_140] {strides = array<i32>} : memref<2x64xi32, #tpu.memory_space<vmem>>, vector<1x16xi32>,
        %swap3A_142 = vector.shape_cast %swap3A_141 : vector<1x16xi32> to vector<16xi32>
        %swap3A_143 = vector.shape_cast %select_n3A_137 : vector<16xi32> to vector<1x16xi32>
        tpu.vector_store %arg11[%swap3A_139, %swap3A_140], %swap3A_143 {strides = array<i32>} : memref<2x64xi32, #tpu.memory_space<vmem>>, vector<1x16xi32>,
        %get3A_144 = arith.constant 0 : i32
        %get3A_145 = arith.index_cast %get3A_144 : i32 to index
        %get3A_146 = arith.constant 32 : index
        %get3A_147 = tpu.vector_load %arg10[%get3A_145, %get3A_146] {strides = array<i32>} : memref<2x64xi32, #tpu.memory_space<vmem>>, vector<1x16xi32>,
        %get3A_148 = vector.shape_cast %get3A_147 : vector<1x16xi32> to vector<16xi32>
        %get3A_149 = arith.constant 0 : i32
        %get3A_150 = arith.index_cast %get3A_149 : i32 to index
        %get3A_151 = arith.constant 32 : index
        %get3A_152 = tpu.vector_load %arg11[%get3A_150, %get3A_151] {strides = array<i32>} : memref<2x64xi32, #tpu.memory_space<vmem>>, vector<1x16xi32>,
        %get3A_153 = vector.shape_cast %get3A_152 : vector<1x16xi32> to vector<16xi32>
        %eq3A_154 = arith.cmpi eq, %get3A_148, %get3A_153 : vector<16xi32>
        %jit3A_155 = arith.constant 10000 : i32
        %broadcast_in_dim3A_156 = vector.broadcast %jit3A_155 : i32 to vector<16xi32>
        %select_n3A_157 = arith.select %eq3A_154, %get3A_153, %broadcast_in_dim3A_156 : vector<16xi1>, vector<16xi32>
        %swap3A_158 = arith.constant 0 : i32
        %swap3A_159 = arith.index_cast %swap3A_158 : i32 to index
        %swap3A_160 = arith.constant 32 : index
        %swap3A_161 = tpu.vector_load %arg12[%swap3A_159, %swap3A_160] {strides = array<i32>} : memref<2x64xi32, #tpu.memory_space<vmem>>, vector<1x16xi32>,
        %swap3A_162 = vector.shape_cast %swap3A_161 : vector<1x16xi32> to vector<16xi32>
        %swap3A_163 = vector.shape_cast %select_n3A_157 : vector<16xi32> to vector<1x16xi32>
        tpu.vector_store %arg12[%swap3A_159, %swap3A_160], %swap3A_163 {strides = array<i32>} : memref<2x64xi32, #tpu.memory_space<vmem>>, vector<1x16xi32>,
        %jit3A_164 = arith.constant 10000 : i32
        %broadcast_in_dim3A_165 = vector.broadcast %jit3A_164 : i32 to vector<16xi32>
        %select_n3A_166 = arith.select %eq3A_154, %broadcast_in_dim3A_165, %get3A_153 : vector<16xi1>, vector<16xi32>
        %swap3A_167 = arith.constant 0 : i32
        %swap3A_168 = arith.index_cast %swap3A_167 : i32 to index
        %swap3A_169 = arith.constant 32 : index
        %swap3A_170 = tpu.vector_load %arg11[%swap3A_168, %swap3A_169] {strides = array<i32>} : memref<2x64xi32, #tpu.memory_space<vmem>>, vector<1x16xi32>,
        %swap3A_171 = vector.shape_cast %swap3A_170 : vector<1x16xi32> to vector<16xi32>
        %swap3A_172 = vector.shape_cast %select_n3A_166 : vector<16xi32> to vector<1x16xi32>
        tpu.vector_store %arg11[%swap3A_168, %swap3A_169], %swap3A_172 {strides = array<i32>} : memref<2x64xi32, #tpu.memory_space<vmem>>, vector<1x16xi32>,
        %get3A_173 = arith.constant 0 : i32
        %get3A_174 = arith.index_cast %get3A_173 : i32 to index
        %get3A_175 = arith.constant 48 : index
        %get3A_176 = tpu.vector_load %arg10[%get3A_174, %get3A_175] {strides = array<i32>} : memref<2x64xi32, #tpu.memory_space<vmem>>, vector<1x16xi32>,
        %get3A_177 = vector.shape_cast %get3A_176 : vector<1x16xi32> to vector<16xi32>
        %get3A_178 = arith.constant 0 : i32
        %get3A_179 = arith.index_cast %get3A_178 : i32 to index
        %get3A_180 = arith.constant 48 : index
        %get3A_181 = tpu.vector_load %arg11[%get3A_179, %get3A_180] {strides = array<i32>} : memref<2x64xi32, #tpu.memory_space<vmem>>, vector<1x16xi32>,
        %get3A_182 = vector.shape_cast %get3A_181 : vector<1x16xi32> to vector<16xi32>
        %eq3A_183 = arith.cmpi eq, %get3A_177, %get3A_182 : vector<16xi32>
        %jit3A_184 = arith.constant 10000 : i32
        %broadcast_in_dim3A_185 = vector.broadcast %jit3A_184 : i32 to vector<16xi32>
        %select_n3A_186 = arith.select %eq3A_183, %get3A_182, %broadcast_in_dim3A_185 : vector<16xi1>, vector<16xi32>
        %swap3A_187 = arith.constant 0 : i32
        %swap3A_188 = arith.index_cast %swap3A_187 : i32 to index
        %swap3A_189 = arith.constant 48 : index
        %swap3A_190 = tpu.vector_load %arg12[%swap3A_188, %swap3A_189] {strides = array<i32>} : memref<2x64xi32, #tpu.memory_space<vmem>>, vector<1x16xi32>,
        %swap3A_191 = vector.shape_cast %swap3A_190 : vector<1x16xi32> to vector<16xi32>
        %swap3A_192 = vector.shape_cast %select_n3A_186 : vector<16xi32> to vector<1x16xi32>
        tpu.vector_store %arg12[%swap3A_188, %swap3A_189], %swap3A_192 {strides = array<i32>} : memref<2x64xi32, #tpu.memory_space<vmem>>, vector<1x16xi32>,
        %jit3A_193 = arith.constant 10000 : i32
        %broadcast_in_dim3A_194 = vector.broadcast %jit3A_193 : i32 to vector<16xi32>
        %select_n3A_195 = arith.select %eq3A_183, %broadcast_in_dim3A_194, %get3A_182 : vector<16xi1>, vector<16xi32>
        %swap3A_196 = arith.constant 0 : i32
        %swap3A_197 = arith.index_cast %swap3A_196 : i32 to index
        %swap3A_198 = arith.constant 48 : index
        %swap3A_199 = tpu.vector_load %arg11[%swap3A_197, %swap3A_198] {strides = array<i32>} : memref<2x64xi32, #tpu.memory_space<vmem>>, vector<1x16xi32>,
        %swap3A_200 = vector.shape_cast %swap3A_199 : vector<1x16xi32> to vector<16xi32>
        %swap3A_201 = vector.shape_cast %select_n3A_195 : vector<16xi32> to vector<1x16xi32>
        tpu.vector_store %arg11[%swap3A_197, %swap3A_198], %swap3A_201 {strides = array<i32>} : memref<2x64xi32, #tpu.memory_space<vmem>>, vector<1x16xi32>,
        %run_scoped3A = arith.constant 0 : i32
        "tpu.region"() ({
          %run_scoped3A_322 = tpu.sem_alloc : memref<!tpu.dma_semaphore, #tpu.memory_space<semaphore_mem>>
          %dma_start3A = arith.constant 0 : i32
          %dma_start3A_323 = tpu.memref_slice %arg11[%run_scoped3A, %dma_start3A] : memref<2x64xi32, #tpu.memory_space<vmem>> -> memref<1x64xi32, #tpu.memory_space<vmem>>
          %dma_start3A_324 = tpu.memref_squeeze %dma_start3A_323 : memref<1x64xi32, #tpu.memory_space<vmem>> -> memref<64xi32, #tpu.memory_space<vmem>>
          %dma_start3A_325 = arith.constant 0 : i32
          %dma_start3A_326 = arith.constant 0 : i32
          %dma_start3A_327 = tpu.memref_slice %arg14[%dma_start3A_325, %dma_start3A_326] : memref<10240x16xf32, #tpu.memory_space<vmem_shared>> -> memref<10240x16xf32, #tpu.memory_space<vmem_shared>>
          tpu.enqueue_indirect_dma source(%arg13 : memref<64x16xf32, #tpu.memory_space<vmem>>) target(%dma_start3A_327 : memref<10240x16xf32, #tpu.memory_space<vmem_shared>>) offsets(%dma_start3A_324 : memref<64xi32, #tpu.memory_space<vmem>>) semaphore(%run_scoped3A_322 : memref<!tpu.dma_semaphore, #tpu.memory_space<semaphore_mem>>) {add = true}
          %dma_wait3A = arith.constant 0 : i32
          %dma_wait3A_328 = tpu.memref_slice %arg11[%run_scoped3A, %dma_wait3A] : memref<2x64xi32, #tpu.memory_space<vmem>> -> memref<1x64xi32, #tpu.memory_space<vmem>>
          %dma_wait3A_329 = tpu.memref_squeeze %dma_wait3A_328 : memref<1x64xi32, #tpu.memory_space<vmem>> -> memref<64xi32, #tpu.memory_space<vmem>>
          %dma_wait3A_330 = arith.constant 0 : i32
          %dma_wait3A_331 = arith.constant 0 : i32
          %dma_wait3A_332 = tpu.memref_slice %arg14[%dma_wait3A_330, %dma_wait3A_331] : memref<10240x16xf32, #tpu.memory_space<vmem_shared>> -> memref<10240x16xf32, #tpu.memory_space<vmem_shared>>
          tpu.wait_indirect_dma semaphore(%run_scoped3A_322 : memref<!tpu.dma_semaphore, #tpu.memory_space<semaphore_mem>>) src(%arg13 : memref<64x16xf32, #tpu.memory_space<vmem>>) dst(%dma_wait3A_332 : memref<10240x16xf32, #tpu.memory_space<vmem_shared>>)
          tpu.yield
        }) : () -> ()
        %run_scoped3A_202 = arith.constant 0 : i32
        "tpu.region"() ({
          %run_scoped3A_322 = tpu.sem_alloc : memref<!tpu.dma_semaphore, #tpu.memory_space<semaphore_mem>>
          %dma_start3A = arith.constant 0 : i32
          %dma_start3A_323 = tpu.memref_slice %arg12[%run_scoped3A_202, %dma_start3A] : memref<2x64xi32, #tpu.memory_space<vmem>> -> memref<1x64xi32, #tpu.memory_space<vmem>>
          %dma_start3A_324 = tpu.memref_squeeze %dma_start3A_323 : memref<1x64xi32, #tpu.memory_space<vmem>> -> memref<64xi32, #tpu.memory_space<vmem>>
          %dma_start3A_325 = arith.constant 0 : i32
          %dma_start3A_326 = arith.constant 0 : i32
          %dma_start3A_327 = tpu.memref_slice %arg16[%dma_start3A_325, %dma_start3A_326] : memref<10240x16xf32, #tpu.memory_space<vmem_shared>> -> memref<10240x16xf32, #tpu.memory_space<vmem_shared>>
          tpu.enqueue_indirect_dma source(%arg13 : memref<64x16xf32, #tpu.memory_space<vmem>>) target(%dma_start3A_327 : memref<10240x16xf32, #tpu.memory_space<vmem_shared>>) offsets(%dma_start3A_324 : memref<64xi32, #tpu.memory_space<vmem>>) semaphore(%run_scoped3A_322 : memref<!tpu.dma_semaphore, #tpu.memory_space<semaphore_mem>>) {add = true}
          %dma_wait3A = arith.constant 0 : i32
          %dma_wait3A_328 = tpu.memref_slice %arg12[%run_scoped3A_202, %dma_wait3A] : memref<2x64xi32, #tpu.memory_space<vmem>> -> memref<1x64xi32, #tpu.memory_space<vmem>>
          %dma_wait3A_329 = tpu.memref_squeeze %dma_wait3A_328 : memref<1x64xi32, #tpu.memory_space<vmem>> -> memref<64xi32, #tpu.memory_space<vmem>>
          %dma_wait3A_330 = arith.constant 0 : i32
          %dma_wait3A_331 = arith.constant 0 : i32
          %dma_wait3A_332 = tpu.memref_slice %arg16[%dma_wait3A_330, %dma_wait3A_331] : memref<10240x16xf32, #tpu.memory_space<vmem_shared>> -> memref<10240x16xf32, #tpu.memory_space<vmem_shared>>
          tpu.wait_indirect_dma semaphore(%run_scoped3A_322 : memref<!tpu.dma_semaphore, #tpu.memory_space<semaphore_mem>>) src(%arg13 : memref<64x16xf32, #tpu.memory_space<vmem>>) dst(%dma_wait3A_332 : memref<10240x16xf32, #tpu.memory_space<vmem_shared>>)
          tpu.yield
        }) : () -> ()
        %get3A_203 = arith.constant 1 : i32
        %get3A_204 = arith.index_cast %get3A_203 : i32 to index
        %get3A_205 = arith.constant 0 : index
        %get3A_206 = tpu.vector_load %arg10[%get3A_204, %get3A_205] {strides = array<i32>} : memref<2x64xi32, #tpu.memory_space<vmem>>, vector<1x16xi32>,
        %get3A_207 = vector.shape_cast %get3A_206 : vector<1x16xi32> to vector<16xi32>
        %get3A_208 = arith.constant 1 : i32
        %get3A_209 = arith.index_cast %get3A_208 : i32 to index
        %get3A_210 = arith.constant 0 : index
        %get3A_211 = tpu.vector_load %arg11[%get3A_209, %get3A_210] {strides = array<i32>} : memref<2x64xi32, #tpu.memory_space<vmem>>, vector<1x16xi32>,
        %get3A_212 = vector.shape_cast %get3A_211 : vector<1x16xi32> to vector<16xi32>
        %eq3A_213 = arith.cmpi eq, %get3A_207, %get3A_212 : vector<16xi32>
        %jit3A_214 = arith.constant 10000 : i32
        %broadcast_in_dim3A_215 = vector.broadcast %jit3A_214 : i32 to vector<16xi32>
        %select_n3A_216 = arith.select %eq3A_213, %get3A_212, %broadcast_in_dim3A_215 : vector<16xi1>, vector<16xi32>
        %swap3A_217 = arith.constant 1 : i32
        %swap3A_218 = arith.index_cast %swap3A_217 : i32 to index
        %swap3A_219 = arith.constant 0 : index
        %swap3A_220 = tpu.vector_load %arg12[%swap3A_218, %swap3A_219] {strides = array<i32>} : memref<2x64xi32, #tpu.memory_space<vmem>>, vector<1x16xi32>,
        %swap3A_221 = vector.shape_cast %swap3A_220 : vector<1x16xi32> to vector<16xi32>
        %swap3A_222 = vector.shape_cast %select_n3A_216 : vector<16xi32> to vector<1x16xi32>
        tpu.vector_store %arg12[%swap3A_218, %swap3A_219], %swap3A_222 {strides = array<i32>} : memref<2x64xi32, #tpu.memory_space<vmem>>, vector<1x16xi32>,
        %jit3A_223 = arith.constant 10000 : i32
        %broadcast_in_dim3A_224 = vector.broadcast %jit3A_223 : i32 to vector<16xi32>
        %select_n3A_225 = arith.select %eq3A_213, %broadcast_in_dim3A_224, %get3A_212 : vector<16xi1>, vector<16xi32>
        %swap3A_226 = arith.constant 1 : i32
        %swap3A_227 = arith.index_cast %swap3A_226 : i32 to index
        %swap3A_228 = arith.constant 0 : index
        %swap3A_229 = tpu.vector_load %arg11[%swap3A_227, %swap3A_228] {strides = array<i32>} : memref<2x64xi32, #tpu.memory_space<vmem>>, vector<1x16xi32>,
        %swap3A_230 = vector.shape_cast %swap3A_229 : vector<1x16xi32> to vector<16xi32>
        %swap3A_231 = vector.shape_cast %select_n3A_225 : vector<16xi32> to vector<1x16xi32>
        tpu.vector_store %arg11[%swap3A_227, %swap3A_228], %swap3A_231 {strides = array<i32>} : memref<2x64xi32, #tpu.memory_space<vmem>>, vector<1x16xi32>,
        %get3A_232 = arith.constant 1 : i32
        %get3A_233 = arith.index_cast %get3A_232 : i32 to index
        %get3A_234 = arith.constant 16 : index
        %get3A_235 = tpu.vector_load %arg10[%get3A_233, %get3A_234] {strides = array<i32>} : memref<2x64xi32, #tpu.memory_space<vmem>>, vector<1x16xi32>,
        %get3A_236 = vector.shape_cast %get3A_235 : vector<1x16xi32> to vector<16xi32>
        %get3A_237 = arith.constant 1 : i32
        %get3A_238 = arith.index_cast %get3A_237 : i32 to index
        %get3A_239 = arith.constant 16 : index
        %get3A_240 = tpu.vector_load %arg11[%get3A_238, %get3A_239] {strides = array<i32>} : memref<2x64xi32, #tpu.memory_space<vmem>>, vector<1x16xi32>,
        %get3A_241 = vector.shape_cast %get3A_240 : vector<1x16xi32> to vector<16xi32>
        %eq3A_242 = arith.cmpi eq, %get3A_236, %get3A_241 : vector<16xi32>
        %jit3A_243 = arith.constant 10000 : i32
        %broadcast_in_dim3A_244 = vector.broadcast %jit3A_243 : i32 to vector<16xi32>
        %select_n3A_245 = arith.select %eq3A_242, %get3A_241, %broadcast_in_dim3A_244 : vector<16xi1>, vector<16xi32>
        %swap3A_246 = arith.constant 1 : i32
        %swap3A_247 = arith.index_cast %swap3A_246 : i32 to index
        %swap3A_248 = arith.constant 16 : index
        %swap3A_249 = tpu.vector_load %arg12[%swap3A_247, %swap3A_248] {strides = array<i32>} : memref<2x64xi32, #tpu.memory_space<vmem>>, vector<1x16xi32>,
        %swap3A_250 = vector.shape_cast %swap3A_249 : vector<1x16xi32> to vector<16xi32>
        %swap3A_251 = vector.shape_cast %select_n3A_245 : vector<16xi32> to vector<1x16xi32>
        tpu.vector_store %arg12[%swap3A_247, %swap3A_248], %swap3A_251 {strides = array<i32>} : memref<2x64xi32, #tpu.memory_space<vmem>>, vector<1x16xi32>,
        %jit3A_252 = arith.constant 10000 : i32
        %broadcast_in_dim3A_253 = vector.broadcast %jit3A_252 : i32 to vector<16xi32>
        %select_n3A_254 = arith.select %eq3A_242, %broadcast_in_dim3A_253, %get3A_241 : vector<16xi1>, vector<16xi32>
        %swap3A_255 = arith.constant 1 : i32
        %swap3A_256 = arith.index_cast %swap3A_255 : i32 to index
        %swap3A_257 = arith.constant 16 : index
        %swap3A_258 = tpu.vector_load %arg11[%swap3A_256, %swap3A_257] {strides = array<i32>} : memref<2x64xi32, #tpu.memory_space<vmem>>, vector<1x16xi32>,
        %swap3A_259 = vector.shape_cast %swap3A_258 : vector<1x16xi32> to vector<16xi32>
        %swap3A_260 = vector.shape_cast %select_n3A_254 : vector<16xi32> to vector<1x16xi32>
        tpu.vector_store %arg11[%swap3A_256, %swap3A_257], %swap3A_260 {strides = array<i32>} : memref<2x64xi32, #tpu.memory_space<vmem>>, vector<1x16xi32>,
        %get3A_261 = arith.constant 1 : i32
        %get3A_262 = arith.index_cast %get3A_261 : i32 to index
        %get3A_263 = arith.constant 32 : index
        %get3A_264 = tpu.vector_load %arg10[%get3A_262, %get3A_263] {strides = array<i32>} : memref<2x64xi32, #tpu.memory_space<vmem>>, vector<1x16xi32>,
        %get3A_265 = vector.shape_cast %get3A_264 : vector<1x16xi32> to vector<16xi32>
        %get3A_266 = arith.constant 1 : i32
        %get3A_267 = arith.index_cast %get3A_266 : i32 to index
        %get3A_268 = arith.constant 32 : index
        %get3A_269 = tpu.vector_load %arg11[%get3A_267, %get3A_268] {strides = array<i32>} : memref<2x64xi32, #tpu.memory_space<vmem>>, vector<1x16xi32>,
        %get3A_270 = vector.shape_cast %get3A_269 : vector<1x16xi32> to vector<16xi32>
        %eq3A_271 = arith.cmpi eq, %get3A_265, %get3A_270 : vector<16xi32>
        %jit3A_272 = arith.constant 10000 : i32
        %broadcast_in_dim3A_273 = vector.broadcast %jit3A_272 : i32 to vector<16xi32>
        %select_n3A_274 = arith.select %eq3A_271, %get3A_270, %broadcast_in_dim3A_273 : vector<16xi1>, vector<16xi32>
        %swap3A_275 = arith.constant 1 : i32
        %swap3A_276 = arith.index_cast %swap3A_275 : i32 to index
        %swap3A_277 = arith.constant 32 : index
        %swap3A_278 = tpu.vector_load %arg12[%swap3A_276, %swap3A_277] {strides = array<i32>} : memref<2x64xi32, #tpu.memory_space<vmem>>, vector<1x16xi32>,
        %swap3A_279 = vector.shape_cast %swap3A_278 : vector<1x16xi32> to vector<16xi32>
        %swap3A_280 = vector.shape_cast %select_n3A_274 : vector<16xi32> to vector<1x16xi32>
        tpu.vector_store %arg12[%swap3A_276, %swap3A_277], %swap3A_280 {strides = array<i32>} : memref<2x64xi32, #tpu.memory_space<vmem>>, vector<1x16xi32>,
        %jit3A_281 = arith.constant 10000 : i32
        %broadcast_in_dim3A_282 = vector.broadcast %jit3A_281 : i32 to vector<16xi32>
        %select_n3A_283 = arith.select %eq3A_271, %broadcast_in_dim3A_282, %get3A_270 : vector<16xi1>, vector<16xi32>
        %swap3A_284 = arith.constant 1 : i32
        %swap3A_285 = arith.index_cast %swap3A_284 : i32 to index
        %swap3A_286 = arith.constant 32 : index
        %swap3A_287 = tpu.vector_load %arg11[%swap3A_285, %swap3A_286] {strides = array<i32>} : memref<2x64xi32, #tpu.memory_space<vmem>>, vector<1x16xi32>,
        %swap3A_288 = vector.shape_cast %swap3A_287 : vector<1x16xi32> to vector<16xi32>
        %swap3A_289 = vector.shape_cast %select_n3A_283 : vector<16xi32> to vector<1x16xi32>
        tpu.vector_store %arg11[%swap3A_285, %swap3A_286], %swap3A_289 {strides = array<i32>} : memref<2x64xi32, #tpu.memory_space<vmem>>, vector<1x16xi32>,
        %get3A_290 = arith.constant 1 : i32
        %get3A_291 = arith.index_cast %get3A_290 : i32 to index
        %get3A_292 = arith.constant 48 : index
        %get3A_293 = tpu.vector_load %arg10[%get3A_291, %get3A_292] {strides = array<i32>} : memref<2x64xi32, #tpu.memory_space<vmem>>, vector<1x16xi32>,
        %get3A_294 = vector.shape_cast %get3A_293 : vector<1x16xi32> to vector<16xi32>
        %get3A_295 = arith.constant 1 : i32
        %get3A_296 = arith.index_cast %get3A_295 : i32 to index
        %get3A_297 = arith.constant 48 : index
        %get3A_298 = tpu.vector_load %arg11[%get3A_296, %get3A_297] {strides = array<i32>} : memref<2x64xi32, #tpu.memory_space<vmem>>, vector<1x16xi32>,
        %get3A_299 = vector.shape_cast %get3A_298 : vector<1x16xi32> to vector<16xi32>
        %eq3A_300 = arith.cmpi eq, %get3A_294, %get3A_299 : vector<16xi32>
        %jit3A_301 = arith.constant 10000 : i32
        %broadcast_in_dim3A_302 = vector.broadcast %jit3A_301 : i32 to vector<16xi32>
        %select_n3A_303 = arith.select %eq3A_300, %get3A_299, %broadcast_in_dim3A_302 : vector<16xi1>, vector<16xi32>
        %swap3A_304 = arith.constant 1 : i32
        %swap3A_305 = arith.index_cast %swap3A_304 : i32 to index
        %swap3A_306 = arith.constant 48 : index
        %swap3A_307 = tpu.vector_load %arg12[%swap3A_305, %swap3A_306] {strides = array<i32>} : memref<2x64xi32, #tpu.memory_space<vmem>>, vector<1x16xi32>,
        %swap3A_308 = vector.shape_cast %swap3A_307 : vector<1x16xi32> to vector<16xi32>
        %swap3A_309 = vector.shape_cast %select_n3A_303 : vector<16xi32> to vector<1x16xi32>
        tpu.vector_store %arg12[%swap3A_305, %swap3A_306], %swap3A_309 {strides = array<i32>} : memref<2x64xi32, #tpu.memory_space<vmem>>, vector<1x16xi32>,
        %jit3A_310 = arith.constant 10000 : i32
        %broadcast_in_dim3A_311 = vector.broadcast %jit3A_310 : i32 to vector<16xi32>
        %select_n3A_312 = arith.select %eq3A_300, %broadcast_in_dim3A_311, %get3A_299 : vector<16xi1>, vector<16xi32>
        %swap3A_313 = arith.constant 1 : i32
        %swap3A_314 = arith.index_cast %swap3A_313 : i32 to index
        %swap3A_315 = arith.constant 48 : index
        %swap3A_316 = tpu.vector_load %arg11[%swap3A_314, %swap3A_315] {strides = array<i32>} : memref<2x64xi32, #tpu.memory_space<vmem>>, vector<1x16xi32>,
        %swap3A_317 = vector.shape_cast %swap3A_316 : vector<1x16xi32> to vector<16xi32>
        %swap3A_318 = vector.shape_cast %select_n3A_312 : vector<16xi32> to vector<1x16xi32>
        tpu.vector_store %arg11[%swap3A_314, %swap3A_315], %swap3A_318 {strides = array<i32>} : memref<2x64xi32, #tpu.memory_space<vmem>>, vector<1x16xi32>,
        %run_scoped3A_319 = arith.constant 1 : i32
        "tpu.region"() ({
          %run_scoped3A_322 = tpu.sem_alloc : memref<!tpu.dma_semaphore, #tpu.memory_space<semaphore_mem>>
          %dma_start3A = arith.constant 0 : i32
          %dma_start3A_323 = tpu.memref_slice %arg11[%run_scoped3A_319, %dma_start3A] : memref<2x64xi32, #tpu.memory_space<vmem>> -> memref<1x64xi32, #tpu.memory_space<vmem>>
          %dma_start3A_324 = tpu.memref_squeeze %dma_start3A_323 : memref<1x64xi32, #tpu.memory_space<vmem>> -> memref<64xi32, #tpu.memory_space<vmem>>
          %dma_start3A_325 = arith.constant 0 : i32
          %dma_start3A_326 = arith.constant 0 : i32
          %dma_start3A_327 = tpu.memref_slice %arg14[%dma_start3A_325, %dma_start3A_326] : memref<10240x16xf32, #tpu.memory_space<vmem_shared>> -> memref<10240x16xf32, #tpu.memory_space<vmem_shared>>
          tpu.enqueue_indirect_dma source(%arg13 : memref<64x16xf32, #tpu.memory_space<vmem>>) target(%dma_start3A_327 : memref<10240x16xf32, #tpu.memory_space<vmem_shared>>) offsets(%dma_start3A_324 : memref<64xi32, #tpu.memory_space<vmem>>) semaphore(%run_scoped3A_322 : memref<!tpu.dma_semaphore, #tpu.memory_space<semaphore_mem>>) {add = true}
          %dma_wait3A = arith.constant 0 : i32
          %dma_wait3A_328 = tpu.memref_slice %arg11[%run_scoped3A_319, %dma_wait3A] : memref<2x64xi32, #tpu.memory_space<vmem>> -> memref<1x64xi32, #tpu.memory_space<vmem>>
          %dma_wait3A_329 = tpu.memref_squeeze %dma_wait3A_328 : memref<1x64xi32, #tpu.memory_space<vmem>> -> memref<64xi32, #tpu.memory_space<vmem>>
          %dma_wait3A_330 = arith.constant 0 : i32
          %dma_wait3A_331 = arith.constant 0 : i32
          %dma_wait3A_332 = tpu.memref_slice %arg14[%dma_wait3A_330, %dma_wait3A_331] : memref<10240x16xf32, #tpu.memory_space<vmem_shared>> -> memref<10240x16xf32, #tpu.memory_space<vmem_shared>>
          tpu.wait_indirect_dma semaphore(%run_scoped3A_322 : memref<!tpu.dma_semaphore, #tpu.memory_space<semaphore_mem>>) src(%arg13 : memref<64x16xf32, #tpu.memory_space<vmem>>) dst(%dma_wait3A_332 : memref<10240x16xf32, #tpu.memory_space<vmem_shared>>)
          tpu.yield
        }) : () -> ()
        %run_scoped3A_320 = arith.constant 1 : i32
        "tpu.region"() ({
          %run_scoped3A_322 = tpu.sem_alloc : memref<!tpu.dma_semaphore, #tpu.memory_space<semaphore_mem>>
          %dma_start3A = arith.constant 0 : i32
          %dma_start3A_323 = tpu.memref_slice %arg12[%run_scoped3A_320, %dma_start3A] : memref<2x64xi32, #tpu.memory_space<vmem>> -> memref<1x64xi32, #tpu.memory_space<vmem>>
          %dma_start3A_324 = tpu.memref_squeeze %dma_start3A_323 : memref<1x64xi32, #tpu.memory_space<vmem>> -> memref<64xi32, #tpu.memory_space<vmem>>
          %dma_start3A_325 = arith.constant 0 : i32
          %dma_start3A_326 = arith.constant 0 : i32
          %dma_start3A_327 = tpu.memref_slice %arg16[%dma_start3A_325, %dma_start3A_326] : memref<10240x16xf32, #tpu.memory_space<vmem_shared>> -> memref<10240x16xf32, #tpu.memory_space<vmem_shared>>
          tpu.enqueue_indirect_dma source(%arg13 : memref<64x16xf32, #tpu.memory_space<vmem>>) target(%dma_start3A_327 : memref<10240x16xf32, #tpu.memory_space<vmem_shared>>) offsets(%dma_start3A_324 : memref<64xi32, #tpu.memory_space<vmem>>) semaphore(%run_scoped3A_322 : memref<!tpu.dma_semaphore, #tpu.memory_space<semaphore_mem>>) {add = true}
          %dma_wait3A = arith.constant 0 : i32
          %dma_wait3A_328 = tpu.memref_slice %arg12[%run_scoped3A_320, %dma_wait3A] : memref<2x64xi32, #tpu.memory_space<vmem>> -> memref<1x64xi32, #tpu.memory_space<vmem>>
          %dma_wait3A_329 = tpu.memref_squeeze %dma_wait3A_328 : memref<1x64xi32, #tpu.memory_space<vmem>> -> memref<64xi32, #tpu.memory_space<vmem>>
          %dma_wait3A_330 = arith.constant 0 : i32
          %dma_wait3A_331 = arith.constant 0 : i32
          %dma_wait3A_332 = tpu.memref_slice %arg16[%dma_wait3A_330, %dma_wait3A_331] : memref<10240x16xf32, #tpu.memory_space<vmem_shared>> -> memref<10240x16xf32, #tpu.memory_space<vmem_shared>>
          tpu.wait_indirect_dma semaphore(%run_scoped3A_322 : memref<!tpu.dma_semaphore, #tpu.memory_space<semaphore_mem>>) src(%arg13 : memref<64x16xf32, #tpu.memory_space<vmem>>) dst(%dma_wait3A_332 : memref<10240x16xf32, #tpu.memory_space<vmem_shared>>)
          tpu.yield
        }) : () -> ()
        %scan3A_321 = arith.constant 0 : i32
        scf.yield %scan3A_321 : i32
      }
      %scan3A_83 = arith.constant 80 : i32
    } else {
    }
    %eq3A_62 = arith.constant 1 : i32
    %eq3A_63 = arith.cmpi eq, %arg0, %eq3A_62 : i32
    %convert_element_type3A_64 = arith.extui %eq3A_63 : i1 to i32
    %cond3A_65 = arith.constant 0 : i32
    %cond3A_66 = arith.cmpi ne, %convert_element_type3A_64, %cond3A_65 : i32
    scf.if %cond3A_66 {
      %scan3A = arith.constant 0 : i32
      %scan3A_78 = arith.constant 0 : i32
      %scan3A_79 = arith.constant 28 : i32
      %scan3A_80 = arith.addi %scan3A_78, %scan3A_79 : i32
      %scan3A_81 = arith.constant 1 : i32
      %scan3A_82 = scf.for %scan3A_84 = %scan3A_78 to %scan3A_80 step %scan3A_81 iter_args(%scan3A_85 = %scan3A) -> (i32)  : i32 {
        %mul3A_86 = arith.constant 28 : i32
        %mul3A_87 = arith.muli %arg1, %mul3A_86 : i32
        %add3A_88 = arith.addi %mul3A_87, %scan3A_84 : i32
        %mul3A_89 = arith.constant 2 : i32
        %mul3A_90 = arith.muli %add3A_88, %mul3A_89 : i32
        "tpu.region"() ({
          %run_scoped3A_93 = tpu.sem_alloc : memref<!tpu.dma_semaphore, #tpu.memory_space<semaphore_mem>>
          %dma_start3A = arith.constant 0 : i32
          %dma_start3A_94 = tpu.memref_slice %arg4[%mul3A_90, %dma_start3A] : memref<896x64xi32, #tpu.memory_space<hbm>> -> memref<2x64xi32, #tpu.memory_space<hbm>>
          %dma_start3A_95 = arith.constant 0 : i32
          %dma_start3A_96 = tpu.memref_slice %arg4[%mul3A_90, %dma_start3A_95] : memref<896x64xi32, #tpu.memory_space<hbm>> -> memref<2x64xi32, #tpu.memory_space<hbm>>
          tpu.enqueue_dma source(%dma_start3A_96 : memref<2x64xi32, #tpu.memory_space<hbm>>) target(%arg11 : memref<2x64xi32, #tpu.memory_space<vmem>>) target_semaphore(%run_scoped3A_93 : memref<!tpu.dma_semaphore, #tpu.memory_space<semaphore_mem>>)
          %dma_wait3A = arith.constant 0 : i32
          %dma_wait3A_97 = tpu.memref_slice %arg4[%mul3A_90, %dma_wait3A] : memref<896x64xi32, #tpu.memory_space<hbm>> -> memref<2x64xi32, #tpu.memory_space<hbm>>
          %dma_wait3A_98 = arith.constant 0 : i32
          %dma_wait3A_99 = tpu.memref_slice %arg4[%mul3A_90, %dma_wait3A_98] : memref<896x64xi32, #tpu.memory_space<hbm>> -> memref<2x64xi32, #tpu.memory_space<hbm>>
          tpu.wait_dma2 semaphore(%run_scoped3A_93 : memref<!tpu.dma_semaphore, #tpu.memory_space<semaphore_mem>>) src(%dma_wait3A_99 : memref<2x64xi32, #tpu.memory_space<hbm>>) dst(%arg11 : memref<2x64xi32, #tpu.memory_space<vmem>>)
          tpu.yield
        }) : () -> ()
        %run_scoped3A = arith.constant 0 : i32
        "tpu.region"() ({
          %run_scoped3A_93 = tpu.sem_alloc : memref<!tpu.dma_semaphore, #tpu.memory_space<semaphore_mem>>
          %dma_start3A = arith.constant 0 : i32
          %dma_start3A_94 = tpu.memref_slice %arg11[%run_scoped3A, %dma_start3A] : memref<2x64xi32, #tpu.memory_space<vmem>> -> memref<1x64xi32, #tpu.memory_space<vmem>>
          %dma_start3A_95 = tpu.memref_squeeze %dma_start3A_94 : memref<1x64xi32, #tpu.memory_space<vmem>> -> memref<64xi32, #tpu.memory_space<vmem>>
          %dma_start3A_96 = arith.constant 0 : i32
          %dma_start3A_97 = arith.constant 0 : i32
          %dma_start3A_98 = tpu.memref_slice %arg15[%dma_start3A_96, %dma_start3A_97] : memref<10240x16xf32, #tpu.memory_space<vmem_shared>> -> memref<10240x16xf32, #tpu.memory_space<vmem_shared>>
          tpu.enqueue_indirect_dma source(%arg13 : memref<64x16xf32, #tpu.memory_space<vmem>>) target(%dma_start3A_98 : memref<10240x16xf32, #tpu.memory_space<vmem_shared>>) offsets(%dma_start3A_95 : memref<64xi32, #tpu.memory_space<vmem>>) semaphore(%run_scoped3A_93 : memref<!tpu.dma_semaphore, #tpu.memory_space<semaphore_mem>>) {add = true}
          %dma_wait3A = arith.constant 0 : i32
          %dma_wait3A_99 = tpu.memref_slice %arg11[%run_scoped3A, %dma_wait3A] : memref<2x64xi32, #tpu.memory_space<vmem>> -> memref<1x64xi32, #tpu.memory_space<vmem>>
          %dma_wait3A_100 = tpu.memref_squeeze %dma_wait3A_99 : memref<1x64xi32, #tpu.memory_space<vmem>> -> memref<64xi32, #tpu.memory_space<vmem>>
          %dma_wait3A_101 = arith.constant 0 : i32
          %dma_wait3A_102 = arith.constant 0 : i32
          %dma_wait3A_103 = tpu.memref_slice %arg15[%dma_wait3A_101, %dma_wait3A_102] : memref<10240x16xf32, #tpu.memory_space<vmem_shared>> -> memref<10240x16xf32, #tpu.memory_space<vmem_shared>>
          tpu.wait_indirect_dma semaphore(%run_scoped3A_93 : memref<!tpu.dma_semaphore, #tpu.memory_space<semaphore_mem>>) src(%arg13 : memref<64x16xf32, #tpu.memory_space<vmem>>) dst(%dma_wait3A_103 : memref<10240x16xf32, #tpu.memory_space<vmem_shared>>)
          tpu.yield
        }) : () -> ()
        %run_scoped3A_91 = arith.constant 1 : i32
        "tpu.region"() ({
          %run_scoped3A_93 = tpu.sem_alloc : memref<!tpu.dma_semaphore, #tpu.memory_space<semaphore_mem>>
          %dma_start3A = arith.constant 0 : i32
          %dma_start3A_94 = tpu.memref_slice %arg11[%run_scoped3A_91, %dma_start3A] : memref<2x64xi32, #tpu.memory_space<vmem>> -> memref<1x64xi32, #tpu.memory_space<vmem>>
          %dma_start3A_95 = tpu.memref_squeeze %dma_start3A_94 : memref<1x64xi32, #tpu.memory_space<vmem>> -> memref<64xi32, #tpu.memory_space<vmem>>
          %dma_start3A_96 = arith.constant 0 : i32
          %dma_start3A_97 = arith.constant 0 : i32
          %dma_start3A_98 = tpu.memref_slice %arg15[%dma_start3A_96, %dma_start3A_97] : memref<10240x16xf32, #tpu.memory_space<vmem_shared>> -> memref<10240x16xf32, #tpu.memory_space<vmem_shared>>
          tpu.enqueue_indirect_dma source(%arg13 : memref<64x16xf32, #tpu.memory_space<vmem>>) target(%dma_start3A_98 : memref<10240x16xf32, #tpu.memory_space<vmem_shared>>) offsets(%dma_start3A_95 : memref<64xi32, #tpu.memory_space<vmem>>) semaphore(%run_scoped3A_93 : memref<!tpu.dma_semaphore, #tpu.memory_space<semaphore_mem>>) {add = true}
          %dma_wait3A = arith.constant 0 : i32
          %dma_wait3A_99 = tpu.memref_slice %arg11[%run_scoped3A_91, %dma_wait3A] : memref<2x64xi32, #tpu.memory_space<vmem>> -> memref<1x64xi32, #tpu.memory_space<vmem>>
          %dma_wait3A_100 = tpu.memref_squeeze %dma_wait3A_99 : memref<1x64xi32, #tpu.memory_space<vmem>> -> memref<64xi32, #tpu.memory_space<vmem>>
          %dma_wait3A_101 = arith.constant 0 : i32
          %dma_wait3A_102 = arith.constant 0 : i32
          %dma_wait3A_103 = tpu.memref_slice %arg15[%dma_wait3A_101, %dma_wait3A_102] : memref<10240x16xf32, #tpu.memory_space<vmem_shared>> -> memref<10240x16xf32, #tpu.memory_space<vmem_shared>>
          tpu.wait_indirect_dma semaphore(%run_scoped3A_93 : memref<!tpu.dma_semaphore, #tpu.memory_space<semaphore_mem>>) src(%arg13 : memref<64x16xf32, #tpu.memory_space<vmem>>) dst(%dma_wait3A_103 : memref<10240x16xf32, #tpu.memory_space<vmem_shared>>)
          tpu.yield
        }) : () -> ()
        %scan3A_92 = arith.constant 0 : i32
        scf.yield %scan3A_92 : i32
      }
      %scan3A_83 = arith.constant 28 : i32
    } else {
    }
    %barrier3A_67 = arith.constant 0 : index
    tpu.barrier barrier_id(%barrier3A_67)
    %eq3A_68 = arith.constant 0 : i32
    %eq3A_69 = arith.cmpi eq, %arg0, %eq3A_68 : i32
    %convert_element_type3A_70 = arith.extui %eq3A_69 : i1 to i32
    %cond3A_71 = arith.constant 0 : i32
    %cond3A_72 = arith.cmpi ne, %convert_element_type3A_70, %cond3A_71 : i32
    scf.if %cond3A_72 {
      "tpu.region"() ({
        %run_scoped3A = tpu.sem_alloc : memref<!tpu.dma_semaphore, #tpu.memory_space<semaphore_mem>>
        %dma_start3A = arith.constant 0 : i32
        %dma_start3A_78 = tpu.memref_slice %arg7[%mul3A_0, %dma_start3A] : memref<10240x16xf32, #tpu.memory_space<hbm>> -> memref<640x16xf32, #tpu.memory_space<hbm>>
        %dma_start3A_79 = arith.constant 0 : i32
        %dma_start3A_80 = tpu.memref_slice %arg14[%mul3A_0, %dma_start3A_79] : memref<10240x16xf32, #tpu.memory_space<vmem_shared>> -> memref<640x16xf32, #tpu.memory_space<vmem_shared>>
        tpu.enqueue_dma source(%dma_start3A_80 : memref<640x16xf32, #tpu.memory_space<vmem_shared>>) target(%dma_start3A_78 : memref<640x16xf32, #tpu.memory_space<hbm>>) target_semaphore(%run_scoped3A : memref<!tpu.dma_semaphore, #tpu.memory_space<semaphore_mem>>)
        %dma_wait3A = arith.constant 0 : i32
        %dma_wait3A_81 = tpu.memref_slice %arg7[%mul3A_0, %dma_wait3A] : memref<10240x16xf32, #tpu.memory_space<hbm>> -> memref<640x16xf32, #tpu.memory_space<hbm>>
        %dma_wait3A_82 = arith.constant 0 : i32
        %dma_wait3A_83 = tpu.memref_slice %arg14[%mul3A_0, %dma_wait3A_82] : memref<10240x16xf32, #tpu.memory_space<vmem_shared>> -> memref<640x16xf32, #tpu.memory_space<vmem_shared>>
        tpu.wait_dma2 semaphore(%run_scoped3A : memref<!tpu.dma_semaphore, #tpu.memory_space<semaphore_mem>>) src(%dma_wait3A_83 : memref<640x16xf32, #tpu.memory_space<vmem_shared>>) dst(%dma_wait3A_81 : memref<640x16xf32, #tpu.memory_space<hbm>>)
        tpu.yield
      }) : () -> ()
      "tpu.region"() ({
        %run_scoped3A = tpu.sem_alloc : memref<!tpu.dma_semaphore, #tpu.memory_space<semaphore_mem>>
        %dma_start3A = arith.constant 0 : i32
        %dma_start3A_78 = tpu.memref_slice %arg9[%mul3A_0, %dma_start3A] : memref<10240x16xf32, #tpu.memory_space<hbm>> -> memref<640x16xf32, #tpu.memory_space<hbm>>
        %dma_start3A_79 = arith.constant 0 : i32
        %dma_start3A_80 = tpu.memref_slice %arg16[%mul3A_0, %dma_start3A_79] : memref<10240x16xf32, #tpu.memory_space<vmem_shared>> -> memref<640x16xf32, #tpu.memory_space<vmem_shared>>
        tpu.enqueue_dma source(%dma_start3A_80 : memref<640x16xf32, #tpu.memory_space<vmem_shared>>) target(%dma_start3A_78 : memref<640x16xf32, #tpu.memory_space<hbm>>) target_semaphore(%run_scoped3A : memref<!tpu.dma_semaphore, #tpu.memory_space<semaphore_mem>>)
        %dma_wait3A = arith.constant 0 : i32
        %dma_wait3A_81 = tpu.memref_slice %arg9[%mul3A_0, %dma_wait3A] : memref<10240x16xf32, #tpu.memory_space<hbm>> -> memref<640x16xf32, #tpu.memory_space<hbm>>
        %dma_wait3A_82 = arith.constant 0 : i32
        %dma_wait3A_83 = tpu.memref_slice %arg16[%mul3A_0, %dma_wait3A_82] : memref<10240x16xf32, #tpu.memory_space<vmem_shared>> -> memref<640x16xf32, #tpu.memory_space<vmem_shared>>
        tpu.wait_dma2 semaphore(%run_scoped3A : memref<!tpu.dma_semaphore, #tpu.memory_space<semaphore_mem>>) src(%dma_wait3A_83 : memref<640x16xf32, #tpu.memory_space<vmem_shared>>) dst(%dma_wait3A_81 : memref<640x16xf32, #tpu.memory_space<hbm>>)
        tpu.yield
      }) : () -> ()
    } else {
    }
    %eq3A_73 = arith.constant 1 : i32
    %eq3A_74 = arith.cmpi eq, %arg0, %eq3A_73 : i32
    %convert_element_type3A_75 = arith.extui %eq3A_74 : i1 to i32
    %cond3A_76 = arith.constant 0 : i32
    %cond3A_77 = arith.cmpi ne, %convert_element_type3A_75, %cond3A_76 : i32
    scf.if %cond3A_77 {
      "tpu.region"() ({
        %run_scoped3A = tpu.sem_alloc : memref<!tpu.dma_semaphore, #tpu.memory_space<semaphore_mem>>
        %dma_start3A = arith.constant 0 : i32
        %dma_start3A_78 = tpu.memref_slice %arg8[%mul3A_0, %dma_start3A] : memref<10240x16xf32, #tpu.memory_space<hbm>> -> memref<640x16xf32, #tpu.memory_space<hbm>>
        %dma_start3A_79 = arith.constant 0 : i32
        %dma_start3A_80 = tpu.memref_slice %arg15[%mul3A_0, %dma_start3A_79] : memref<10240x16xf32, #tpu.memory_space<vmem_shared>> -> memref<640x16xf32, #tpu.memory_space<vmem_shared>>
        tpu.enqueue_dma source(%dma_start3A_80 : memref<640x16xf32, #tpu.memory_space<vmem_shared>>) target(%dma_start3A_78 : memref<640x16xf32, #tpu.memory_space<hbm>>) target_semaphore(%run_scoped3A : memref<!tpu.dma_semaphore, #tpu.memory_space<semaphore_mem>>)
        %dma_wait3A = arith.constant 0 : i32
        %dma_wait3A_81 = tpu.memref_slice %arg8[%mul3A_0, %dma_wait3A] : memref<10240x16xf32, #tpu.memory_space<hbm>> -> memref<640x16xf32, #tpu.memory_space<hbm>>
        %dma_wait3A_82 = arith.constant 0 : i32
        %dma_wait3A_83 = tpu.memref_slice %arg15[%mul3A_0, %dma_wait3A_82] : memref<10240x16xf32, #tpu.memory_space<vmem_shared>> -> memref<640x16xf32, #tpu.memory_space<vmem_shared>>
        tpu.wait_dma2 semaphore(%run_scoped3A : memref<!tpu.dma_semaphore, #tpu.memory_space<semaphore_mem>>) src(%dma_wait3A_83 : memref<640x16xf32, #tpu.memory_space<vmem_shared>>) dst(%dma_wait3A_81 : memref<640x16xf32, #tpu.memory_space<hbm>>)
        tpu.yield
      }) : () -> ()
    } else {
    }
    return
  }
}

#map = affine_map<(d0, d1) -> (0, 0)>
#map1 = affine_map<(d0, d1) -> (0, 0, 0)>
module attributes {stable_mosaic.version = 14 : i64} {
  func.func @k(%arg0: i32, %arg1: i32, %arg2: memref<10240x128xf32, #tpu.memory_space<hbm>>, %arg3: memref<10240x128xf32, #tpu.memory_space<hbm>>, %arg4: memref<2560x64xi32, #tpu.memory_space<hbm>>, %arg5: memref<2560x64xi32, #tpu.memory_space<hbm>>, %arg6: memref<896x64xi32, #tpu.memory_space<hbm>>, %arg7: memref<896x64xi32, #tpu.memory_space<hbm>>, %arg8: memref<640x128xf32, #tpu.memory_space<hbm>>, %arg9: memref<2x10240x128xf32, #tpu.memory_space<hbm>>, %arg10: memref<2x64xi32, #tpu.memory_space<vmem>>, %arg11: memref<2x64xi32, #tpu.memory_space<vmem>>, %arg12: memref<2x64x128xf32, #tpu.memory_space<vmem>>, %arg13: memref<10240x128xf32, #tpu.memory_space<vmem_shared>>, %arg14: memref<!tpu.dma_semaphore, #tpu.memory_space<semaphore_mem>>) attributes {dimension_semantics = [#tpu.dimension_semantics<core_parallel>, #tpu.dimension_semantics<subcore_parallel>], iteration_bounds = array<i64: 2, 16>, scalar_prefetch = 0 : i64, scratch_operands = 5 : i64, tpu.core_type = #tpu.core_type<sc_vector_subcore>, window_params = [{transform_indices = #map}, {transform_indices = #map}, {transform_indices = #map}, {transform_indices = #map}, {transform_indices = #map}, {transform_indices = #map}, {transform_indices = #map}, {transform_indices = #map1}]} {
    %mul3A = arith.constant 640 : i32
    %mul3A_0 = arith.muli %arg1, %mul3A : i32
    "tpu.region"() ({
      %run_scoped3A = tpu.sem_alloc : memref<!tpu.dma_semaphore, #tpu.memory_space<semaphore_mem>>
      %dma_start3A = arith.constant 0 : i32
      %dma_start3A_13 = tpu.memref_slice %arg13[%mul3A_0, %dma_start3A] : memref<10240x128xf32, #tpu.memory_space<vmem_shared>> -> memref<640x128xf32, #tpu.memory_space<vmem_shared>>
      tpu.enqueue_dma source(%arg8 : memref<640x128xf32, #tpu.memory_space<hbm>>) target(%dma_start3A_13 : memref<640x128xf32, #tpu.memory_space<vmem_shared>>) target_semaphore(%run_scoped3A : memref<!tpu.dma_semaphore, #tpu.memory_space<semaphore_mem>>)
      %dma_wait3A = arith.constant 0 : i32
      %dma_wait3A_14 = tpu.memref_slice %arg13[%mul3A_0, %dma_wait3A] : memref<10240x128xf32, #tpu.memory_space<vmem_shared>> -> memref<640x128xf32, #tpu.memory_space<vmem_shared>>
      tpu.wait_dma2 semaphore(%run_scoped3A : memref<!tpu.dma_semaphore, #tpu.memory_space<semaphore_mem>>) src(%arg8 : memref<640x128xf32, #tpu.memory_space<hbm>>) dst(%dma_wait3A_14 : memref<640x128xf32, #tpu.memory_space<vmem_shared>>)
      tpu.yield
    }) : () -> ()
    %barrier3A = arith.constant 0 : index
    tpu.barrier barrier_id(%barrier3A)
    %eq3A = arith.constant 0 : i32
    %eq3A_1 = arith.cmpi eq, %arg0, %eq3A : i32
    %convert_element_type3A = arith.extui %eq3A_1 : i1 to i32
    %cond3A = arith.constant 0 : i32
    %cond3A_2 = arith.cmpi ne, %convert_element_type3A, %cond3A : i32
    scf.if %cond3A_2 {
      %mul3A_13 = arith.constant 108 : i32
      %mul3A_14 = arith.muli %arg1, %mul3A_13 : i32
      %scan3A = arith.constant 0 : i32
      %scan3A_15 = arith.constant 0 : i32
      %scan3A_16 = arith.constant 54 : i32
      %scan3A_17 = arith.addi %scan3A_15, %scan3A_16 : i32
      %scan3A_18 = arith.constant 1 : i32
      %scan3A_19 = scf.for %scan3A_21 = %scan3A_15 to %scan3A_17 step %scan3A_18 iter_args(%scan3A_22 = %scan3A) -> (i32)  : i32 {
        %mul3A_23 = arith.constant 2 : i32
        %mul3A_24 = arith.muli %scan3A_21, %mul3A_23 : i32
        %add3A = arith.addi %mul3A_14, %mul3A_24 : i32
        "tpu.region"() ({
          %run_scoped3A_230 = tpu.sem_alloc : memref<!tpu.dma_semaphore, #tpu.memory_space<semaphore_mem>>
          %dma_start3A_231 = arith.constant 0 : i32
          %dma_start3A_232 = tpu.memref_slice %arg4[%add3A, %dma_start3A_231] : memref<2560x64xi32, #tpu.memory_space<hbm>> -> memref<2x64xi32, #tpu.memory_space<hbm>>
          %dma_start3A_233 = arith.constant 0 : i32
          %dma_start3A_234 = tpu.memref_slice %arg4[%add3A, %dma_start3A_233] : memref<2560x64xi32, #tpu.memory_space<hbm>> -> memref<2x64xi32, #tpu.memory_space<hbm>>
          tpu.enqueue_dma source(%dma_start3A_234 : memref<2x64xi32, #tpu.memory_space<hbm>>) target(%arg10 : memref<2x64xi32, #tpu.memory_space<vmem>>) target_semaphore(%run_scoped3A_230 : memref<!tpu.dma_semaphore, #tpu.memory_space<semaphore_mem>>)
          %dma_wait3A_235 = arith.constant 0 : i32
          %dma_wait3A_236 = tpu.memref_slice %arg4[%add3A, %dma_wait3A_235] : memref<2560x64xi32, #tpu.memory_space<hbm>> -> memref<2x64xi32, #tpu.memory_space<hbm>>
          %dma_wait3A_237 = arith.constant 0 : i32
          %dma_wait3A_238 = tpu.memref_slice %arg4[%add3A, %dma_wait3A_237] : memref<2560x64xi32, #tpu.memory_space<hbm>> -> memref<2x64xi32, #tpu.memory_space<hbm>>
          tpu.wait_dma2 semaphore(%run_scoped3A_230 : memref<!tpu.dma_semaphore, #tpu.memory_space<semaphore_mem>>) src(%dma_wait3A_238 : memref<2x64xi32, #tpu.memory_space<hbm>>) dst(%arg10 : memref<2x64xi32, #tpu.memory_space<vmem>>)
          tpu.yield
        }) : () -> ()
        "tpu.region"() ({
          %run_scoped3A_230 = tpu.sem_alloc : memref<!tpu.dma_semaphore, #tpu.memory_space<semaphore_mem>>
          %dma_start3A_231 = arith.constant 0 : i32
          %dma_start3A_232 = tpu.memref_slice %arg5[%add3A, %dma_start3A_231] : memref<2560x64xi32, #tpu.memory_space<hbm>> -> memref<2x64xi32, #tpu.memory_space<hbm>>
          %dma_start3A_233 = arith.constant 0 : i32
          %dma_start3A_234 = tpu.memref_slice %arg5[%add3A, %dma_start3A_233] : memref<2560x64xi32, #tpu.memory_space<hbm>> -> memref<2x64xi32, #tpu.memory_space<hbm>>
          tpu.enqueue_dma source(%dma_start3A_234 : memref<2x64xi32, #tpu.memory_space<hbm>>) target(%arg11 : memref<2x64xi32, #tpu.memory_space<vmem>>) target_semaphore(%run_scoped3A_230 : memref<!tpu.dma_semaphore, #tpu.memory_space<semaphore_mem>>)
          %dma_wait3A_235 = arith.constant 0 : i32
          %dma_wait3A_236 = tpu.memref_slice %arg5[%add3A, %dma_wait3A_235] : memref<2560x64xi32, #tpu.memory_space<hbm>> -> memref<2x64xi32, #tpu.memory_space<hbm>>
          %dma_wait3A_237 = arith.constant 0 : i32
          %dma_wait3A_238 = tpu.memref_slice %arg5[%add3A, %dma_wait3A_237] : memref<2560x64xi32, #tpu.memory_space<hbm>> -> memref<2x64xi32, #tpu.memory_space<hbm>>
          tpu.wait_dma2 semaphore(%run_scoped3A_230 : memref<!tpu.dma_semaphore, #tpu.memory_space<semaphore_mem>>) src(%dma_wait3A_238 : memref<2x64xi32, #tpu.memory_space<hbm>>) dst(%arg11 : memref<2x64xi32, #tpu.memory_space<vmem>>)
          tpu.yield
        }) : () -> ()
        %get3A = arith.constant 0 : i32
        %get3A_25 = arith.index_cast %get3A : i32 to index
        %get3A_26 = arith.constant 0 : index
        %get3A_27 = tpu.vector_load %arg10[%get3A_25, %get3A_26] {strides = array<i32>} : memref<2x64xi32, #tpu.memory_space<vmem>>, vector<1x16xi32>,
        %get3A_28 = vector.shape_cast %get3A_27 : vector<1x16xi32> to vector<16xi32>
        %get3A_29 = arith.constant 0 : i32
        %get3A_30 = arith.index_cast %get3A_29 : i32 to index
        %get3A_31 = arith.constant 0 : index
        %get3A_32 = tpu.vector_load %arg11[%get3A_30, %get3A_31] {strides = array<i32>} : memref<2x64xi32, #tpu.memory_space<vmem>>, vector<1x16xi32>,
        %get3A_33 = vector.shape_cast %get3A_32 : vector<1x16xi32> to vector<16xi32>
        %eq3A_34 = arith.cmpi eq, %get3A_28, %get3A_33 : vector<16xi32>
        %jit3A = arith.constant 10000 : i32
        %broadcast_in_dim3A = vector.broadcast %jit3A : i32 to vector<16xi32>
        %select_n3A = arith.select %eq3A_34, %broadcast_in_dim3A, %get3A_33 : vector<16xi1>, vector<16xi32>
        %swap3A = arith.constant 0 : i32
        %swap3A_35 = arith.index_cast %swap3A : i32 to index
        %swap3A_36 = arith.constant 0 : index
        %swap3A_37 = tpu.vector_load %arg11[%swap3A_35, %swap3A_36] {strides = array<i32>} : memref<2x64xi32, #tpu.memory_space<vmem>>, vector<1x16xi32>,
        %swap3A_38 = vector.shape_cast %swap3A_37 : vector<1x16xi32> to vector<16xi32>
        %swap3A_39 = vector.shape_cast %select_n3A : vector<16xi32> to vector<1x16xi32>
        tpu.vector_store %arg11[%swap3A_35, %swap3A_36], %swap3A_39 {strides = array<i32>} : memref<2x64xi32, #tpu.memory_space<vmem>>, vector<1x16xi32>,
        %get3A_40 = arith.constant 0 : i32
        %get3A_41 = arith.index_cast %get3A_40 : i32 to index
        %get3A_42 = arith.constant 16 : index
        %get3A_43 = tpu.vector_load %arg10[%get3A_41, %get3A_42] {strides = array<i32>} : memref<2x64xi32, #tpu.memory_space<vmem>>, vector<1x16xi32>,
        %get3A_44 = vector.shape_cast %get3A_43 : vector<1x16xi32> to vector<16xi32>
        %get3A_45 = arith.constant 0 : i32
        %get3A_46 = arith.index_cast %get3A_45 : i32 to index
        %get3A_47 = arith.constant 16 : index
        %get3A_48 = tpu.vector_load %arg11[%get3A_46, %get3A_47] {strides = array<i32>} : memref<2x64xi32, #tpu.memory_space<vmem>>, vector<1x16xi32>,
        %get3A_49 = vector.shape_cast %get3A_48 : vector<1x16xi32> to vector<16xi32>
        %eq3A_50 = arith.cmpi eq, %get3A_44, %get3A_49 : vector<16xi32>
        %jit3A_51 = arith.constant 10000 : i32
        %broadcast_in_dim3A_52 = vector.broadcast %jit3A_51 : i32 to vector<16xi32>
        %select_n3A_53 = arith.select %eq3A_50, %broadcast_in_dim3A_52, %get3A_49 : vector<16xi1>, vector<16xi32>
        %swap3A_54 = arith.constant 0 : i32
        %swap3A_55 = arith.index_cast %swap3A_54 : i32 to index
        %swap3A_56 = arith.constant 16 : index
        %swap3A_57 = tpu.vector_load %arg11[%swap3A_55, %swap3A_56] {strides = array<i32>} : memref<2x64xi32, #tpu.memory_space<vmem>>, vector<1x16xi32>,
        %swap3A_58 = vector.shape_cast %swap3A_57 : vector<1x16xi32> to vector<16xi32>
        %swap3A_59 = vector.shape_cast %select_n3A_53 : vector<16xi32> to vector<1x16xi32>
        tpu.vector_store %arg11[%swap3A_55, %swap3A_56], %swap3A_59 {strides = array<i32>} : memref<2x64xi32, #tpu.memory_space<vmem>>, vector<1x16xi32>,
        %get3A_60 = arith.constant 0 : i32
        %get3A_61 = arith.index_cast %get3A_60 : i32 to index
        %get3A_62 = arith.constant 32 : index
        %get3A_63 = tpu.vector_load %arg10[%get3A_61, %get3A_62] {strides = array<i32>} : memref<2x64xi32, #tpu.memory_space<vmem>>, vector<1x16xi32>,
        %get3A_64 = vector.shape_cast %get3A_63 : vector<1x16xi32> to vector<16xi32>
        %get3A_65 = arith.constant 0 : i32
        %get3A_66 = arith.index_cast %get3A_65 : i32 to index
        %get3A_67 = arith.constant 32 : index
        %get3A_68 = tpu.vector_load %arg11[%get3A_66, %get3A_67] {strides = array<i32>} : memref<2x64xi32, #tpu.memory_space<vmem>>, vector<1x16xi32>,
        %get3A_69 = vector.shape_cast %get3A_68 : vector<1x16xi32> to vector<16xi32>
        %eq3A_70 = arith.cmpi eq, %get3A_64, %get3A_69 : vector<16xi32>
        %jit3A_71 = arith.constant 10000 : i32
        %broadcast_in_dim3A_72 = vector.broadcast %jit3A_71 : i32 to vector<16xi32>
        %select_n3A_73 = arith.select %eq3A_70, %broadcast_in_dim3A_72, %get3A_69 : vector<16xi1>, vector<16xi32>
        %swap3A_74 = arith.constant 0 : i32
        %swap3A_75 = arith.index_cast %swap3A_74 : i32 to index
        %swap3A_76 = arith.constant 32 : index
        %swap3A_77 = tpu.vector_load %arg11[%swap3A_75, %swap3A_76] {strides = array<i32>} : memref<2x64xi32, #tpu.memory_space<vmem>>, vector<1x16xi32>,
        %swap3A_78 = vector.shape_cast %swap3A_77 : vector<1x16xi32> to vector<16xi32>
        %swap3A_79 = vector.shape_cast %select_n3A_73 : vector<16xi32> to vector<1x16xi32>
        tpu.vector_store %arg11[%swap3A_75, %swap3A_76], %swap3A_79 {strides = array<i32>} : memref<2x64xi32, #tpu.memory_space<vmem>>, vector<1x16xi32>,
        %get3A_80 = arith.constant 0 : i32
        %get3A_81 = arith.index_cast %get3A_80 : i32 to index
        %get3A_82 = arith.constant 48 : index
        %get3A_83 = tpu.vector_load %arg10[%get3A_81, %get3A_82] {strides = array<i32>} : memref<2x64xi32, #tpu.memory_space<vmem>>, vector<1x16xi32>,
        %get3A_84 = vector.shape_cast %get3A_83 : vector<1x16xi32> to vector<16xi32>
        %get3A_85 = arith.constant 0 : i32
        %get3A_86 = arith.index_cast %get3A_85 : i32 to index
        %get3A_87 = arith.constant 48 : index
        %get3A_88 = tpu.vector_load %arg11[%get3A_86, %get3A_87] {strides = array<i32>} : memref<2x64xi32, #tpu.memory_space<vmem>>, vector<1x16xi32>,
        %get3A_89 = vector.shape_cast %get3A_88 : vector<1x16xi32> to vector<16xi32>
        %eq3A_90 = arith.cmpi eq, %get3A_84, %get3A_89 : vector<16xi32>
        %jit3A_91 = arith.constant 10000 : i32
        %broadcast_in_dim3A_92 = vector.broadcast %jit3A_91 : i32 to vector<16xi32>
        %select_n3A_93 = arith.select %eq3A_90, %broadcast_in_dim3A_92, %get3A_89 : vector<16xi1>, vector<16xi32>
        %swap3A_94 = arith.constant 0 : i32
        %swap3A_95 = arith.index_cast %swap3A_94 : i32 to index
        %swap3A_96 = arith.constant 48 : index
        %swap3A_97 = tpu.vector_load %arg11[%swap3A_95, %swap3A_96] {strides = array<i32>} : memref<2x64xi32, #tpu.memory_space<vmem>>, vector<1x16xi32>,
        %swap3A_98 = vector.shape_cast %swap3A_97 : vector<1x16xi32> to vector<16xi32>
        %swap3A_99 = vector.shape_cast %select_n3A_93 : vector<16xi32> to vector<1x16xi32>
        tpu.vector_store %arg11[%swap3A_95, %swap3A_96], %swap3A_99 {strides = array<i32>} : memref<2x64xi32, #tpu.memory_space<vmem>>, vector<1x16xi32>,
        %dma_start3A = arith.constant 0 : i32
        %dma_start3A_100 = arith.constant 0 : i32
        %dma_start3A_101 = arith.constant 0 : i32
        %dma_start3A_102 = arith.constant 0 : i32
        %dma_start3A_103 = tpu.memref_slice %arg12[%dma_start3A_100, %dma_start3A_101, %dma_start3A_102] : memref<2x64x128xf32, #tpu.memory_space<vmem>> -> memref<1x64x128xf32, #tpu.memory_space<vmem>>
        %dma_start3A_104 = tpu.memref_squeeze %dma_start3A_103 : memref<1x64x128xf32, #tpu.memory_space<vmem>> -> memref<64x128xf32, #tpu.memory_space<vmem>>
        %dma_start3A_105 = arith.constant 0 : i32
        %dma_start3A_106 = tpu.memref_slice %arg10[%dma_start3A, %dma_start3A_105] : memref<2x64xi32, #tpu.memory_space<vmem>> -> memref<1x64xi32, #tpu.memory_space<vmem>>
        %dma_start3A_107 = tpu.memref_squeeze %dma_start3A_106 : memref<1x64xi32, #tpu.memory_space<vmem>> -> memref<64xi32, #tpu.memory_space<vmem>>
        %dma_start3A_108 = arith.constant 0 : i32
        %dma_start3A_109 = arith.constant 0 : i32
        %dma_start3A_110 = tpu.memref_slice %arg2[%dma_start3A_108, %dma_start3A_109] : memref<10240x128xf32, #tpu.memory_space<hbm>> -> memref<10240x128xf32, #tpu.memory_space<hbm>>
        tpu.enqueue_indirect_dma source(%dma_start3A_110 : memref<10240x128xf32, #tpu.memory_space<hbm>>) target(%dma_start3A_104 : memref<64x128xf32, #tpu.memory_space<vmem>>) offsets(%dma_start3A_107 : memref<64xi32, #tpu.memory_space<vmem>>) semaphore(%arg14 : memref<!tpu.dma_semaphore, #tpu.memory_space<semaphore_mem>>)
        %get3A_111 = arith.constant 1 : i32
        %get3A_112 = arith.index_cast %get3A_111 : i32 to index
        %get3A_113 = arith.constant 0 : index
        %get3A_114 = tpu.vector_load %arg10[%get3A_112, %get3A_113] {strides = array<i32>} : memref<2x64xi32, #tpu.memory_space<vmem>>, vector<1x16xi32>,
        %get3A_115 = vector.shape_cast %get3A_114 : vector<1x16xi32> to vector<16xi32>
        %get3A_116 = arith.constant 1 : i32
        %get3A_117 = arith.index_cast %get3A_116 : i32 to index
        %get3A_118 = arith.constant 0 : index
        %get3A_119 = tpu.vector_load %arg11[%get3A_117, %get3A_118] {strides = array<i32>} : memref<2x64xi32, #tpu.memory_space<vmem>>, vector<1x16xi32>,
        %get3A_120 = vector.shape_cast %get3A_119 : vector<1x16xi32> to vector<16xi32>
        %eq3A_121 = arith.cmpi eq, %get3A_115, %get3A_120 : vector<16xi32>
        %jit3A_122 = arith.constant 10000 : i32
        %broadcast_in_dim3A_123 = vector.broadcast %jit3A_122 : i32 to vector<16xi32>
        %select_n3A_124 = arith.select %eq3A_121, %broadcast_in_dim3A_123, %get3A_120 : vector<16xi1>, vector<16xi32>
        %swap3A_125 = arith.constant 1 : i32
        %swap3A_126 = arith.index_cast %swap3A_125 : i32 to index
        %swap3A_127 = arith.constant 0 : index
        %swap3A_128 = tpu.vector_load %arg11[%swap3A_126, %swap3A_127] {strides = array<i32>} : memref<2x64xi32, #tpu.memory_space<vmem>>, vector<1x16xi32>,
        %swap3A_129 = vector.shape_cast %swap3A_128 : vector<1x16xi32> to vector<16xi32>
        %swap3A_130 = vector.shape_cast %select_n3A_124 : vector<16xi32> to vector<1x16xi32>
        tpu.vector_store %arg11[%swap3A_126, %swap3A_127], %swap3A_130 {strides = array<i32>} : memref<2x64xi32, #tpu.memory_space<vmem>>, vector<1x16xi32>,
        %get3A_131 = arith.constant 1 : i32
        %get3A_132 = arith.index_cast %get3A_131 : i32 to index
        %get3A_133 = arith.constant 16 : index
        %get3A_134 = tpu.vector_load %arg10[%get3A_132, %get3A_133] {strides = array<i32>} : memref<2x64xi32, #tpu.memory_space<vmem>>, vector<1x16xi32>,
        %get3A_135 = vector.shape_cast %get3A_134 : vector<1x16xi32> to vector<16xi32>
        %get3A_136 = arith.constant 1 : i32
        %get3A_137 = arith.index_cast %get3A_136 : i32 to index
        %get3A_138 = arith.constant 16 : index
        %get3A_139 = tpu.vector_load %arg11[%get3A_137, %get3A_138] {strides = array<i32>} : memref<2x64xi32, #tpu.memory_space<vmem>>, vector<1x16xi32>,
        %get3A_140 = vector.shape_cast %get3A_139 : vector<1x16xi32> to vector<16xi32>
        %eq3A_141 = arith.cmpi eq, %get3A_135, %get3A_140 : vector<16xi32>
        %jit3A_142 = arith.constant 10000 : i32
        %broadcast_in_dim3A_143 = vector.broadcast %jit3A_142 : i32 to vector<16xi32>
        %select_n3A_144 = arith.select %eq3A_141, %broadcast_in_dim3A_143, %get3A_140 : vector<16xi1>, vector<16xi32>
        %swap3A_145 = arith.constant 1 : i32
        %swap3A_146 = arith.index_cast %swap3A_145 : i32 to index
        %swap3A_147 = arith.constant 16 : index
        %swap3A_148 = tpu.vector_load %arg11[%swap3A_146, %swap3A_147] {strides = array<i32>} : memref<2x64xi32, #tpu.memory_space<vmem>>, vector<1x16xi32>,
        %swap3A_149 = vector.shape_cast %swap3A_148 : vector<1x16xi32> to vector<16xi32>
        %swap3A_150 = vector.shape_cast %select_n3A_144 : vector<16xi32> to vector<1x16xi32>
        tpu.vector_store %arg11[%swap3A_146, %swap3A_147], %swap3A_150 {strides = array<i32>} : memref<2x64xi32, #tpu.memory_space<vmem>>, vector<1x16xi32>,
        %get3A_151 = arith.constant 1 : i32
        %get3A_152 = arith.index_cast %get3A_151 : i32 to index
        %get3A_153 = arith.constant 32 : index
        %get3A_154 = tpu.vector_load %arg10[%get3A_152, %get3A_153] {strides = array<i32>} : memref<2x64xi32, #tpu.memory_space<vmem>>, vector<1x16xi32>,
        %get3A_155 = vector.shape_cast %get3A_154 : vector<1x16xi32> to vector<16xi32>
        %get3A_156 = arith.constant 1 : i32
        %get3A_157 = arith.index_cast %get3A_156 : i32 to index
        %get3A_158 = arith.constant 32 : index
        %get3A_159 = tpu.vector_load %arg11[%get3A_157, %get3A_158] {strides = array<i32>} : memref<2x64xi32, #tpu.memory_space<vmem>>, vector<1x16xi32>,
        %get3A_160 = vector.shape_cast %get3A_159 : vector<1x16xi32> to vector<16xi32>
        %eq3A_161 = arith.cmpi eq, %get3A_155, %get3A_160 : vector<16xi32>
        %jit3A_162 = arith.constant 10000 : i32
        %broadcast_in_dim3A_163 = vector.broadcast %jit3A_162 : i32 to vector<16xi32>
        %select_n3A_164 = arith.select %eq3A_161, %broadcast_in_dim3A_163, %get3A_160 : vector<16xi1>, vector<16xi32>
        %swap3A_165 = arith.constant 1 : i32
        %swap3A_166 = arith.index_cast %swap3A_165 : i32 to index
        %swap3A_167 = arith.constant 32 : index
        %swap3A_168 = tpu.vector_load %arg11[%swap3A_166, %swap3A_167] {strides = array<i32>} : memref<2x64xi32, #tpu.memory_space<vmem>>, vector<1x16xi32>,
        %swap3A_169 = vector.shape_cast %swap3A_168 : vector<1x16xi32> to vector<16xi32>
        %swap3A_170 = vector.shape_cast %select_n3A_164 : vector<16xi32> to vector<1x16xi32>
        tpu.vector_store %arg11[%swap3A_166, %swap3A_167], %swap3A_170 {strides = array<i32>} : memref<2x64xi32, #tpu.memory_space<vmem>>, vector<1x16xi32>,
        %get3A_171 = arith.constant 1 : i32
        %get3A_172 = arith.index_cast %get3A_171 : i32 to index
        %get3A_173 = arith.constant 48 : index
        %get3A_174 = tpu.vector_load %arg10[%get3A_172, %get3A_173] {strides = array<i32>} : memref<2x64xi32, #tpu.memory_space<vmem>>, vector<1x16xi32>,
        %get3A_175 = vector.shape_cast %get3A_174 : vector<1x16xi32> to vector<16xi32>
        %get3A_176 = arith.constant 1 : i32
        %get3A_177 = arith.index_cast %get3A_176 : i32 to index
        %get3A_178 = arith.constant 48 : index
        %get3A_179 = tpu.vector_load %arg11[%get3A_177, %get3A_178] {strides = array<i32>} : memref<2x64xi32, #tpu.memory_space<vmem>>, vector<1x16xi32>,
        %get3A_180 = vector.shape_cast %get3A_179 : vector<1x16xi32> to vector<16xi32>
        %eq3A_181 = arith.cmpi eq, %get3A_175, %get3A_180 : vector<16xi32>
        %jit3A_182 = arith.constant 10000 : i32
        %broadcast_in_dim3A_183 = vector.broadcast %jit3A_182 : i32 to vector<16xi32>
        %select_n3A_184 = arith.select %eq3A_181, %broadcast_in_dim3A_183, %get3A_180 : vector<16xi1>, vector<16xi32>
        %swap3A_185 = arith.constant 1 : i32
        %swap3A_186 = arith.index_cast %swap3A_185 : i32 to index
        %swap3A_187 = arith.constant 48 : index
        %swap3A_188 = tpu.vector_load %arg11[%swap3A_186, %swap3A_187] {strides = array<i32>} : memref<2x64xi32, #tpu.memory_space<vmem>>, vector<1x16xi32>,
        %swap3A_189 = vector.shape_cast %swap3A_188 : vector<1x16xi32> to vector<16xi32>
        %swap3A_190 = vector.shape_cast %select_n3A_184 : vector<16xi32> to vector<1x16xi32>
        tpu.vector_store %arg11[%swap3A_186, %swap3A_187], %swap3A_190 {strides = array<i32>} : memref<2x64xi32, #tpu.memory_space<vmem>>, vector<1x16xi32>,
        %dma_start3A_191 = arith.constant 1 : i32
        %dma_start3A_192 = arith.constant 1 : i32
        %dma_start3A_193 = arith.constant 0 : i32
        %dma_start3A_194 = arith.constant 0 : i32
        %dma_start3A_195 = tpu.memref_slice %arg12[%dma_start3A_192, %dma_start3A_193, %dma_start3A_194] : memref<2x64x128xf32, #tpu.memory_space<vmem>> -> memref<1x64x128xf32, #tpu.memory_space<vmem>>
        %dma_start3A_196 = tpu.memref_squeeze %dma_start3A_195 : memref<1x64x128xf32, #tpu.memory_space<vmem>> -> memref<64x128xf32, #tpu.memory_space<vmem>>
        %dma_start3A_197 = arith.constant 0 : i32
        %dma_start3A_198 = tpu.memref_slice %arg10[%dma_start3A_191, %dma_start3A_197] : memref<2x64xi32, #tpu.memory_space<vmem>> -> memref<1x64xi32, #tpu.memory_space<vmem>>
        %dma_start3A_199 = tpu.memref_squeeze %dma_start3A_198 : memref<1x64xi32, #tpu.memory_space<vmem>> -> memref<64xi32, #tpu.memory_space<vmem>>
        %dma_start3A_200 = arith.constant 0 : i32
        %dma_start3A_201 = arith.constant 0 : i32
        %dma_start3A_202 = tpu.memref_slice %arg2[%dma_start3A_200, %dma_start3A_201] : memref<10240x128xf32, #tpu.memory_space<hbm>> -> memref<10240x128xf32, #tpu.memory_space<hbm>>
        tpu.enqueue_indirect_dma source(%dma_start3A_202 : memref<10240x128xf32, #tpu.memory_space<hbm>>) target(%dma_start3A_196 : memref<64x128xf32, #tpu.memory_space<vmem>>) offsets(%dma_start3A_199 : memref<64xi32, #tpu.memory_space<vmem>>) semaphore(%arg14 : memref<!tpu.dma_semaphore, #tpu.memory_space<semaphore_mem>>)
        %dma_wait3A = arith.constant 0 : i32
        %dma_wait3A_203 = arith.constant 0 : i32
        %dma_wait3A_204 = arith.constant 0 : i32
        %dma_wait3A_205 = arith.constant 0 : i32
        %dma_wait3A_206 = tpu.memref_slice %arg12[%dma_wait3A_203, %dma_wait3A_204, %dma_wait3A_205] : memref<2x64x128xf32, #tpu.memory_space<vmem>> -> memref<1x64x128xf32, #tpu.memory_space<vmem>>
        %dma_wait3A_207 = tpu.memref_squeeze %dma_wait3A_206 : memref<1x64x128xf32, #tpu.memory_space<vmem>> -> memref<64x128xf32, #tpu.memory_space<vmem>>
        %dma_wait3A_208 = arith.constant 0 : i32
        %dma_wait3A_209 = tpu.memref_slice %arg10[%dma_wait3A, %dma_wait3A_208] : memref<2x64xi32, #tpu.memory_space<vmem>> -> memref<1x64xi32, #tpu.memory_space<vmem>>
        %dma_wait3A_210 = tpu.memref_squeeze %dma_wait3A_209 : memref<1x64xi32, #tpu.memory_space<vmem>> -> memref<64xi32, #tpu.memory_space<vmem>>
        %dma_wait3A_211 = arith.constant 0 : i32
        %dma_wait3A_212 = arith.constant 0 : i32
        %dma_wait3A_213 = tpu.memref_slice %arg2[%dma_wait3A_211, %dma_wait3A_212] : memref<10240x128xf32, #tpu.memory_space<hbm>> -> memref<10240x128xf32, #tpu.memory_space<hbm>>
        tpu.wait_indirect_dma semaphore(%arg14 : memref<!tpu.dma_semaphore, #tpu.memory_space<semaphore_mem>>) src(%dma_wait3A_213 : memref<10240x128xf32, #tpu.memory_space<hbm>>) dst(%dma_wait3A_207 : memref<64x128xf32, #tpu.memory_space<vmem>>)
        %run_scoped3A = arith.constant 0 : i32
        %run_scoped3A_214 = arith.constant 0 : i32
        "tpu.region"() ({
          %run_scoped3A_230 = tpu.sem_alloc : memref<!tpu.dma_semaphore, #tpu.memory_space<semaphore_mem>>
          %dma_start3A_231 = arith.constant 0 : i32
          %dma_start3A_232 = arith.constant 0 : i32
          %dma_start3A_233 = tpu.memref_slice %arg12[%run_scoped3A, %dma_start3A_231, %dma_start3A_232] : memref<2x64x128xf32, #tpu.memory_space<vmem>> -> memref<1x64x128xf32, #tpu.memory_space<vmem>>
          %dma_start3A_234 = tpu.memref_squeeze %dma_start3A_233 : memref<1x64x128xf32, #tpu.memory_space<vmem>> -> memref<64x128xf32, #tpu.memory_space<vmem>>
          %dma_start3A_235 = arith.constant 0 : i32
          %dma_start3A_236 = tpu.memref_slice %arg11[%run_scoped3A_214, %dma_start3A_235] : memref<2x64xi32, #tpu.memory_space<vmem>> -> memref<1x64xi32, #tpu.memory_space<vmem>>
          %dma_start3A_237 = tpu.memref_squeeze %dma_start3A_236 : memref<1x64xi32, #tpu.memory_space<vmem>> -> memref<64xi32, #tpu.memory_space<vmem>>
          %dma_start3A_238 = arith.constant 0 : i32
          %dma_start3A_239 = arith.constant 0 : i32
          %dma_start3A_240 = tpu.memref_slice %arg13[%dma_start3A_238, %dma_start3A_239] : memref<10240x128xf32, #tpu.memory_space<vmem_shared>> -> memref<10240x128xf32, #tpu.memory_space<vmem_shared>>
          tpu.enqueue_indirect_dma source(%dma_start3A_234 : memref<64x128xf32, #tpu.memory_space<vmem>>) target(%dma_start3A_240 : memref<10240x128xf32, #tpu.memory_space<vmem_shared>>) offsets(%dma_start3A_237 : memref<64xi32, #tpu.memory_space<vmem>>) semaphore(%run_scoped3A_230 : memref<!tpu.dma_semaphore, #tpu.memory_space<semaphore_mem>>) {add = true}
          %dma_wait3A_241 = arith.constant 0 : i32
          %dma_wait3A_242 = arith.constant 0 : i32
          %dma_wait3A_243 = tpu.memref_slice %arg12[%run_scoped3A, %dma_wait3A_241, %dma_wait3A_242] : memref<2x64x128xf32, #tpu.memory_space<vmem>> -> memref<1x64x128xf32, #tpu.memory_space<vmem>>
          %dma_wait3A_244 = tpu.memref_squeeze %dma_wait3A_243 : memref<1x64x128xf32, #tpu.memory_space<vmem>> -> memref<64x128xf32, #tpu.memory_space<vmem>>
          %dma_wait3A_245 = arith.constant 0 : i32
          %dma_wait3A_246 = tpu.memref_slice %arg11[%run_scoped3A_214, %dma_wait3A_245] : memref<2x64xi32, #tpu.memory_space<vmem>> -> memref<1x64xi32, #tpu.memory_space<vmem>>
          %dma_wait3A_247 = tpu.memref_squeeze %dma_wait3A_246 : memref<1x64xi32, #tpu.memory_space<vmem>> -> memref<64xi32, #tpu.memory_space<vmem>>
          %dma_wait3A_248 = arith.constant 0 : i32
          %dma_wait3A_249 = arith.constant 0 : i32
          %dma_wait3A_250 = tpu.memref_slice %arg13[%dma_wait3A_248, %dma_wait3A_249] : memref<10240x128xf32, #tpu.memory_space<vmem_shared>> -> memref<10240x128xf32, #tpu.memory_space<vmem_shared>>
          tpu.wait_indirect_dma semaphore(%run_scoped3A_230 : memref<!tpu.dma_semaphore, #tpu.memory_space<semaphore_mem>>) src(%dma_wait3A_244 : memref<64x128xf32, #tpu.memory_space<vmem>>) dst(%dma_wait3A_250 : memref<10240x128xf32, #tpu.memory_space<vmem_shared>>)
          tpu.yield
        }) : () -> ()
        %dma_wait3A_215 = arith.constant 1 : i32
        %dma_wait3A_216 = arith.constant 1 : i32
        %dma_wait3A_217 = arith.constant 0 : i32
        %dma_wait3A_218 = arith.constant 0 : i32
        %dma_wait3A_219 = tpu.memref_slice %arg12[%dma_wait3A_216, %dma_wait3A_217, %dma_wait3A_218] : memref<2x64x128xf32, #tpu.memory_space<vmem>> -> memref<1x64x128xf32, #tpu.memory_space<vmem>>
        %dma_wait3A_220 = tpu.memref_squeeze %dma_wait3A_219 : memref<1x64x128xf32, #tpu.memory_space<vmem>> -> memref<64x128xf32, #tpu.memory_space<vmem>>
        %dma_wait3A_221 = arith.constant 0 : i32
        %dma_wait3A_222 = tpu.memref_slice %arg10[%dma_wait3A_215, %dma_wait3A_221] : memref<2x64xi32, #tpu.memory_space<vmem>> -> memref<1x64xi32, #tpu.memory_space<vmem>>
        %dma_wait3A_223 = tpu.memref_squeeze %dma_wait3A_222 : memref<1x64xi32, #tpu.memory_space<vmem>> -> memref<64xi32, #tpu.memory_space<vmem>>
        %dma_wait3A_224 = arith.constant 0 : i32
        %dma_wait3A_225 = arith.constant 0 : i32
        %dma_wait3A_226 = tpu.memref_slice %arg2[%dma_wait3A_224, %dma_wait3A_225] : memref<10240x128xf32, #tpu.memory_space<hbm>> -> memref<10240x128xf32, #tpu.memory_space<hbm>>
        tpu.wait_indirect_dma semaphore(%arg14 : memref<!tpu.dma_semaphore, #tpu.memory_space<semaphore_mem>>) src(%dma_wait3A_226 : memref<10240x128xf32, #tpu.memory_space<hbm>>) dst(%dma_wait3A_220 : memref<64x128xf32, #tpu.memory_space<vmem>>)
        %run_scoped3A_227 = arith.constant 1 : i32
        %run_scoped3A_228 = arith.constant 1 : i32
        "tpu.region"() ({
          %run_scoped3A_230 = tpu.sem_alloc : memref<!tpu.dma_semaphore, #tpu.memory_space<semaphore_mem>>
          %dma_start3A_231 = arith.constant 0 : i32
          %dma_start3A_232 = arith.constant 0 : i32
          %dma_start3A_233 = tpu.memref_slice %arg12[%run_scoped3A_227, %dma_start3A_231, %dma_start3A_232] : memref<2x64x128xf32, #tpu.memory_space<vmem>> -> memref<1x64x128xf32, #tpu.memory_space<vmem>>
          %dma_start3A_234 = tpu.memref_squeeze %dma_start3A_233 : memref<1x64x128xf32, #tpu.memory_space<vmem>> -> memref<64x128xf32, #tpu.memory_space<vmem>>
          %dma_start3A_235 = arith.constant 0 : i32
          %dma_start3A_236 = tpu.memref_slice %arg11[%run_scoped3A_228, %dma_start3A_235] : memref<2x64xi32, #tpu.memory_space<vmem>> -> memref<1x64xi32, #tpu.memory_space<vmem>>
          %dma_start3A_237 = tpu.memref_squeeze %dma_start3A_236 : memref<1x64xi32, #tpu.memory_space<vmem>> -> memref<64xi32, #tpu.memory_space<vmem>>
          %dma_start3A_238 = arith.constant 0 : i32
          %dma_start3A_239 = arith.constant 0 : i32
          %dma_start3A_240 = tpu.memref_slice %arg13[%dma_start3A_238, %dma_start3A_239] : memref<10240x128xf32, #tpu.memory_space<vmem_shared>> -> memref<10240x128xf32, #tpu.memory_space<vmem_shared>>
          tpu.enqueue_indirect_dma source(%dma_start3A_234 : memref<64x128xf32, #tpu.memory_space<vmem>>) target(%dma_start3A_240 : memref<10240x128xf32, #tpu.memory_space<vmem_shared>>) offsets(%dma_start3A_237 : memref<64xi32, #tpu.memory_space<vmem>>) semaphore(%run_scoped3A_230 : memref<!tpu.dma_semaphore, #tpu.memory_space<semaphore_mem>>) {add = true}
          %dma_wait3A_241 = arith.constant 0 : i32
          %dma_wait3A_242 = arith.constant 0 : i32
          %dma_wait3A_243 = tpu.memref_slice %arg12[%run_scoped3A_227, %dma_wait3A_241, %dma_wait3A_242] : memref<2x64x128xf32, #tpu.memory_space<vmem>> -> memref<1x64x128xf32, #tpu.memory_space<vmem>>
          %dma_wait3A_244 = tpu.memref_squeeze %dma_wait3A_243 : memref<1x64x128xf32, #tpu.memory_space<vmem>> -> memref<64x128xf32, #tpu.memory_space<vmem>>
          %dma_wait3A_245 = arith.constant 0 : i32
          %dma_wait3A_246 = tpu.memref_slice %arg11[%run_scoped3A_228, %dma_wait3A_245] : memref<2x64xi32, #tpu.memory_space<vmem>> -> memref<1x64xi32, #tpu.memory_space<vmem>>
          %dma_wait3A_247 = tpu.memref_squeeze %dma_wait3A_246 : memref<1x64xi32, #tpu.memory_space<vmem>> -> memref<64xi32, #tpu.memory_space<vmem>>
          %dma_wait3A_248 = arith.constant 0 : i32
          %dma_wait3A_249 = arith.constant 0 : i32
          %dma_wait3A_250 = tpu.memref_slice %arg13[%dma_wait3A_248, %dma_wait3A_249] : memref<10240x128xf32, #tpu.memory_space<vmem_shared>> -> memref<10240x128xf32, #tpu.memory_space<vmem_shared>>
          tpu.wait_indirect_dma semaphore(%run_scoped3A_230 : memref<!tpu.dma_semaphore, #tpu.memory_space<semaphore_mem>>) src(%dma_wait3A_244 : memref<64x128xf32, #tpu.memory_space<vmem>>) dst(%dma_wait3A_250 : memref<10240x128xf32, #tpu.memory_space<vmem_shared>>)
          tpu.yield
        }) : () -> ()
        %scan3A_229 = arith.constant 0 : i32
        scf.yield %scan3A_229 : i32
      }
      %scan3A_20 = arith.constant 54 : i32
    } else {
    }
    %eq3A_3 = arith.constant 1 : i32
    %eq3A_4 = arith.cmpi eq, %arg0, %eq3A_3 : i32
    %convert_element_type3A_5 = arith.extui %eq3A_4 : i1 to i32
    %cond3A_6 = arith.constant 0 : i32
    %cond3A_7 = arith.cmpi ne, %convert_element_type3A_5, %cond3A_6 : i32
    scf.if %cond3A_7 {
      %mul3A_13 = arith.constant 52 : i32
      %mul3A_14 = arith.muli %arg1, %mul3A_13 : i32
      %add3A = arith.constant 1728 : i32
      %add3A_15 = arith.addi %add3A, %mul3A_14 : i32
      %scan3A = arith.constant 0 : i32
      %scan3A_16 = arith.constant 0 : i32
      %scan3A_17 = arith.constant 26 : i32
      %scan3A_18 = arith.addi %scan3A_16, %scan3A_17 : i32
      %scan3A_19 = arith.constant 1 : i32
      %scan3A_20 = scf.for %scan3A_31 = %scan3A_16 to %scan3A_18 step %scan3A_19 iter_args(%scan3A_32 = %scan3A) -> (i32)  : i32 {
        %mul3A_33 = arith.constant 2 : i32
        %mul3A_34 = arith.muli %scan3A_31, %mul3A_33 : i32
        %add3A_35 = arith.addi %add3A_15, %mul3A_34 : i32
        "tpu.region"() ({
          %run_scoped3A_241 = tpu.sem_alloc : memref<!tpu.dma_semaphore, #tpu.memory_space<semaphore_mem>>
          %dma_start3A_242 = arith.constant 0 : i32
          %dma_start3A_243 = tpu.memref_slice %arg4[%add3A_35, %dma_start3A_242] : memref<2560x64xi32, #tpu.memory_space<hbm>> -> memref<2x64xi32, #tpu.memory_space<hbm>>
          %dma_start3A_244 = arith.constant 0 : i32
          %dma_start3A_245 = tpu.memref_slice %arg4[%add3A_35, %dma_start3A_244] : memref<2560x64xi32, #tpu.memory_space<hbm>> -> memref<2x64xi32, #tpu.memory_space<hbm>>
          tpu.enqueue_dma source(%dma_start3A_245 : memref<2x64xi32, #tpu.memory_space<hbm>>) target(%arg10 : memref<2x64xi32, #tpu.memory_space<vmem>>) target_semaphore(%run_scoped3A_241 : memref<!tpu.dma_semaphore, #tpu.memory_space<semaphore_mem>>)
          %dma_wait3A_246 = arith.constant 0 : i32
          %dma_wait3A_247 = tpu.memref_slice %arg4[%add3A_35, %dma_wait3A_246] : memref<2560x64xi32, #tpu.memory_space<hbm>> -> memref<2x64xi32, #tpu.memory_space<hbm>>
          %dma_wait3A_248 = arith.constant 0 : i32
          %dma_wait3A_249 = tpu.memref_slice %arg4[%add3A_35, %dma_wait3A_248] : memref<2560x64xi32, #tpu.memory_space<hbm>> -> memref<2x64xi32, #tpu.memory_space<hbm>>
          tpu.wait_dma2 semaphore(%run_scoped3A_241 : memref<!tpu.dma_semaphore, #tpu.memory_space<semaphore_mem>>) src(%dma_wait3A_249 : memref<2x64xi32, #tpu.memory_space<hbm>>) dst(%arg10 : memref<2x64xi32, #tpu.memory_space<vmem>>)
          tpu.yield
        }) : () -> ()
        "tpu.region"() ({
          %run_scoped3A_241 = tpu.sem_alloc : memref<!tpu.dma_semaphore, #tpu.memory_space<semaphore_mem>>
          %dma_start3A_242 = arith.constant 0 : i32
          %dma_start3A_243 = tpu.memref_slice %arg5[%add3A_35, %dma_start3A_242] : memref<2560x64xi32, #tpu.memory_space<hbm>> -> memref<2x64xi32, #tpu.memory_space<hbm>>
          %dma_start3A_244 = arith.constant 0 : i32
          %dma_start3A_245 = tpu.memref_slice %arg5[%add3A_35, %dma_start3A_244] : memref<2560x64xi32, #tpu.memory_space<hbm>> -> memref<2x64xi32, #tpu.memory_space<hbm>>
          tpu.enqueue_dma source(%dma_start3A_245 : memref<2x64xi32, #tpu.memory_space<hbm>>) target(%arg11 : memref<2x64xi32, #tpu.memory_space<vmem>>) target_semaphore(%run_scoped3A_241 : memref<!tpu.dma_semaphore, #tpu.memory_space<semaphore_mem>>)
          %dma_wait3A_246 = arith.constant 0 : i32
          %dma_wait3A_247 = tpu.memref_slice %arg5[%add3A_35, %dma_wait3A_246] : memref<2560x64xi32, #tpu.memory_space<hbm>> -> memref<2x64xi32, #tpu.memory_space<hbm>>
          %dma_wait3A_248 = arith.constant 0 : i32
          %dma_wait3A_249 = tpu.memref_slice %arg5[%add3A_35, %dma_wait3A_248] : memref<2560x64xi32, #tpu.memory_space<hbm>> -> memref<2x64xi32, #tpu.memory_space<hbm>>
          tpu.wait_dma2 semaphore(%run_scoped3A_241 : memref<!tpu.dma_semaphore, #tpu.memory_space<semaphore_mem>>) src(%dma_wait3A_249 : memref<2x64xi32, #tpu.memory_space<hbm>>) dst(%arg11 : memref<2x64xi32, #tpu.memory_space<vmem>>)
          tpu.yield
        }) : () -> ()
        %get3A = arith.constant 0 : i32
        %get3A_36 = arith.index_cast %get3A : i32 to index
        %get3A_37 = arith.constant 0 : index
        %get3A_38 = tpu.vector_load %arg10[%get3A_36, %get3A_37] {strides = array<i32>} : memref<2x64xi32, #tpu.memory_space<vmem>>, vector<1x16xi32>,
        %get3A_39 = vector.shape_cast %get3A_38 : vector<1x16xi32> to vector<16xi32>
        %get3A_40 = arith.constant 0 : i32
        %get3A_41 = arith.index_cast %get3A_40 : i32 to index
        %get3A_42 = arith.constant 0 : index
        %get3A_43 = tpu.vector_load %arg11[%get3A_41, %get3A_42] {strides = array<i32>} : memref<2x64xi32, #tpu.memory_space<vmem>>, vector<1x16xi32>,
        %get3A_44 = vector.shape_cast %get3A_43 : vector<1x16xi32> to vector<16xi32>
        %eq3A_45 = arith.cmpi eq, %get3A_39, %get3A_44 : vector<16xi32>
        %jit3A = arith.constant 10000 : i32
        %broadcast_in_dim3A = vector.broadcast %jit3A : i32 to vector<16xi32>
        %select_n3A = arith.select %eq3A_45, %broadcast_in_dim3A, %get3A_44 : vector<16xi1>, vector<16xi32>
        %swap3A = arith.constant 0 : i32
        %swap3A_46 = arith.index_cast %swap3A : i32 to index
        %swap3A_47 = arith.constant 0 : index
        %swap3A_48 = tpu.vector_load %arg11[%swap3A_46, %swap3A_47] {strides = array<i32>} : memref<2x64xi32, #tpu.memory_space<vmem>>, vector<1x16xi32>,
        %swap3A_49 = vector.shape_cast %swap3A_48 : vector<1x16xi32> to vector<16xi32>
        %swap3A_50 = vector.shape_cast %select_n3A : vector<16xi32> to vector<1x16xi32>
        tpu.vector_store %arg11[%swap3A_46, %swap3A_47], %swap3A_50 {strides = array<i32>} : memref<2x64xi32, #tpu.memory_space<vmem>>, vector<1x16xi32>,
        %get3A_51 = arith.constant 0 : i32
        %get3A_52 = arith.index_cast %get3A_51 : i32 to index
        %get3A_53 = arith.constant 16 : index
        %get3A_54 = tpu.vector_load %arg10[%get3A_52, %get3A_53] {strides = array<i32>} : memref<2x64xi32, #tpu.memory_space<vmem>>, vector<1x16xi32>,
        %get3A_55 = vector.shape_cast %get3A_54 : vector<1x16xi32> to vector<16xi32>
        %get3A_56 = arith.constant 0 : i32
        %get3A_57 = arith.index_cast %get3A_56 : i32 to index
        %get3A_58 = arith.constant 16 : index
        %get3A_59 = tpu.vector_load %arg11[%get3A_57, %get3A_58] {strides = array<i32>} : memref<2x64xi32, #tpu.memory_space<vmem>>, vector<1x16xi32>,
        %get3A_60 = vector.shape_cast %get3A_59 : vector<1x16xi32> to vector<16xi32>
        %eq3A_61 = arith.cmpi eq, %get3A_55, %get3A_60 : vector<16xi32>
        %jit3A_62 = arith.constant 10000 : i32
        %broadcast_in_dim3A_63 = vector.broadcast %jit3A_62 : i32 to vector<16xi32>
        %select_n3A_64 = arith.select %eq3A_61, %broadcast_in_dim3A_63, %get3A_60 : vector<16xi1>, vector<16xi32>
        %swap3A_65 = arith.constant 0 : i32
        %swap3A_66 = arith.index_cast %swap3A_65 : i32 to index
        %swap3A_67 = arith.constant 16 : index
        %swap3A_68 = tpu.vector_load %arg11[%swap3A_66, %swap3A_67] {strides = array<i32>} : memref<2x64xi32, #tpu.memory_space<vmem>>, vector<1x16xi32>,
        %swap3A_69 = vector.shape_cast %swap3A_68 : vector<1x16xi32> to vector<16xi32>
        %swap3A_70 = vector.shape_cast %select_n3A_64 : vector<16xi32> to vector<1x16xi32>
        tpu.vector_store %arg11[%swap3A_66, %swap3A_67], %swap3A_70 {strides = array<i32>} : memref<2x64xi32, #tpu.memory_space<vmem>>, vector<1x16xi32>,
        %get3A_71 = arith.constant 0 : i32
        %get3A_72 = arith.index_cast %get3A_71 : i32 to index
        %get3A_73 = arith.constant 32 : index
        %get3A_74 = tpu.vector_load %arg10[%get3A_72, %get3A_73] {strides = array<i32>} : memref<2x64xi32, #tpu.memory_space<vmem>>, vector<1x16xi32>,
        %get3A_75 = vector.shape_cast %get3A_74 : vector<1x16xi32> to vector<16xi32>
        %get3A_76 = arith.constant 0 : i32
        %get3A_77 = arith.index_cast %get3A_76 : i32 to index
        %get3A_78 = arith.constant 32 : index
        %get3A_79 = tpu.vector_load %arg11[%get3A_77, %get3A_78] {strides = array<i32>} : memref<2x64xi32, #tpu.memory_space<vmem>>, vector<1x16xi32>,
        %get3A_80 = vector.shape_cast %get3A_79 : vector<1x16xi32> to vector<16xi32>
        %eq3A_81 = arith.cmpi eq, %get3A_75, %get3A_80 : vector<16xi32>
        %jit3A_82 = arith.constant 10000 : i32
        %broadcast_in_dim3A_83 = vector.broadcast %jit3A_82 : i32 to vector<16xi32>
        %select_n3A_84 = arith.select %eq3A_81, %broadcast_in_dim3A_83, %get3A_80 : vector<16xi1>, vector<16xi32>
        %swap3A_85 = arith.constant 0 : i32
        %swap3A_86 = arith.index_cast %swap3A_85 : i32 to index
        %swap3A_87 = arith.constant 32 : index
        %swap3A_88 = tpu.vector_load %arg11[%swap3A_86, %swap3A_87] {strides = array<i32>} : memref<2x64xi32, #tpu.memory_space<vmem>>, vector<1x16xi32>,
        %swap3A_89 = vector.shape_cast %swap3A_88 : vector<1x16xi32> to vector<16xi32>
        %swap3A_90 = vector.shape_cast %select_n3A_84 : vector<16xi32> to vector<1x16xi32>
        tpu.vector_store %arg11[%swap3A_86, %swap3A_87], %swap3A_90 {strides = array<i32>} : memref<2x64xi32, #tpu.memory_space<vmem>>, vector<1x16xi32>,
        %get3A_91 = arith.constant 0 : i32
        %get3A_92 = arith.index_cast %get3A_91 : i32 to index
        %get3A_93 = arith.constant 48 : index
        %get3A_94 = tpu.vector_load %arg10[%get3A_92, %get3A_93] {strides = array<i32>} : memref<2x64xi32, #tpu.memory_space<vmem>>, vector<1x16xi32>,
        %get3A_95 = vector.shape_cast %get3A_94 : vector<1x16xi32> to vector<16xi32>
        %get3A_96 = arith.constant 0 : i32
        %get3A_97 = arith.index_cast %get3A_96 : i32 to index
        %get3A_98 = arith.constant 48 : index
        %get3A_99 = tpu.vector_load %arg11[%get3A_97, %get3A_98] {strides = array<i32>} : memref<2x64xi32, #tpu.memory_space<vmem>>, vector<1x16xi32>,
        %get3A_100 = vector.shape_cast %get3A_99 : vector<1x16xi32> to vector<16xi32>
        %eq3A_101 = arith.cmpi eq, %get3A_95, %get3A_100 : vector<16xi32>
        %jit3A_102 = arith.constant 10000 : i32
        %broadcast_in_dim3A_103 = vector.broadcast %jit3A_102 : i32 to vector<16xi32>
        %select_n3A_104 = arith.select %eq3A_101, %broadcast_in_dim3A_103, %get3A_100 : vector<16xi1>, vector<16xi32>
        %swap3A_105 = arith.constant 0 : i32
        %swap3A_106 = arith.index_cast %swap3A_105 : i32 to index
        %swap3A_107 = arith.constant 48 : index
        %swap3A_108 = tpu.vector_load %arg11[%swap3A_106, %swap3A_107] {strides = array<i32>} : memref<2x64xi32, #tpu.memory_space<vmem>>, vector<1x16xi32>,
        %swap3A_109 = vector.shape_cast %swap3A_108 : vector<1x16xi32> to vector<16xi32>
        %swap3A_110 = vector.shape_cast %select_n3A_104 : vector<16xi32> to vector<1x16xi32>
        tpu.vector_store %arg11[%swap3A_106, %swap3A_107], %swap3A_110 {strides = array<i32>} : memref<2x64xi32, #tpu.memory_space<vmem>>, vector<1x16xi32>,
        %dma_start3A = arith.constant 0 : i32
        %dma_start3A_111 = arith.constant 0 : i32
        %dma_start3A_112 = arith.constant 0 : i32
        %dma_start3A_113 = arith.constant 0 : i32
        %dma_start3A_114 = tpu.memref_slice %arg12[%dma_start3A_111, %dma_start3A_112, %dma_start3A_113] : memref<2x64x128xf32, #tpu.memory_space<vmem>> -> memref<1x64x128xf32, #tpu.memory_space<vmem>>
        %dma_start3A_115 = tpu.memref_squeeze %dma_start3A_114 : memref<1x64x128xf32, #tpu.memory_space<vmem>> -> memref<64x128xf32, #tpu.memory_space<vmem>>
        %dma_start3A_116 = arith.constant 0 : i32
        %dma_start3A_117 = tpu.memref_slice %arg10[%dma_start3A, %dma_start3A_116] : memref<2x64xi32, #tpu.memory_space<vmem>> -> memref<1x64xi32, #tpu.memory_space<vmem>>
        %dma_start3A_118 = tpu.memref_squeeze %dma_start3A_117 : memref<1x64xi32, #tpu.memory_space<vmem>> -> memref<64xi32, #tpu.memory_space<vmem>>
        %dma_start3A_119 = arith.constant 0 : i32
        %dma_start3A_120 = arith.constant 0 : i32
        %dma_start3A_121 = tpu.memref_slice %arg2[%dma_start3A_119, %dma_start3A_120] : memref<10240x128xf32, #tpu.memory_space<hbm>> -> memref<10240x128xf32, #tpu.memory_space<hbm>>
        tpu.enqueue_indirect_dma source(%dma_start3A_121 : memref<10240x128xf32, #tpu.memory_space<hbm>>) target(%dma_start3A_115 : memref<64x128xf32, #tpu.memory_space<vmem>>) offsets(%dma_start3A_118 : memref<64xi32, #tpu.memory_space<vmem>>) semaphore(%arg14 : memref<!tpu.dma_semaphore, #tpu.memory_space<semaphore_mem>>)
        %get3A_122 = arith.constant 1 : i32
        %get3A_123 = arith.index_cast %get3A_122 : i32 to index
        %get3A_124 = arith.constant 0 : index
        %get3A_125 = tpu.vector_load %arg10[%get3A_123, %get3A_124] {strides = array<i32>} : memref<2x64xi32, #tpu.memory_space<vmem>>, vector<1x16xi32>,
        %get3A_126 = vector.shape_cast %get3A_125 : vector<1x16xi32> to vector<16xi32>
        %get3A_127 = arith.constant 1 : i32
        %get3A_128 = arith.index_cast %get3A_127 : i32 to index
        %get3A_129 = arith.constant 0 : index
        %get3A_130 = tpu.vector_load %arg11[%get3A_128, %get3A_129] {strides = array<i32>} : memref<2x64xi32, #tpu.memory_space<vmem>>, vector<1x16xi32>,
        %get3A_131 = vector.shape_cast %get3A_130 : vector<1x16xi32> to vector<16xi32>
        %eq3A_132 = arith.cmpi eq, %get3A_126, %get3A_131 : vector<16xi32>
        %jit3A_133 = arith.constant 10000 : i32
        %broadcast_in_dim3A_134 = vector.broadcast %jit3A_133 : i32 to vector<16xi32>
        %select_n3A_135 = arith.select %eq3A_132, %broadcast_in_dim3A_134, %get3A_131 : vector<16xi1>, vector<16xi32>
        %swap3A_136 = arith.constant 1 : i32
        %swap3A_137 = arith.index_cast %swap3A_136 : i32 to index
        %swap3A_138 = arith.constant 0 : index
        %swap3A_139 = tpu.vector_load %arg11[%swap3A_137, %swap3A_138] {strides = array<i32>} : memref<2x64xi32, #tpu.memory_space<vmem>>, vector<1x16xi32>,
        %swap3A_140 = vector.shape_cast %swap3A_139 : vector<1x16xi32> to vector<16xi32>
        %swap3A_141 = vector.shape_cast %select_n3A_135 : vector<16xi32> to vector<1x16xi32>
        tpu.vector_store %arg11[%swap3A_137, %swap3A_138], %swap3A_141 {strides = array<i32>} : memref<2x64xi32, #tpu.memory_space<vmem>>, vector<1x16xi32>,
        %get3A_142 = arith.constant 1 : i32
        %get3A_143 = arith.index_cast %get3A_142 : i32 to index
        %get3A_144 = arith.constant 16 : index
        %get3A_145 = tpu.vector_load %arg10[%get3A_143, %get3A_144] {strides = array<i32>} : memref<2x64xi32, #tpu.memory_space<vmem>>, vector<1x16xi32>,
        %get3A_146 = vector.shape_cast %get3A_145 : vector<1x16xi32> to vector<16xi32>
        %get3A_147 = arith.constant 1 : i32
        %get3A_148 = arith.index_cast %get3A_147 : i32 to index
        %get3A_149 = arith.constant 16 : index
        %get3A_150 = tpu.vector_load %arg11[%get3A_148, %get3A_149] {strides = array<i32>} : memref<2x64xi32, #tpu.memory_space<vmem>>, vector<1x16xi32>,
        %get3A_151 = vector.shape_cast %get3A_150 : vector<1x16xi32> to vector<16xi32>
        %eq3A_152 = arith.cmpi eq, %get3A_146, %get3A_151 : vector<16xi32>
        %jit3A_153 = arith.constant 10000 : i32
        %broadcast_in_dim3A_154 = vector.broadcast %jit3A_153 : i32 to vector<16xi32>
        %select_n3A_155 = arith.select %eq3A_152, %broadcast_in_dim3A_154, %get3A_151 : vector<16xi1>, vector<16xi32>
        %swap3A_156 = arith.constant 1 : i32
        %swap3A_157 = arith.index_cast %swap3A_156 : i32 to index
        %swap3A_158 = arith.constant 16 : index
        %swap3A_159 = tpu.vector_load %arg11[%swap3A_157, %swap3A_158] {strides = array<i32>} : memref<2x64xi32, #tpu.memory_space<vmem>>, vector<1x16xi32>,
        %swap3A_160 = vector.shape_cast %swap3A_159 : vector<1x16xi32> to vector<16xi32>
        %swap3A_161 = vector.shape_cast %select_n3A_155 : vector<16xi32> to vector<1x16xi32>
        tpu.vector_store %arg11[%swap3A_157, %swap3A_158], %swap3A_161 {strides = array<i32>} : memref<2x64xi32, #tpu.memory_space<vmem>>, vector<1x16xi32>,
        %get3A_162 = arith.constant 1 : i32
        %get3A_163 = arith.index_cast %get3A_162 : i32 to index
        %get3A_164 = arith.constant 32 : index
        %get3A_165 = tpu.vector_load %arg10[%get3A_163, %get3A_164] {strides = array<i32>} : memref<2x64xi32, #tpu.memory_space<vmem>>, vector<1x16xi32>,
        %get3A_166 = vector.shape_cast %get3A_165 : vector<1x16xi32> to vector<16xi32>
        %get3A_167 = arith.constant 1 : i32
        %get3A_168 = arith.index_cast %get3A_167 : i32 to index
        %get3A_169 = arith.constant 32 : index
        %get3A_170 = tpu.vector_load %arg11[%get3A_168, %get3A_169] {strides = array<i32>} : memref<2x64xi32, #tpu.memory_space<vmem>>, vector<1x16xi32>,
        %get3A_171 = vector.shape_cast %get3A_170 : vector<1x16xi32> to vector<16xi32>
        %eq3A_172 = arith.cmpi eq, %get3A_166, %get3A_171 : vector<16xi32>
        %jit3A_173 = arith.constant 10000 : i32
        %broadcast_in_dim3A_174 = vector.broadcast %jit3A_173 : i32 to vector<16xi32>
        %select_n3A_175 = arith.select %eq3A_172, %broadcast_in_dim3A_174, %get3A_171 : vector<16xi1>, vector<16xi32>
        %swap3A_176 = arith.constant 1 : i32
        %swap3A_177 = arith.index_cast %swap3A_176 : i32 to index
        %swap3A_178 = arith.constant 32 : index
        %swap3A_179 = tpu.vector_load %arg11[%swap3A_177, %swap3A_178] {strides = array<i32>} : memref<2x64xi32, #tpu.memory_space<vmem>>, vector<1x16xi32>,
        %swap3A_180 = vector.shape_cast %swap3A_179 : vector<1x16xi32> to vector<16xi32>
        %swap3A_181 = vector.shape_cast %select_n3A_175 : vector<16xi32> to vector<1x16xi32>
        tpu.vector_store %arg11[%swap3A_177, %swap3A_178], %swap3A_181 {strides = array<i32>} : memref<2x64xi32, #tpu.memory_space<vmem>>, vector<1x16xi32>,
        %get3A_182 = arith.constant 1 : i32
        %get3A_183 = arith.index_cast %get3A_182 : i32 to index
        %get3A_184 = arith.constant 48 : index
        %get3A_185 = tpu.vector_load %arg10[%get3A_183, %get3A_184] {strides = array<i32>} : memref<2x64xi32, #tpu.memory_space<vmem>>, vector<1x16xi32>,
        %get3A_186 = vector.shape_cast %get3A_185 : vector<1x16xi32> to vector<16xi32>
        %get3A_187 = arith.constant 1 : i32
        %get3A_188 = arith.index_cast %get3A_187 : i32 to index
        %get3A_189 = arith.constant 48 : index
        %get3A_190 = tpu.vector_load %arg11[%get3A_188, %get3A_189] {strides = array<i32>} : memref<2x64xi32, #tpu.memory_space<vmem>>, vector<1x16xi32>,
        %get3A_191 = vector.shape_cast %get3A_190 : vector<1x16xi32> to vector<16xi32>
        %eq3A_192 = arith.cmpi eq, %get3A_186, %get3A_191 : vector<16xi32>
        %jit3A_193 = arith.constant 10000 : i32
        %broadcast_in_dim3A_194 = vector.broadcast %jit3A_193 : i32 to vector<16xi32>
        %select_n3A_195 = arith.select %eq3A_192, %broadcast_in_dim3A_194, %get3A_191 : vector<16xi1>, vector<16xi32>
        %swap3A_196 = arith.constant 1 : i32
        %swap3A_197 = arith.index_cast %swap3A_196 : i32 to index
        %swap3A_198 = arith.constant 48 : index
        %swap3A_199 = tpu.vector_load %arg11[%swap3A_197, %swap3A_198] {strides = array<i32>} : memref<2x64xi32, #tpu.memory_space<vmem>>, vector<1x16xi32>,
        %swap3A_200 = vector.shape_cast %swap3A_199 : vector<1x16xi32> to vector<16xi32>
        %swap3A_201 = vector.shape_cast %select_n3A_195 : vector<16xi32> to vector<1x16xi32>
        tpu.vector_store %arg11[%swap3A_197, %swap3A_198], %swap3A_201 {strides = array<i32>} : memref<2x64xi32, #tpu.memory_space<vmem>>, vector<1x16xi32>,
        %dma_start3A_202 = arith.constant 1 : i32
        %dma_start3A_203 = arith.constant 1 : i32
        %dma_start3A_204 = arith.constant 0 : i32
        %dma_start3A_205 = arith.constant 0 : i32
        %dma_start3A_206 = tpu.memref_slice %arg12[%dma_start3A_203, %dma_start3A_204, %dma_start3A_205] : memref<2x64x128xf32, #tpu.memory_space<vmem>> -> memref<1x64x128xf32, #tpu.memory_space<vmem>>
        %dma_start3A_207 = tpu.memref_squeeze %dma_start3A_206 : memref<1x64x128xf32, #tpu.memory_space<vmem>> -> memref<64x128xf32, #tpu.memory_space<vmem>>
        %dma_start3A_208 = arith.constant 0 : i32
        %dma_start3A_209 = tpu.memref_slice %arg10[%dma_start3A_202, %dma_start3A_208] : memref<2x64xi32, #tpu.memory_space<vmem>> -> memref<1x64xi32, #tpu.memory_space<vmem>>
        %dma_start3A_210 = tpu.memref_squeeze %dma_start3A_209 : memref<1x64xi32, #tpu.memory_space<vmem>> -> memref<64xi32, #tpu.memory_space<vmem>>
        %dma_start3A_211 = arith.constant 0 : i32
        %dma_start3A_212 = arith.constant 0 : i32
        %dma_start3A_213 = tpu.memref_slice %arg2[%dma_start3A_211, %dma_start3A_212] : memref<10240x128xf32, #tpu.memory_space<hbm>> -> memref<10240x128xf32, #tpu.memory_space<hbm>>
        tpu.enqueue_indirect_dma source(%dma_start3A_213 : memref<10240x128xf32, #tpu.memory_space<hbm>>) target(%dma_start3A_207 : memref<64x128xf32, #tpu.memory_space<vmem>>) offsets(%dma_start3A_210 : memref<64xi32, #tpu.memory_space<vmem>>) semaphore(%arg14 : memref<!tpu.dma_semaphore, #tpu.memory_space<semaphore_mem>>)
        %dma_wait3A = arith.constant 0 : i32
        %dma_wait3A_214 = arith.constant 0 : i32
        %dma_wait3A_215 = arith.constant 0 : i32
        %dma_wait3A_216 = arith.constant 0 : i32
        %dma_wait3A_217 = tpu.memref_slice %arg12[%dma_wait3A_214, %dma_wait3A_215, %dma_wait3A_216] : memref<2x64x128xf32, #tpu.memory_space<vmem>> -> memref<1x64x128xf32, #tpu.memory_space<vmem>>
        %dma_wait3A_218 = tpu.memref_squeeze %dma_wait3A_217 : memref<1x64x128xf32, #tpu.memory_space<vmem>> -> memref<64x128xf32, #tpu.memory_space<vmem>>
        %dma_wait3A_219 = arith.constant 0 : i32
        %dma_wait3A_220 = tpu.memref_slice %arg10[%dma_wait3A, %dma_wait3A_219] : memref<2x64xi32, #tpu.memory_space<vmem>> -> memref<1x64xi32, #tpu.memory_space<vmem>>
        %dma_wait3A_221 = tpu.memref_squeeze %dma_wait3A_220 : memref<1x64xi32, #tpu.memory_space<vmem>> -> memref<64xi32, #tpu.memory_space<vmem>>
        %dma_wait3A_222 = arith.constant 0 : i32
        %dma_wait3A_223 = arith.constant 0 : i32
        %dma_wait3A_224 = tpu.memref_slice %arg2[%dma_wait3A_222, %dma_wait3A_223] : memref<10240x128xf32, #tpu.memory_space<hbm>> -> memref<10240x128xf32, #tpu.memory_space<hbm>>
        tpu.wait_indirect_dma semaphore(%arg14 : memref<!tpu.dma_semaphore, #tpu.memory_space<semaphore_mem>>) src(%dma_wait3A_224 : memref<10240x128xf32, #tpu.memory_space<hbm>>) dst(%dma_wait3A_218 : memref<64x128xf32, #tpu.memory_space<vmem>>)
        %run_scoped3A = arith.constant 0 : i32
        %run_scoped3A_225 = arith.constant 0 : i32
        "tpu.region"() ({
          %run_scoped3A_241 = tpu.sem_alloc : memref<!tpu.dma_semaphore, #tpu.memory_space<semaphore_mem>>
          %dma_start3A_242 = arith.constant 0 : i32
          %dma_start3A_243 = arith.constant 0 : i32
          %dma_start3A_244 = tpu.memref_slice %arg12[%run_scoped3A, %dma_start3A_242, %dma_start3A_243] : memref<2x64x128xf32, #tpu.memory_space<vmem>> -> memref<1x64x128xf32, #tpu.memory_space<vmem>>
          %dma_start3A_245 = tpu.memref_squeeze %dma_start3A_244 : memref<1x64x128xf32, #tpu.memory_space<vmem>> -> memref<64x128xf32, #tpu.memory_space<vmem>>
          %dma_start3A_246 = arith.constant 0 : i32
          %dma_start3A_247 = tpu.memref_slice %arg11[%run_scoped3A_225, %dma_start3A_246] : memref<2x64xi32, #tpu.memory_space<vmem>> -> memref<1x64xi32, #tpu.memory_space<vmem>>
          %dma_start3A_248 = tpu.memref_squeeze %dma_start3A_247 : memref<1x64xi32, #tpu.memory_space<vmem>> -> memref<64xi32, #tpu.memory_space<vmem>>
          %dma_start3A_249 = arith.constant 0 : i32
          %dma_start3A_250 = arith.constant 0 : i32
          %dma_start3A_251 = tpu.memref_slice %arg13[%dma_start3A_249, %dma_start3A_250] : memref<10240x128xf32, #tpu.memory_space<vmem_shared>> -> memref<10240x128xf32, #tpu.memory_space<vmem_shared>>
          tpu.enqueue_indirect_dma source(%dma_start3A_245 : memref<64x128xf32, #tpu.memory_space<vmem>>) target(%dma_start3A_251 : memref<10240x128xf32, #tpu.memory_space<vmem_shared>>) offsets(%dma_start3A_248 : memref<64xi32, #tpu.memory_space<vmem>>) semaphore(%run_scoped3A_241 : memref<!tpu.dma_semaphore, #tpu.memory_space<semaphore_mem>>) {add = true}
          %dma_wait3A_252 = arith.constant 0 : i32
          %dma_wait3A_253 = arith.constant 0 : i32
          %dma_wait3A_254 = tpu.memref_slice %arg12[%run_scoped3A, %dma_wait3A_252, %dma_wait3A_253] : memref<2x64x128xf32, #tpu.memory_space<vmem>> -> memref<1x64x128xf32, #tpu.memory_space<vmem>>
          %dma_wait3A_255 = tpu.memref_squeeze %dma_wait3A_254 : memref<1x64x128xf32, #tpu.memory_space<vmem>> -> memref<64x128xf32, #tpu.memory_space<vmem>>
          %dma_wait3A_256 = arith.constant 0 : i32
          %dma_wait3A_257 = tpu.memref_slice %arg11[%run_scoped3A_225, %dma_wait3A_256] : memref<2x64xi32, #tpu.memory_space<vmem>> -> memref<1x64xi32, #tpu.memory_space<vmem>>
          %dma_wait3A_258 = tpu.memref_squeeze %dma_wait3A_257 : memref<1x64xi32, #tpu.memory_space<vmem>> -> memref<64xi32, #tpu.memory_space<vmem>>
          %dma_wait3A_259 = arith.constant 0 : i32
          %dma_wait3A_260 = arith.constant 0 : i32
          %dma_wait3A_261 = tpu.memref_slice %arg13[%dma_wait3A_259, %dma_wait3A_260] : memref<10240x128xf32, #tpu.memory_space<vmem_shared>> -> memref<10240x128xf32, #tpu.memory_space<vmem_shared>>
          tpu.wait_indirect_dma semaphore(%run_scoped3A_241 : memref<!tpu.dma_semaphore, #tpu.memory_space<semaphore_mem>>) src(%dma_wait3A_255 : memref<64x128xf32, #tpu.memory_space<vmem>>) dst(%dma_wait3A_261 : memref<10240x128xf32, #tpu.memory_space<vmem_shared>>)
          tpu.yield
        }) : () -> ()
        %dma_wait3A_226 = arith.constant 1 : i32
        %dma_wait3A_227 = arith.constant 1 : i32
        %dma_wait3A_228 = arith.constant 0 : i32
        %dma_wait3A_229 = arith.constant 0 : i32
        %dma_wait3A_230 = tpu.memref_slice %arg12[%dma_wait3A_227, %dma_wait3A_228, %dma_wait3A_229] : memref<2x64x128xf32, #tpu.memory_space<vmem>> -> memref<1x64x128xf32, #tpu.memory_space<vmem>>
        %dma_wait3A_231 = tpu.memref_squeeze %dma_wait3A_230 : memref<1x64x128xf32, #tpu.memory_space<vmem>> -> memref<64x128xf32, #tpu.memory_space<vmem>>
        %dma_wait3A_232 = arith.constant 0 : i32
        %dma_wait3A_233 = tpu.memref_slice %arg10[%dma_wait3A_226, %dma_wait3A_232] : memref<2x64xi32, #tpu.memory_space<vmem>> -> memref<1x64xi32, #tpu.memory_space<vmem>>
        %dma_wait3A_234 = tpu.memref_squeeze %dma_wait3A_233 : memref<1x64xi32, #tpu.memory_space<vmem>> -> memref<64xi32, #tpu.memory_space<vmem>>
        %dma_wait3A_235 = arith.constant 0 : i32
        %dma_wait3A_236 = arith.constant 0 : i32
        %dma_wait3A_237 = tpu.memref_slice %arg2[%dma_wait3A_235, %dma_wait3A_236] : memref<10240x128xf32, #tpu.memory_space<hbm>> -> memref<10240x128xf32, #tpu.memory_space<hbm>>
        tpu.wait_indirect_dma semaphore(%arg14 : memref<!tpu.dma_semaphore, #tpu.memory_space<semaphore_mem>>) src(%dma_wait3A_237 : memref<10240x128xf32, #tpu.memory_space<hbm>>) dst(%dma_wait3A_231 : memref<64x128xf32, #tpu.memory_space<vmem>>)
        %run_scoped3A_238 = arith.constant 1 : i32
        %run_scoped3A_239 = arith.constant 1 : i32
        "tpu.region"() ({
          %run_scoped3A_241 = tpu.sem_alloc : memref<!tpu.dma_semaphore, #tpu.memory_space<semaphore_mem>>
          %dma_start3A_242 = arith.constant 0 : i32
          %dma_start3A_243 = arith.constant 0 : i32
          %dma_start3A_244 = tpu.memref_slice %arg12[%run_scoped3A_238, %dma_start3A_242, %dma_start3A_243] : memref<2x64x128xf32, #tpu.memory_space<vmem>> -> memref<1x64x128xf32, #tpu.memory_space<vmem>>
          %dma_start3A_245 = tpu.memref_squeeze %dma_start3A_244 : memref<1x64x128xf32, #tpu.memory_space<vmem>> -> memref<64x128xf32, #tpu.memory_space<vmem>>
          %dma_start3A_246 = arith.constant 0 : i32
          %dma_start3A_247 = tpu.memref_slice %arg11[%run_scoped3A_239, %dma_start3A_246] : memref<2x64xi32, #tpu.memory_space<vmem>> -> memref<1x64xi32, #tpu.memory_space<vmem>>
          %dma_start3A_248 = tpu.memref_squeeze %dma_start3A_247 : memref<1x64xi32, #tpu.memory_space<vmem>> -> memref<64xi32, #tpu.memory_space<vmem>>
          %dma_start3A_249 = arith.constant 0 : i32
          %dma_start3A_250 = arith.constant 0 : i32
          %dma_start3A_251 = tpu.memref_slice %arg13[%dma_start3A_249, %dma_start3A_250] : memref<10240x128xf32, #tpu.memory_space<vmem_shared>> -> memref<10240x128xf32, #tpu.memory_space<vmem_shared>>
          tpu.enqueue_indirect_dma source(%dma_start3A_245 : memref<64x128xf32, #tpu.memory_space<vmem>>) target(%dma_start3A_251 : memref<10240x128xf32, #tpu.memory_space<vmem_shared>>) offsets(%dma_start3A_248 : memref<64xi32, #tpu.memory_space<vmem>>) semaphore(%run_scoped3A_241 : memref<!tpu.dma_semaphore, #tpu.memory_space<semaphore_mem>>) {add = true}
          %dma_wait3A_252 = arith.constant 0 : i32
          %dma_wait3A_253 = arith.constant 0 : i32
          %dma_wait3A_254 = tpu.memref_slice %arg12[%run_scoped3A_238, %dma_wait3A_252, %dma_wait3A_253] : memref<2x64x128xf32, #tpu.memory_space<vmem>> -> memref<1x64x128xf32, #tpu.memory_space<vmem>>
          %dma_wait3A_255 = tpu.memref_squeeze %dma_wait3A_254 : memref<1x64x128xf32, #tpu.memory_space<vmem>> -> memref<64x128xf32, #tpu.memory_space<vmem>>
          %dma_wait3A_256 = arith.constant 0 : i32
          %dma_wait3A_257 = tpu.memref_slice %arg11[%run_scoped3A_239, %dma_wait3A_256] : memref<2x64xi32, #tpu.memory_space<vmem>> -> memref<1x64xi32, #tpu.memory_space<vmem>>
          %dma_wait3A_258 = tpu.memref_squeeze %dma_wait3A_257 : memref<1x64xi32, #tpu.memory_space<vmem>> -> memref<64xi32, #tpu.memory_space<vmem>>
          %dma_wait3A_259 = arith.constant 0 : i32
          %dma_wait3A_260 = arith.constant 0 : i32
          %dma_wait3A_261 = tpu.memref_slice %arg13[%dma_wait3A_259, %dma_wait3A_260] : memref<10240x128xf32, #tpu.memory_space<vmem_shared>> -> memref<10240x128xf32, #tpu.memory_space<vmem_shared>>
          tpu.wait_indirect_dma semaphore(%run_scoped3A_241 : memref<!tpu.dma_semaphore, #tpu.memory_space<semaphore_mem>>) src(%dma_wait3A_255 : memref<64x128xf32, #tpu.memory_space<vmem>>) dst(%dma_wait3A_261 : memref<10240x128xf32, #tpu.memory_space<vmem_shared>>)
          tpu.yield
        }) : () -> ()
        %scan3A_240 = arith.constant 0 : i32
        scf.yield %scan3A_240 : i32
      }
      %scan3A_21 = arith.constant 26 : i32
      %mul3A_22 = arith.constant 56 : i32
      %mul3A_23 = arith.muli %arg1, %mul3A_22 : i32
      %scan3A_24 = arith.constant 0 : i32
      %scan3A_25 = arith.constant 0 : i32
      %scan3A_26 = arith.constant 28 : i32
      %scan3A_27 = arith.addi %scan3A_25, %scan3A_26 : i32
      %scan3A_28 = arith.constant 1 : i32
      %scan3A_29 = scf.for %scan3A_31 = %scan3A_25 to %scan3A_27 step %scan3A_28 iter_args(%scan3A_32 = %scan3A_24) -> (i32)  : i32 {
        %mul3A_33 = arith.constant 2 : i32
        %mul3A_34 = arith.muli %scan3A_31, %mul3A_33 : i32
        %add3A_35 = arith.addi %mul3A_23, %mul3A_34 : i32
        "tpu.region"() ({
          %run_scoped3A_86 = tpu.sem_alloc : memref<!tpu.dma_semaphore, #tpu.memory_space<semaphore_mem>>
          %dma_start3A_87 = arith.constant 0 : i32
          %dma_start3A_88 = tpu.memref_slice %arg6[%add3A_35, %dma_start3A_87] : memref<896x64xi32, #tpu.memory_space<hbm>> -> memref<2x64xi32, #tpu.memory_space<hbm>>
          %dma_start3A_89 = arith.constant 0 : i32
          %dma_start3A_90 = tpu.memref_slice %arg6[%add3A_35, %dma_start3A_89] : memref<896x64xi32, #tpu.memory_space<hbm>> -> memref<2x64xi32, #tpu.memory_space<hbm>>
          tpu.enqueue_dma source(%dma_start3A_90 : memref<2x64xi32, #tpu.memory_space<hbm>>) target(%arg10 : memref<2x64xi32, #tpu.memory_space<vmem>>) target_semaphore(%run_scoped3A_86 : memref<!tpu.dma_semaphore, #tpu.memory_space<semaphore_mem>>)
          %dma_wait3A_91 = arith.constant 0 : i32
          %dma_wait3A_92 = tpu.memref_slice %arg6[%add3A_35, %dma_wait3A_91] : memref<896x64xi32, #tpu.memory_space<hbm>> -> memref<2x64xi32, #tpu.memory_space<hbm>>
          %dma_wait3A_93 = arith.constant 0 : i32
          %dma_wait3A_94 = tpu.memref_slice %arg6[%add3A_35, %dma_wait3A_93] : memref<896x64xi32, #tpu.memory_space<hbm>> -> memref<2x64xi32, #tpu.memory_space<hbm>>
          tpu.wait_dma2 semaphore(%run_scoped3A_86 : memref<!tpu.dma_semaphore, #tpu.memory_space<semaphore_mem>>) src(%dma_wait3A_94 : memref<2x64xi32, #tpu.memory_space<hbm>>) dst(%arg10 : memref<2x64xi32, #tpu.memory_space<vmem>>)
          tpu.yield
        }) : () -> ()
        "tpu.region"() ({
          %run_scoped3A_86 = tpu.sem_alloc : memref<!tpu.dma_semaphore, #tpu.memory_space<semaphore_mem>>
          %dma_start3A_87 = arith.constant 0 : i32
          %dma_start3A_88 = tpu.memref_slice %arg7[%add3A_35, %dma_start3A_87] : memref<896x64xi32, #tpu.memory_space<hbm>> -> memref<2x64xi32, #tpu.memory_space<hbm>>
          %dma_start3A_89 = arith.constant 0 : i32
          %dma_start3A_90 = tpu.memref_slice %arg7[%add3A_35, %dma_start3A_89] : memref<896x64xi32, #tpu.memory_space<hbm>> -> memref<2x64xi32, #tpu.memory_space<hbm>>
          tpu.enqueue_dma source(%dma_start3A_90 : memref<2x64xi32, #tpu.memory_space<hbm>>) target(%arg11 : memref<2x64xi32, #tpu.memory_space<vmem>>) target_semaphore(%run_scoped3A_86 : memref<!tpu.dma_semaphore, #tpu.memory_space<semaphore_mem>>)
          %dma_wait3A_91 = arith.constant 0 : i32
          %dma_wait3A_92 = tpu.memref_slice %arg7[%add3A_35, %dma_wait3A_91] : memref<896x64xi32, #tpu.memory_space<hbm>> -> memref<2x64xi32, #tpu.memory_space<hbm>>
          %dma_wait3A_93 = arith.constant 0 : i32
          %dma_wait3A_94 = tpu.memref_slice %arg7[%add3A_35, %dma_wait3A_93] : memref<896x64xi32, #tpu.memory_space<hbm>> -> memref<2x64xi32, #tpu.memory_space<hbm>>
          tpu.wait_dma2 semaphore(%run_scoped3A_86 : memref<!tpu.dma_semaphore, #tpu.memory_space<semaphore_mem>>) src(%dma_wait3A_94 : memref<2x64xi32, #tpu.memory_space<hbm>>) dst(%arg11 : memref<2x64xi32, #tpu.memory_space<vmem>>)
          tpu.yield
        }) : () -> ()
        %dma_start3A = arith.constant 0 : i32
        %dma_start3A_36 = arith.constant 0 : i32
        %dma_start3A_37 = arith.constant 0 : i32
        %dma_start3A_38 = arith.constant 0 : i32
        %dma_start3A_39 = tpu.memref_slice %arg12[%dma_start3A_36, %dma_start3A_37, %dma_start3A_38] : memref<2x64x128xf32, #tpu.memory_space<vmem>> -> memref<1x64x128xf32, #tpu.memory_space<vmem>>
        %dma_start3A_40 = tpu.memref_squeeze %dma_start3A_39 : memref<1x64x128xf32, #tpu.memory_space<vmem>> -> memref<64x128xf32, #tpu.memory_space<vmem>>
        %dma_start3A_41 = arith.constant 0 : i32
        %dma_start3A_42 = tpu.memref_slice %arg10[%dma_start3A, %dma_start3A_41] : memref<2x64xi32, #tpu.memory_space<vmem>> -> memref<1x64xi32, #tpu.memory_space<vmem>>
        %dma_start3A_43 = tpu.memref_squeeze %dma_start3A_42 : memref<1x64xi32, #tpu.memory_space<vmem>> -> memref<64xi32, #tpu.memory_space<vmem>>
        %dma_start3A_44 = arith.constant 0 : i32
        %dma_start3A_45 = arith.constant 0 : i32
        %dma_start3A_46 = tpu.memref_slice %arg3[%dma_start3A_44, %dma_start3A_45] : memref<10240x128xf32, #tpu.memory_space<hbm>> -> memref<10240x128xf32, #tpu.memory_space<hbm>>
        tpu.enqueue_indirect_dma source(%dma_start3A_46 : memref<10240x128xf32, #tpu.memory_space<hbm>>) target(%dma_start3A_40 : memref<64x128xf32, #tpu.memory_space<vmem>>) offsets(%dma_start3A_43 : memref<64xi32, #tpu.memory_space<vmem>>) semaphore(%arg14 : memref<!tpu.dma_semaphore, #tpu.memory_space<semaphore_mem>>)
        %dma_start3A_47 = arith.constant 1 : i32
        %dma_start3A_48 = arith.constant 1 : i32
        %dma_start3A_49 = arith.constant 0 : i32
        %dma_start3A_50 = arith.constant 0 : i32
        %dma_start3A_51 = tpu.memref_slice %arg12[%dma_start3A_48, %dma_start3A_49, %dma_start3A_50] : memref<2x64x128xf32, #tpu.memory_space<vmem>> -> memref<1x64x128xf32, #tpu.memory_space<vmem>>
        %dma_start3A_52 = tpu.memref_squeeze %dma_start3A_51 : memref<1x64x128xf32, #tpu.memory_space<vmem>> -> memref<64x128xf32, #tpu.memory_space<vmem>>
        %dma_start3A_53 = arith.constant 0 : i32
        %dma_start3A_54 = tpu.memref_slice %arg10[%dma_start3A_47, %dma_start3A_53] : memref<2x64xi32, #tpu.memory_space<vmem>> -> memref<1x64xi32, #tpu.memory_space<vmem>>
        %dma_start3A_55 = tpu.memref_squeeze %dma_start3A_54 : memref<1x64xi32, #tpu.memory_space<vmem>> -> memref<64xi32, #tpu.memory_space<vmem>>
        %dma_start3A_56 = arith.constant 0 : i32
        %dma_start3A_57 = arith.constant 0 : i32
        %dma_start3A_58 = tpu.memref_slice %arg3[%dma_start3A_56, %dma_start3A_57] : memref<10240x128xf32, #tpu.memory_space<hbm>> -> memref<10240x128xf32, #tpu.memory_space<hbm>>
        tpu.enqueue_indirect_dma source(%dma_start3A_58 : memref<10240x128xf32, #tpu.memory_space<hbm>>) target(%dma_start3A_52 : memref<64x128xf32, #tpu.memory_space<vmem>>) offsets(%dma_start3A_55 : memref<64xi32, #tpu.memory_space<vmem>>) semaphore(%arg14 : memref<!tpu.dma_semaphore, #tpu.memory_space<semaphore_mem>>)
        %dma_wait3A = arith.constant 0 : i32
        %dma_wait3A_59 = arith.constant 0 : i32
        %dma_wait3A_60 = arith.constant 0 : i32
        %dma_wait3A_61 = arith.constant 0 : i32
        %dma_wait3A_62 = tpu.memref_slice %arg12[%dma_wait3A_59, %dma_wait3A_60, %dma_wait3A_61] : memref<2x64x128xf32, #tpu.memory_space<vmem>> -> memref<1x64x128xf32, #tpu.memory_space<vmem>>
        %dma_wait3A_63 = tpu.memref_squeeze %dma_wait3A_62 : memref<1x64x128xf32, #tpu.memory_space<vmem>> -> memref<64x128xf32, #tpu.memory_space<vmem>>
        %dma_wait3A_64 = arith.constant 0 : i32
        %dma_wait3A_65 = tpu.memref_slice %arg10[%dma_wait3A, %dma_wait3A_64] : memref<2x64xi32, #tpu.memory_space<vmem>> -> memref<1x64xi32, #tpu.memory_space<vmem>>
        %dma_wait3A_66 = tpu.memref_squeeze %dma_wait3A_65 : memref<1x64xi32, #tpu.memory_space<vmem>> -> memref<64xi32, #tpu.memory_space<vmem>>
        %dma_wait3A_67 = arith.constant 0 : i32
        %dma_wait3A_68 = arith.constant 0 : i32
        %dma_wait3A_69 = tpu.memref_slice %arg3[%dma_wait3A_67, %dma_wait3A_68] : memref<10240x128xf32, #tpu.memory_space<hbm>> -> memref<10240x128xf32, #tpu.memory_space<hbm>>
        tpu.wait_indirect_dma semaphore(%arg14 : memref<!tpu.dma_semaphore, #tpu.memory_space<semaphore_mem>>) src(%dma_wait3A_69 : memref<10240x128xf32, #tpu.memory_space<hbm>>) dst(%dma_wait3A_63 : memref<64x128xf32, #tpu.memory_space<vmem>>)
        %run_scoped3A = arith.constant 0 : i32
        %run_scoped3A_70 = arith.constant 0 : i32
        "tpu.region"() ({
          %run_scoped3A_86 = tpu.sem_alloc : memref<!tpu.dma_semaphore, #tpu.memory_space<semaphore_mem>>
          %dma_start3A_87 = arith.constant 0 : i32
          %dma_start3A_88 = arith.constant 0 : i32
          %dma_start3A_89 = tpu.memref_slice %arg12[%run_scoped3A, %dma_start3A_87, %dma_start3A_88] : memref<2x64x128xf32, #tpu.memory_space<vmem>> -> memref<1x64x128xf32, #tpu.memory_space<vmem>>
          %dma_start3A_90 = tpu.memref_squeeze %dma_start3A_89 : memref<1x64x128xf32, #tpu.memory_space<vmem>> -> memref<64x128xf32, #tpu.memory_space<vmem>>
          %dma_start3A_91 = arith.constant 0 : i32
          %dma_start3A_92 = tpu.memref_slice %arg11[%run_scoped3A_70, %dma_start3A_91] : memref<2x64xi32, #tpu.memory_space<vmem>> -> memref<1x64xi32, #tpu.memory_space<vmem>>
          %dma_start3A_93 = tpu.memref_squeeze %dma_start3A_92 : memref<1x64xi32, #tpu.memory_space<vmem>> -> memref<64xi32, #tpu.memory_space<vmem>>
          %dma_start3A_94 = arith.constant 0 : i32
          %dma_start3A_95 = arith.constant 0 : i32
          %dma_start3A_96 = tpu.memref_slice %arg13[%dma_start3A_94, %dma_start3A_95] : memref<10240x128xf32, #tpu.memory_space<vmem_shared>> -> memref<10240x128xf32, #tpu.memory_space<vmem_shared>>
          tpu.enqueue_indirect_dma source(%dma_start3A_90 : memref<64x128xf32, #tpu.memory_space<vmem>>) target(%dma_start3A_96 : memref<10240x128xf32, #tpu.memory_space<vmem_shared>>) offsets(%dma_start3A_93 : memref<64xi32, #tpu.memory_space<vmem>>) semaphore(%run_scoped3A_86 : memref<!tpu.dma_semaphore, #tpu.memory_space<semaphore_mem>>) {add = true}
          %dma_wait3A_97 = arith.constant 0 : i32
          %dma_wait3A_98 = arith.constant 0 : i32
          %dma_wait3A_99 = tpu.memref_slice %arg12[%run_scoped3A, %dma_wait3A_97, %dma_wait3A_98] : memref<2x64x128xf32, #tpu.memory_space<vmem>> -> memref<1x64x128xf32, #tpu.memory_space<vmem>>
          %dma_wait3A_100 = tpu.memref_squeeze %dma_wait3A_99 : memref<1x64x128xf32, #tpu.memory_space<vmem>> -> memref<64x128xf32, #tpu.memory_space<vmem>>
          %dma_wait3A_101 = arith.constant 0 : i32
          %dma_wait3A_102 = tpu.memref_slice %arg11[%run_scoped3A_70, %dma_wait3A_101] : memref<2x64xi32, #tpu.memory_space<vmem>> -> memref<1x64xi32, #tpu.memory_space<vmem>>
          %dma_wait3A_103 = tpu.memref_squeeze %dma_wait3A_102 : memref<1x64xi32, #tpu.memory_space<vmem>> -> memref<64xi32, #tpu.memory_space<vmem>>
          %dma_wait3A_104 = arith.constant 0 : i32
          %dma_wait3A_105 = arith.constant 0 : i32
          %dma_wait3A_106 = tpu.memref_slice %arg13[%dma_wait3A_104, %dma_wait3A_105] : memref<10240x128xf32, #tpu.memory_space<vmem_shared>> -> memref<10240x128xf32, #tpu.memory_space<vmem_shared>>
          tpu.wait_indirect_dma semaphore(%run_scoped3A_86 : memref<!tpu.dma_semaphore, #tpu.memory_space<semaphore_mem>>) src(%dma_wait3A_100 : memref<64x128xf32, #tpu.memory_space<vmem>>) dst(%dma_wait3A_106 : memref<10240x128xf32, #tpu.memory_space<vmem_shared>>)
          tpu.yield
        }) : () -> ()
        %dma_wait3A_71 = arith.constant 1 : i32
        %dma_wait3A_72 = arith.constant 1 : i32
        %dma_wait3A_73 = arith.constant 0 : i32
        %dma_wait3A_74 = arith.constant 0 : i32
        %dma_wait3A_75 = tpu.memref_slice %arg12[%dma_wait3A_72, %dma_wait3A_73, %dma_wait3A_74] : memref<2x64x128xf32, #tpu.memory_space<vmem>> -> memref<1x64x128xf32, #tpu.memory_space<vmem>>
        %dma_wait3A_76 = tpu.memref_squeeze %dma_wait3A_75 : memref<1x64x128xf32, #tpu.memory_space<vmem>> -> memref<64x128xf32, #tpu.memory_space<vmem>>
        %dma_wait3A_77 = arith.constant 0 : i32
        %dma_wait3A_78 = tpu.memref_slice %arg10[%dma_wait3A_71, %dma_wait3A_77] : memref<2x64xi32, #tpu.memory_space<vmem>> -> memref<1x64xi32, #tpu.memory_space<vmem>>
        %dma_wait3A_79 = tpu.memref_squeeze %dma_wait3A_78 : memref<1x64xi32, #tpu.memory_space<vmem>> -> memref<64xi32, #tpu.memory_space<vmem>>
        %dma_wait3A_80 = arith.constant 0 : i32
        %dma_wait3A_81 = arith.constant 0 : i32
        %dma_wait3A_82 = tpu.memref_slice %arg3[%dma_wait3A_80, %dma_wait3A_81] : memref<10240x128xf32, #tpu.memory_space<hbm>> -> memref<10240x128xf32, #tpu.memory_space<hbm>>
        tpu.wait_indirect_dma semaphore(%arg14 : memref<!tpu.dma_semaphore, #tpu.memory_space<semaphore_mem>>) src(%dma_wait3A_82 : memref<10240x128xf32, #tpu.memory_space<hbm>>) dst(%dma_wait3A_76 : memref<64x128xf32, #tpu.memory_space<vmem>>)
        %run_scoped3A_83 = arith.constant 1 : i32
        %run_scoped3A_84 = arith.constant 1 : i32
        "tpu.region"() ({
          %run_scoped3A_86 = tpu.sem_alloc : memref<!tpu.dma_semaphore, #tpu.memory_space<semaphore_mem>>
          %dma_start3A_87 = arith.constant 0 : i32
          %dma_start3A_88 = arith.constant 0 : i32
          %dma_start3A_89 = tpu.memref_slice %arg12[%run_scoped3A_83, %dma_start3A_87, %dma_start3A_88] : memref<2x64x128xf32, #tpu.memory_space<vmem>> -> memref<1x64x128xf32, #tpu.memory_space<vmem>>
          %dma_start3A_90 = tpu.memref_squeeze %dma_start3A_89 : memref<1x64x128xf32, #tpu.memory_space<vmem>> -> memref<64x128xf32, #tpu.memory_space<vmem>>
          %dma_start3A_91 = arith.constant 0 : i32
          %dma_start3A_92 = tpu.memref_slice %arg11[%run_scoped3A_84, %dma_start3A_91] : memref<2x64xi32, #tpu.memory_space<vmem>> -> memref<1x64xi32, #tpu.memory_space<vmem>>
          %dma_start3A_93 = tpu.memref_squeeze %dma_start3A_92 : memref<1x64xi32, #tpu.memory_space<vmem>> -> memref<64xi32, #tpu.memory_space<vmem>>
          %dma_start3A_94 = arith.constant 0 : i32
          %dma_start3A_95 = arith.constant 0 : i32
          %dma_start3A_96 = tpu.memref_slice %arg13[%dma_start3A_94, %dma_start3A_95] : memref<10240x128xf32, #tpu.memory_space<vmem_shared>> -> memref<10240x128xf32, #tpu.memory_space<vmem_shared>>
          tpu.enqueue_indirect_dma source(%dma_start3A_90 : memref<64x128xf32, #tpu.memory_space<vmem>>) target(%dma_start3A_96 : memref<10240x128xf32, #tpu.memory_space<vmem_shared>>) offsets(%dma_start3A_93 : memref<64xi32, #tpu.memory_space<vmem>>) semaphore(%run_scoped3A_86 : memref<!tpu.dma_semaphore, #tpu.memory_space<semaphore_mem>>) {add = true}
          %dma_wait3A_97 = arith.constant 0 : i32
          %dma_wait3A_98 = arith.constant 0 : i32
          %dma_wait3A_99 = tpu.memref_slice %arg12[%run_scoped3A_83, %dma_wait3A_97, %dma_wait3A_98] : memref<2x64x128xf32, #tpu.memory_space<vmem>> -> memref<1x64x128xf32, #tpu.memory_space<vmem>>
          %dma_wait3A_100 = tpu.memref_squeeze %dma_wait3A_99 : memref<1x64x128xf32, #tpu.memory_space<vmem>> -> memref<64x128xf32, #tpu.memory_space<vmem>>
          %dma_wait3A_101 = arith.constant 0 : i32
          %dma_wait3A_102 = tpu.memref_slice %arg11[%run_scoped3A_84, %dma_wait3A_101] : memref<2x64xi32, #tpu.memory_space<vmem>> -> memref<1x64xi32, #tpu.memory_space<vmem>>
          %dma_wait3A_103 = tpu.memref_squeeze %dma_wait3A_102 : memref<1x64xi32, #tpu.memory_space<vmem>> -> memref<64xi32, #tpu.memory_space<vmem>>
          %dma_wait3A_104 = arith.constant 0 : i32
          %dma_wait3A_105 = arith.constant 0 : i32
          %dma_wait3A_106 = tpu.memref_slice %arg13[%dma_wait3A_104, %dma_wait3A_105] : memref<10240x128xf32, #tpu.memory_space<vmem_shared>> -> memref<10240x128xf32, #tpu.memory_space<vmem_shared>>
          tpu.wait_indirect_dma semaphore(%run_scoped3A_86 : memref<!tpu.dma_semaphore, #tpu.memory_space<semaphore_mem>>) src(%dma_wait3A_100 : memref<64x128xf32, #tpu.memory_space<vmem>>) dst(%dma_wait3A_106 : memref<10240x128xf32, #tpu.memory_space<vmem_shared>>)
          tpu.yield
        }) : () -> ()
        %scan3A_85 = arith.constant 0 : i32
        scf.yield %scan3A_85 : i32
      }
      %scan3A_30 = arith.constant 28 : i32
    } else {
    }
    %barrier3A_8 = arith.constant 0 : index
    tpu.barrier barrier_id(%barrier3A_8)
    %mul3A_9 = arith.constant 640 : i32
    %mul3A_10 = arith.muli %arg1, %mul3A_9 : i32
    %mul3A_11 = arith.constant 640 : i32
    %mul3A_12 = arith.muli %arg1, %mul3A_11 : i32
    "tpu.region"() ({
      %run_scoped3A = tpu.sem_alloc : memref<!tpu.dma_semaphore, #tpu.memory_space<semaphore_mem>>
      %dma_start3A = arith.constant 0 : i32
      %dma_start3A_13 = tpu.memref_slice %arg9[%arg0, %mul3A_12, %dma_start3A] : memref<2x10240x128xf32, #tpu.memory_space<hbm>> -> memref<1x640x128xf32, #tpu.memory_space<hbm>>
      %dma_start3A_14 = tpu.memref_squeeze %dma_start3A_13 : memref<1x640x128xf32, #tpu.memory_space<hbm>> -> memref<640x128xf32, #tpu.memory_space<hbm>>
      %dma_start3A_15 = arith.constant 0 : i32
      %dma_start3A_16 = tpu.memref_slice %arg13[%mul3A_10, %dma_start3A_15] : memref<10240x128xf32, #tpu.memory_space<vmem_shared>> -> memref<640x128xf32, #tpu.memory_space<vmem_shared>>
      tpu.enqueue_dma source(%dma_start3A_16 : memref<640x128xf32, #tpu.memory_space<vmem_shared>>) target(%dma_start3A_14 : memref<640x128xf32, #tpu.memory_space<hbm>>) target_semaphore(%run_scoped3A : memref<!tpu.dma_semaphore, #tpu.memory_space<semaphore_mem>>)
      %dma_wait3A = arith.constant 0 : i32
      %dma_wait3A_17 = tpu.memref_slice %arg9[%arg0, %mul3A_12, %dma_wait3A] : memref<2x10240x128xf32, #tpu.memory_space<hbm>> -> memref<1x640x128xf32, #tpu.memory_space<hbm>>
      %dma_wait3A_18 = tpu.memref_squeeze %dma_wait3A_17 : memref<1x640x128xf32, #tpu.memory_space<hbm>> -> memref<640x128xf32, #tpu.memory_space<hbm>>
      %dma_wait3A_19 = arith.constant 0 : i32
      %dma_wait3A_20 = tpu.memref_slice %arg13[%mul3A_10, %dma_wait3A_19] : memref<10240x128xf32, #tpu.memory_space<vmem_shared>> -> memref<640x128xf32, #tpu.memory_space<vmem_shared>>
      tpu.wait_dma2 semaphore(%run_scoped3A : memref<!tpu.dma_semaphore, #tpu.memory_space<semaphore_mem>>) src(%dma_wait3A_20 : memref<640x128xf32, #tpu.memory_space<vmem_shared>>) dst(%dma_wait3A_18 : memref<640x128xf32, #tpu.memory_space<hbm>>)
      tpu.yield
    }) : () -> ()
    return
  }
}

module attributes {stable_mosaic.version = 14 : i64} {
  func.func @_xn_body(%arg0: i32, %arg1: memref<512x128xf32, #tpu.memory_space<vmem>>, %arg2: memref<512x128xf32, #tpu.memory_space<vmem>>) attributes {dimension_semantics = [#tpu.dimension_semantics<arbitrary>], iteration_bounds = array<i64: 20>, scalar_prefetch = 0 : i64, scratch_operands = 0 : i64, tpu.core_type = #tpu.core_type<tc>, window_params = [{transform_indices = @transform_0, window_bounds = array<i64: 512, 128>}, {transform_indices = @transform_1, window_bounds = array<i64: 512, 128>}]} {
    %get3A = arith.constant 0 : index
    %get3A_0 = arith.constant 0 : index
    %get3A_1 = vector.load %arg1[%get3A, %get3A_0] : memref<512x128xf32, #tpu.memory_space<vmem>>, vector<512x128xf32>
    %mul3A = arith.mulf %get3A_1, %get3A_1 : vector<512x128xf32>
    %reduce_sum3A = arith.constant dense<0.000000e+00> : vector<512xf32>
    %reduce_sum3A_2 = vector.multi_reduction <add>, %mul3A, %reduce_sum3A [1] : vector<512x128xf32> to vector<512xf32>
    %broadcast_in_dim3A = vector.shape_cast %reduce_sum3A_2 : vector<512xf32> to vector<512x1xf32>
    %sqrt3A = math.sqrt %broadcast_in_dim3A : vector<512x1xf32>
    %add3A = arith.constant 9.99999996E-13 : f32
    %add3A_3 = vector.broadcast %add3A : f32 to vector<512x1xf32>
    %add3A_4 = arith.addf %sqrt3A, %add3A_3 : vector<512x1xf32>
    %div3A = vector.broadcast %add3A_4 : vector<512x1xf32> to vector<512x128xf32>
    %div3A_5 = arith.divf %get3A_1, %div3A : vector<512x128xf32>
    %swap3A = arith.constant 0 : index
    %swap3A_6 = arith.constant 0 : index
    %swap3A_7 = vector.load %arg2[%swap3A, %swap3A_6] : memref<512x128xf32, #tpu.memory_space<vmem>>, vector<512x128xf32>
    tpu.vector_store %arg2[%swap3A, %swap3A_6], %div3A_5 {strides = array<i32>} : memref<512x128xf32, #tpu.memory_space<vmem>>, vector<512x128xf32>,
    return
  }
  func.func @transform_0(%arg0: i32) -> (i32, i32) {
    %c0_i32 = arith.constant 0 : i32
    %c0_i32_0 = arith.constant 0 : i32
    return %arg0, %c0_i32 : i32, i32
  }
  func.func @transform_1(%arg0: i32) -> (i32, i32) {
    %c0_i32 = arith.constant 0 : i32
    %c0_i32_0 = arith.constant 0 : i32
    return %arg0, %c0_i32 : i32, i32
  }
}

module attributes {stable_mosaic.version = 14 : i64} {
  func.func @_knn_body(%arg0: i32, %arg1: memref<256x128xf32, #tpu.memory_space<vmem>>, %arg2: memref<128x10240xf32, #tpu.memory_space<vmem>>, %arg3: memref<256x8xi32, #tpu.memory_space<vmem>>) attributes {dimension_semantics = [#tpu.dimension_semantics<arbitrary>], iteration_bounds = array<i64: 40>, scalar_prefetch = 0 : i64, scratch_operands = 0 : i64, tpu.core_type = #tpu.core_type<tc>, window_params = [{transform_indices = @transform_0, window_bounds = array<i64: 256, 128>}, {pipeline_mode = #tpu.pipeline_mode<synchronous>, transform_indices = @transform_1, window_bounds = array<i64: 128, 10240>}, {transform_indices = @transform_2, window_bounds = array<i64: 256, 8>}]} {
    %get3A = arith.constant 0 : index
    %get3A_0 = arith.constant 0 : index
    %get3A_1 = vector.load %arg1[%get3A, %get3A_0] : memref<256x128xf32, #tpu.memory_space<vmem>>, vector<256x128xf32>
    %get3A_2 = arith.constant 0 : index
    %get3A_3 = arith.constant 0 : index
    %get3A_4 = vector.load %arg2[%get3A_2, %get3A_3] : memref<128x10240xf32, #tpu.memory_space<vmem>>, vector<128x10240xf32>
    %dot_general3A = arith.constant dense<0.000000e+00> : vector<256x10240xf32>
    %dot_general3A_5 = tpu.matmul %get3A_1, %get3A_4, %dot_general3A {dimension_numbers = #tpu.dot_dimension_numbers<[1], [0], [0], [1], [0, 0, 1, 1], [], []>, transpose_lhs_hint = false} : vector<256x128xf32>, vector<128x10240xf32>, vector<256x10240xf32> -> vector<256x10240xf32>
    %iota3A = tpu.iota {dimensions = array<i32: 0>} : vector<256x10240xi32>
    %mul3A = arith.constant 256 : i32
    %mul3A_6 = arith.muli %arg0, %mul3A : i32
    %add3A = vector.broadcast %mul3A_6 : i32 to vector<256x10240xi32>
    %add3A_7 = arith.addi %iota3A, %add3A : vector<256x10240xi32>
    %iota3A_8 = tpu.iota {dimensions = array<i32: 1>} : vector<256x10240xi32>
    %eq3A = arith.cmpi eq, %iota3A_8, %add3A_7 : vector<256x10240xi32>
    %ge3A = arith.constant 10000 : i32
    %ge3A_9 = vector.broadcast %ge3A : i32 to vector<256x10240xi32>
    %ge3A_10 = arith.cmpi sge, %iota3A_8, %ge3A_9 : vector<256x10240xi32>
    %or3A = arith.ori %eq3A, %ge3A_10 : vector<256x10240xi1>
    %jit3A = arith.constant -1.000000e+30 : f32
    %broadcast_in_dim3A = vector.broadcast %jit3A : f32 to vector<256x10240xf32>
    %select_n3A = arith.select %or3A, %broadcast_in_dim3A, %dot_general3A_5 : vector<256x10240xi1>, vector<256x10240xf32>
    %reduce_max3A = arith.constant dense<0xFF800000> : vector<256xf32>
    %reduce_max3A_11 = vector.multi_reduction <maximumf>, %select_n3A, %reduce_max3A [1] : vector<256x10240xf32> to vector<256xf32>
    %broadcast_in_dim3A_12 = vector.shape_cast %reduce_max3A_11 : vector<256xf32> to vector<256x1xf32>
    %ge3A_13 = vector.broadcast %broadcast_in_dim3A_12 : vector<256x1xf32> to vector<256x10240xf32>
    %ge3A_14 = arith.cmpf oge, %select_n3A, %ge3A_13 : vector<256x10240xf32>
    %jit3A_15 = arith.constant 1073741824 : i32
    %broadcast_in_dim3A_16 = vector.broadcast %jit3A_15 : i32 to vector<256x10240xi32>
    %select_n3A_17 = arith.select %ge3A_14, %iota3A_8, %broadcast_in_dim3A_16 : vector<256x10240xi1>, vector<256x10240xi32>
    %reduce_min3A = arith.constant dense<2147483647> : vector<256xi32>
    %reduce_min3A_18 = vector.multi_reduction <minsi>, %select_n3A_17, %reduce_min3A [1] : vector<256x10240xi32> to vector<256xi32>
    %broadcast_in_dim3A_19 = vector.shape_cast %reduce_min3A_18 : vector<256xi32> to vector<256x1xi32>
    %eq3A_20 = vector.broadcast %broadcast_in_dim3A_19 : vector<256x1xi32> to vector<256x10240xi32>
    %eq3A_21 = arith.cmpi eq, %iota3A_8, %eq3A_20 : vector<256x10240xi32>
    %jit3A_22 = arith.constant -1.000000e+30 : f32
    %broadcast_in_dim3A_23 = vector.broadcast %jit3A_22 : f32 to vector<256x10240xf32>
    %select_n3A_24 = arith.select %eq3A_21, %broadcast_in_dim3A_23, %select_n3A : vector<256x10240xi1>, vector<256x10240xf32>
    %reduce_max3A_25 = arith.constant dense<0xFF800000> : vector<256xf32>
    %reduce_max3A_26 = vector.multi_reduction <maximumf>, %select_n3A_24, %reduce_max3A_25 [1] : vector<256x10240xf32> to vector<256xf32>
    %broadcast_in_dim3A_27 = vector.shape_cast %reduce_max3A_26 : vector<256xf32> to vector<256x1xf32>
    %ge3A_28 = vector.broadcast %broadcast_in_dim3A_27 : vector<256x1xf32> to vector<256x10240xf32>
    %ge3A_29 = arith.cmpf oge, %select_n3A_24, %ge3A_28 : vector<256x10240xf32>
    %jit3A_30 = arith.constant 1073741824 : i32
    %broadcast_in_dim3A_31 = vector.broadcast %jit3A_30 : i32 to vector<256x10240xi32>
    %select_n3A_32 = arith.select %ge3A_29, %iota3A_8, %broadcast_in_dim3A_31 : vector<256x10240xi1>, vector<256x10240xi32>
    %reduce_min3A_33 = arith.constant dense<2147483647> : vector<256xi32>
    %reduce_min3A_34 = vector.multi_reduction <minsi>, %select_n3A_32, %reduce_min3A_33 [1] : vector<256x10240xi32> to vector<256xi32>
    %broadcast_in_dim3A_35 = vector.shape_cast %reduce_min3A_34 : vector<256xi32> to vector<256x1xi32>
    %eq3A_36 = vector.broadcast %broadcast_in_dim3A_35 : vector<256x1xi32> to vector<256x10240xi32>
    %eq3A_37 = arith.cmpi eq, %iota3A_8, %eq3A_36 : vector<256x10240xi32>
    %jit3A_38 = arith.constant -1.000000e+30 : f32
    %broadcast_in_dim3A_39 = vector.broadcast %jit3A_38 : f32 to vector<256x10240xf32>
    %select_n3A_40 = arith.select %eq3A_37, %broadcast_in_dim3A_39, %select_n3A_24 : vector<256x10240xi1>, vector<256x10240xf32>
    %reduce_max3A_41 = arith.constant dense<0xFF800000> : vector<256xf32>
    %reduce_max3A_42 = vector.multi_reduction <maximumf>, %select_n3A_40, %reduce_max3A_41 [1] : vector<256x10240xf32> to vector<256xf32>
    %broadcast_in_dim3A_43 = vector.shape_cast %reduce_max3A_42 : vector<256xf32> to vector<256x1xf32>
    %ge3A_44 = vector.broadcast %broadcast_in_dim3A_43 : vector<256x1xf32> to vector<256x10240xf32>
    %ge3A_45 = arith.cmpf oge, %select_n3A_40, %ge3A_44 : vector<256x10240xf32>
    %jit3A_46 = arith.constant 1073741824 : i32
    %broadcast_in_dim3A_47 = vector.broadcast %jit3A_46 : i32 to vector<256x10240xi32>
    %select_n3A_48 = arith.select %ge3A_45, %iota3A_8, %broadcast_in_dim3A_47 : vector<256x10240xi1>, vector<256x10240xi32>
    %reduce_min3A_49 = arith.constant dense<2147483647> : vector<256xi32>
    %reduce_min3A_50 = vector.multi_reduction <minsi>, %select_n3A_48, %reduce_min3A_49 [1] : vector<256x10240xi32> to vector<256xi32>
    %broadcast_in_dim3A_51 = vector.shape_cast %reduce_min3A_50 : vector<256xi32> to vector<256x1xi32>
    %eq3A_52 = vector.broadcast %broadcast_in_dim3A_51 : vector<256x1xi32> to vector<256x10240xi32>
    %eq3A_53 = arith.cmpi eq, %iota3A_8, %eq3A_52 : vector<256x10240xi32>
    %jit3A_54 = arith.constant -1.000000e+30 : f32
    %broadcast_in_dim3A_55 = vector.broadcast %jit3A_54 : f32 to vector<256x10240xf32>
    %select_n3A_56 = arith.select %eq3A_53, %broadcast_in_dim3A_55, %select_n3A_40 : vector<256x10240xi1>, vector<256x10240xf32>
    %reduce_max3A_57 = arith.constant dense<0xFF800000> : vector<256xf32>
    %reduce_max3A_58 = vector.multi_reduction <maximumf>, %select_n3A_56, %reduce_max3A_57 [1] : vector<256x10240xf32> to vector<256xf32>
    %broadcast_in_dim3A_59 = vector.shape_cast %reduce_max3A_58 : vector<256xf32> to vector<256x1xf32>
    %ge3A_60 = vector.broadcast %broadcast_in_dim3A_59 : vector<256x1xf32> to vector<256x10240xf32>
    %ge3A_61 = arith.cmpf oge, %select_n3A_56, %ge3A_60 : vector<256x10240xf32>
    %jit3A_62 = arith.constant 1073741824 : i32
    %broadcast_in_dim3A_63 = vector.broadcast %jit3A_62 : i32 to vector<256x10240xi32>
    %select_n3A_64 = arith.select %ge3A_61, %iota3A_8, %broadcast_in_dim3A_63 : vector<256x10240xi1>, vector<256x10240xi32>
    %reduce_min3A_65 = arith.constant dense<2147483647> : vector<256xi32>
    %reduce_min3A_66 = vector.multi_reduction <minsi>, %select_n3A_64, %reduce_min3A_65 [1] : vector<256x10240xi32> to vector<256xi32>
    %broadcast_in_dim3A_67 = vector.shape_cast %reduce_min3A_66 : vector<256xi32> to vector<256x1xi32>
    %eq3A_68 = vector.broadcast %broadcast_in_dim3A_67 : vector<256x1xi32> to vector<256x10240xi32>
    %eq3A_69 = arith.cmpi eq, %iota3A_8, %eq3A_68 : vector<256x10240xi32>
    %jit3A_70 = arith.constant -1.000000e+30 : f32
    %broadcast_in_dim3A_71 = vector.broadcast %jit3A_70 : f32 to vector<256x10240xf32>
    %select_n3A_72 = arith.select %eq3A_69, %broadcast_in_dim3A_71, %select_n3A_56 : vector<256x10240xi1>, vector<256x10240xf32>
    %reduce_max3A_73 = arith.constant dense<0xFF800000> : vector<256xf32>
    %reduce_max3A_74 = vector.multi_reduction <maximumf>, %select_n3A_72, %reduce_max3A_73 [1] : vector<256x10240xf32> to vector<256xf32>
    %broadcast_in_dim3A_75 = vector.shape_cast %reduce_max3A_74 : vector<256xf32> to vector<256x1xf32>
    %ge3A_76 = vector.broadcast %broadcast_in_dim3A_75 : vector<256x1xf32> to vector<256x10240xf32>
    %ge3A_77 = arith.cmpf oge, %select_n3A_72, %ge3A_76 : vector<256x10240xf32>
    %jit3A_78 = arith.constant 1073741824 : i32
    %broadcast_in_dim3A_79 = vector.broadcast %jit3A_78 : i32 to vector<256x10240xi32>
    %select_n3A_80 = arith.select %ge3A_77, %iota3A_8, %broadcast_in_dim3A_79 : vector<256x10240xi1>, vector<256x10240xi32>
    %reduce_min3A_81 = arith.constant dense<2147483647> : vector<256xi32>
    %reduce_min3A_82 = vector.multi_reduction <minsi>, %select_n3A_80, %reduce_min3A_81 [1] : vector<256x10240xi32> to vector<256xi32>
    %broadcast_in_dim3A_83 = vector.shape_cast %reduce_min3A_82 : vector<256xi32> to vector<256x1xi32>
    %broadcast_in_dim3A_84 = arith.constant 0 : i32
    %broadcast_in_dim3A_85 = vector.broadcast %broadcast_in_dim3A_84 : i32 to vector<256x3xi32>
    %concatenate3A = tpu.concatenate %broadcast_in_dim3A_19, %broadcast_in_dim3A_35, %broadcast_in_dim3A_51, %broadcast_in_dim3A_67, %broadcast_in_dim3A_83, %broadcast_in_dim3A_85 in 1 : vector<256x1xi32>, vector<256x1xi32>, vector<256x1xi32>, vector<256x1xi32>, vector<256x1xi32>, vector<256x3xi32> -> vector<256x8xi32>
    %swap3A = arith.constant 0 : index
    %swap3A_86 = arith.constant 0 : index
    %swap3A_87 = vector.load %arg3[%swap3A, %swap3A_86] : memref<256x8xi32, #tpu.memory_space<vmem>>, vector<256x8xi32>
    tpu.vector_store %arg3[%swap3A, %swap3A_86], %concatenate3A {strides = array<i32>} : memref<256x8xi32, #tpu.memory_space<vmem>>, vector<256x8xi32>,
    return
  }
  func.func @transform_0(%arg0: i32) -> (i32, i32) {
    %c0_i32 = arith.constant 0 : i32
    %c0_i32_0 = arith.constant 0 : i32
    return %arg0, %c0_i32 : i32, i32
  }
  func.func @transform_1(%arg0: i32) -> (i32, i32) {
    %c0_i32 = arith.constant 0 : i32
    %c0_i32_0 = arith.constant 0 : i32
    %c0_i32_1 = arith.constant 0 : i32
    return %c0_i32, %c0_i32_0 : i32, i32
  }
  func.func @transform_2(%arg0: i32) -> (i32, i32) {
    %c0_i32 = arith.constant 0 : i32
    %c0_i32_0 = arith.constant 0 : i32
    return %arg0, %c0_i32 : i32, i32
  }
}

module attributes {stable_mosaic.version = 14 : i64} {
  func.func @_head1_body(%arg0: i32, %arg1: memref<512x128xf32, #tpu.memory_space<vmem>>, %arg2: memref<128x64xf32, #tpu.memory_space<vmem>>, %arg3: memref<512x1xf32, #tpu.memory_space<vmem>>, %arg4: memref<512x1xf32, #tpu.memory_space<vmem>>, %arg5: memref<512x64xf32, #tpu.memory_space<vmem>>, %arg6: memref<512x128xf32, #tpu.memory_space<vmem>>, %arg7: memref<512x128xf32, #tpu.memory_space<vmem>>) attributes {dimension_semantics = [#tpu.dimension_semantics<arbitrary>], iteration_bounds = array<i64: 20>, scalar_prefetch = 0 : i64, scratch_operands = 0 : i64, tpu.core_type = #tpu.core_type<tc>, window_params = [{transform_indices = @transform_0, window_bounds = array<i64: 512, 128>}, {pipeline_mode = #tpu.pipeline_mode<synchronous>, transform_indices = @transform_1, window_bounds = array<i64: 128, 64>}, {transform_indices = @transform_2, window_bounds = array<i64: 512, 1>}, {transform_indices = @transform_3, window_bounds = array<i64: 512, 1>}, {transform_indices = @transform_4, window_bounds = array<i64: 512, 64>}, {transform_indices = @transform_5, window_bounds = array<i64: 512, 128>}, {transform_indices = @transform_6, window_bounds = array<i64: 512, 128>}]} {
    %get3A = arith.constant 0 : index
    %get3A_0 = arith.constant 0 : index
    %get3A_1 = vector.load %arg1[%get3A, %get3A_0] : memref<512x128xf32, #tpu.memory_space<vmem>>, vector<512x128xf32>
    %get3A_2 = arith.constant 0 : index
    %get3A_3 = arith.constant 0 : index
    %get3A_4 = vector.load %arg2[%get3A_2, %get3A_3] : memref<128x64xf32, #tpu.memory_space<vmem>>, vector<128x64xf32>
    %dot_general3A = arith.constant dense<0.000000e+00> : vector<512x64xf32>
    %dot_general3A_5 = tpu.matmul %get3A_1, %get3A_4, %dot_general3A {dimension_numbers = #tpu.dot_dimension_numbers<[1], [0], [0], [1], [0, 0, 1, 1], [], []>, transpose_lhs_hint = false} : vector<512x128xf32>, vector<128x64xf32>, vector<512x64xf32> -> vector<512x64xf32>
    %broadcast_in_dim3A = arith.constant 0.000000e+00 : f32
    %broadcast_in_dim3A_6 = vector.broadcast %broadcast_in_dim3A : f32 to vector<512x64xf32>
    %swap3A = arith.constant 0 : index
    %swap3A_7 = arith.constant 0 : index
    %swap3A_8 = vector.load %arg5[%swap3A, %swap3A_7] : memref<512x64xf32, #tpu.memory_space<vmem>>, vector<512x64xf32>
    tpu.vector_store %arg5[%swap3A, %swap3A_7], %dot_general3A_5 {strides = array<i32>} : memref<512x64xf32, #tpu.memory_space<vmem>>, vector<512x64xf32>,
    %get3A_9 = arith.constant 0 : index
    %get3A_10 = arith.constant 0 : index
    %get3A_11 = vector.load %arg3[%get3A_9, %get3A_10] : memref<512x1xf32, #tpu.memory_space<vmem>>, vector<512x1xf32>
    %gt3A = arith.constant 0.000000e+00 : f32
    %gt3A_12 = vector.broadcast %gt3A : f32 to vector<512x1xf32>
    %gt3A_13 = arith.cmpf ogt, %get3A_11, %gt3A_12 : vector<512x1xf32>
    %max3A = arith.constant 9.99999996E-13 : f32
    %max3A_14 = vector.broadcast %max3A : f32 to vector<512x1xf32>
    %max3A_15 = arith.maximumf %get3A_11, %max3A_14 : vector<512x1xf32>
    %rsqrt3A = math.rsqrt %max3A_15 : vector<512x1xf32>
    %jit3A = arith.constant 0.000000e+00 : f32
    %broadcast_in_dim3A_16 = vector.broadcast %jit3A : f32 to vector<512x1xf32>
    %select_n3A = arith.select %gt3A_13, %rsqrt3A, %broadcast_in_dim3A_16 : vector<512x1xi1>, vector<512x1xf32>
    %mul3A = vector.broadcast %select_n3A : vector<512x1xf32> to vector<512x64xf32>
    %mul3A_17 = arith.mulf %mul3A, %dot_general3A_5 : vector<512x64xf32>
    %concatenate3A = tpu.concatenate %mul3A_17, %broadcast_in_dim3A_6 in 1 : vector<512x64xf32>, vector<512x64xf32> -> vector<512x128xf32>
    %swap3A_18 = arith.constant 0 : index
    %swap3A_19 = arith.constant 0 : index
    %swap3A_20 = vector.load %arg6[%swap3A_18, %swap3A_19] : memref<512x128xf32, #tpu.memory_space<vmem>>, vector<512x128xf32>
    tpu.vector_store %arg6[%swap3A_18, %swap3A_19], %concatenate3A {strides = array<i32>} : memref<512x128xf32, #tpu.memory_space<vmem>>, vector<512x128xf32>,
    %get3A_21 = arith.constant 0 : index
    %get3A_22 = arith.constant 0 : index
    %get3A_23 = vector.load %arg4[%get3A_21, %get3A_22] : memref<512x1xf32, #tpu.memory_space<vmem>>, vector<512x1xf32>
    %gt3A_24 = arith.constant 0.000000e+00 : f32
    %gt3A_25 = vector.broadcast %gt3A_24 : f32 to vector<512x1xf32>
    %gt3A_26 = arith.cmpf ogt, %get3A_23, %gt3A_25 : vector<512x1xf32>
    %max3A_27 = arith.constant 9.99999996E-13 : f32
    %max3A_28 = vector.broadcast %max3A_27 : f32 to vector<512x1xf32>
    %max3A_29 = arith.maximumf %get3A_23, %max3A_28 : vector<512x1xf32>
    %rsqrt3A_30 = math.rsqrt %max3A_29 : vector<512x1xf32>
    %jit3A_31 = arith.constant 0.000000e+00 : f32
    %broadcast_in_dim3A_32 = vector.broadcast %jit3A_31 : f32 to vector<512x1xf32>
    %select_n3A_33 = arith.select %gt3A_26, %rsqrt3A_30, %broadcast_in_dim3A_32 : vector<512x1xi1>, vector<512x1xf32>
    %mul3A_34 = vector.broadcast %select_n3A_33 : vector<512x1xf32> to vector<512x64xf32>
    %mul3A_35 = arith.mulf %mul3A_34, %dot_general3A_5 : vector<512x64xf32>
    %concatenate3A_36 = tpu.concatenate %broadcast_in_dim3A_6, %mul3A_35 in 1 : vector<512x64xf32>, vector<512x64xf32> -> vector<512x128xf32>
    %swap3A_37 = arith.constant 0 : index
    %swap3A_38 = arith.constant 0 : index
    %swap3A_39 = vector.load %arg7[%swap3A_37, %swap3A_38] : memref<512x128xf32, #tpu.memory_space<vmem>>, vector<512x128xf32>
    tpu.vector_store %arg7[%swap3A_37, %swap3A_38], %concatenate3A_36 {strides = array<i32>} : memref<512x128xf32, #tpu.memory_space<vmem>>, vector<512x128xf32>,
    return
  }
  func.func @transform_0(%arg0: i32) -> (i32, i32) {
    %c0_i32 = arith.constant 0 : i32
    %c0_i32_0 = arith.constant 0 : i32
    return %arg0, %c0_i32 : i32, i32
  }
  func.func @transform_1(%arg0: i32) -> (i32, i32) {
    %c0_i32 = arith.constant 0 : i32
    %c0_i32_0 = arith.constant 0 : i32
    %c0_i32_1 = arith.constant 0 : i32
    return %c0_i32, %c0_i32_0 : i32, i32
  }
  func.func @transform_2(%arg0: i32) -> (i32, i32) {
    %c0_i32 = arith.constant 0 : i32
    %c0_i32_0 = arith.constant 0 : i32
    return %arg0, %c0_i32 : i32, i32
  }
  func.func @transform_3(%arg0: i32) -> (i32, i32) {
    %c0_i32 = arith.constant 0 : i32
    %c0_i32_0 = arith.constant 0 : i32
    return %arg0, %c0_i32 : i32, i32
  }
  func.func @transform_4(%arg0: i32) -> (i32, i32) {
    %c0_i32 = arith.constant 0 : i32
    %c0_i32_0 = arith.constant 0 : i32
    return %arg0, %c0_i32 : i32, i32
  }
  func.func @transform_5(%arg0: i32) -> (i32, i32) {
    %c0_i32 = arith.constant 0 : i32
    %c0_i32_0 = arith.constant 0 : i32
    return %arg0, %c0_i32 : i32, i32
  }
  func.func @transform_6(%arg0: i32) -> (i32, i32) {
    %c0_i32 = arith.constant 0 : i32
    %c0_i32_0 = arith.constant 0 : i32
    return %arg0, %c0_i32 : i32, i32
  }
}

module attributes {stable_mosaic.version = 14 : i64} {
  func.func @_m2_body(%arg0: i32, %arg1: i32, %arg2: i32, %arg3: memref<1024x1024xbf16, #tpu.memory_space<vmem>>, %arg4: memref<1024x1024xbf16, #tpu.memory_space<vmem>>, %arg5: memref<1024x1024xbf16, #tpu.memory_space<vmem>>, %arg6: memref<1024x1024xbf16, #tpu.memory_space<vmem>>, %arg7: memref<1024x64xf32, #tpu.memory_space<vmem>>, %arg8: memref<1024x1024xf32, #tpu.memory_space<vmem>>, %arg9: memref<1024x64xf32, #tpu.memory_space<vmem>>) attributes {dimension_semantics = [#tpu.dimension_semantics<parallel>, #tpu.dimension_semantics<arbitrary>, #tpu.dimension_semantics<arbitrary>], iteration_bounds = array<i64: 10, 10, 10>, scalar_prefetch = 0 : i64, scratch_operands = 2 : i64, tpu.core_type = #tpu.core_type<tc>, window_params = [{transform_indices = @transform_0, window_bounds = array<i64: 1024, 1024>}, {transform_indices = @transform_1, window_bounds = array<i64: 1024, 1024>}, {transform_indices = @transform_2, window_bounds = array<i64: 1024, 1024>}, {transform_indices = @transform_3, window_bounds = array<i64: 1024, 1024>}, {transform_indices = @transform_4, window_bounds = array<i64: 1024, 64>}]} {
    %eq3A = arith.constant 0 : i32
    %eq3A_0 = arith.cmpi eq, %arg2, %eq3A : i32
    %convert_element_type3A = arith.extui %eq3A_0 : i1 to i32
    %cond3A = arith.constant 0 : i32
    %cond3A_1 = arith.cmpi ne, %convert_element_type3A, %cond3A : i32
    scf.if %cond3A_1 {
      %broadcast_in_dim3A = arith.constant 0.000000e+00 : f32
      %broadcast_in_dim3A_18 = vector.broadcast %broadcast_in_dim3A : f32 to vector<1024x1024xf32>
      %swap3A_19 = arith.constant 0 : index
      %swap3A_20 = arith.constant 0 : index
      %swap3A_21 = vector.load %arg8[%swap3A_19, %swap3A_20] : memref<1024x1024xf32, #tpu.memory_space<vmem>>, vector<1024x1024xf32>
      tpu.vector_store %arg8[%swap3A_19, %swap3A_20], %broadcast_in_dim3A_18 {strides = array<i32>} : memref<1024x1024xf32, #tpu.memory_space<vmem>>, vector<1024x1024xf32>,
    } else {
    }
    %get3A = arith.constant 0 : index
    %get3A_2 = arith.constant 0 : index
    %get3A_3 = vector.load %arg8[%get3A, %get3A_2] : memref<1024x1024xf32, #tpu.memory_space<vmem>>, vector<1024x1024xf32>
    %get3A_4 = arith.constant 0 : index
    %get3A_5 = arith.constant 0 : index
    %get3A_6 = vector.load %arg3[%get3A_4, %get3A_5] : memref<1024x1024xbf16, #tpu.memory_space<vmem>>, vector<1024x1024xbf16>
    %get3A_7 = arith.constant 0 : index
    %get3A_8 = arith.constant 0 : index
    %get3A_9 = vector.load %arg4[%get3A_7, %get3A_8] : memref<1024x1024xbf16, #tpu.memory_space<vmem>>, vector<1024x1024xbf16>
    %dot_general3A = arith.constant dense<0.000000e+00> : vector<1024x1024xf32>
    %dot_general3A_10 = tpu.matmul %get3A_6, %get3A_9, %dot_general3A {dimension_numbers = #tpu.dot_dimension_numbers<[1], [0], [0], [1], [0, 0, 1, 1], [], []>, transpose_lhs_hint = false} : vector<1024x1024xbf16>, vector<1024x1024xbf16>, vector<1024x1024xf32> -> vector<1024x1024xf32>
    %add3A = arith.addf %get3A_3, %dot_general3A_10 : vector<1024x1024xf32>
    %swap3A = arith.constant 0 : index
    %swap3A_11 = arith.constant 0 : index
    %swap3A_12 = vector.load %arg8[%swap3A, %swap3A_11] : memref<1024x1024xf32, #tpu.memory_space<vmem>>, vector<1024x1024xf32>
    tpu.vector_store %arg8[%swap3A, %swap3A_11], %add3A {strides = array<i32>} : memref<1024x1024xf32, #tpu.memory_space<vmem>>, vector<1024x1024xf32>,
    %eq3A_13 = arith.constant 9 : i32
    %eq3A_14 = arith.cmpi eq, %arg2, %eq3A_13 : i32
    %convert_element_type3A_15 = arith.extui %eq3A_14 : i1 to i32
    %cond3A_16 = arith.constant 0 : i32
    %cond3A_17 = arith.cmpi ne, %convert_element_type3A_15, %cond3A_16 : i32
    scf.if %cond3A_17 {
      %get3A_18 = arith.constant 0 : index
      %get3A_19 = arith.constant 0 : index
      %get3A_20 = vector.load %arg8[%get3A_18, %get3A_19] : memref<1024x1024xf32, #tpu.memory_space<vmem>>, vector<1024x1024xf32>
      %iota3A = tpu.iota {dimensions = array<i32: 0>} : vector<1024x1024xi32>
      %mul3A = arith.constant 1024 : i32
      %mul3A_21 = arith.muli %arg0, %mul3A : i32
      %add3A_22 = vector.broadcast %mul3A_21 : i32 to vector<1024x1024xi32>
      %add3A_23 = arith.addi %iota3A, %add3A_22 : vector<1024x1024xi32>
      %iota3A_24 = tpu.iota {dimensions = array<i32: 1>} : vector<1024x1024xi32>
      %mul3A_25 = arith.constant 1024 : i32
      %mul3A_26 = arith.muli %arg1, %mul3A_25 : i32
      %add3A_27 = vector.broadcast %mul3A_26 : i32 to vector<1024x1024xi32>
      %add3A_28 = arith.addi %iota3A_24, %add3A_27 : vector<1024x1024xi32>
      %gt3A = arith.constant 0.000000e+00 : f32
      %gt3A_29 = vector.broadcast %gt3A : f32 to vector<1024x1024xf32>
      %gt3A_30 = arith.cmpf ogt, %get3A_20, %gt3A_29 : vector<1024x1024xf32>
      %get3A_31 = arith.constant 0 : index
      %get3A_32 = arith.constant 0 : index
      %get3A_33 = vector.load %arg5[%get3A_31, %get3A_32] : memref<1024x1024xbf16, #tpu.memory_space<vmem>>, vector<1024x1024xbf16>
      %eq3A_34 = arith.constant 0.000000e+00 : bf16
      %eq3A_35 = vector.broadcast %eq3A_34 : bf16 to vector<1024x1024xbf16>
      %eq3A_36 = arith.cmpf oeq, %get3A_33, %eq3A_35 : vector<1024x1024xbf16>
      %and3A = arith.andi %gt3A_30, %eq3A_36 : vector<1024x1024xi1>
      %ne3A = arith.cmpi ne, %add3A_23, %add3A_28 : vector<1024x1024xi32>
      %and3A_37 = arith.andi %and3A, %ne3A : vector<1024x1024xi1>
      %convert_element_type3A_38 = arith.extui %and3A_37 : vector<1024x1024xi1> to vector<1024x1024xi32>
      %convert_element_type3A_39 = arith.sitofp %convert_element_type3A_38 : vector<1024x1024xi32> to vector<1024x1024xf32>
      %convert_element_type3A_40 = arith.truncf %convert_element_type3A_39 : vector<1024x1024xf32> to vector<1024x1024xbf16>
      %swap3A_41 = arith.constant 0 : index
      %swap3A_42 = arith.constant 0 : index
      %swap3A_43 = vector.load %arg6[%swap3A_41, %swap3A_42] : memref<1024x1024xbf16, #tpu.memory_space<vmem>>, vector<1024x1024xbf16>
      tpu.vector_store %arg6[%swap3A_41, %swap3A_42], %convert_element_type3A_40 {strides = array<i32>} : memref<1024x1024xbf16, #tpu.memory_space<vmem>>, vector<1024x1024xbf16>,
      %broadcast_in_dim3A = arith.constant 1.000000e+00 : f32
      %broadcast_in_dim3A_44 = vector.broadcast %broadcast_in_dim3A : f32 to vector<1024x64xf32>
      %dot_general3A_45 = arith.constant dense<0.000000e+00> : vector<1024x64xf32>
      %dot_general3A_46 = tpu.matmul %convert_element_type3A_39, %broadcast_in_dim3A_44, %dot_general3A_45 {dimension_numbers = #tpu.dot_dimension_numbers<[1], [0], [0], [1], [0, 0, 1, 1], [], []>, transpose_lhs_hint = false} : vector<1024x1024xf32>, vector<1024x64xf32>, vector<1024x64xf32> -> vector<1024x64xf32>
      %eq3A_47 = arith.constant 0 : i32
      %eq3A_48 = arith.cmpi eq, %arg1, %eq3A_47 : i32
      %convert_element_type3A_49 = arith.extui %eq3A_48 : i1 to i32
      %cond3A_50 = arith.constant 0 : i32
      %cond3A_51 = arith.cmpi ne, %convert_element_type3A_49, %cond3A_50 : i32
      scf.if %cond3A_51 {
        %broadcast_in_dim3A_64 = arith.constant 0.000000e+00 : f32
        %broadcast_in_dim3A_65 = vector.broadcast %broadcast_in_dim3A_64 : f32 to vector<1024x64xf32>
        %swap3A_66 = arith.constant 0 : index
        %swap3A_67 = arith.constant 0 : index
        %swap3A_68 = vector.load %arg9[%swap3A_66, %swap3A_67] : memref<1024x64xf32, #tpu.memory_space<vmem>>, vector<1024x64xf32>
        tpu.vector_store %arg9[%swap3A_66, %swap3A_67], %broadcast_in_dim3A_65 {strides = array<i32>} : memref<1024x64xf32, #tpu.memory_space<vmem>>, vector<1024x64xf32>,
      } else {
      }
      %get3A_52 = arith.constant 0 : index
      %get3A_53 = arith.constant 0 : index
      %get3A_54 = vector.load %arg9[%get3A_52, %get3A_53] : memref<1024x64xf32, #tpu.memory_space<vmem>>, vector<1024x64xf32>
      %add3A_55 = arith.addf %get3A_54, %dot_general3A_46 : vector<1024x64xf32>
      %swap3A_56 = arith.constant 0 : index
      %swap3A_57 = arith.constant 0 : index
      %swap3A_58 = vector.load %arg9[%swap3A_56, %swap3A_57] : memref<1024x64xf32, #tpu.memory_space<vmem>>, vector<1024x64xf32>
      tpu.vector_store %arg9[%swap3A_56, %swap3A_57], %add3A_55 {strides = array<i32>} : memref<1024x64xf32, #tpu.memory_space<vmem>>, vector<1024x64xf32>,
      %eq3A_59 = arith.constant 9 : i32
      %eq3A_60 = arith.cmpi eq, %arg1, %eq3A_59 : i32
      %convert_element_type3A_61 = arith.extui %eq3A_60 : i1 to i32
      %cond3A_62 = arith.constant 0 : i32
      %cond3A_63 = arith.cmpi ne, %convert_element_type3A_61, %cond3A_62 : i32
      scf.if %cond3A_63 {
        %get3A_64 = arith.constant 0 : index
        %get3A_65 = arith.constant 0 : index
        %get3A_66 = vector.load %arg9[%get3A_64, %get3A_65] : memref<1024x64xf32, #tpu.memory_space<vmem>>, vector<1024x64xf32>
        %swap3A_67 = arith.constant 0 : index
        %swap3A_68 = arith.constant 0 : index
        %swap3A_69 = vector.load %arg7[%swap3A_67, %swap3A_68] : memref<1024x64xf32, #tpu.memory_space<vmem>>, vector<1024x64xf32>
        tpu.vector_store %arg7[%swap3A_67, %swap3A_68], %get3A_66 {strides = array<i32>} : memref<1024x64xf32, #tpu.memory_space<vmem>>, vector<1024x64xf32>,
      } else {
      }
    } else {
    }
    return
  }
  func.func @transform_0(%arg0: i32, %arg1: i32, %arg2: i32) -> (i32, i32) {
    %c0_i32 = arith.constant 0 : i32
    return %arg0, %arg2 : i32, i32
  }
  func.func @transform_1(%arg0: i32, %arg1: i32, %arg2: i32) -> (i32, i32) {
    %c0_i32 = arith.constant 0 : i32
    return %arg2, %arg1 : i32, i32
  }
  func.func @transform_2(%arg0: i32, %arg1: i32, %arg2: i32) -> (i32, i32) {
    %c0_i32 = arith.constant 0 : i32
    return %arg0, %arg1 : i32, i32
  }
  func.func @transform_3(%arg0: i32, %arg1: i32, %arg2: i32) -> (i32, i32) {
    %c0_i32 = arith.constant 0 : i32
    return %arg0, %arg1 : i32, i32
  }
  func.func @transform_4(%arg0: i32, %arg1: i32, %arg2: i32) -> (i32, i32) {
    %c0_i32 = arith.constant 0 : i32
    %c0_i32_0 = arith.constant 0 : i32
    return %arg0, %c0_i32 : i32, i32
  }
}

module attributes {stable_mosaic.version = 14 : i64} {
  func.func @_dgcn_body(%arg0: i32, %arg1: i32, %arg2: memref<1024x1024xbf16, #tpu.memory_space<vmem>>, %arg3: memref<1024x64xf32, #tpu.memory_space<vmem>>, %arg4: memref<1024x64xf32, #tpu.memory_space<vmem>>, %arg5: memref<1024x64xf32, #tpu.memory_space<vmem>>, %arg6: memref<1024x64xf32, #tpu.memory_space<vmem>>, %arg7: memref<1024x64xf32, #tpu.memory_space<vmem>>) attributes {dimension_semantics = [#tpu.dimension_semantics<parallel>, #tpu.dimension_semantics<arbitrary>], iteration_bounds = array<i64: 10, 10>, scalar_prefetch = 0 : i64, scratch_operands = 1 : i64, tpu.core_type = #tpu.core_type<tc>, window_params = [{transform_indices = @transform_0, window_bounds = array<i64: 1024, 1024>}, {transform_indices = @transform_1, window_bounds = array<i64: 1024, 64>}, {transform_indices = @transform_2, window_bounds = array<i64: 1024, 64>}, {transform_indices = @transform_3, window_bounds = array<i64: 1024, 64>}, {transform_indices = @transform_4, window_bounds = array<i64: 1024, 64>}]} {
    %eq3A = arith.constant 0 : i32
    %eq3A_0 = arith.cmpi eq, %arg1, %eq3A : i32
    %convert_element_type3A = arith.extui %eq3A_0 : i1 to i32
    %cond3A = arith.constant 0 : i32
    %cond3A_1 = arith.cmpi ne, %convert_element_type3A, %cond3A : i32
    scf.if %cond3A_1 {
      %broadcast_in_dim3A_26 = arith.constant 0.000000e+00 : f32
      %broadcast_in_dim3A_27 = vector.broadcast %broadcast_in_dim3A_26 : f32 to vector<1024x64xf32>
      %swap3A_28 = arith.constant 0 : index
      %swap3A_29 = arith.constant 0 : index
      %swap3A_30 = vector.load %arg7[%swap3A_28, %swap3A_29] : memref<1024x64xf32, #tpu.memory_space<vmem>>, vector<1024x64xf32>
      tpu.vector_store %arg7[%swap3A_28, %swap3A_29], %broadcast_in_dim3A_27 {strides = array<i32>} : memref<1024x64xf32, #tpu.memory_space<vmem>>, vector<1024x64xf32>,
    } else {
    }
    %get3A = arith.constant 0 : index
    %get3A_2 = arith.constant 0 : index
    %get3A_3 = vector.load %arg4[%get3A, %get3A_2] : memref<1024x64xf32, #tpu.memory_space<vmem>>, vector<1024x64xf32>
    %gt3A = arith.constant 0.000000e+00 : f32
    %gt3A_4 = vector.broadcast %gt3A : f32 to vector<1024x64xf32>
    %gt3A_5 = arith.cmpf ogt, %get3A_3, %gt3A_4 : vector<1024x64xf32>
    %max3A = arith.constant 9.99999996E-13 : f32
    %max3A_6 = vector.broadcast %max3A : f32 to vector<1024x64xf32>
    %max3A_7 = arith.maximumf %get3A_3, %max3A_6 : vector<1024x64xf32>
    %rsqrt3A = math.rsqrt %max3A_7 : vector<1024x64xf32>
    %jit3A = arith.constant 0.000000e+00 : f32
    %broadcast_in_dim3A = vector.broadcast %jit3A : f32 to vector<1024x64xf32>
    %select_n3A = arith.select %gt3A_5, %rsqrt3A, %broadcast_in_dim3A : vector<1024x64xi1>, vector<1024x64xf32>
    %get3A_8 = arith.constant 0 : index
    %get3A_9 = arith.constant 0 : index
    %get3A_10 = vector.load %arg3[%get3A_8, %get3A_9] : memref<1024x64xf32, #tpu.memory_space<vmem>>, vector<1024x64xf32>
    %mul3A = arith.mulf %select_n3A, %get3A_10 : vector<1024x64xf32>
    %get3A_11 = arith.constant 0 : index
    %get3A_12 = arith.constant 0 : index
    %get3A_13 = vector.load %arg2[%get3A_11, %get3A_12] : memref<1024x1024xbf16, #tpu.memory_space<vmem>>, vector<1024x1024xbf16>
    %convert_element_type3A_14 = arith.extf %get3A_13 : vector<1024x1024xbf16> to vector<1024x1024xf32>
    %get3A_15 = arith.constant 0 : index
    %get3A_16 = arith.constant 0 : index
    %get3A_17 = vector.load %arg7[%get3A_15, %get3A_16] : memref<1024x64xf32, #tpu.memory_space<vmem>>, vector<1024x64xf32>
    %dot_general3A = arith.constant dense<0.000000e+00> : vector<1024x64xf32>
    %dot_general3A_18 = tpu.matmul %convert_element_type3A_14, %mul3A, %dot_general3A {dimension_numbers = #tpu.dot_dimension_numbers<[1], [0], [0], [1], [0, 0, 1, 1], [], []>, precision = #tpu.contract_precision<fp32>, transpose_lhs_hint = false} : vector<1024x1024xf32>, vector<1024x64xf32>, vector<1024x64xf32> -> vector<1024x64xf32>
    %add3A = arith.addf %get3A_17, %dot_general3A_18 : vector<1024x64xf32>
    %swap3A = arith.constant 0 : index
    %swap3A_19 = arith.constant 0 : index
    %swap3A_20 = vector.load %arg7[%swap3A, %swap3A_19] : memref<1024x64xf32, #tpu.memory_space<vmem>>, vector<1024x64xf32>
    tpu.vector_store %arg7[%swap3A, %swap3A_19], %add3A {strides = array<i32>} : memref<1024x64xf32, #tpu.memory_space<vmem>>, vector<1024x64xf32>,
    %eq3A_21 = arith.constant 9 : i32
    %eq3A_22 = arith.cmpi eq, %arg1, %eq3A_21 : i32
    %convert_element_type3A_23 = arith.extui %eq3A_22 : i1 to i32
    %cond3A_24 = arith.constant 0 : i32
    %cond3A_25 = arith.cmpi ne, %convert_element_type3A_23, %cond3A_24 : i32
    scf.if %cond3A_25 {
      %get3A_26 = arith.constant 0 : index
      %get3A_27 = arith.constant 0 : index
      %get3A_28 = vector.load %arg5[%get3A_26, %get3A_27] : memref<1024x64xf32, #tpu.memory_space<vmem>>, vector<1024x64xf32>
      %gt3A_29 = arith.constant 0.000000e+00 : f32
      %gt3A_30 = vector.broadcast %gt3A_29 : f32 to vector<1024x64xf32>
      %gt3A_31 = arith.cmpf ogt, %get3A_28, %gt3A_30 : vector<1024x64xf32>
      %max3A_32 = arith.constant 9.99999996E-13 : f32
      %max3A_33 = vector.broadcast %max3A_32 : f32 to vector<1024x64xf32>
      %max3A_34 = arith.maximumf %get3A_28, %max3A_33 : vector<1024x64xf32>
      %rsqrt3A_35 = math.rsqrt %max3A_34 : vector<1024x64xf32>
      %jit3A_36 = arith.constant 0.000000e+00 : f32
      %broadcast_in_dim3A_37 = vector.broadcast %jit3A_36 : f32 to vector<1024x64xf32>
      %select_n3A_38 = arith.select %gt3A_31, %rsqrt3A_35, %broadcast_in_dim3A_37 : vector<1024x64xi1>, vector<1024x64xf32>
      %get3A_39 = arith.constant 0 : index
      %get3A_40 = arith.constant 0 : index
      %get3A_41 = vector.load %arg7[%get3A_39, %get3A_40] : memref<1024x64xf32, #tpu.memory_space<vmem>>, vector<1024x64xf32>
      %mul3A_42 = arith.mulf %select_n3A_38, %get3A_41 : vector<1024x64xf32>
      %swap3A_43 = arith.constant 0 : index
      %swap3A_44 = arith.constant 0 : index
      %swap3A_45 = vector.load %arg6[%swap3A_43, %swap3A_44] : memref<1024x64xf32, #tpu.memory_space<vmem>>, vector<1024x64xf32>
      tpu.vector_store %arg6[%swap3A_43, %swap3A_44], %mul3A_42 {strides = array<i32>} : memref<1024x64xf32, #tpu.memory_space<vmem>>, vector<1024x64xf32>,
    } else {
    }
    return
  }
  func.func @transform_0(%arg0: i32, %arg1: i32) -> (i32, i32) {
    %c0_i32 = arith.constant 0 : i32
    return %arg0, %arg1 : i32, i32
  }
  func.func @transform_1(%arg0: i32, %arg1: i32) -> (i32, i32) {
    %c0_i32 = arith.constant 0 : i32
    %c0_i32_0 = arith.constant 0 : i32
    return %arg1, %c0_i32 : i32, i32
  }
  func.func @transform_2(%arg0: i32, %arg1: i32) -> (i32, i32) {
    %c0_i32 = arith.constant 0 : i32
    %c0_i32_0 = arith.constant 0 : i32
    return %arg1, %c0_i32 : i32, i32
  }
  func.func @transform_3(%arg0: i32, %arg1: i32) -> (i32, i32) {
    %c0_i32 = arith.constant 0 : i32
    %c0_i32_0 = arith.constant 0 : i32
    return %arg0, %c0_i32 : i32, i32
  }
  func.func @transform_4(%arg0: i32, %arg1: i32) -> (i32, i32) {
    %c0_i32 = arith.constant 0 : i32
    %c0_i32_0 = arith.constant 0 : i32
    return %arg0, %c0_i32 : i32, i32
  }
}

module attributes {stable_mosaic.version = 14 : i64} {
  func.func @_combine_body(%arg0: i32, %arg1: memref<512x128xf32, #tpu.memory_space<vmem>>, %arg2: memref<512x128xf32, #tpu.memory_space<vmem>>, %arg3: memref<512x64xf32, #tpu.memory_space<vmem>>, %arg4: memref<512x64xf32, #tpu.memory_space<vmem>>, %arg5: memref<512x1xf32, #tpu.memory_space<vmem>>, %arg6: memref<512x1xf32, #tpu.memory_space<vmem>>, %arg7: memref<512x1xf32, #tpu.memory_space<vmem>>, %arg8: memref<256x64xf32, #tpu.memory_space<vmem>>, %arg9: memref<1x64xf32, #tpu.memory_space<vmem>>, %arg10: memref<512x64xf32, #tpu.memory_space<vmem>>, %arg11: memref<512x128xf32, #tpu.memory_space<vmem>>, %arg12: memref<512x128xf32, #tpu.memory_space<vmem>>) attributes {dimension_semantics = [#tpu.dimension_semantics<arbitrary>], iteration_bounds = array<i64: 20>, scalar_prefetch = 0 : i64, scratch_operands = 0 : i64, tpu.core_type = #tpu.core_type<tc>, window_params = [{transform_indices = @transform_0, window_bounds = array<i64: 512, 128>}, {transform_indices = @transform_1, window_bounds = array<i64: 512, 128>}, {transform_indices = @transform_2, window_bounds = array<i64: 512, 64>}, {transform_indices = @transform_3, window_bounds = array<i64: 512, 64>}, {transform_indices = @transform_4, window_bounds = array<i64: 512, 1>}, {transform_indices = @transform_5, window_bounds = array<i64: 512, 1>}, {transform_indices = @transform_6, window_bounds = array<i64: 512, 1>}, {pipeline_mode = #tpu.pipeline_mode<synchronous>, transform_indices = @transform_7, window_bounds = array<i64: 256, 64>}, {pipeline_mode = #tpu.pipeline_mode<synchronous>, transform_indices = @transform_8, window_bounds = array<i64: 1, 64>}, {transform_indices = @transform_9, window_bounds = array<i64: 512, 64>}, {transform_indices = @transform_10, window_bounds = array<i64: 512, 128>}, {transform_indices = @transform_11, window_bounds = array<i64: 512, 128>}]} {
    %get3A = arith.constant 0 : index
    %get3A_0 = arith.constant 0 : index
    %get3A_1 = vector.load %arg9[%get3A, %get3A_0] : memref<1x64xf32, #tpu.memory_space<vmem>>, vector<1x64xf32>
    %get3A_2 = arith.constant 0 : index
    %get3A_3 = arith.constant 0 : index
    %get3A_4 = vector.load %arg1[%get3A_2, %get3A_3] : memref<512x128xf32, #tpu.memory_space<vmem>>, vector<512x128xf32>
    %get3A_5 = arith.constant 0 : index
    %get3A_6 = arith.constant 0 : index
    %get3A_7 = vector.load %arg2[%get3A_5, %get3A_6] : memref<512x128xf32, #tpu.memory_space<vmem>>, vector<512x128xf32>
    %add3A = arith.addf %get3A_4, %get3A_7 : vector<512x128xf32>
    %get3A_8 = arith.constant 0 : index
    %get3A_9 = arith.constant 0 : index
    %get3A_10 = vector.load %arg6[%get3A_8, %get3A_9] : memref<512x1xf32, #tpu.memory_space<vmem>>, vector<512x1xf32>
    %gt3A = arith.constant 0.000000e+00 : f32
    %gt3A_11 = vector.broadcast %gt3A : f32 to vector<512x1xf32>
    %gt3A_12 = arith.cmpf ogt, %get3A_10, %gt3A_11 : vector<512x1xf32>
    %max3A = arith.constant 9.99999996E-13 : f32
    %max3A_13 = vector.broadcast %max3A : f32 to vector<512x1xf32>
    %max3A_14 = arith.maximumf %get3A_10, %max3A_13 : vector<512x1xf32>
    %rsqrt3A = math.rsqrt %max3A_14 : vector<512x1xf32>
    %jit3A = arith.constant 0.000000e+00 : f32
    %broadcast_in_dim3A = vector.broadcast %jit3A : f32 to vector<512x1xf32>
    %select_n3A = arith.select %gt3A_12, %rsqrt3A, %broadcast_in_dim3A : vector<512x1xi1>, vector<512x1xf32>
    %slice3A = vector.extract_strided_slice %add3A {offsets = [0, 0], sizes = [512, 64], strides = [1, 1]} : vector<512x128xf32> to vector<512x64xf32>
    %mul3A = vector.broadcast %select_n3A : vector<512x1xf32> to vector<512x64xf32>
    %mul3A_15 = arith.mulf %mul3A, %slice3A : vector<512x64xf32>
    %add3A_16 = vector.broadcast %get3A_1 : vector<1x64xf32> to vector<512x64xf32>
    %add3A_17 = arith.addf %mul3A_15, %add3A_16 : vector<512x64xf32>
    %get3A_18 = arith.constant 0 : index
    %get3A_19 = arith.constant 0 : index
    %get3A_20 = vector.load %arg3[%get3A_18, %get3A_19] : memref<512x64xf32, #tpu.memory_space<vmem>>, vector<512x64xf32>
    %add3A_21 = vector.broadcast %get3A_1 : vector<1x64xf32> to vector<512x64xf32>
    %add3A_22 = arith.addf %get3A_20, %add3A_21 : vector<512x64xf32>
    %get3A_23 = arith.constant 0 : index
    %get3A_24 = arith.constant 0 : index
    %get3A_25 = vector.load %arg7[%get3A_23, %get3A_24] : memref<512x1xf32, #tpu.memory_space<vmem>>, vector<512x1xf32>
    %gt3A_26 = arith.constant 0.000000e+00 : f32
    %gt3A_27 = vector.broadcast %gt3A_26 : f32 to vector<512x1xf32>
    %gt3A_28 = arith.cmpf ogt, %get3A_25, %gt3A_27 : vector<512x1xf32>
    %max3A_29 = arith.constant 9.99999996E-13 : f32
    %max3A_30 = vector.broadcast %max3A_29 : f32 to vector<512x1xf32>
    %max3A_31 = arith.maximumf %get3A_25, %max3A_30 : vector<512x1xf32>
    %rsqrt3A_32 = math.rsqrt %max3A_31 : vector<512x1xf32>
    %jit3A_33 = arith.constant 0.000000e+00 : f32
    %broadcast_in_dim3A_34 = vector.broadcast %jit3A_33 : f32 to vector<512x1xf32>
    %select_n3A_35 = arith.select %gt3A_28, %rsqrt3A_32, %broadcast_in_dim3A_34 : vector<512x1xi1>, vector<512x1xf32>
    %slice3A_36 = vector.extract_strided_slice %add3A {offsets = [0, 64], sizes = [512, 64], strides = [1, 1]} : vector<512x128xf32> to vector<512x64xf32>
    %mul3A_37 = vector.broadcast %select_n3A_35 : vector<512x1xf32> to vector<512x64xf32>
    %mul3A_38 = arith.mulf %mul3A_37, %slice3A_36 : vector<512x64xf32>
    %add3A_39 = vector.broadcast %get3A_1 : vector<1x64xf32> to vector<512x64xf32>
    %add3A_40 = arith.addf %mul3A_38, %add3A_39 : vector<512x64xf32>
    %get3A_41 = arith.constant 0 : index
    %get3A_42 = arith.constant 0 : index
    %get3A_43 = vector.load %arg5[%get3A_41, %get3A_42] : memref<512x1xf32, #tpu.memory_space<vmem>>, vector<512x1xf32>
    %eq3A = arith.constant 0.000000e+00 : f32
    %eq3A_44 = vector.broadcast %eq3A : f32 to vector<512x1xf32>
    %eq3A_45 = arith.cmpf oeq, %get3A_43, %eq3A_44 : vector<512x1xf32>
    %convert_element_type3A = arith.extui %eq3A_45 : vector<512x1xi1> to vector<512x1xi32>
    %convert_element_type3A_46 = arith.sitofp %convert_element_type3A : vector<512x1xi32> to vector<512x1xf32>
    %get3A_47 = arith.constant 0 : index
    %get3A_48 = arith.constant 0 : index
    %get3A_49 = vector.load %arg4[%get3A_47, %get3A_48] : memref<512x64xf32, #tpu.memory_space<vmem>>, vector<512x64xf32>
    %mul3A_50 = vector.broadcast %convert_element_type3A_46 : vector<512x1xf32> to vector<512x64xf32>
    %mul3A_51 = arith.mulf %mul3A_50, %get3A_49 : vector<512x64xf32>
    %add3A_52 = vector.broadcast %get3A_1 : vector<1x64xf32> to vector<512x64xf32>
    %add3A_53 = arith.addf %mul3A_51, %add3A_52 : vector<512x64xf32>
    %concatenate3A = tpu.concatenate %add3A_17, %add3A_22, %add3A_40, %add3A_53 in 1 : vector<512x64xf32>, vector<512x64xf32>, vector<512x64xf32>, vector<512x64xf32> -> vector<512x256xf32>
    %max3A_54 = arith.constant 0.000000e+00 : f32
    %max3A_55 = vector.broadcast %max3A_54 : f32 to vector<512x256xf32>
    %max3A_56 = arith.maximumf %concatenate3A, %max3A_55 : vector<512x256xf32>
    %get3A_57 = arith.constant 0 : index
    %get3A_58 = arith.constant 0 : index
    %get3A_59 = vector.load %arg8[%get3A_57, %get3A_58] : memref<256x64xf32, #tpu.memory_space<vmem>>, vector<256x64xf32>
    %dot_general3A = arith.constant dense<0.000000e+00> : vector<512x64xf32>
    %dot_general3A_60 = tpu.matmul %max3A_56, %get3A_59, %dot_general3A {dimension_numbers = #tpu.dot_dimension_numbers<[1], [0], [0], [1], [0, 0, 1, 1], [], []>, transpose_lhs_hint = false} : vector<512x256xf32>, vector<256x64xf32>, vector<512x64xf32> -> vector<512x64xf32>
    %broadcast_in_dim3A_61 = arith.constant 0.000000e+00 : f32
    %broadcast_in_dim3A_62 = vector.broadcast %broadcast_in_dim3A_61 : f32 to vector<512x64xf32>
    %swap3A = arith.constant 0 : index
    %swap3A_63 = arith.constant 0 : index
    %swap3A_64 = vector.load %arg10[%swap3A, %swap3A_63] : memref<512x64xf32, #tpu.memory_space<vmem>>, vector<512x64xf32>
    tpu.vector_store %arg10[%swap3A, %swap3A_63], %dot_general3A_60 {strides = array<i32>} : memref<512x64xf32, #tpu.memory_space<vmem>>, vector<512x64xf32>,
    %get3A_65 = arith.constant 0 : index
    %get3A_66 = arith.constant 0 : index
    %get3A_67 = vector.load %arg6[%get3A_65, %get3A_66] : memref<512x1xf32, #tpu.memory_space<vmem>>, vector<512x1xf32>
    %gt3A_68 = arith.constant 0.000000e+00 : f32
    %gt3A_69 = vector.broadcast %gt3A_68 : f32 to vector<512x1xf32>
    %gt3A_70 = arith.cmpf ogt, %get3A_67, %gt3A_69 : vector<512x1xf32>
    %max3A_71 = arith.constant 9.99999996E-13 : f32
    %max3A_72 = vector.broadcast %max3A_71 : f32 to vector<512x1xf32>
    %max3A_73 = arith.maximumf %get3A_67, %max3A_72 : vector<512x1xf32>
    %rsqrt3A_74 = math.rsqrt %max3A_73 : vector<512x1xf32>
    %jit3A_75 = arith.constant 0.000000e+00 : f32
    %broadcast_in_dim3A_76 = vector.broadcast %jit3A_75 : f32 to vector<512x1xf32>
    %select_n3A_77 = arith.select %gt3A_70, %rsqrt3A_74, %broadcast_in_dim3A_76 : vector<512x1xi1>, vector<512x1xf32>
    %mul3A_78 = vector.broadcast %select_n3A_77 : vector<512x1xf32> to vector<512x64xf32>
    %mul3A_79 = arith.mulf %mul3A_78, %dot_general3A_60 : vector<512x64xf32>
    %concatenate3A_80 = tpu.concatenate %mul3A_79, %broadcast_in_dim3A_62 in 1 : vector<512x64xf32>, vector<512x64xf32> -> vector<512x128xf32>
    %swap3A_81 = arith.constant 0 : index
    %swap3A_82 = arith.constant 0 : index
    %swap3A_83 = vector.load %arg11[%swap3A_81, %swap3A_82] : memref<512x128xf32, #tpu.memory_space<vmem>>, vector<512x128xf32>
    tpu.vector_store %arg11[%swap3A_81, %swap3A_82], %concatenate3A_80 {strides = array<i32>} : memref<512x128xf32, #tpu.memory_space<vmem>>, vector<512x128xf32>,
    %get3A_84 = arith.constant 0 : index
    %get3A_85 = arith.constant 0 : index
    %get3A_86 = vector.load %arg7[%get3A_84, %get3A_85] : memref<512x1xf32, #tpu.memory_space<vmem>>, vector<512x1xf32>
    %gt3A_87 = arith.constant 0.000000e+00 : f32
    %gt3A_88 = vector.broadcast %gt3A_87 : f32 to vector<512x1xf32>
    %gt3A_89 = arith.cmpf ogt, %get3A_86, %gt3A_88 : vector<512x1xf32>
    %max3A_90 = arith.constant 9.99999996E-13 : f32
    %max3A_91 = vector.broadcast %max3A_90 : f32 to vector<512x1xf32>
    %max3A_92 = arith.maximumf %get3A_86, %max3A_91 : vector<512x1xf32>
    %rsqrt3A_93 = math.rsqrt %max3A_92 : vector<512x1xf32>
    %jit3A_94 = arith.constant 0.000000e+00 : f32
    %broadcast_in_dim3A_95 = vector.broadcast %jit3A_94 : f32 to vector<512x1xf32>
    %select_n3A_96 = arith.select %gt3A_89, %rsqrt3A_93, %broadcast_in_dim3A_95 : vector<512x1xi1>, vector<512x1xf32>
    %mul3A_97 = vector.broadcast %select_n3A_96 : vector<512x1xf32> to vector<512x64xf32>
    %mul3A_98 = arith.mulf %mul3A_97, %dot_general3A_60 : vector<512x64xf32>
    %concatenate3A_99 = tpu.concatenate %broadcast_in_dim3A_62, %mul3A_98 in 1 : vector<512x64xf32>, vector<512x64xf32> -> vector<512x128xf32>
    %swap3A_100 = arith.constant 0 : index
    %swap3A_101 = arith.constant 0 : index
    %swap3A_102 = vector.load %arg12[%swap3A_100, %swap3A_101] : memref<512x128xf32, #tpu.memory_space<vmem>>, vector<512x128xf32>
    tpu.vector_store %arg12[%swap3A_100, %swap3A_101], %concatenate3A_99 {strides = array<i32>} : memref<512x128xf32, #tpu.memory_space<vmem>>, vector<512x128xf32>,
    return
  }
  func.func @transform_0(%arg0: i32) -> (i32, i32) {
    %c0_i32 = arith.constant 0 : i32
    %c0_i32_0 = arith.constant 0 : i32
    return %arg0, %c0_i32 : i32, i32
  }
  func.func @transform_1(%arg0: i32) -> (i32, i32) {
    %c0_i32 = arith.constant 0 : i32
    %c0_i32_0 = arith.constant 0 : i32
    return %arg0, %c0_i32 : i32, i32
  }
  func.func @transform_2(%arg0: i32) -> (i32, i32) {
    %c0_i32 = arith.constant 0 : i32
    %c0_i32_0 = arith.constant 0 : i32
    return %arg0, %c0_i32 : i32, i32
  }
  func.func @transform_3(%arg0: i32) -> (i32, i32) {
    %c0_i32 = arith.constant 0 : i32
    %c0_i32_0 = arith.constant 0 : i32
    return %arg0, %c0_i32 : i32, i32
  }
  func.func @transform_4(%arg0: i32) -> (i32, i32) {
    %c0_i32 = arith.constant 0 : i32
    %c0_i32_0 = arith.constant 0 : i32
    return %arg0, %c0_i32 : i32, i32
  }
  func.func @transform_5(%arg0: i32) -> (i32, i32) {
    %c0_i32 = arith.constant 0 : i32
    %c0_i32_0 = arith.constant 0 : i32
    return %arg0, %c0_i32 : i32, i32
  }
  func.func @transform_6(%arg0: i32) -> (i32, i32) {
    %c0_i32 = arith.constant 0 : i32
    %c0_i32_0 = arith.constant 0 : i32
    return %arg0, %c0_i32 : i32, i32
  }
  func.func @transform_7(%arg0: i32) -> (i32, i32) {
    %c0_i32 = arith.constant 0 : i32
    %c0_i32_0 = arith.constant 0 : i32
    %c0_i32_1 = arith.constant 0 : i32
    return %c0_i32, %c0_i32_0 : i32, i32
  }
  func.func @transform_8(%arg0: i32) -> (i32, i32) {
    %c0_i32 = arith.constant 0 : i32
    %c0_i32_0 = arith.constant 0 : i32
    %c0_i32_1 = arith.constant 0 : i32
    return %c0_i32, %c0_i32_0 : i32, i32
  }
  func.func @transform_9(%arg0: i32) -> (i32, i32) {
    %c0_i32 = arith.constant 0 : i32
    %c0_i32_0 = arith.constant 0 : i32
    return %arg0, %c0_i32 : i32, i32
  }
  func.func @transform_10(%arg0: i32) -> (i32, i32) {
    %c0_i32 = arith.constant 0 : i32
    %c0_i32_0 = arith.constant 0 : i32
    return %arg0, %c0_i32 : i32, i32
  }
  func.func @transform_11(%arg0: i32) -> (i32, i32) {
    %c0_i32 = arith.constant 0 : i32
    %c0_i32_0 = arith.constant 0 : i32
    return %arg0, %c0_i32 : i32, i32
  }
}

module attributes {stable_mosaic.version = 14 : i64} {
  func.func @_final_body(%arg0: i32, %arg1: memref<512x128xf32, #tpu.memory_space<vmem>>, %arg2: memref<512x128xf32, #tpu.memory_space<vmem>>, %arg3: memref<512x64xf32, #tpu.memory_space<vmem>>, %arg4: memref<512x64xf32, #tpu.memory_space<vmem>>, %arg5: memref<512x1xf32, #tpu.memory_space<vmem>>, %arg6: memref<512x1xf32, #tpu.memory_space<vmem>>, %arg7: memref<512x1xf32, #tpu.memory_space<vmem>>, %arg8: memref<256x64xf32, #tpu.memory_space<vmem>>, %arg9: memref<1x64xf32, #tpu.memory_space<vmem>>, %arg10: memref<1x64xf32, #tpu.memory_space<vmem>>, %arg11: memref<512x64xf32, #tpu.memory_space<vmem>>) attributes {dimension_semantics = [#tpu.dimension_semantics<arbitrary>], iteration_bounds = array<i64: 20>, scalar_prefetch = 0 : i64, scratch_operands = 0 : i64, tpu.core_type = #tpu.core_type<tc>, window_params = [{transform_indices = @transform_0, window_bounds = array<i64: 512, 128>}, {transform_indices = @transform_1, window_bounds = array<i64: 512, 128>}, {transform_indices = @transform_2, window_bounds = array<i64: 512, 64>}, {transform_indices = @transform_3, window_bounds = array<i64: 512, 64>}, {transform_indices = @transform_4, window_bounds = array<i64: 512, 1>}, {transform_indices = @transform_5, window_bounds = array<i64: 512, 1>}, {transform_indices = @transform_6, window_bounds = array<i64: 512, 1>}, {pipeline_mode = #tpu.pipeline_mode<synchronous>, transform_indices = @transform_7, window_bounds = array<i64: 256, 64>}, {pipeline_mode = #tpu.pipeline_mode<synchronous>, transform_indices = @transform_8, window_bounds = array<i64: 1, 64>}, {pipeline_mode = #tpu.pipeline_mode<synchronous>, transform_indices = @transform_9, window_bounds = array<i64: 1, 64>}, {transform_indices = @transform_10, window_bounds = array<i64: 512, 64>}]} {
    %get3A = arith.constant 0 : index
    %get3A_0 = arith.constant 0 : index
    %get3A_1 = vector.load %arg9[%get3A, %get3A_0] : memref<1x64xf32, #tpu.memory_space<vmem>>, vector<1x64xf32>
    %get3A_2 = arith.constant 0 : index
    %get3A_3 = arith.constant 0 : index
    %get3A_4 = vector.load %arg1[%get3A_2, %get3A_3] : memref<512x128xf32, #tpu.memory_space<vmem>>, vector<512x128xf32>
    %get3A_5 = arith.constant 0 : index
    %get3A_6 = arith.constant 0 : index
    %get3A_7 = vector.load %arg2[%get3A_5, %get3A_6] : memref<512x128xf32, #tpu.memory_space<vmem>>, vector<512x128xf32>
    %add3A = arith.addf %get3A_4, %get3A_7 : vector<512x128xf32>
    %get3A_8 = arith.constant 0 : index
    %get3A_9 = arith.constant 0 : index
    %get3A_10 = vector.load %arg6[%get3A_8, %get3A_9] : memref<512x1xf32, #tpu.memory_space<vmem>>, vector<512x1xf32>
    %gt3A = arith.constant 0.000000e+00 : f32
    %gt3A_11 = vector.broadcast %gt3A : f32 to vector<512x1xf32>
    %gt3A_12 = arith.cmpf ogt, %get3A_10, %gt3A_11 : vector<512x1xf32>
    %max3A = arith.constant 9.99999996E-13 : f32
    %max3A_13 = vector.broadcast %max3A : f32 to vector<512x1xf32>
    %max3A_14 = arith.maximumf %get3A_10, %max3A_13 : vector<512x1xf32>
    %rsqrt3A = math.rsqrt %max3A_14 : vector<512x1xf32>
    %jit3A = arith.constant 0.000000e+00 : f32
    %broadcast_in_dim3A = vector.broadcast %jit3A : f32 to vector<512x1xf32>
    %select_n3A = arith.select %gt3A_12, %rsqrt3A, %broadcast_in_dim3A : vector<512x1xi1>, vector<512x1xf32>
    %slice3A = vector.extract_strided_slice %add3A {offsets = [0, 0], sizes = [512, 64], strides = [1, 1]} : vector<512x128xf32> to vector<512x64xf32>
    %mul3A = vector.broadcast %select_n3A : vector<512x1xf32> to vector<512x64xf32>
    %mul3A_15 = arith.mulf %mul3A, %slice3A : vector<512x64xf32>
    %add3A_16 = vector.broadcast %get3A_1 : vector<1x64xf32> to vector<512x64xf32>
    %add3A_17 = arith.addf %mul3A_15, %add3A_16 : vector<512x64xf32>
    %get3A_18 = arith.constant 0 : index
    %get3A_19 = arith.constant 0 : index
    %get3A_20 = vector.load %arg3[%get3A_18, %get3A_19] : memref<512x64xf32, #tpu.memory_space<vmem>>, vector<512x64xf32>
    %add3A_21 = vector.broadcast %get3A_1 : vector<1x64xf32> to vector<512x64xf32>
    %add3A_22 = arith.addf %get3A_20, %add3A_21 : vector<512x64xf32>
    %get3A_23 = arith.constant 0 : index
    %get3A_24 = arith.constant 0 : index
    %get3A_25 = vector.load %arg7[%get3A_23, %get3A_24] : memref<512x1xf32, #tpu.memory_space<vmem>>, vector<512x1xf32>
    %gt3A_26 = arith.constant 0.000000e+00 : f32
    %gt3A_27 = vector.broadcast %gt3A_26 : f32 to vector<512x1xf32>
    %gt3A_28 = arith.cmpf ogt, %get3A_25, %gt3A_27 : vector<512x1xf32>
    %max3A_29 = arith.constant 9.99999996E-13 : f32
    %max3A_30 = vector.broadcast %max3A_29 : f32 to vector<512x1xf32>
    %max3A_31 = arith.maximumf %get3A_25, %max3A_30 : vector<512x1xf32>
    %rsqrt3A_32 = math.rsqrt %max3A_31 : vector<512x1xf32>
    %jit3A_33 = arith.constant 0.000000e+00 : f32
    %broadcast_in_dim3A_34 = vector.broadcast %jit3A_33 : f32 to vector<512x1xf32>
    %select_n3A_35 = arith.select %gt3A_28, %rsqrt3A_32, %broadcast_in_dim3A_34 : vector<512x1xi1>, vector<512x1xf32>
    %slice3A_36 = vector.extract_strided_slice %add3A {offsets = [0, 64], sizes = [512, 64], strides = [1, 1]} : vector<512x128xf32> to vector<512x64xf32>
    %mul3A_37 = vector.broadcast %select_n3A_35 : vector<512x1xf32> to vector<512x64xf32>
    %mul3A_38 = arith.mulf %mul3A_37, %slice3A_36 : vector<512x64xf32>
    %add3A_39 = vector.broadcast %get3A_1 : vector<1x64xf32> to vector<512x64xf32>
    %add3A_40 = arith.addf %mul3A_38, %add3A_39 : vector<512x64xf32>
    %get3A_41 = arith.constant 0 : index
    %get3A_42 = arith.constant 0 : index
    %get3A_43 = vector.load %arg5[%get3A_41, %get3A_42] : memref<512x1xf32, #tpu.memory_space<vmem>>, vector<512x1xf32>
    %eq3A = arith.constant 0.000000e+00 : f32
    %eq3A_44 = vector.broadcast %eq3A : f32 to vector<512x1xf32>
    %eq3A_45 = arith.cmpf oeq, %get3A_43, %eq3A_44 : vector<512x1xf32>
    %convert_element_type3A = arith.extui %eq3A_45 : vector<512x1xi1> to vector<512x1xi32>
    %convert_element_type3A_46 = arith.sitofp %convert_element_type3A : vector<512x1xi32> to vector<512x1xf32>
    %get3A_47 = arith.constant 0 : index
    %get3A_48 = arith.constant 0 : index
    %get3A_49 = vector.load %arg4[%get3A_47, %get3A_48] : memref<512x64xf32, #tpu.memory_space<vmem>>, vector<512x64xf32>
    %mul3A_50 = vector.broadcast %convert_element_type3A_46 : vector<512x1xf32> to vector<512x64xf32>
    %mul3A_51 = arith.mulf %mul3A_50, %get3A_49 : vector<512x64xf32>
    %add3A_52 = vector.broadcast %get3A_1 : vector<1x64xf32> to vector<512x64xf32>
    %add3A_53 = arith.addf %mul3A_51, %add3A_52 : vector<512x64xf32>
    %concatenate3A = tpu.concatenate %add3A_17, %add3A_22, %add3A_40, %add3A_53 in 1 : vector<512x64xf32>, vector<512x64xf32>, vector<512x64xf32>, vector<512x64xf32> -> vector<512x256xf32>
    %get3A_54 = arith.constant 0 : index
    %get3A_55 = arith.constant 0 : index
    %get3A_56 = vector.load %arg8[%get3A_54, %get3A_55] : memref<256x64xf32, #tpu.memory_space<vmem>>, vector<256x64xf32>
    %dot_general3A = arith.constant dense<0.000000e+00> : vector<512x64xf32>
    %dot_general3A_57 = tpu.matmul %concatenate3A, %get3A_56, %dot_general3A {dimension_numbers = #tpu.dot_dimension_numbers<[1], [0], [0], [1], [0, 0, 1, 1], [], []>, transpose_lhs_hint = false} : vector<512x256xf32>, vector<256x64xf32>, vector<512x64xf32> -> vector<512x64xf32>
    %get3A_58 = arith.constant 0 : index
    %get3A_59 = arith.constant 0 : index
    %get3A_60 = vector.load %arg10[%get3A_58, %get3A_59] : memref<1x64xf32, #tpu.memory_space<vmem>>, vector<1x64xf32>
    %add3A_61 = vector.broadcast %get3A_60 : vector<1x64xf32> to vector<512x64xf32>
    %add3A_62 = arith.addf %dot_general3A_57, %add3A_61 : vector<512x64xf32>
    %reduce_max3A = arith.constant dense<0xFF800000> : vector<512xf32>
    %reduce_max3A_63 = vector.multi_reduction <maximumf>, %add3A_62, %reduce_max3A [1] : vector<512x64xf32> to vector<512xf32>
    %broadcast_in_dim3A_64 = vector.shape_cast %reduce_max3A_63 : vector<512xf32> to vector<512x1xf32>
    %sub3A = vector.broadcast %broadcast_in_dim3A_64 : vector<512x1xf32> to vector<512x64xf32>
    %sub3A_65 = arith.subf %add3A_62, %sub3A : vector<512x64xf32>
    %exp3A = math.exp %sub3A_65 : vector<512x64xf32>
    %reduce_sum3A = arith.constant dense<0.000000e+00> : vector<512xf32>
    %reduce_sum3A_66 = vector.multi_reduction <add>, %exp3A, %reduce_sum3A [1] : vector<512x64xf32> to vector<512xf32>
    %broadcast_in_dim3A_67 = vector.shape_cast %reduce_sum3A_66 : vector<512xf32> to vector<512x1xf32>
    %log3A = math.log %broadcast_in_dim3A_67 : vector<512x1xf32>
    %add3A_68 = arith.addf %broadcast_in_dim3A_64, %log3A : vector<512x1xf32>
    %sub3A_69 = vector.broadcast %add3A_68 : vector<512x1xf32> to vector<512x64xf32>
    %sub3A_70 = arith.subf %add3A_62, %sub3A_69 : vector<512x64xf32>
    %swap3A = arith.constant 0 : index
    %swap3A_71 = arith.constant 0 : index
    %swap3A_72 = vector.load %arg11[%swap3A, %swap3A_71] : memref<512x64xf32, #tpu.memory_space<vmem>>, vector<512x64xf32>
    tpu.vector_store %arg11[%swap3A, %swap3A_71], %sub3A_70 {strides = array<i32>} : memref<512x64xf32, #tpu.memory_space<vmem>>, vector<512x64xf32>,
    return
  }
  func.func @transform_0(%arg0: i32) -> (i32, i32) {
    %c0_i32 = arith.constant 0 : i32
    %c0_i32_0 = arith.constant 0 : i32
    return %arg0, %c0_i32 : i32, i32
  }
  func.func @transform_1(%arg0: i32) -> (i32, i32) {
    %c0_i32 = arith.constant 0 : i32
    %c0_i32_0 = arith.constant 0 : i32
    return %arg0, %c0_i32 : i32, i32
  }
  func.func @transform_2(%arg0: i32) -> (i32, i32) {
    %c0_i32 = arith.constant 0 : i32
    %c0_i32_0 = arith.constant 0 : i32
    return %arg0, %c0_i32 : i32, i32
  }
  func.func @transform_3(%arg0: i32) -> (i32, i32) {
    %c0_i32 = arith.constant 0 : i32
    %c0_i32_0 = arith.constant 0 : i32
    return %arg0, %c0_i32 : i32, i32
  }
  func.func @transform_4(%arg0: i32) -> (i32, i32) {
    %c0_i32 = arith.constant 0 : i32
    %c0_i32_0 = arith.constant 0 : i32
    return %arg0, %c0_i32 : i32, i32
  }
  func.func @transform_5(%arg0: i32) -> (i32, i32) {
    %c0_i32 = arith.constant 0 : i32
    %c0_i32_0 = arith.constant 0 : i32
    return %arg0, %c0_i32 : i32, i32
  }
  func.func @transform_6(%arg0: i32) -> (i32, i32) {
    %c0_i32 = arith.constant 0 : i32
    %c0_i32_0 = arith.constant 0 : i32
    return %arg0, %c0_i32 : i32, i32
  }
  func.func @transform_7(%arg0: i32) -> (i32, i32) {
    %c0_i32 = arith.constant 0 : i32
    %c0_i32_0 = arith.constant 0 : i32
    %c0_i32_1 = arith.constant 0 : i32
    return %c0_i32, %c0_i32_0 : i32, i32
  }
  func.func @transform_8(%arg0: i32) -> (i32, i32) {
    %c0_i32 = arith.constant 0 : i32
    %c0_i32_0 = arith.constant 0 : i32
    %c0_i32_1 = arith.constant 0 : i32
    return %c0_i32, %c0_i32_0 : i32, i32
  }
  func.func @transform_9(%arg0: i32) -> (i32, i32) {
    %c0_i32 = arith.constant 0 : i32
    %c0_i32_0 = arith.constant 0 : i32
    %c0_i32_1 = arith.constant 0 : i32
    return %c0_i32, %c0_i32_0 : i32, i32
  }
  func.func @transform_10(%arg0: i32) -> (i32, i32) {
    %c0_i32 = arith.constant 0 : i32
    %c0_i32_0 = arith.constant 0 : i32
    return %arg0, %c0_i32 : i32, i32
  }
}

</mosaic_0001>

<sc_bundles>
// kernel: kernel.13.cloned.1.call-start
scs
__scs_entry_jumppad:
0x0: {  	(pc) =	sbr.rel $0x88, $3  }
0x1: {  	(tag) =	ssettag $0x0;
	lr =	simm.s32 $0x1  }
0x2: {  	[smem:$0x3F99] =	sst lr;
	_ =	strace $0xD0000000  }
0x3: {  	_ = 	snop  }
0x4: {  	_ = 	snop  }
0x5: {  	_ = 	snop  }
0x6: {  	_ = 	snop  }
0x7: {  	_ = 	snop  }
__scs_overlays_trampoline_lowered:
0x8: {  	[smem:$0x3FA8] =	sst s0  }
0x9: {  	[smem:$0x3FA9] =	sst s1  }
0xa: {  	[smem:$0x3FAA] =	sst s2  }
0xb: {  	[smem:$0x3FAB] =	sst s3  }
0xc: {  	[smem:$0x3FAC] =	sst s4  }
0xd: {  	[smem:$0x3FAD] =	sst s5  }
0xe: {  	[smem:$0x3FAE] =	sst s6  }
0xf: {  	[smem:$0x3FAF] =	sst s7  }
0x10: {  	[smem:$0x3FB0] =	sst s8  }
0x11: {  	[smem:$0x3FB1] =	sst s9;
	s0 =	simm.s32 @!p0 $0x0  }
0x12: {  	s1 =	sld [smem:$0x3F97];
	s0 =	simm.s32 @p0 $0x1  }
0x13: {  	[smem:$0x3FB2] =	sst s0;
	s0 =	simm.s32 @!p1 $0x0  }
0x14: {  	s2 =	sld [smem:$0x3F96];
	s0 =	simm.s32 @p1 $0x1  }
0x15: {  	[smem:$0x3FB3] =	sst s0;
	s0 =	simm.s32 @!p2 $0x0  }
0x16: {  	s3 =	sld [smem:$0x3FDB];
	s0 =	simm.s32 @p2 $0x1  }
0x17: {  	s4 =	simm.s32 $0x1BF5;
	[smem:$0x3FB5] =	sst s0  }
0x18: {  	s0 =	sld [smem:$0x3F98];
	_ =	swait.ge [sflag:s4], $0x0  }
0x19: {  	s7 =	sld [smem:$0x3F99]  }
0x1a: {  	s8 =	sadd.s32 $0xFFFFE003, lr  }
0x1b: {  	s9 =	sadd.s32 $0xFFFFFEF7, lr;
	s5 =	simm.s32 $0xFFFFFFFF;
	p2 =	slt.u32 s8, $0xFFFFF086  }
0x1c: {  	p1 =	slt.u32 s9, $0xF7A;
	s5 =	simm.s32 @!p2 $0x0  }
0x1d: {  	s5 =	simm.s32 @p1 $0x1;
	p0 =	seq.s32 s7, s2  }
0x1e: {  	s7 =	smul.u32 @!p0 $0xF7A, s2;
	p2 =	seq.s32 @!p0 s5, $0x0  }
0x1f: {  	s9 =	smul.u32 $0xF7A, s1;
	s8 =	simm.s32 @!p0 $0x1BF5;
	p2 =	por !p2, p0  }
0x20: {  	[sflag:s8] =	ssyncset.s32 @!p0 $0xFFFFF086;
	s6 =	sadd.s32 @!p0 s3, s7;
	s7 =	simm.s32 @!p0 $0x108  }
0x21: {  	s3 =	sadd.s32 s3, s9;
	s6 =	sadd.s32 @!p0 $0x88, s6;
	s7 =	simm.s32 @p2 $0x1082  }
0x22: {  	[simem:s7], [sflag:s8] =	dma.local @!p0 [hbm:s6], $0xF7A  }
0x23: {  	s9 =	sor.u32 $0xD0000000, s2;
	s6 =	simm.s32 $0x108;
	_ =	swait.ge @!p0 [sflag:s8], $0x0  }
0x24: {  	s3 =	sadd.s32 $0x88, s3;
	s6 =	simm.s32 @!p1 $0x1082;
	[sflag:s4] =	ssyncset.s32 $0xFFFFF086  }
0x25: {  	[simem:s6], [sflag:s4] =	dma.local [hbm:s3], $0xF7A  }
0x26: {  	[smem:$0x3F99] =	sst s1;
	(tag) =	ssettag s2;
	_ =	strace s9  }
0x27: {  	s1 =	sld [smem:$0x3FA9]  }
0x28: {  	s2 =	sld [smem:$0x3FAA]  }
0x29: {  	s4 =	sld [smem:$0x3FAC]  }
0x2a: {  	p0 =	seq.s32 s5, $0x0;
	s5 =	sld [smem:$0x3FAD]  }
0x2b: {  	s6 =	sld [smem:$0x3FAE]  }
0x2c: {  	s7 =	sld [smem:$0x3FAF]  }
0x2d: {  	s3 =	simm.s32 $0x108;
	s8 =	sld [smem:$0x3FB0]  }
0x2e: {  	s3 =	simm.s32 @!p0 $0x1082;
	s9 =	sld [smem:$0x3FB1]  }
0x2f: {  	lr =	sadd.s32 s0, s3;
	s0 =	sld [smem:$0x3FA8]  }
0x30: {  	s3 =	sld [smem:$0x3FAB]  }
0x31: {  	[smem:$0x3FB4] =	sst s10  }
0x32: {  	s10 =	sld [smem:$0x3FB2];
	_ =	sdelay $0x3  }
0x33: {  	p0 =	seq.s32 s10, $0x1;
	s10 =	sld [smem:$0x3FB4];
	_ =	sdelay $0x3  }
0x34: {  	[smem:$0x3FB4] =	sst s10  }
0x35: {  	s10 =	sld [smem:$0x3FB3];
	_ =	sdelay $0x3  }
0x36: {  	p1 =	seq.s32 s10, $0x1;
	s10 =	sld [smem:$0x3FB4];
	_ =	sdelay $0x3  }
0x37: {  	[smem:$0x3FB4] =	sst s10  }
0x38: {  	s10 =	sld [smem:$0x3FB5]  }
0x39: {  	_ = 	snop;
	(pc) =	sbr.ind lr, $3  }
0x3a: {  	_ = 	snop  }
0x3b: {  	_ = 	snop  }
0x3c: {  	p2 =	seq.s32 s10, $0x1;
	s10 =	sld [smem:$0x3FB4]  }
0x3d: {  	_ =	shalt  }
0x3e: {  	_ =	shalt  }
0x3f: {  	_ =	shalt  }
0x40: {  	_ =	shalt  }
0x41: {  	_ =	shalt  }
0x42: {  	_ =	shalt  }
0x43: {  	_ =	shalt  }
0x44: {  	_ =	shalt  }
0x45: {  	_ =	shalt  }
0x46: {  	_ =	shalt  }
0x47: {  	_ =	shalt  }
0x48: {  	_ =	shalt  }
0x49: {  	_ =	shalt  }
0x4a: {  	_ =	shalt  }
0x4b: {  	_ =	shalt  }
0x4c: {  	_ =	shalt  }
0x4d: {  	_ =	shalt  }
0x4e: {  	_ =	shalt  }
0x4f: {  	_ =	shalt  }
0x50: {  	_ =	shalt  }
0x51: {  	_ =	shalt  }
0x52: {  	_ =	shalt  }
0x53: {  	_ =	shalt  }
0x54: {  	_ =	shalt  }
0x55: {  	_ =	shalt  }
0x56: {  	_ =	shalt  }
0x57: {  	_ =	shalt  }
0x58: {  	_ =	shalt  }
0x59: {  	_ =	shalt  }
0x5a: {  	_ =	shalt  }
0x5b: {  	_ =	shalt  }
0x5c: {  	_ =	shalt  }
0x5d: {  	_ =	shalt  }
0x5e: {  	_ =	shalt  }
0x5f: {  	_ =	shalt  }
0x60: {  	_ =	shalt  }
0x61: {  	_ =	shalt  }
0x62: {  	_ =	shalt  }
0x63: {  	_ =	shalt  }
0x64: {  	_ =	shalt  }
0x65: {  	_ =	shalt  }
0x66: {  	_ =	shalt  }
0x67: {  	_ =	shalt  }
0x68: {  	_ =	shalt  }
0x69: {  	_ =	shalt  }
0x6a: {  	_ =	shalt  }
0x6b: {  	_ =	shalt  }
0x6c: {  	_ =	shalt  }
0x6d: {  	_ =	shalt  }
0x6e: {  	_ =	shalt  }
0x6f: {  	_ =	shalt  }
0x70: {  	_ =	shalt  }
0x71: {  	_ =	shalt  }
0x72: {  	_ =	shalt  }
0x73: {  	_ =	shalt  }
0x74: {  	_ =	shalt  }
0x75: {  	_ =	shalt  }
0x76: {  	_ =	shalt  }
0x77: {  	_ =	shalt  }
0x78: {  	_ =	shalt  }
0x79: {  	_ =	shalt  }
0x7a: {  	_ =	shalt  }
0x7b: {  	_ =	shalt  }
0x7c: {  	_ =	shalt  }
0x7d: {  	_ =	shalt  }
0x7e: {  	_ =	shalt  }
0x7f: {  	_ =	shalt  }
0x80: {  	_ =	shalt  }
0x81: {  	_ =	shalt  }
0x82: {  	_ =	shalt  }
0x83: {  	_ =	shalt  }
0x84: {  	_ =	shalt  }
0x85: {  	_ =	shalt  }
0x86: {  	_ =	shalt  }
0x87: {  	_ =	shalt  }
.Lfunc_end0:
.L_simem_size_0:
called_computation_lowered:
.L_overlay_start_0:
0x88: {  	s2 =	sld [smem:$0x3FD9]  }
0x89: {  	s3 =	sld [smem:$0x3FFE];
	_ =	sdelay $0x1  }
0x8a: {  	s1 =	srdreg.scid  }
0x8b: {  	s0 =	sand.u32 $0x1, s1  }
0x8c: {  	s17 =	sshll.u32 s0, $0xA;
	s2 =	sadd.s32 s3, s2  }
0x8d: {  	s2 =	sadd.s32 s2, s17  }
0x8e: {  	[smem:$0x3FC0] =	sst s2  }
0x8f: {  	_ = 	snop  }
0x90: {  	s2 =	sld [smem:$0x3FD0];
	(tm) =	ssettm $0x1  }
0x91: {  	s18 =	sld [smem:$0x3FFB];
	_ =	sdelay $0x3  }
0x92: {  	_ =	strace s18  }
0x93: {  	s3 =	sld [smem:$0x3FFC];
	_ =	sdelay $0x3  }
0x94: {  	_ =	strace s3  }
0x95: {  	s3 =	sld [smem:$0x3FFD];
	_ =	sdelay $0x3  }
0x96: {  	_ =	strace s3  }
0x97: {  	_ =	strace $0x8FFFFFFF  }
0x98: {  	s19 =	sld [smem:$0x3FDB];
	_ =	sdelay $0x1  }
0x99: {  	s4 =	simm.s32 $_scs_section_size  }
0x9a: {  	s5 =	simm.s32 $_size__tile_overlayer_lowered;
	s6 =	simm.s32 $_tile_overlayer_lowered  }
0x9b: {  	s22 =	simm.s32 $0x1BFF;
	s21 =	sshll.u32 s6, $0x1;
	s3 =	sadd.s32 s4, s19  }
0x9c: {  	s7 =	simm.s32 $0x0;
	s20 =	sshll.u32 s5, $0x1;
	s5 =	sadd.s32 s21, s3  }
0x9d: {  	[timem:s7], [sflag:s22] =	dma.local [hbm:s5], s20  }
0x9e: {  	_ =	swait.ge [sflag:s22], s20  }
0x9f: {  	s4 =	ssub.s32 $0x0, s20;
	[sflag:s22] =	ssyncset.done $0x0  }
0xa0: {  	[sflag:s22] =	ssyncadd.s32 s4;
	_ =	sdelay $0x1  }
0xa1: {  	s23 =	simm.s32 $0x1B8B  }
0xa2: {  	_ =	swait.ge [sflag:s23], $0x1  }
0xa3: {  	[sflag:s23] =	ssyncset.done $0x0  }
0xa4: {  	s25 =	simm.s32 $0x1B8E;
	s24 =	sld [smem:$0x3FFE];
	[sflag:s23] =	ssyncadd.s32 $0xFFFFFFFF  }
0xa5: {  	s26 =	simm.s32 $execute0_lowered;
	[smem:$0x3FD2] =	sst s25  }
0xa6: {  	s5 =	sshll.u32 s26, $0x1;
	_ =	strace $0x80000046;
	[dreg:$0x1] =	wrdreg $0xFFFFFFFF  }
0xa7: {  	s28 =	simm.s32 $_size_execute0_lowered;
	s3 =	sadd.s32 s3, s5;
	[dreg:$0x0] =	wrdreg $0x0  }
0xa8: {  	s5 =	sshll.u32 s28, $0x1;
	[dreg:$0x2] =	wrdreg s3  }
0xa9: {  	[dreg:$0x3] =	wrdreg s5  }
0xaa: {  	[dreg:$0x4] =	wrdreg $0xC0  }
0xab: {  	_ =	task [dreg:s7], $0x5FFFF  }
0xac: {  	[dreg:$0x1] =	wrdreg $0xFFFFFFFF  }
0xad: {  	[dreg:$0x0] =	wrdreg $0x60  }
0xae: {  	[dreg:$0x2] =	wrdreg s2  }
0xaf: {  	[dreg:$0x3] =	wrdreg s24  }
0xb0: {  	[dreg:$0x4] =	wrdreg $0x23000  }
0xb1: {  	[dreg:$0x5] =	wrdreg $0x4B000  }
0xb2: {  	[dreg:$0x6] =	wrdreg $0x73000  }
0xb3: {  	[dreg:$0x7] =	wrdreg $0x9  }
0xb4: {  	_ =	task.clear_ibuf [dreg:s7], $0x8FFFF;
	_ =	strace $0x90000046  }
0xb5: {  	s29 =	simm.s32 $0x9;
	_ =	strace $0x80000048  }
0xb6: {  	_ =	swait.ge [sflag:s29], $0x1  }
0xb7: {  	[sflag:s29] =	ssyncadd.s32 $0xFFFFFFFF  }
0xb8: {  	_ =	strace $0x90000048  }
0xb9: {  	_ =	sfence  }
0xba: {  	s30 =	sld [smem:$0x0];
	_ =	sdelay $0x2  }
0xbb: {  	s31 =	sshll.u32 s1, $0xD;
	s1 =	sshrl.u32 s1, $0x2  }
0xbc: {  	s3 =	sand.u32 $0x4000, s31;
	s1 =	sadd.s32 s1, s30  }
0xbd: {  	s0 =	sor.u32 s3, s0;
	s1 =	sshll.u32 s1, $0x11  }
0xbe: {  	s0 =	sor.u32 s1, s0  }
0xbf: {  	s0 =	sadd.s32 $0x8F2B, s0  }
0xc0: {  	[sflag:s0] =	ssyncadd.remote.s32 $0x1  }
0xc1: {  	_ =	sfence.sel $0xFFFF  }
0xc2: {  	[dreg:$0x0] =	wrdreg $0xFFFFFFFF;
	(pc) =	sbr.abs _section_cstart, $3  }
0xc3: {  	[dreg:$0x1] =	wrdreg $0xFFFFFFFF  }
0xc4: {  	_ =	task.clear_ibuf [dreg:s7], $0x2FFFF;
	_ =	strace $0x9FFFFFFF  }
0xc5: {  	(tm) =	ssettm $0x7FFFFFFF  }
tec
execute0_lowered:
.L_overlay_start_1:
0x0: {  	(tag) =	ssettag $0x1  }
0x1: {  	s1 =	rddreg [dreg:$0x0]  }
0x2: {  	s0 =	rddreg [dreg:$0x1]  }
0x3: {  	s2 =	rddreg [dreg:$0x2]  }
0x4: {  	s3 =	rddreg [dreg:$0x3]  }
0x5: {  	s4 =	rddreg [dreg:$0x4]  }
0x6: {  	s5 =	simm.s32 $0x0;
	s10 =	stileid.u32;
	s6 =	srdreg.scid  }
0x7: {  	[smem:$0x7FF] =	sst s5;
	s9 =	sadd.s32 $0xF600, s0;
	s6 =	sand.u32 $0x1, s6  }
0x8: {  	s12 =	smul.u32 $0x2800, s10;
	s16 =	sadd.s32 $0x37A00, s0;
	s15 =	ssub.s32 $0x2, s6  }
0x9: {  	_ =	strace $0x80000047;
	[dreg:$0x6] =	wrdreg s9;
	s13 =	sshrl.u32 s15, $0x1  }
0xa: {  	[dreg:$0x8] =	wrdreg s16;
	s20 =	sadd.s32 s12, s0;
	s17 =	ssub.s32 s15, s13  }
0xb: {  	s20 =	sadd.s32 $0xFA00, s20;
	[smem:$0x7F4] =	sst s17  }
0xc: {  	s7 =	sadd.s32 $0x5200, s0;
	s10 =	smul.u32 $0x14000, s10;
	[dreg:$0xb] =	wrdreg s20  }
0xd: {  	s8 =	sadd.s32 $0x1A00, s0;
	s11 =	sadd.s32 $0xF200, s0;
	s20 =	sld [smem:$0x7F4]  }
0xe: {  	[dreg:$0x7] =	wrdreg s12;
	s0 =	sadd.s32 $0x5FA00, s0;
	s18 =	sor.u32 $0x2000, s10  }
0xf: {  	[dreg:$0x9] =	wrdreg s0;
	s19 =	sadd.s32 s18, s2  }
0x10: {  	[smem:$0x7F5] =	sst s19;
	s20 =	smax.u32 s20, $0x1  }
0x11: {  	p0 =	sne.s32 s6, $0x0;
	[dreg:$0xc] =	wrdreg s20  }
0x12: {  	s16 =	sadd.s32 $0x6000, s10;
	s21 =	sadd.s32 s18, s3;
	s20 =	sld [smem:$0x7F5]  }
0x13: {  	s6 =	sadd.s32 $0xA000, s10;
	s22 =	sadd.s32 s18, s4;
	[smem:$0x7F6] =	sst s21  }
0x14: {  	s9 =	sadd.s32 $0xC000, s10;
	s26 =	sadd.s32 s16, s2;
	[smem:$0x7F7] =	sst s22  }
0x15: {  	s12 =	sadd.s32 $0xE000, s10;
	[smem:$0x7FB] =	sst s26;
	s20 =	sshrl.u32 s20, $0x3  }
0x16: {  	s15 =	sadd.s32 $0x4000, s10;
	s0 =	sadd.s32 $0x8000, s10;
	[dreg:$0xd] =	wrdreg s20  }
0x17: {  	s28 =	sadd.s32 s6, s4;
	s23 =	sadd.s32 s15, s2;
	s20 =	sld [smem:$0x7F6]  }
0x18: {  	s29 =	sadd.s32 s9, s2;
	s24 =	sadd.s32 s15, s3;
	[smem:$0x7F8] =	sst s23  }
0x19: {  	s30 =	sadd.s32 s9, s3;
	s25 =	sadd.s32 s15, s4;
	[smem:$0x7F9] =	sst s24  }
0x1a: {  	s31 =	sadd.s32 s9, s4;
	[smem:$0x7FA] =	sst s25;
	s20 =	sshrl.u32 s20, $0x3  }
0x1b: {  	s18 =	sadd.s32 s12, s2;
	s19 =	sadd.s32 s16, s3;
	[dreg:$0xe] =	wrdreg s20  }
0x1c: {  	s21 =	sadd.s32 s16, s4;
	s16 =	sadd.s32 s10, s2;
	s20 =	sld [smem:$0x7F7]  }
0x1d: {  	s14 =	sadd.s32 s12, s3;
	s18 =	sshrl.u32 s18, $0x3;
	[dreg:$0xa] =	wrdreg s16  }
0x1e: {  	s13 =	sadd.s32 $0x10000, s10;
	s14 =	sshrl.u32 s14, $0x3;
	[dreg:$0x1f] =	wrdreg s18  }
0x1f: {  	s22 =	sadd.s32 s0, s2;
	[smem:$0x7FC] =	sst s14;
	s20 =	sshrl.u32 s20, $0x3  }
0x20: {  	s26 =	sadd.s32 s6, s3;
	s17 =	sadd.s32 s12, s4;
	[dreg:$0xf] =	wrdreg s20  }
0x21: {  	s9 =	sadd.s32 s13, s2;
	s19 =	sshrl.u32 s19, $0x3;
	s20 =	sld [smem:$0x7F8]  }
0x22: {  	s12 =	sadd.s32 s13, s3;
	s21 =	sshrl.u32 s21, $0x3;
	[dreg:$0x14] =	wrdreg s19  }
0x23: {  	s13 =	sadd.s32 s13, s4;
	s22 =	sshrl.u32 s22, $0x3;
	[dreg:$0x15] =	wrdreg s21  }
0x24: {  	s15 =	sadd.s32 s10, s3;
	[dreg:$0x16] =	wrdreg s22;
	s20 =	sshrl.u32 s20, $0x3  }
0x25: {  	s23 =	sadd.s32 s0, s3;
	s24 =	sadd.s32 s0, s4;
	[dreg:$0x10] =	wrdreg s20  }
0x26: {  	s25 =	sadd.s32 s6, s2;
	s23 =	sshrl.u32 s23, $0x3;
	s20 =	sld [smem:$0x7F9]  }
0x27: {  	s16 =	sadd.s32 s10, s4;
	s24 =	sshrl.u32 s24, $0x3;
	[dreg:$0x17] =	wrdreg s23  }
0x28: {  	s10 =	sadd.s32 $0x12000, s10;
	s25 =	sshrl.u32 s25, $0x3;
	[dreg:$0x18] =	wrdreg s24  }
0x29: {  	s0 =	sadd.s32 s10, s2;
	[dreg:$0x19] =	wrdreg s25;
	s20 =	sshrl.u32 s20, $0x3  }
0x2a: {  	s6 =	sadd.s32 s10, s3;
	s10 =	sadd.s32 s10, s4;
	[dreg:$0x11] =	wrdreg s20  }
0x2b: {  	s21 =	sshrl.u32 s28, $0x3;
	s22 =	sshrl.u32 s29, $0x3;
	s20 =	sld [smem:$0x7FA]  }
0x2c: {  	s19 =	sshrl.u32 s9, $0x3;
	s28 =	simm.s32 $0x300;
	[dreg:$0x1b] =	wrdreg s21  }
0x2d: {  	s29 =	simm.s32 $0x1;
	[dreg:$0x1c] =	wrdreg s22;
	s23 =	sshrl.u32 s30, $0x3  }
0x2e: {  	s24 =	sshrl.u32 s31, $0x3;
	s25 =	sshrl.u32 s17, $0x3;
	s20 =	sshrl.u32 s20, $0x3  }
0x2f: {  	s21 =	sshrl.u32 s13, $0x3;
	s22 =	sshrl.u32 s0, $0x3;
	[dreg:$0x12] =	wrdreg s20  }
0x30: {  	s30 =	simm.s32 $0x100;
	s31 =	simm.s32 $0x40;
	s20 =	sld [smem:$0x7FB]  }
0x31: {  	s0 =	simm.s32 $0x200;
	s13 =	simm.s32 $0x280;
	[dreg:$0x1d] =	wrdreg s23  }
.Ltmp0:
0x32: {  	s17 =	simm.s32 $0x0;
	[dreg:$0x1e] =	wrdreg s24;
	(pc) =	sbr.rel .LBB2_1-.Ltmp0, $4  }
0x33: {  	[smem:$0x7FD] =	sst s25;
	s23 =	sshrl.u32 s6, $0x3;
	s20 =	sshrl.u32 s20, $0x3  }
0x34: {  	[dreg:$0x13] =	wrdreg s20;
	s20 =	sshrl.u32 s26, $0x3;
	s26 =	stileid.u32  }
0x35: {  	s24 =	sshrl.u32 s10, $0x3;
	[dreg:$0x1a] =	wrdreg s20;
	s25 =	smul.u32 $0x380, s26  }
0x36: {  	s20 =	sshrl.u32 s12, $0x3;
	s26 =	smul.u32 $0xA00, s26;
	s12 =	simm.s32 $0x180  }
.LBB2_7:
0x37: {  	s9 =	sadd.s32 s10, s14;
	[sflag:s29] =	ssyncadd.s32 $0xFFFFFC00  }
0x38: {  	[tilespmem:s30], [sflag:$0x1] =	stream.linear.gather [hbm4b:s9+s5], $0x100, $0x38;
	[tilespmem:$0x9B00] =	vst v63  }
0x39: {  	_ =	swait.ge [sflag:s29], $0x100  }
0x3a: {  	[sflag:s29] =	ssyncset.done $0x0  }
0x3b: {  	[sflag:s29] =	ssyncadd.s32 $0xFFFFFF00  }
0x3c: {  	[spmem:s3] =	stream.indirect.scatter.add.f32 [tilespmem:s28], [sflag:$0x1], $0x10, s30, s31, $0xb8;
	[tilespmem:$0x9B00] =	vst v63  }
0x3d: {  	_ =	swait.ge [sflag:s29], $0x400  }
0x3e: {  	[sflag:s29] =	ssyncset.done $0x0  }
0x3f: {  	[sflag:s29] =	ssyncadd.s32 $0xFFFFFC00  }
0x40: {  	[spmem:s3] =	stream.indirect.scatter.add.f32 [tilespmem:s28], [sflag:$0x1], $0x10, s12, s31, $0xb8;
	[tilespmem:$0x9B00] =	vst v63  }
0x41: {  	_ =	swait.ge [sflag:s29], $0x400  }
0x42: {  	[sflag:s29] =	ssyncset.done $0x0  }
0x43: {  	[sflag:s29] =	ssyncadd.s32 $0xFFFFFC00  }
0x44: {  	[bflag:$0x0] =	sbarrier.arrive $0xFFFF  }
0x45: {  	s10 =	smov.u32 s15;
	s9 =	rddreg [dreg:$0x8]  }
.LBB2_8:
0x46: {  	s14 =	rddreg [dreg:$0x7]  }
0x47: {  	s10 =	sshrl.u32 s10, $0x3;
	s9 =	sadd.s32 s9, s14  }
0x48: {  	[hbm:s9], [sflag:s6] =	dma.local [spmem:s10], $0x2800  }
0x49: {  	_ =	swait.ge [sflag:s29], $0x2800  }
0x4a: {  	s17 =	sadd.s32 $0x1, s17;
	s18 =	rddreg [dreg:$0xc]  }
0x4b: {  	p1 =	sne.s32 s17, s18  }
.Ltmp1:
0x4c: {  	_ = 	snop;
	(pc) =	sbr.rel @!p1 .LBB2_9-.Ltmp1, $3  }
0x4d: {  	_ =	sdelay $0x1  }
0x4e: {  	[sflag:s29] =	ssyncset.done $0x0  }
0x4f: {  	[sflag:s29] =	ssyncadd.s32 $0xFFFFD800  }
.LBB2_1:
0x50: {  	s6 =	rddreg [dreg:$0x6]  }
0x51: {  	[tilespmem:s28], [sflag:$0x1] =	stream.linear.gather [hbm4b:s6+s5], $0x2000, $0x38;
	[tilespmem:$0x9B00] =	vst v63  }
0x52: {  	s10 =	stileid.u32;
	_ =	swait.ge [sflag:s29], $0x2000  }
0x53: {  	s6 =	sshll.u32 s10, $0x6;
	[sflag:s29] =	ssyncset.done $0x0;
	s9 =	rddreg [dreg:$0xa]  }
0x54: {  	s6 =	sor.u32 $0x1C01, s6;
	[sflag:s29] =	ssyncadd.s32 $0xFFFFE000;
	s9 =	sshrl.u32 s9, $0x3  }
0x55: {  	[spmem:s9], [sflag:s6] =	dma.local [hbm:s11], $0x400  }
0x56: {  	_ =	swait.ge [sflag:s29], $0x400  }
0x57: {  	[sflag:s29] =	ssyncset.done $0x0  }
0x58: {  	s10 =	sshrl.u32 s15, $0x3;
	[sflag:s29] =	ssyncadd.s32 $0xFFFFFC00  }
0x59: {  	[spmem:s10], [sflag:s6] =	dma.local [hbm:s11], $0x400  }
0x5a: {  	_ =	swait.ge [sflag:s29], $0x400  }
0x5b: {  	[sflag:s29] =	ssyncset.done $0x0  }
0x5c: {  	s14 =	sshrl.u32 s16, $0x3;
	[sflag:s29] =	ssyncadd.s32 $0xFFFFFC00  }
0x5d: {  	[spmem:s14], [sflag:s6] =	dma.local [hbm:s11], $0x400  }
0x5e: {  	_ =	swait.ge [sflag:s29], $0x400  }
0x5f: {  	[sflag:s29] =	ssyncset.done $0x0  }
0x60: {  	s18 =	rddreg [dreg:$0xd];
	[sflag:s29] =	ssyncadd.s32 $0xFFFFFC00  }
0x61: {  	[spmem:s18], [sflag:s6] =	dma.local [hbm:s11], $0x400  }
0x62: {  	_ =	swait.ge [sflag:s29], $0x400  }
0x63: {  	[sflag:s29] =	ssyncset.done $0x0  }
0x64: {  	s14 =	rddreg [dreg:$0xe];
	[sflag:s29] =	ssyncadd.s32 $0xFFFFFC00  }
0x65: {  	[spmem:s14], [sflag:s6] =	dma.local [hbm:s11], $0x400  }
0x66: {  	_ =	swait.ge [sflag:s29], $0x400  }
0x67: {  	[sflag:s29] =	ssyncset.done $0x0  }
0x68: {  	s18 =	rddreg [dreg:$0xf];
	[sflag:s29] =	ssyncadd.s32 $0xFFFFFC00  }
0x69: {  	[spmem:s18], [sflag:s6] =	dma.local [hbm:s11], $0x400  }
0x6a: {  	_ =	swait.ge [sflag:s29], $0x400  }
0x6b: {  	[sflag:s29] =	ssyncset.done $0x0  }
0x6c: {  	s14 =	rddreg [dreg:$0x10];
	[sflag:s29] =	ssyncadd.s32 $0xFFFFFC00  }
0x6d: {  	[spmem:s14], [sflag:s6] =	dma.local [hbm:s11], $0x400  }
0x6e: {  	_ =	swait.ge [sflag:s29], $0x400  }
0x6f: {  	[sflag:s29] =	ssyncset.done $0x0  }
0x70: {  	s18 =	rddreg [dreg:$0x11];
	[sflag:s29] =	ssyncadd.s32 $0xFFFFFC00  }
0x71: {  	[spmem:s18], [sflag:s6] =	dma.local [hbm:s11], $0x400  }
0x72: {  	_ =	swait.ge [sflag:s29], $0x400  }
0x73: {  	[sflag:s29] =	ssyncset.done $0x0  }
0x74: {  	s14 =	rddreg [dreg:$0x12];
	[sflag:s29] =	ssyncadd.s32 $0xFFFFFC00  }
0x75: {  	[spmem:s14], [sflag:s6] =	dma.local [hbm:s11], $0x400  }
0x76: {  	_ =	swait.ge [sflag:s29], $0x400  }
0x77: {  	[sflag:s29] =	ssyncset.done $0x0  }
0x78: {  	s18 =	rddreg [dreg:$0x13];
	[sflag:s29] =	ssyncadd.s32 $0xFFFFFC00  }
0x79: {  	[spmem:s18], [sflag:s6] =	dma.local [hbm:s11], $0x400  }
0x7a: {  	_ =	swait.ge [sflag:s29], $0x400  }
0x7b: {  	[sflag:s29] =	ssyncset.done $0x0  }
0x7c: {  	s14 =	rddreg [dreg:$0x14];
	[sflag:s29] =	ssyncadd.s32 $0xFFFFFC00  }
0x7d: {  	[spmem:s14], [sflag:s6] =	dma.local [hbm:s11], $0x400  }
0x7e: {  	_ =	swait.ge [sflag:s29], $0x400  }
0x7f: {  	[sflag:s29] =	ssyncset.done $0x0  }
0x80: {  	s18 =	rddreg [dreg:$0x15];
	[sflag:s29] =	ssyncadd.s32 $0xFFFFFC00  }
0x81: {  	[spmem:s18], [sflag:s6] =	dma.local [hbm:s11], $0x400  }
0x82: {  	_ =	swait.ge [sflag:s29], $0x400  }
0x83: {  	[sflag:s29] =	ssyncset.done $0x0  }
0x84: {  	s14 =	rddreg [dreg:$0x16];
	[sflag:s29] =	ssyncadd.s32 $0xFFFFFC00  }
0x85: {  	[spmem:s14], [sflag:s6] =	dma.local [hbm:s11], $0x400  }
0x86: {  	_ =	swait.ge [sflag:s29], $0x400  }
0x87: {  	[sflag:s29] =	ssyncset.done $0x0  }
0x88: {  	s18 =	rddreg [dreg:$0x17];
	[sflag:s29] =	ssyncadd.s32 $0xFFFFFC00  }
0x89: {  	[spmem:s18], [sflag:s6] =	dma.local [hbm:s11], $0x400  }
0x8a: {  	_ =	swait.ge [sflag:s29], $0x400  }
0x8b: {  	[sflag:s29] =	ssyncset.done $0x0  }
0x8c: {  	s14 =	rddreg [dreg:$0x18];
	[sflag:s29] =	ssyncadd.s32 $0xFFFFFC00  }
0x8d: {  	[spmem:s14], [sflag:s6] =	dma.local [hbm:s11], $0x400  }
0x8e: {  	_ =	swait.ge [sflag:s29], $0x400  }
0x8f: {  	[sflag:s29] =	ssyncset.done $0x0  }
0x90: {  	s18 =	rddreg [dreg:$0x19];
	[sflag:s29] =	ssyncadd.s32 $0xFFFFFC00  }
0x91: {  	[spmem:s18], [sflag:s6] =	dma.local [hbm:s11], $0x400  }
0x92: {  	_ =	swait.ge [sflag:s29], $0x400  }
0x93: {  	[sflag:s29] =	ssyncset.done $0x0  }
0x94: {  	s14 =	rddreg [dreg:$0x1a];
	[sflag:s29] =	ssyncadd.s32 $0xFFFFFC00  }
0x95: {  	[spmem:s14], [sflag:s6] =	dma.local [hbm:s11], $0x400  }
0x96: {  	_ =	swait.ge [sflag:s29], $0x400  }
0x97: {  	[sflag:s29] =	ssyncset.done $0x0  }
0x98: {  	s18 =	rddreg [dreg:$0x1b];
	[sflag:s29] =	ssyncadd.s32 $0xFFFFFC00  }
0x99: {  	[spmem:s18], [sflag:s6] =	dma.local [hbm:s11], $0x400  }
0x9a: {  	_ =	swait.ge [sflag:s29], $0x400  }
0x9b: {  	[sflag:s29] =	ssyncset.done $0x0  }
0x9c: {  	s14 =	rddreg [dreg:$0x1c];
	[sflag:s29] =	ssyncadd.s32 $0xFFFFFC00  }
0x9d: {  	[spmem:s14], [sflag:s6] =	dma.local [hbm:s11], $0x400  }
0x9e: {  	_ =	swait.ge [sflag:s29], $0x400  }
0x9f: {  	[sflag:s29] =	ssyncset.done $0x0  }
0xa0: {  	s18 =	rddreg [dreg:$0x1d];
	[sflag:s29] =	ssyncadd.s32 $0xFFFFFC00  }
0xa1: {  	[spmem:s18], [sflag:s6] =	dma.local [hbm:s11], $0x400  }
0xa2: {  	_ =	swait.ge [sflag:s29], $0x400  }
0xa3: {  	[sflag:s29] =	ssyncset.done $0x0  }
0xa4: {  	s14 =	rddreg [dreg:$0x1e];
	[sflag:s29] =	ssyncadd.s32 $0xFFFFFC00  }
0xa5: {  	[spmem:s14], [sflag:s6] =	dma.local [hbm:s11], $0x400  }
0xa6: {  	_ =	swait.ge [sflag:s29], $0x400  }
0xa7: {  	[sflag:s29] =	ssyncset.done $0x0  }
0xa8: {  	s18 =	rddreg [dreg:$0x1f];
	[sflag:s29] =	ssyncadd.s32 $0xFFFFFC00  }
0xa9: {  	[spmem:s18], [sflag:s6] =	dma.local [hbm:s11], $0x400  }
0xaa: {  	_ =	swait.ge [sflag:s29], $0x400  }
0xab: {  	s14 =	sld [smem:$0x7FC]  }
0xac: {  	[sflag:s29] =	ssyncset.done $0x0  }
0xad: {  	[sflag:s29] =	ssyncadd.s32 $0xFFFFFC00  }
0xae: {  	[spmem:s14], [sflag:s6] =	dma.local [hbm:s11], $0x400  }
0xaf: {  	_ =	swait.ge [sflag:s29], $0x400  }
0xb0: {  	s18 =	sld [smem:$0x7FD]  }
0xb1: {  	[sflag:s29] =	ssyncset.done $0x0  }
0xb2: {  	[sflag:s29] =	ssyncadd.s32 $0xFFFFFC00  }
0xb3: {  	[spmem:s18], [sflag:s6] =	dma.local [hbm:s11], $0x400  }
0xb4: {  	_ =	swait.ge [sflag:s29], $0x400  }
0xb5: {  	[sflag:s29] =	ssyncset.done $0x0  }
0xb6: {  	[sflag:s29] =	ssyncadd.s32 $0xFFFFFC00  }
0xb7: {  	[spmem:s19], [sflag:s6] =	dma.local [hbm:s11], $0x400  }
0xb8: {  	_ =	swait.ge [sflag:s29], $0x400  }
0xb9: {  	[sflag:s29] =	ssyncset.done $0x0  }
0xba: {  	[sflag:s29] =	ssyncadd.s32 $0xFFFFFC00  }
0xbb: {  	[spmem:s20], [sflag:s6] =	dma.local [hbm:s11], $0x400  }
0xbc: {  	_ =	swait.ge [sflag:s29], $0x400  }
0xbd: {  	[sflag:s29] =	ssyncset.done $0x0  }
0xbe: {  	[sflag:s29] =	ssyncadd.s32 $0xFFFFFC00  }
0xbf: {  	[spmem:s21], [sflag:s6] =	dma.local [hbm:s11], $0x400  }
0xc0: {  	_ =	swait.ge [sflag:s29], $0x400  }
0xc1: {  	[sflag:s29] =	ssyncset.done $0x0  }
0xc2: {  	[sflag:s29] =	ssyncadd.s32 $0xFFFFFC00  }
0xc3: {  	[spmem:s22], [sflag:s6] =	dma.local [hbm:s11], $0x400  }
0xc4: {  	_ =	swait.ge [sflag:s29], $0x400  }
0xc5: {  	[sflag:s29] =	ssyncset.done $0x0  }
0xc6: {  	[sflag:s29] =	ssyncadd.s32 $0xFFFFFC00  }
0xc7: {  	[spmem:s23], [sflag:s6] =	dma.local [hbm:s11], $0x400  }
0xc8: {  	_ =	swait.ge [sflag:s29], $0x400  }
0xc9: {  	[sflag:s29] =	ssyncset.done $0x0  }
0xca: {  	[sflag:s29] =	ssyncadd.s32 $0xFFFFFC00  }
0xcb: {  	[spmem:s24], [sflag:s6] =	dma.local [hbm:s11], $0x400  }
.Ltmp2:
0xcc: {  	_ =	swait.ge [sflag:s29], $0x400;
	(pc) =	sbr.rel @p0 .LBB2_5-.Ltmp2, $3  }
0xcd: {  	[sflag:s29] =	ssyncset.done $0x0  }
0xce: {  	[sflag:s29] =	ssyncadd.s32 $0xFFFFFC00  }
0xcf: {  	[bflag:$0x0] =	sbarrier.arrive $0xFFFF;
	_ =	sdelay $0x1  }
0xd0: {  	s10 =	sadd.s32 $0x0, s26  }
0xd1: {  	s14 =	sand.u32 $0x60, s5;
	s10 =	sand.u32 $0x1FF80, s10  }
0xd2: {  	s10 =	sor.u32 s14, s10  }
0xd3: {  	s14 =	sadd.s32 s1, s10  }
0xd4: {  	[tilespmem:s5], [sflag:$0x1] =	stream.linear.gather [hbm4b:s14+s5], $0x100, $0x38;
	[tilespmem:$0x9B00] =	vst v63  }
0xd5: {  	_ =	swait.ge [sflag:s29], $0x100  }
0xd6: {  	[sflag:s29] =	ssyncset.done $0x0  }
0xd7: {  	s10 =	sadd.s32 s7, s10;
	[sflag:s29] =	ssyncadd.s32 $0xFFFFFF00  }
0xd8: {  	[tilespmem:s30], [sflag:$0x1] =	stream.linear.gather [hbm4b:s10+s5], $0x100, $0x38;
	[tilespmem:$0x9B00] =	vst v63  }
0xd9: {  	_ =	swait.ge [sflag:s29], $0x100  }
0xda: {  	[sflag:s29] =	ssyncset.done $0x0  }
0xdb: {  	[sflag:s29] =	ssyncadd.s32 $0xFFFFFF00  }
0xdc: {  	v0 =	vld [tilespmem:$0x130]  }
0xdd: {  	v3 =	vld [tilespmem:$0x120]  }
0xde: {  	v5 =	vld [tilespmem:$0x20]  }
0xdf: {  	v2 =	vld [tilespmem:$0x30]  }
0xe0: {  	v1 =	vld [tilespmem:$0x110]  }
0xe1: {  	s10 =	simm.s32 $0x20;
	v4 =	vld [tilespmem:$0x10]  }
.LBB2_3:
0xe2: {  	p1 =	sne.s32 s10, $0x9E0;
	v6 =	vld [tilespmem:$0x100];
	s14 =	smov.u32 s10;
	s10 =	sadd.s32 $0x20, s10  }
0xe3: {  	v7 =	vld [tilespmem:$0x0];
	vm0 =	veq.s32 v5, v3  }
0xe4: {  	v5 =	vnsel vm0, $0x2710, v3;
	v3 =	vsel vm0, $0x2710, v3  }
0xe5: {  	[tilespmem:$0x120] =	vst v3  }
0xe6: {  	vm1 =	veq.s32 v2, v0;
	vm0 =	veq.s32 v4, v1;
	[tilespmem:$0x220] =	vst v5  }
0xe7: {  	v3 =	vnsel vm1, $0x2710, v0;
	v0 =	vsel vm1, $0x2710, v0;
	v2 =	vnsel vm0, $0x2710, v1  }
0xe8: {  	v1 =	vsel vm0, $0x2710, v1;
	vm1 =	veq.s32 v7, v6;
	[tilespmem:$0x210] =	vst v2  }
0xe9: {  	v2 =	vnsel vm1, $0x2710, v6;
	v4 =	vsel vm1, $0x2710, v6;
	[tilespmem:$0x110] =	vst v1  }
0xea: {  	[tilespmem:$0x130] =	vst v0  }
0xeb: {  	[tilespmem:$0x200] =	vst v2  }
0xec: {  	[tilespmem:$0x100] =	vst v4  }
0xed: {  	[tilespmem:$0x230] =	vst v3  }
0xee: {  	[spmem:s2] =	stream.indirect.scatter.add.f32 [tilespmem:s28], [sflag:$0x1], $0x10, s30, s31, $0xb8;
	[tilespmem:$0x9B00] =	vst v63  }
0xef: {  	_ =	swait.ge [sflag:s29], $0x400  }
0xf0: {  	[sflag:s29] =	ssyncset.done $0x0  }
0xf1: {  	[sflag:s29] =	ssyncadd.s32 $0xFFFFFC00  }
0xf2: {  	[spmem:s4] =	stream.indirect.scatter.add.f32 [tilespmem:s28], [sflag:$0x1], $0x10, s0, s31, $0xb8;
	[tilespmem:$0x9B00] =	vst v63  }
0xf3: {  	_ =	swait.ge [sflag:s29], $0x400  }
0xf4: {  	[sflag:s29] =	ssyncset.done $0x0  }
0xf5: {  	[sflag:s29] =	ssyncadd.s32 $0xFFFFFC00  }
0xf6: {  	v0 =	vld [tilespmem:$0x80]  }
0xf7: {  	v1 =	vld [tilespmem:$0x180]  }
0xf8: {  	v2 =	vld [tilespmem:$0x90]  }
0xf9: {  	v3 =	vld [tilespmem:$0x190]  }
0xfa: {  	v4 =	vld [tilespmem:$0xB0]  }
0xfb: {  	v5 =	vld [tilespmem:$0x1B0]  }
0xfc: {  	vm0 =	veq.s32 v0, v1;
	v0 =	vld [tilespmem:$0x1A0]  }
0xfd: {  	v6 =	vnsel vm0, $0x2710, v1;
	v1 =	vsel vm0, $0x2710, v1;
	v7 =	vld [tilespmem:$0xA0]  }
0xfe: {  	[tilespmem:$0x280] =	vst v6;
	vm0 =	veq.s32 v2, v3  }
0xff: {  	[tilespmem:$0x180] =	vst v1;
	v1 =	vnsel vm0, $0x2710, v3;
	v2 =	vsel vm0, $0x2710, v3  }
0x100: {  	[tilespmem:$0x290] =	vst v1;
	vm0 =	veq.s32 v4, v5  }
0x101: {  	[tilespmem:$0x190] =	vst v2;
	v1 =	vnsel vm0, $0x2710, v5;
	v2 =	vsel vm0, $0x2710, v5  }
0x102: {  	vm0 =	veq.s32 v7, v0;
	[tilespmem:$0x2B0] =	vst v1  }
0x103: {  	v1 =	vnsel vm0, $0x2710, v0;
	v0 =	vsel vm0, $0x2710, v0;
	[tilespmem:$0x1B0] =	vst v2  }
0x104: {  	[tilespmem:$0x2A0] =	vst v1  }
0x105: {  	[tilespmem:$0x1A0] =	vst v0  }
0x106: {  	[spmem:s2] =	stream.indirect.scatter.add.f32 [tilespmem:s28], [sflag:$0x1], $0x10, s12, s31, $0xb8;
	[tilespmem:$0x9B00] =	vst v63  }
0x107: {  	_ =	swait.ge [sflag:s29], $0x400  }
0x108: {  	[sflag:s29] =	ssyncset.done $0x0  }
0x109: {  	s18 =	sadd.s32 s14, s26;
	[sflag:s29] =	ssyncadd.s32 $0xFFFFFC00  }
0x10a: {  	[spmem:s4] =	stream.indirect.scatter.add.f32 [tilespmem:s28], [sflag:$0x1], $0x10, s13, s31, $0xb8;
	[tilespmem:$0x9B00] =	vst v63  }
0x10b: {  	s14 =	sand.u32 $0x60, s14;
	s18 =	sand.u32 $0x1FF80, s18;
	_ =	swait.ge [sflag:s29], $0x400  }
0x10c: {  	s14 =	sor.u32 s14, s18;
	[sflag:s29] =	ssyncset.done $0x0  }
0x10d: {  	s18 =	sadd.s32 s1, s14;
	[sflag:s29] =	ssyncadd.s32 $0xFFFFFC00  }
0x10e: {  	[tilespmem:s5], [sflag:$0x1] =	stream.linear.gather [hbm4b:s18+s5], $0x100, $0x38;
	[tilespmem:$0x9B00] =	vst v63  }
0x10f: {  	_ =	swait.ge [sflag:s29], $0x100  }
0x110: {  	[sflag:s29] =	ssyncset.done $0x0  }
0x111: {  	s14 =	sadd.s32 s7, s14;
	[sflag:s29] =	ssyncadd.s32 $0xFFFFFF00  }
0x112: {  	[tilespmem:s30], [sflag:$0x1] =	stream.linear.gather [hbm4b:s14+s5], $0x100, $0x38;
	[tilespmem:$0x9B00] =	vst v63  }
0x113: {  	_ =	swait.ge [sflag:s29], $0x100  }
0x114: {  	[sflag:s29] =	ssyncset.done $0x0  }
0x115: {  	[sflag:s29] =	ssyncadd.s32 $0xFFFFFF00  }
0x116: {  	v0 =	vld [tilespmem:$0x130]  }
.Ltmp3:
0x117: {  	v3 =	vld [tilespmem:$0x120];
	(pc) =	sbr.rel @p1 .LBB2_3-.Ltmp3, $4  }
0x118: {  	v5 =	vld [tilespmem:$0x20]  }
0x119: {  	v2 =	vld [tilespmem:$0x30]  }
0x11a: {  	v1 =	vld [tilespmem:$0x110]  }
0x11b: {  	v4 =	vld [tilespmem:$0x10]  }
0x11c: {  	_ = 	snop  }
0x11d: {  	v6 =	vld [tilespmem:$0x100];
	vm0 =	veq.s32 v5, v3  }
0x11e: {  	v7 =	vld [tilespmem:$0x0];
	v5 =	vsel vm0, $0x2710, v3  }
0x11f: {  	v45 =	vnsel vm0, $0x2710, v3;
	vm1 =	veq.s32 v2, v0;
	[tilespmem:$0x120] =	vst v5  }
0x120: {  	[tilespmem:$0x220] =	vst v45;
	v2 =	vsel vm1, $0x2710, v0  }
0x121: {  	v50 =	vnsel vm1, $0x2710, v0;
	vm10 =	veq.s32 v4, v1;
	[tilespmem:$0x130] =	vst v2  }
0x122: {  	[tilespmem:$0x230] =	vst v50;
	v46 =	vnsel vm10, $0x2710, v1  }
0x123: {  	v47 =	vsel vm10, $0x2710, v1;
	vm11 =	veq.s32 v7, v6;
	[tilespmem:$0x210] =	vst v46  }
0x124: {  	[tilespmem:$0x110] =	vst v47;
	v48 =	vnsel vm11, $0x2710, v6  }
0x125: {  	v49 =	vsel vm11, $0x2710, v6;
	[tilespmem:$0x200] =	vst v48  }
0x126: {  	[tilespmem:$0x100] =	vst v49  }
0x127: {  	[spmem:s2] =	stream.indirect.scatter.add.f32 [tilespmem:s28], [sflag:$0x1], $0x10, s30, s31, $0xb8;
	[tilespmem:$0x9B00] =	vst v63  }
0x128: {  	_ =	swait.ge [sflag:s29], $0x400  }
0x129: {  	[sflag:s29] =	ssyncset.done $0x0  }
0x12a: {  	[sflag:s29] =	ssyncadd.s32 $0xFFFFFC00  }
0x12b: {  	[spmem:s4] =	stream.indirect.scatter.add.f32 [tilespmem:s28], [sflag:$0x1], $0x10, s0, s31, $0xb8;
	[tilespmem:$0x9B00] =	vst v63  }
0x12c: {  	_ =	swait.ge [sflag:s29], $0x400  }
0x12d: {  	[sflag:s29] =	ssyncset.done $0x0  }
0x12e: {  	[sflag:s29] =	ssyncadd.s32 $0xFFFFFC00  }
0x12f: {  	v51 =	vld [tilespmem:$0x80]  }
0x130: {  	v52 =	vld [tilespmem:$0x180]  }
0x131: {  	v53 =	vld [tilespmem:$0x90]  }
0x132: {  	v54 =	vld [tilespmem:$0x190]  }
0x133: {  	v55 =	vld [tilespmem:$0xB0]  }
0x134: {  	v56 =	vld [tilespmem:$0x1B0]  }
0x135: {  	v57 =	vld [tilespmem:$0x1A0];
	vm12 =	veq.s32 v51, v52  }
0x136: {  	v59 =	vld [tilespmem:$0xA0];
	v58 =	vnsel vm12, $0x2710, v52  }
0x137: {  	vm13 =	veq.s32 v53, v54;
	v1 =	vsel vm12, $0x2710, v52;
	[tilespmem:$0x280] =	vst v58  }
0x138: {  	v60 =	vnsel vm13, $0x2710, v54;
	[tilespmem:$0x180] =	vst v1  }
0x139: {  	vm14 =	veq.s32 v55, v56;
	v2 =	vsel vm13, $0x2710, v54;
	[tilespmem:$0x290] =	vst v60  }
0x13a: {  	v61 =	vnsel vm14, $0x2710, v56;
	[tilespmem:$0x190] =	vst v2  }
0x13b: {  	vm15 =	veq.s32 v59, v57;
	v62 =	vsel vm14, $0x2710, v56;
	[tilespmem:$0x2B0] =	vst v61  }
0x13c: {  	v63 =	vnsel vm15, $0x2710, v57;
	[tilespmem:$0x1B0] =	vst v62  }
0x13d: {  	v0 =	vsel vm15, $0x2710, v57;
	[tilespmem:$0x2A0] =	vst v63  }
0x13e: {  	[tilespmem:$0x1A0] =	vst v0  }
0x13f: {  	[spmem:s2] =	stream.indirect.scatter.add.f32 [tilespmem:s28], [sflag:$0x1], $0x10, s12, s31, $0xb8;
	[tilespmem:$0x9B00] =	vst v63  }
0x140: {  	_ =	swait.ge [sflag:s29], $0x400  }
0x141: {  	[sflag:s29] =	ssyncset.done $0x0  }
0x142: {  	[sflag:s29] =	ssyncadd.s32 $0xFFFFFC00  }
0x143: {  	[spmem:s4] =	stream.indirect.scatter.add.f32 [tilespmem:s28], [sflag:$0x1], $0x10, s13, s31, $0xb8;
	[tilespmem:$0x9B00] =	vst v63  }
0x144: {  	_ =	swait.ge [sflag:s29], $0x400  }
0x145: {  	[sflag:s29] =	ssyncset.done $0x0  }
0x146: {  	[sflag:s29] =	ssyncadd.s32 $0xFFFFFC00  }
0x147: {  	[bflag:$0x0] =	sbarrier.arrive $0xFFFF  }
.Ltmp4:
0x148: {  	s10 =	rddreg [dreg:$0xb];
	(pc) =	sbr.rel .LBB2_8-.Ltmp4, $4  }
0x149: {  	[hbm:s10], [sflag:s6] =	dma.local [spmem:s9], $0x2800  }
0x14a: {  	_ =	swait.ge [sflag:s29], $0x2800  }
0x14b: {  	[sflag:s29] =	ssyncset.done $0x0  }
0x14c: {  	s10 =	smov.u32 s16;
	s9 =	rddreg [dreg:$0x9];
	[sflag:s29] =	ssyncadd.s32 $0xFFFFD800  }
.LBB2_5:
0x14d: {  	s9 =	sadd.s32 $0x0, s25;
	s10 =	sand.u32 $0x60, s5  }
0x14e: {  	s9 =	sand.u32 $0x7F80, s9;
	s10 =	sadd.s32 s8, s10  }
0x14f: {  	s9 =	sadd.s32 s9, s10  }
0x150: {  	[tilespmem:s30], [sflag:$0x1] =	stream.linear.gather [hbm4b:s9+s5], $0x100, $0x38;
	[tilespmem:$0x9B00] =	vst v63  }
0x151: {  	_ =	swait.ge [sflag:s29], $0x100  }
0x152: {  	[sflag:s29] =	ssyncset.done $0x0  }
0x153: {  	[sflag:s29] =	ssyncadd.s32 $0xFFFFFF00  }
0x154: {  	[spmem:s3] =	stream.indirect.scatter.add.f32 [tilespmem:s28], [sflag:$0x1], $0x10, s30, s31, $0xb8;
	[tilespmem:$0x9B00] =	vst v63  }
0x155: {  	_ =	swait.ge [sflag:s29], $0x400  }
0x156: {  	[sflag:s29] =	ssyncset.done $0x0  }
0x157: {  	s18 =	simm.s32 $0x20;
	s14 =	sadd.s32 $0x20, s25;
	[sflag:s29] =	ssyncadd.s32 $0xFFFFFC00  }
0x158: {  	[spmem:s3] =	stream.indirect.scatter.add.f32 [tilespmem:s28], [sflag:$0x1], $0x10, s12, s31, $0xb8;
	[tilespmem:$0x9B00] =	vst v63  }
0x159: {  	s18 =	sand.u32 $0x60, s18;
	s10 =	sand.u32 $0x7F80, s14;
	_ =	swait.ge [sflag:s29], $0x400  }
0x15a: {  	s14 =	sadd.s32 s8, s18;
	s9 =	simm.s32 $0x40;
	[sflag:s29] =	ssyncset.done $0x0  }
.LBB2_6:
0x15b: {  	s10 =	sadd.s32 s10, s14  }
0x15c: {  	[sflag:s29] =	ssyncadd.s32 $0xFFFFFC00;
	s14 =	smov.u32 s9;
	s18 =	sadd.s32 $0x20, s9  }
0x15d: {  	[tilespmem:s30], [sflag:$0x1] =	stream.linear.gather [hbm4b:s10+s5], $0x100, $0x38;
	[tilespmem:$0x9B00] =	vst v63  }
0x15e: {  	p1 =	sne.s32 s9, $0x360;
	_ =	swait.ge [sflag:s29], $0x100  }
0x15f: {  	[sflag:s29] =	ssyncset.done $0x0  }
0x160: {  	[sflag:s29] =	ssyncadd.s32 $0xFFFFFF00  }
0x161: {  	[spmem:s3] =	stream.indirect.scatter.add.f32 [tilespmem:s28], [sflag:$0x1], $0x10, s30, s31, $0xb8;
	[tilespmem:$0x9B00] =	vst v63  }
0x162: {  	_ =	swait.ge [sflag:s29], $0x400  }
.Ltmp5:
0x163: {  	[sflag:s29] =	ssyncset.done $0x0;
	(pc) =	sbr.rel @p1 .LBB2_6-.Ltmp5, $4  }
0x164: {  	s9 =	sadd.s32 s14, s25;
	[sflag:s29] =	ssyncadd.s32 $0xFFFFFC00  }
0x165: {  	[spmem:s3] =	stream.indirect.scatter.add.f32 [tilespmem:s28], [sflag:$0x1], $0x10, s12, s31, $0xb8;
	[tilespmem:$0x9B00] =	vst v63  }
0x166: {  	s14 =	sand.u32 $0x60, s14;
	s10 =	sand.u32 $0x7F80, s9;
	_ =	swait.ge [sflag:s29], $0x400  }
0x167: {  	s14 =	sadd.s32 s8, s14;
	s9 =	smov.u32 s18;
	[sflag:s29] =	ssyncset.done $0x0  }
.Ltmp6:
0x168: {  	_ = 	snop;
	(pc) =	sbr.rel .LBB2_7-.Ltmp6, $1  }
0x169: {  	_ =	sdelay $0x3  }
.LBB2_9:
0x16a: {  	_ =	sfence.sel $0x180000  }
0x16b: {  	[bflag:$0x0] =	sbarrier.arrive $0xFFFF  }
0x16c: {  	_ =	strace $0x90000047  }
0x16d: {  	s0 =	stileid.u32;
	[bflag:$0x2] =	sbarrier.arrive $0xFFFF  }
0x16e: {  	p0 =	sne.s32 s0, $0x0;
	s0 =	rddreg [dreg:$0x5]  }
0x16f: {  	s0 =	sadd.s32 @!p0 $0x100000, s0  }
0x170: {  	[sflag:s0] =	ssyncadd.tile.s32 @!p0 $0x1;
	_ =	shalt  }
.Lfunc_end2:
_tile_overlayer_lowered:
.L_overlay_start_2:
0x171: {  	(tag) =	ssettag $0x2  }
0x172: {  	s0 =	rddreg [dreg:$0x0];
	s2 =	stileid.u32  }
0x173: {  	s1 =	rddreg [dreg:$0x1];
	p0 =	sne.s32 s2, $0x0  }
0x174: {  	s3 =	rddreg [dreg:$0x2];
	[bflag:$0x3] =	sbarrier.arrive $0xFFFF;
	s2 =	simm.s32 @!p0 $0x1C01  }
0x175: {  	[timem:s3], [sflag:s2] =	dma.local @!p0 [hbm:s0], s1  }
0x176: {  	s0 =	simm.s32 @!p0 $0x1  }
0x177: {  	_ =	swait.ge @!p0 [sflag:s0], s1  }
0x178: {  	s1 =	ssub.s32 @!p0 $0x0, s1;
	[sflag:s0] =	ssyncset.done @!p0 $0x0  }
0x179: {  	[sflag:s0] =	ssyncadd.s32 @!p0 s1  }
0x17a: {  	[bflag:$0x3] =	sbarrier.arrive $0xFFFF  }
0x17b: {  	_ =	shalt  }

// kernel: kernel.16.cloned.1.call-start
scs
__scs_entry_jumppad:
0x0: {  	(pc) =	sbr.rel $0x88, $3  }
0x1: {  	(tag) =	ssettag $0x0;
	lr =	simm.s32 $0x1  }
0x2: {  	[smem:$0x3F99] =	sst lr;
	_ =	strace $0xD0000000  }
0x3: {  	_ = 	snop  }
0x4: {  	_ = 	snop  }
0x5: {  	_ = 	snop  }
0x6: {  	_ = 	snop  }
0x7: {  	_ = 	snop  }
__scs_overlays_trampoline_lowered:
0x8: {  	[smem:$0x3FA8] =	sst s0  }
0x9: {  	[smem:$0x3FA9] =	sst s1  }
0xa: {  	[smem:$0x3FAA] =	sst s2  }
0xb: {  	[smem:$0x3FAB] =	sst s3  }
0xc: {  	[smem:$0x3FAC] =	sst s4  }
0xd: {  	[smem:$0x3FAD] =	sst s5  }
0xe: {  	[smem:$0x3FAE] =	sst s6  }
0xf: {  	[smem:$0x3FAF] =	sst s7  }
0x10: {  	[smem:$0x3FB0] =	sst s8  }
0x11: {  	[smem:$0x3FB1] =	sst s9;
	s0 =	simm.s32 @!p0 $0x0  }
0x12: {  	s1 =	sld [smem:$0x3F97];
	s0 =	simm.s32 @p0 $0x1  }
0x13: {  	[smem:$0x3FB2] =	sst s0;
	s0 =	simm.s32 @!p1 $0x0  }
0x14: {  	s2 =	sld [smem:$0x3F96];
	s0 =	simm.s32 @p1 $0x1  }
0x15: {  	[smem:$0x3FB3] =	sst s0;
	s0 =	simm.s32 @!p2 $0x0  }
0x16: {  	s3 =	sld [smem:$0x3FDB];
	s0 =	simm.s32 @p2 $0x1  }
0x17: {  	s4 =	simm.s32 $0x1BF5;
	[smem:$0x3FB5] =	sst s0  }
0x18: {  	s0 =	sld [smem:$0x3F98];
	_ =	swait.ge [sflag:s4], $0x0  }
0x19: {  	s7 =	sld [smem:$0x3F99]  }
0x1a: {  	s8 =	sadd.s32 $0xFFFFE003, lr  }
0x1b: {  	s9 =	sadd.s32 $0xFFFFFEF7, lr;
	s5 =	simm.s32 $0xFFFFFFFF;
	p2 =	slt.u32 s8, $0xFFFFF086  }
0x1c: {  	p1 =	slt.u32 s9, $0xF7A;
	s5 =	simm.s32 @!p2 $0x0  }
0x1d: {  	s5 =	simm.s32 @p1 $0x1;
	p0 =	seq.s32 s7, s2  }
0x1e: {  	s7 =	smul.u32 @!p0 $0xF7A, s2;
	p2 =	seq.s32 @!p0 s5, $0x0  }
0x1f: {  	s9 =	smul.u32 $0xF7A, s1;
	s8 =	simm.s32 @!p0 $0x1BF5;
	p2 =	por !p2, p0  }
0x20: {  	[sflag:s8] =	ssyncset.s32 @!p0 $0xFFFFF086;
	s6 =	sadd.s32 @!p0 s3, s7;
	s7 =	simm.s32 @!p0 $0x108  }
0x21: {  	s3 =	sadd.s32 s3, s9;
	s6 =	sadd.s32 @!p0 $0x88, s6;
	s7 =	simm.s32 @p2 $0x1082  }
0x22: {  	[simem:s7], [sflag:s8] =	dma.local @!p0 [hbm:s6], $0xF7A  }
0x23: {  	s9 =	sor.u32 $0xD0000000, s2;
	s6 =	simm.s32 $0x108;
	_ =	swait.ge @!p0 [sflag:s8], $0x0  }
0x24: {  	s3 =	sadd.s32 $0x88, s3;
	s6 =	simm.s32 @!p1 $0x1082;
	[sflag:s4] =	ssyncset.s32 $0xFFFFF086  }
0x25: {  	[simem:s6], [sflag:s4] =	dma.local [hbm:s3], $0xF7A  }
0x26: {  	[smem:$0x3F99] =	sst s1;
	(tag) =	ssettag s2;
	_ =	strace s9  }
0x27: {  	s1 =	sld [smem:$0x3FA9]  }
0x28: {  	s2 =	sld [smem:$0x3FAA]  }
0x29: {  	s4 =	sld [smem:$0x3FAC]  }
0x2a: {  	p0 =	seq.s32 s5, $0x0;
	s5 =	sld [smem:$0x3FAD]  }
0x2b: {  	s6 =	sld [smem:$0x3FAE]  }
0x2c: {  	s7 =	sld [smem:$0x3FAF]  }
0x2d: {  	s3 =	simm.s32 $0x108;
	s8 =	sld [smem:$0x3FB0]  }
0x2e: {  	s3 =	simm.s32 @!p0 $0x1082;
	s9 =	sld [smem:$0x3FB1]  }
0x2f: {  	lr =	sadd.s32 s0, s3;
	s0 =	sld [smem:$0x3FA8]  }
0x30: {  	s3 =	sld [smem:$0x3FAB]  }
0x31: {  	[smem:$0x3FB4] =	sst s10  }
0x32: {  	s10 =	sld [smem:$0x3FB2];
	_ =	sdelay $0x3  }
0x33: {  	p0 =	seq.s32 s10, $0x1;
	s10 =	sld [smem:$0x3FB4];
	_ =	sdelay $0x3  }
0x34: {  	[smem:$0x3FB4] =	sst s10  }
0x35: {  	s10 =	sld [smem:$0x3FB3];
	_ =	sdelay $0x3  }
0x36: {  	p1 =	seq.s32 s10, $0x1;
	s10 =	sld [smem:$0x3FB4];
	_ =	sdelay $0x3  }
0x37: {  	[smem:$0x3FB4] =	sst s10  }
0x38: {  	s10 =	sld [smem:$0x3FB5]  }
0x39: {  	_ = 	snop;
	(pc) =	sbr.ind lr, $3  }
0x3a: {  	_ = 	snop  }
0x3b: {  	_ = 	snop  }
0x3c: {  	p2 =	seq.s32 s10, $0x1;
	s10 =	sld [smem:$0x3FB4]  }
0x3d: {  	_ =	shalt  }
0x3e: {  	_ =	shalt  }
0x3f: {  	_ =	shalt  }
0x40: {  	_ =	shalt  }
0x41: {  	_ =	shalt  }
0x42: {  	_ =	shalt  }
0x43: {  	_ =	shalt  }
0x44: {  	_ =	shalt  }
0x45: {  	_ =	shalt  }
0x46: {  	_ =	shalt  }
0x47: {  	_ =	shalt  }
0x48: {  	_ =	shalt  }
0x49: {  	_ =	shalt  }
0x4a: {  	_ =	shalt  }
0x4b: {  	_ =	shalt  }
0x4c: {  	_ =	shalt  }
0x4d: {  	_ =	shalt  }
0x4e: {  	_ =	shalt  }
0x4f: {  	_ =	shalt  }
0x50: {  	_ =	shalt  }
0x51: {  	_ =	shalt  }
0x52: {  	_ =	shalt  }
0x53: {  	_ =	shalt  }
0x54: {  	_ =	shalt  }
0x55: {  	_ =	shalt  }
0x56: {  	_ =	shalt  }
0x57: {  	_ =	shalt  }
0x58: {  	_ =	shalt  }
0x59: {  	_ =	shalt  }
0x5a: {  	_ =	shalt  }
0x5b: {  	_ =	shalt  }
0x5c: {  	_ =	shalt  }
0x5d: {  	_ =	shalt  }
0x5e: {  	_ =	shalt  }
0x5f: {  	_ =	shalt  }
0x60: {  	_ =	shalt  }
0x61: {  	_ =	shalt  }
0x62: {  	_ =	shalt  }
0x63: {  	_ =	shalt  }
0x64: {  	_ =	shalt  }
0x65: {  	_ =	shalt  }
0x66: {  	_ =	shalt  }
0x67: {  	_ =	shalt  }
0x68: {  	_ =	shalt  }
0x69: {  	_ =	shalt  }
0x6a: {  	_ =	shalt  }
0x6b: {  	_ =	shalt  }
0x6c: {  	_ =	shalt  }
0x6d: {  	_ =	shalt  }
0x6e: {  	_ =	shalt  }
0x6f: {  	_ =	shalt  }
0x70: {  	_ =	shalt  }
0x71: {  	_ =	shalt  }
0x72: {  	_ =	shalt  }
0x73: {  	_ =	shalt  }
0x74: {  	_ =	shalt  }
0x75: {  	_ =	shalt  }
0x76: {  	_ =	shalt  }
0x77: {  	_ =	shalt  }
0x78: {  	_ =	shalt  }
0x79: {  	_ =	shalt  }
0x7a: {  	_ =	shalt  }
0x7b: {  	_ =	shalt  }
0x7c: {  	_ =	shalt  }
0x7d: {  	_ =	shalt  }
0x7e: {  	_ =	shalt  }
0x7f: {  	_ =	shalt  }
0x80: {  	_ =	shalt  }
0x81: {  	_ =	shalt  }
0x82: {  	_ =	shalt  }
0x83: {  	_ =	shalt  }
0x84: {  	_ =	shalt  }
0x85: {  	_ =	shalt  }
0x86: {  	_ =	shalt  }
0x87: {  	_ =	shalt  }
.Lfunc_end0:
.L_simem_size_0:
called_computation.1_lowered:
.L_overlay_start_0:
0x88: {  	s2 =	sld [smem:$0x3FD9]  }
0x89: {  	s3 =	sld [smem:$0x3FFE];
	_ =	sdelay $0x1  }
0x8a: {  	s1 =	srdreg.scid  }
0x8b: {  	s0 =	sand.u32 $0x1, s1  }
0x8c: {  	s17 =	sshll.u32 s0, $0xA;
	s2 =	sadd.s32 s3, s2  }
0x8d: {  	s2 =	sadd.s32 s2, s17  }
0x8e: {  	[smem:$0x3FC0] =	sst s2  }
0x8f: {  	_ = 	snop  }
0x90: {  	s2 =	sld [smem:$0x3FD0];
	(tm) =	ssettm $0x1  }
0x91: {  	s18 =	sld [smem:$0x3FFB];
	_ =	sdelay $0x3  }
0x92: {  	_ =	strace s18  }
0x93: {  	s3 =	sld [smem:$0x3FFC];
	_ =	sdelay $0x3  }
0x94: {  	_ =	strace s3  }
0x95: {  	s3 =	sld [smem:$0x3FFD];
	_ =	sdelay $0x3  }
0x96: {  	_ =	strace s3  }
0x97: {  	_ =	strace $0x8FFFFFFF  }
0x98: {  	s19 =	sld [smem:$0x3FDB];
	_ =	sdelay $0x1  }
0x99: {  	s4 =	simm.s32 $_scs_section_size  }
0x9a: {  	s5 =	simm.s32 $_size__tile_overlayer_lowered;
	s6 =	simm.s32 $_tile_overlayer_lowered  }
0x9b: {  	s22 =	simm.s32 $0x1BFF;
	s21 =	sshll.u32 s6, $0x1;
	s3 =	sadd.s32 s4, s19  }
0x9c: {  	s7 =	simm.s32 $0x0;
	s20 =	sshll.u32 s5, $0x1;
	s5 =	sadd.s32 s21, s3  }
0x9d: {  	[timem:s7], [sflag:s22] =	dma.local [hbm:s5], s20  }
0x9e: {  	_ =	swait.ge [sflag:s22], s20  }
0x9f: {  	s4 =	ssub.s32 $0x0, s20;
	[sflag:s22] =	ssyncset.done $0x0  }
0xa0: {  	[sflag:s22] =	ssyncadd.s32 s4;
	_ =	sdelay $0x1  }
0xa1: {  	s23 =	simm.s32 $0x1B8B  }
0xa2: {  	_ =	swait.ge [sflag:s23], $0x1  }
0xa3: {  	[sflag:s23] =	ssyncset.done $0x0  }
0xa4: {  	s25 =	simm.s32 $0x1B8E;
	s24 =	sld [smem:$0x3FFE];
	[sflag:s23] =	ssyncadd.s32 $0xFFFFFFFF  }
0xa5: {  	s26 =	simm.s32 $execute0_lowered;
	[smem:$0x3FD2] =	sst s25  }
0xa6: {  	s5 =	sshll.u32 s26, $0x1;
	_ =	strace $0x80000049;
	[dreg:$0x1] =	wrdreg $0xFFFFFFFF  }
0xa7: {  	s28 =	simm.s32 $_size_execute0_lowered;
	s3 =	sadd.s32 s3, s5;
	[dreg:$0x0] =	wrdreg $0x0  }
0xa8: {  	s5 =	sshll.u32 s28, $0x1;
	[dreg:$0x2] =	wrdreg s3  }
0xa9: {  	[dreg:$0x3] =	wrdreg s5  }
0xaa: {  	[dreg:$0x4] =	wrdreg $0xC0  }
0xab: {  	_ =	task [dreg:s7], $0x5FFFF  }
0xac: {  	[dreg:$0x1] =	wrdreg $0xFFFFFFFF  }
0xad: {  	[dreg:$0x0] =	wrdreg $0x60  }
0xae: {  	[dreg:$0x2] =	wrdreg s24  }
0xaf: {  	[dreg:$0x3] =	wrdreg s2  }
0xb0: {  	[dreg:$0x4] =	wrdreg $0x42000  }
0xb1: {  	[dreg:$0x5] =	wrdreg $0x9  }
0xb2: {  	_ =	task.clear_ibuf [dreg:s7], $0x6FFFF;
	_ =	strace $0x90000049  }
0xb3: {  	s29 =	simm.s32 $0x9;
	_ =	strace $0x8000004B  }
0xb4: {  	_ =	swait.ge [sflag:s29], $0x1  }
0xb5: {  	[sflag:s29] =	ssyncadd.s32 $0xFFFFFFFF  }
0xb6: {  	_ =	strace $0x9000004B  }
0xb7: {  	_ =	sfence  }
0xb8: {  	s30 =	sld [smem:$0x0];
	_ =	sdelay $0x2  }
0xb9: {  	s31 =	sshll.u32 s1, $0xD;
	s1 =	sshrl.u32 s1, $0x2  }
0xba: {  	s3 =	sand.u32 $0x4000, s31;
	s1 =	sadd.s32 s1, s30  }
0xbb: {  	s0 =	sor.u32 s3, s0;
	s1 =	sshll.u32 s1, $0x11  }
0xbc: {  	s0 =	sor.u32 s1, s0  }
0xbd: {  	s0 =	sadd.s32 $0x8F2B, s0  }
0xbe: {  	[sflag:s0] =	ssyncadd.remote.s32 $0x1  }
0xbf: {  	_ =	sfence.sel $0xFFFF  }
0xc0: {  	[dreg:$0x0] =	wrdreg $0xFFFFFFFF;
	(pc) =	sbr.abs _section_cstart, $3  }
0xc1: {  	[dreg:$0x1] =	wrdreg $0xFFFFFFFF  }
0xc2: {  	_ =	task.clear_ibuf [dreg:s7], $0x2FFFF;
	_ =	strace $0x9FFFFFFF  }
0xc3: {  	(tm) =	ssettm $0x7FFFFFFF  }
tec
execute0_lowered:
.L_overlay_start_1:
0x0: {  	(tag) =	ssettag $0x1  }
0x1: {  	s9 =	rddreg [dreg:$0x0]  }
0x2: {  	s15 =	rddreg [dreg:$0x1]  }
0x3: {  	s1 =	rddreg [dreg:$0x2]  }
0x4: {  	s0 =	rddreg [dreg:$0x3]  }
0x5: {  	s3 =	simm.s32 $0x0;
	s2 =	srdreg.scid;
	s20 =	simm.s32 $0x40  }
0x6: {  	s21 =	simm.s32 $0x200;
	s22 =	simm.s32 $0x80;
	s23 =	simm.s32 $0x2200  }
0x7: {  	s24 =	simm.s32 $0x1;
	s25 =	simm.s32 $0x180;
	s26 =	simm.s32 $0x0  }
0x8: {  	[smem:$0x7FF] =	sst s3;
	s11 =	sand.u32 $0x1, s2;
	s2 =	stileid.u32  }
0x9: {  	s4 =	sadd.s32 $0x8B200, s9;
	s5 =	sadd.s32 $0xB3200, s9;
	s8 =	smul.u32 $0x140000, s11  }
0xa: {  	s16 =	sadd.s32 $0x5200, s9;
	s6 =	sadd.s32 $0x87A00, s9;
	s10 =	smul.u32 $0x14000, s2  }
0xb: {  	s7 =	sadd.s32 $0x1A00, s9;
	_ =	strace $0x8000004A;
	s13 =	smul.u32 $0x50000, s2  }
0xc: {  	s12 =	ssub.s32 $0x2, s11;
	s17 =	smul.u32 $0x6C0, s2;
	s30 =	sshll.u32 s2, $0x6  }
0xd: {  	p0 =	seq.s32 s11, $0x1;
	s19 =	smul.u32 $0x340, s2;
	s28 =	sshrl.u32 s12, $0x1  }
0xe: {  	s8 =	sadd.s32 s10, s8;
	s12 =	ssub.s32 s12, s28;
	s29 =	sshrl.u32 s13, $0x2  }
0xf: {  	s13 =	sadd.s32 s17, s15;
	s31 =	sadd.s32 s19, s15;
	s10 =	sshrl.u32 s8, $0x3  }
.Ltmp0:
0x10: {  	s8 =	sadd.s32 $0x103200, s9;
	s18 =	sadd.s32 s29, s1;
	(pc) =	sbr.rel .LBB2_1-.Ltmp0, $4  }
0x11: {  	s12 =	smax.u32 s12, $0x1;
	s14 =	sadd.s32 s10, s9;
	s9 =	smul.u32 $0x1C00, s2  }
0x12: {  	s10 =	sor.u32 $0x1C02, s30;
	s11 =	sadd.s32 $0x105A00, s14;
	s14 =	sadd.s32 s17, s16  }
0x13: {  	s16 =	sadd.s32 s19, s16;
	s17 =	sshrl.u32 s18, $0x3;
	s18 =	simm.s32 $0x2  }
0x14: {  	s19 =	simm.s32 $0x100;
	s15 =	sadd.s32 $0x6C00, s16;
	s16 =	sadd.s32 $0x6C00, s31  }
.LBB2_9:
0x15: {  	[spmem:s1] =	stream.indirect.scatter.add.f32 [tilespmem:s23], [sflag:$0x2], $0x80, s25, s20, $0xb8;
	[tilespmem:$0x18200] =	vst v63  }
0x16: {  	_ =	swait.ge [sflag:s18], $0x2000  }
0x17: {  	[sflag:s18] =	ssyncset.done $0x0  }
0x18: {  	s28 =	sadd.s32 s6, s29;
	[sflag:s18] =	ssyncadd.s32 $0xFFFFE000  }
0x19: {  	[tilespmem:s3], [sflag:$0x2] =	stream.linear.gather [hbm4b:s28+s3], $0x100, $0x38;
	[tilespmem:$0x18200] =	vst v63  }
0x1a: {  	_ =	swait.ge [sflag:s18], $0x100  }
0x1b: {  	[sflag:s18] =	ssyncset.done $0x0  }
0x1c: {  	s31 =	sadd.s32 s7, s29;
	[sflag:s18] =	ssyncadd.s32 $0xFFFFFF00  }
0x1d: {  	[tilespmem:s19], [sflag:$0x2] =	stream.linear.gather [hbm4b:s31+s3], $0x100, $0x38;
	[tilespmem:$0x18200] =	vst v63  }
0x1e: {  	_ =	swait.ge [sflag:s18], $0x100  }
0x1f: {  	[sflag:s18] =	ssyncset.done $0x0  }
0x20: {  	[sflag:s18] =	ssyncadd.s32 $0xFFFFFF00  }
0x21: {  	[tilespmem:s21], [sflag:$0x1] =	stream.indirect.gather [hbm4b:s5+s20], $0x80, s3, s20, $0xb8;
	[tilespmem:$0x18200] =	vst v63  }
0x22: {  	_ = 	snop  }
0x23: {  	[tilespmem:s23], [sflag:$0x1] =	stream.indirect.gather [hbm4b:s5+s20], $0x80, s22, s20, $0xb8;
	[tilespmem:$0x18200] =	vst v63  }
0x24: {  	_ =	swait.ge [sflag:s24], $0x2000  }
0x25: {  	[sflag:s24] =	ssyncset.done $0x0  }
0x26: {  	[sflag:s24] =	ssyncadd.s32 $0xFFFFE000  }
0x27: {  	[spmem:s1] =	stream.indirect.scatter.add.f32 [tilespmem:s21], [sflag:$0x2], $0x80, s19, s20, $0xb8;
	[tilespmem:$0x18200] =	vst v63  }
0x28: {  	_ =	swait.ge [sflag:s18], $0x2000  }
0x29: {  	[sflag:s18] =	ssyncset.done $0x0  }
0x2a: {  	[sflag:s18] =	ssyncadd.s32 $0xFFFFE000  }
0x2b: {  	_ =	swait.ge [sflag:s24], $0x2000  }
0x2c: {  	[sflag:s24] =	ssyncset.done $0x0  }
0x2d: {  	[sflag:s24] =	ssyncadd.s32 $0xFFFFE000  }
0x2e: {  	[spmem:s1] =	stream.indirect.scatter.add.f32 [tilespmem:s23], [sflag:$0x2], $0x80, s25, s20, $0xb8;
	[tilespmem:$0x18200] =	vst v63  }
0x2f: {  	_ =	swait.ge [sflag:s18], $0x2000  }
0x30: {  	[sflag:s18] =	ssyncset.done $0x0  }
0x31: {  	[sflag:s18] =	ssyncadd.s32 $0xFFFFE000  }
.LBB2_10:
0x32: {  	s26 =	sadd.s32 $0x1, s26  }
0x33: {  	p1 =	sne.s32 s26, s12  }
.Ltmp1:
0x34: {  	[bflag:$0x0] =	sbarrier.arrive $0xFFFF;
	(pc) =	sbr.rel @!p1 .LBB2_11-.Ltmp1, $4  }
0x35: {  	[hbm:s11], [sflag:s10] =	dma.local [spmem:s17], $0x2800  }
0x36: {  	_ =	swait.ge [sflag:s18], $0x2800  }
0x37: {  	[sflag:s18] =	ssyncset.done $0x0  }
0x38: {  	[sflag:s18] =	ssyncadd.s32 $0xFFFFD800  }
.LBB2_1:
0x39: {  	[spmem:s17], [sflag:s10] =	dma.local [hbm:s8], $0x2800  }
.Ltmp2:
0x3a: {  	_ =	swait.ge [sflag:s18], $0x2800;
	(pc) =	sbr.rel @!p0 .LBB2_2-.Ltmp2, $3  }
0x3b: {  	[sflag:s18] =	ssyncset.done $0x0  }
0x3c: {  	[sflag:s18] =	ssyncadd.s32 $0xFFFFD800  }
0x3d: {  	[bflag:$0x0] =	sbarrier.arrive $0xFFFF;
	_ =	sdelay $0x1  }
0x3e: {  	s29 =	sadd.s32 $0x0, s16;
	s28 =	simm.s32 $0x0  }
0x3f: {  	[tilespmem:s28], [sflag:$0x2] =	stream.linear.gather [hbm4b:s29+s28], $0x100, $0x38;
	[tilespmem:$0x18200] =	vst v63  }
0x40: {  	_ =	swait.ge [sflag:s18], $0x100  }
0x41: {  	[sflag:s18] =	ssyncset.done $0x0  }
0x42: {  	s29 =	sadd.s32 $0x0, s15;
	[sflag:s18] =	ssyncadd.s32 $0xFFFFFF00  }
0x43: {  	[tilespmem:s19], [sflag:$0x2] =	stream.linear.gather [hbm4b:s29+s28], $0x100, $0x38;
	[tilespmem:$0x18200] =	vst v63  }
0x44: {  	_ =	swait.ge [sflag:s18], $0x100  }
0x45: {  	[sflag:s18] =	ssyncset.done $0x0  }
0x46: {  	[sflag:s18] =	ssyncadd.s32 $0xFFFFFF00  }
0x47: {  	v0 =	vld [tilespmem:$0x130]  }
0x48: {  	v1 =	vld [tilespmem:$0x120]  }
0x49: {  	v2 =	vld [tilespmem:$0x110]  }
0x4a: {  	v3 =	vld [tilespmem:$0x20]  }
0x4b: {  	v4 =	vld [tilespmem:$0x0]  }
0x4c: {  	v5 =	vld [tilespmem:$0x10]  }
0x4d: {  	v6 =	vld [tilespmem:$0x30]  }
0x4e: {  	v7 =	vld [tilespmem:$0x100];
	_ =	sdelay $0x1  }
0x4f: {  	vm0 =	veq.s32 v3, v1  }
0x50: {  	vm10 =	veq.s32 v5, v2;
	v1 =	vsel vm0, $0x2710, v1  }
0x51: {  	vm11 =	veq.s32 v6, v0;
	v52 =	vsel vm10, $0x2710, v2;
	[tilespmem:$0x120] =	vst v1  }
0x52: {  	vm1 =	veq.s32 v4, v7;
	v0 =	vsel vm11, $0x2710, v0;
	[tilespmem:$0x110] =	vst v52  }
0x53: {  	v53 =	vsel vm1, $0x2710, v7;
	[tilespmem:$0x130] =	vst v0  }
0x54: {  	[tilespmem:$0x100] =	vst v53  }
0x55: {  	[tilespmem:s21], [sflag:$0x1] =	stream.indirect.gather [hbm4b:s4+s20], $0x80, s28, s20, $0xb8;
	[tilespmem:$0x18200] =	vst v63  }
0x56: {  	v54 =	vld [tilespmem:$0x1B0]  }
0x57: {  	v55 =	vld [tilespmem:$0xB0]  }
0x58: {  	v56 =	vld [tilespmem:$0x80]  }
0x59: {  	v57 =	vld [tilespmem:$0x1A0]  }
0x5a: {  	v58 =	vld [tilespmem:$0xA0]  }
0x5b: {  	v59 =	vld [tilespmem:$0x180]  }
0x5c: {  	v60 =	vld [tilespmem:$0x190]  }
0x5d: {  	v61 =	vld [tilespmem:$0x90];
	_ =	sdelay $0x1  }
0x5e: {  	vm12 =	veq.s32 v58, v57  }
0x5f: {  	vm13 =	veq.s32 v55, v54;
	v3 =	vsel vm12, $0x2710, v57  }
0x60: {  	vm14 =	veq.s32 v56, v59;
	v0 =	vsel vm13, $0x2710, v54;
	[tilespmem:$0x1A0] =	vst v3  }
0x61: {  	vm15 =	veq.s32 v61, v60;
	v62 =	vsel vm14, $0x2710, v59;
	[tilespmem:$0x1B0] =	vst v0  }
0x62: {  	v63 =	vsel vm15, $0x2710, v60;
	[tilespmem:$0x180] =	vst v62  }
0x63: {  	s29 =	simm.s32 $0x20;
	[tilespmem:$0x190] =	vst v63  }
.LBB2_6:
0x64: {  	[tilespmem:s23], [sflag:$0x1] =	stream.indirect.gather [hbm4b:s4+s20], $0x80, s22, s20, $0xb8;
	[tilespmem:$0x18200] =	vst v63  }
0x65: {  	s30 =	smov.u32 s29  }
0x66: {  	p1 =	sne.s32 s29, $0x320;
	s29 =	sadd.s32 $0x20, s29;
	_ =	swait.ge [sflag:s24], $0x2000  }
0x67: {  	[sflag:s24] =	ssyncset.done $0x0  }
0x68: {  	[sflag:s24] =	ssyncadd.s32 $0xFFFFE000  }
0x69: {  	[spmem:s1] =	stream.indirect.scatter.add.f32 [tilespmem:s21], [sflag:$0x2], $0x80, s19, s20, $0xb8;
	[tilespmem:$0x18200] =	vst v63  }
0x6a: {  	_ =	swait.ge [sflag:s18], $0x2000  }
0x6b: {  	[sflag:s18] =	ssyncset.done $0x0  }
0x6c: {  	[sflag:s18] =	ssyncadd.s32 $0xFFFFE000  }
0x6d: {  	_ =	swait.ge [sflag:s24], $0x2000  }
0x6e: {  	[sflag:s24] =	ssyncset.done $0x0  }
0x6f: {  	[sflag:s24] =	ssyncadd.s32 $0xFFFFE000  }
0x70: {  	[spmem:s1] =	stream.indirect.scatter.add.f32 [tilespmem:s23], [sflag:$0x2], $0x80, s25, s20, $0xb8;
	[tilespmem:$0x18200] =	vst v63  }
0x71: {  	_ =	swait.ge [sflag:s18], $0x2000  }
0x72: {  	[sflag:s18] =	ssyncset.done $0x0  }
0x73: {  	s31 =	sadd.s32 s30, s16;
	[sflag:s18] =	ssyncadd.s32 $0xFFFFE000  }
0x74: {  	[tilespmem:s28], [sflag:$0x2] =	stream.linear.gather [hbm4b:s31+s28], $0x100, $0x38;
	[tilespmem:$0x18200] =	vst v63  }
0x75: {  	_ =	swait.ge [sflag:s18], $0x100  }
0x76: {  	[sflag:s18] =	ssyncset.done $0x0  }
0x77: {  	s30 =	sadd.s32 s30, s15;
	[sflag:s18] =	ssyncadd.s32 $0xFFFFFF00  }
0x78: {  	[tilespmem:s19], [sflag:$0x2] =	stream.linear.gather [hbm4b:s30+s28], $0x100, $0x38;
	[tilespmem:$0x18200] =	vst v63  }
0x79: {  	_ =	swait.ge [sflag:s18], $0x100  }
0x7a: {  	[sflag:s18] =	ssyncset.done $0x0  }
0x7b: {  	[sflag:s18] =	ssyncadd.s32 $0xFFFFFF00  }
0x7c: {  	v0 =	vld [tilespmem:$0x130]  }
0x7d: {  	v1 =	vld [tilespmem:$0x120]  }
0x7e: {  	v2 =	vld [tilespmem:$0x110]  }
0x7f: {  	v3 =	vld [tilespmem:$0x20]  }
0x80: {  	v4 =	vld [tilespmem:$0x0]  }
0x81: {  	v5 =	vld [tilespmem:$0x10]  }
0x82: {  	v6 =	vld [tilespmem:$0x30]  }
0x83: {  	v7 =	vld [tilespmem:$0x100]  }
0x84: {  	vm0 =	veq.s32 v3, v1  }
0x85: {  	v1 =	vsel vm0, $0x2710, v1  }
0x86: {  	vm0 =	veq.s32 v5, v2;
	[tilespmem:$0x120] =	vst v1  }
0x87: {  	v1 =	vsel vm0, $0x2710, v2;
	vm0 =	veq.s32 v6, v0  }
0x88: {  	vm1 =	veq.s32 v4, v7;
	[tilespmem:$0x110] =	vst v1;
	v0 =	vsel vm0, $0x2710, v0  }
0x89: {  	v1 =	vsel vm1, $0x2710, v7;
	[tilespmem:$0x130] =	vst v0  }
0x8a: {  	[tilespmem:$0x100] =	vst v1  }
0x8b: {  	[tilespmem:s21], [sflag:$0x1] =	stream.indirect.gather [hbm4b:s4+s20], $0x80, s28, s20, $0xb8;
	[tilespmem:$0x18200] =	vst v63  }
0x8c: {  	v0 =	vld [tilespmem:$0x1B0]  }
0x8d: {  	v1 =	vld [tilespmem:$0xB0]  }
0x8e: {  	v2 =	vld [tilespmem:$0x80]  }
0x8f: {  	v3 =	vld [tilespmem:$0x1A0]  }
0x90: {  	v4 =	vld [tilespmem:$0xA0]  }
0x91: {  	v5 =	vld [tilespmem:$0x180]  }
0x92: {  	v6 =	vld [tilespmem:$0x190]  }
0x93: {  	v7 =	vld [tilespmem:$0x90];
	_ =	sdelay $0x1  }
0x94: {  	vm0 =	veq.s32 v4, v3  }
.Ltmp3:
0x95: {  	vm1 =	veq.s32 v2, v5;
	v2 =	vsel vm0, $0x2710, v3;
	vm0 =	veq.s32 v1, v0;
	(pc) =	sbr.rel @p1 .LBB2_6-.Ltmp3, $4  }
0x96: {  	v1 =	vsel vm1, $0x2710, v5;
	[tilespmem:$0x1A0] =	vst v2;
	v0 =	vsel vm0, $0x2710, v0  }
0x97: {  	vm0 =	veq.s32 v7, v6;
	[tilespmem:$0x1B0] =	vst v0  }
0x98: {  	[tilespmem:$0x180] =	vst v1;
	v0 =	vsel vm0, $0x2710, v6  }
0x99: {  	[tilespmem:$0x190] =	vst v0  }
0x9a: {  	[tilespmem:s23], [sflag:$0x1] =	stream.indirect.gather [hbm4b:s4+s20], $0x80, s22, s20, $0xb8;
	[tilespmem:$0x18200] =	vst v63  }
0x9b: {  	_ =	swait.ge [sflag:s24], $0x2000  }
0x9c: {  	[sflag:s24] =	ssyncset.done $0x0  }
0x9d: {  	[sflag:s24] =	ssyncadd.s32 $0xFFFFE000  }
0x9e: {  	[spmem:s1] =	stream.indirect.scatter.add.f32 [tilespmem:s21], [sflag:$0x2], $0x80, s19, s20, $0xb8;
	[tilespmem:$0x18200] =	vst v63  }
0x9f: {  	_ =	swait.ge [sflag:s18], $0x2000  }
0xa0: {  	[sflag:s18] =	ssyncset.done $0x0  }
0xa1: {  	[sflag:s18] =	ssyncadd.s32 $0xFFFFE000  }
0xa2: {  	_ =	swait.ge [sflag:s24], $0x2000  }
0xa3: {  	s29 =	sadd.s32 $0x0, s9;
	[sflag:s24] =	ssyncset.done $0x0  }
0xa4: {  	s28 =	sand.u32 $0x300, s28;
	s29 =	sand.u32 $0x3FC00, s29;
	[sflag:s24] =	ssyncadd.s32 $0xFFFFE000  }
0xa5: {  	[spmem:s1] =	stream.indirect.scatter.add.f32 [tilespmem:s23], [sflag:$0x2], $0x80, s25, s20, $0xb8;
	[tilespmem:$0x18200] =	vst v63  }
0xa6: {  	s28 =	sor.u32 s28, s29;
	_ =	swait.ge [sflag:s18], $0x2000  }
0xa7: {  	s28 =	sshrl.u32 s28, $0x3;
	[sflag:s18] =	ssyncset.done $0x0  }
0xa8: {  	s29 =	sadd.s32 s6, s28;
	[sflag:s18] =	ssyncadd.s32 $0xFFFFE000  }
0xa9: {  	[tilespmem:s3], [sflag:$0x2] =	stream.linear.gather [hbm4b:s29+s3], $0x100, $0x38;
	[tilespmem:$0x18200] =	vst v63  }
0xaa: {  	_ =	swait.ge [sflag:s18], $0x100  }
0xab: {  	[sflag:s18] =	ssyncset.done $0x0  }
0xac: {  	s28 =	sadd.s32 s7, s28;
	[sflag:s18] =	ssyncadd.s32 $0xFFFFFF00  }
0xad: {  	[tilespmem:s19], [sflag:$0x2] =	stream.linear.gather [hbm4b:s28+s3], $0x100, $0x38;
	[tilespmem:$0x18200] =	vst v63  }
0xae: {  	_ =	swait.ge [sflag:s18], $0x100  }
0xaf: {  	[sflag:s18] =	ssyncset.done $0x0  }
0xb0: {  	[sflag:s18] =	ssyncadd.s32 $0xFFFFFF00  }
0xb1: {  	[tilespmem:s21], [sflag:$0x1] =	stream.indirect.gather [hbm4b:s5+s20], $0x80, s3, s20, $0xb8;
	[tilespmem:$0x18200] =	vst v63  }
0xb2: {  	_ = 	snop  }
0xb3: {  	[tilespmem:s23], [sflag:$0x1] =	stream.indirect.gather [hbm4b:s5+s20], $0x80, s22, s20, $0xb8;
	[tilespmem:$0x18200] =	vst v63  }
0xb4: {  	_ =	swait.ge [sflag:s24], $0x2000  }
0xb5: {  	[sflag:s24] =	ssyncset.done $0x0  }
0xb6: {  	[sflag:s24] =	ssyncadd.s32 $0xFFFFE000  }
0xb7: {  	[spmem:s1] =	stream.indirect.scatter.add.f32 [tilespmem:s21], [sflag:$0x2], $0x80, s19, s20, $0xb8;
	[tilespmem:$0x18200] =	vst v63  }
0xb8: {  	_ =	swait.ge [sflag:s18], $0x2000  }
0xb9: {  	[sflag:s18] =	ssyncset.done $0x0  }
0xba: {  	s29 =	sadd.s32 $0x100, s9;
	s28 =	simm.s32 $0x100;
	[sflag:s18] =	ssyncadd.s32 $0xFFFFE000  }
0xbb: {  	s29 =	sand.u32 $0x3FC00, s29;
	s28 =	sand.u32 $0x300, s28;
	_ =	swait.ge [sflag:s24], $0x2000  }
0xbc: {  	s29 =	sor.u32 s28, s29;
	[sflag:s24] =	ssyncset.done $0x0  }
0xbd: {  	s28 =	simm.s32 $0x200;
	s29 =	sshrl.u32 s29, $0x3;
	[sflag:s24] =	ssyncadd.s32 $0xFFFFE000  }
.LBB2_8:
0xbe: {  	[spmem:s1] =	stream.indirect.scatter.add.f32 [tilespmem:s23], [sflag:$0x2], $0x80, s25, s20, $0xb8;
	[tilespmem:$0x18200] =	vst v63  }
0xbf: {  	s30 =	smov.u32 s28  }
0xc0: {  	p1 =	sne.s32 s28, $0x1B00;
	s28 =	sadd.s32 $0x100, s28;
	_ =	swait.ge [sflag:s18], $0x2000  }
0xc1: {  	[sflag:s18] =	ssyncset.done $0x0  }
0xc2: {  	s31 =	sadd.s32 s6, s29;
	[sflag:s18] =	ssyncadd.s32 $0xFFFFE000  }
0xc3: {  	[tilespmem:s3], [sflag:$0x2] =	stream.linear.gather [hbm4b:s31+s3], $0x100, $0x38;
	[tilespmem:$0x18200] =	vst v63  }
0xc4: {  	_ =	swait.ge [sflag:s18], $0x100  }
0xc5: {  	[sflag:s18] =	ssyncset.done $0x0  }
0xc6: {  	s29 =	sadd.s32 s7, s29;
	[sflag:s18] =	ssyncadd.s32 $0xFFFFFF00  }
0xc7: {  	[tilespmem:s19], [sflag:$0x2] =	stream.linear.gather [hbm4b:s29+s3], $0x100, $0x38;
	[tilespmem:$0x18200] =	vst v63  }
0xc8: {  	_ =	swait.ge [sflag:s18], $0x100  }
0xc9: {  	[sflag:s18] =	ssyncset.done $0x0  }
0xca: {  	[sflag:s18] =	ssyncadd.s32 $0xFFFFFF00  }
0xcb: {  	[tilespmem:s21], [sflag:$0x1] =	stream.indirect.gather [hbm4b:s5+s20], $0x80, s3, s20, $0xb8;
	[tilespmem:$0x18200] =	vst v63  }
0xcc: {  	_ = 	snop  }
0xcd: {  	[tilespmem:s23], [sflag:$0x1] =	stream.indirect.gather [hbm4b:s5+s20], $0x80, s22, s20, $0xb8;
	[tilespmem:$0x18200] =	vst v63  }
0xce: {  	_ =	swait.ge [sflag:s24], $0x2000  }
0xcf: {  	[sflag:s24] =	ssyncset.done $0x0  }
0xd0: {  	[sflag:s24] =	ssyncadd.s32 $0xFFFFE000  }
0xd1: {  	[spmem:s1] =	stream.indirect.scatter.add.f32 [tilespmem:s21], [sflag:$0x2], $0x80, s19, s20, $0xb8;
	[tilespmem:$0x18200] =	vst v63  }
0xd2: {  	_ =	swait.ge [sflag:s18], $0x2000  }
.Ltmp4:
0xd3: {  	[sflag:s18] =	ssyncset.done $0x0;
	(pc) =	sbr.rel @p1 .LBB2_8-.Ltmp4, $4  }
0xd4: {  	s29 =	sadd.s32 s30, s9;
	[sflag:s18] =	ssyncadd.s32 $0xFFFFE000  }
0xd5: {  	s30 =	sand.u32 $0x300, s30;
	s29 =	sand.u32 $0x3FC00, s29;
	_ =	swait.ge [sflag:s24], $0x2000  }
0xd6: {  	s29 =	sor.u32 s30, s29;
	[sflag:s24] =	ssyncset.done $0x0  }
0xd7: {  	s29 =	sshrl.u32 s29, $0x3;
	[sflag:s24] =	ssyncadd.s32 $0xFFFFE000  }
.Ltmp5:
0xd8: {  	_ = 	snop;
	(pc) =	sbr.rel .LBB2_9-.Ltmp5, $1  }
0xd9: {  	_ =	sdelay $0x3  }
.LBB2_2:
0xda: {  	s28 =	sadd.s32 $0x0, s13  }
0xdb: {  	[tilespmem:s3], [sflag:$0x2] =	stream.linear.gather [hbm4b:s28+s3], $0x100, $0x38;
	[tilespmem:$0x18200] =	vst v63  }
0xdc: {  	_ =	swait.ge [sflag:s18], $0x100  }
0xdd: {  	[sflag:s18] =	ssyncset.done $0x0  }
0xde: {  	s28 =	sadd.s32 $0x0, s14;
	[sflag:s18] =	ssyncadd.s32 $0xFFFFFF00  }
0xdf: {  	[tilespmem:s19], [sflag:$0x2] =	stream.linear.gather [hbm4b:s28+s3], $0x100, $0x38;
	[tilespmem:$0x18200] =	vst v63  }
0xe0: {  	_ =	swait.ge [sflag:s18], $0x100  }
0xe1: {  	[sflag:s18] =	ssyncset.done $0x0  }
0xe2: {  	[sflag:s18] =	ssyncadd.s32 $0xFFFFFF00  }
0xe3: {  	v0 =	vld [tilespmem:$0x130]  }
0xe4: {  	v1 =	vld [tilespmem:$0x120]  }
0xe5: {  	v2 =	vld [tilespmem:$0x110]  }
0xe6: {  	v3 =	vld [tilespmem:$0x0]  }
0xe7: {  	v4 =	vld [tilespmem:$0x30]  }
0xe8: {  	v5 =	vld [tilespmem:$0x20]  }
0xe9: {  	v6 =	vld [tilespmem:$0x10]  }
0xea: {  	v7 =	vld [tilespmem:$0x100];
	_ =	sdelay $0x1  }
0xeb: {  	vm0 =	veq.s32 v4, v0  }
0xec: {  	vm1 =	veq.s32 v5, v1;
	v0 =	vsel vm0, $0x2710, v0  }
0xed: {  	vm0 =	veq.s32 v6, v2;
	v1 =	vsel vm1, $0x2710, v1;
	[tilespmem:$0x130] =	vst v0  }
0xee: {  	vm1 =	veq.s32 v3, v7;
	v0 =	vsel vm0, $0x2710, v2;
	[tilespmem:$0x120] =	vst v1  }
0xef: {  	v1 =	vsel vm1, $0x2710, v7;
	[tilespmem:$0x110] =	vst v0  }
0xf0: {  	[tilespmem:$0x100] =	vst v1  }
0xf1: {  	[tilespmem:s21], [sflag:$0x1] =	stream.indirect.gather [hbm4b:s4+s20], $0x80, s3, s20, $0xb8;
	[tilespmem:$0x18200] =	vst v63  }
0xf2: {  	v1 =	vld [tilespmem:$0x80]  }
0xf3: {  	v2 =	vld [tilespmem:$0x1B0]  }
0xf4: {  	v3 =	vld [tilespmem:$0x90]  }
0xf5: {  	v60 =	vld [tilespmem:$0xA0]  }
0xf6: {  	v61 =	vld [tilespmem:$0x190]  }
0xf7: {  	v62 =	vld [tilespmem:$0x1A0]  }
0xf8: {  	v63 =	vld [tilespmem:$0xB0]  }
0xf9: {  	v0 =	vld [tilespmem:$0x180];
	_ =	sdelay $0x1  }
0xfa: {  	vm0 =	veq.s32 v3, v61  }
0xfb: {  	v3 =	vsel vm0, $0x2710, v61;
	vm0 =	veq.s32 v60, v62  }
0xfc: {  	vm1 =	veq.s32 v63, v2;
	[tilespmem:$0x190] =	vst v3;
	v3 =	vsel vm0, $0x2710, v62  }
0xfd: {  	s28 =	simm.s32 $0x20;
	vm0 =	veq.s32 v1, v0;
	v1 =	vsel vm1, $0x2710, v2;
	[tilespmem:$0x1A0] =	vst v3  }
.LBB2_3:
0xfe: {  	p1 =	seq.s32 s28, $0x6A0;
	v0 =	vsel vm0, $0x2710, v0;
	[tilespmem:$0x1B0] =	vst v1;
	s29 =	smov.u32 s28;
	s28 =	sadd.s32 $0x20, s28  }
0xff: {  	[tilespmem:$0x180] =	vst v0  }
0x100: {  	[tilespmem:s23], [sflag:$0x1] =	stream.indirect.gather [hbm4b:s4+s20], $0x80, s22, s20, $0xb8;
	[tilespmem:$0x18200] =	vst v63  }
0x101: {  	_ =	swait.ge [sflag:s24], $0x2000  }
0x102: {  	[sflag:s24] =	ssyncset.done $0x0  }
0x103: {  	[sflag:s24] =	ssyncadd.s32 $0xFFFFE000  }
0x104: {  	[spmem:s1] =	stream.indirect.scatter.add.f32 [tilespmem:s21], [sflag:$0x2], $0x80, s19, s20, $0xb8;
	[tilespmem:$0x18200] =	vst v63  }
0x105: {  	_ =	swait.ge [sflag:s18], $0x2000  }
0x106: {  	[sflag:s18] =	ssyncset.done $0x0  }
0x107: {  	[sflag:s18] =	ssyncadd.s32 $0xFFFFE000  }
0x108: {  	_ =	swait.ge [sflag:s24], $0x2000  }
0x109: {  	[sflag:s24] =	ssyncset.done $0x0  }
0x10a: {  	[sflag:s24] =	ssyncadd.s32 $0xFFFFE000  }
0x10b: {  	[spmem:s1] =	stream.indirect.scatter.add.f32 [tilespmem:s23], [sflag:$0x2], $0x80, s25, s20, $0xb8;
	[tilespmem:$0x18200] =	vst v63  }
0x10c: {  	s30 =	sadd.s32 s29, s13;
	_ =	swait.ge [sflag:s18], $0x2000  }
0x10d: {  	[sflag:s18] =	ssyncset.done $0x0  }
0x10e: {  	[sflag:s18] =	ssyncadd.s32 $0xFFFFE000  }
0x10f: {  	[tilespmem:s3], [sflag:$0x2] =	stream.linear.gather [hbm4b:s30+s3], $0x100, $0x38;
	[tilespmem:$0x18200] =	vst v63  }
0x110: {  	_ =	swait.ge [sflag:s18], $0x100  }
0x111: {  	[sflag:s18] =	ssyncset.done $0x0  }
0x112: {  	s29 =	sadd.s32 s29, s14;
	[sflag:s18] =	ssyncadd.s32 $0xFFFFFF00  }
0x113: {  	[tilespmem:s19], [sflag:$0x2] =	stream.linear.gather [hbm4b:s29+s3], $0x100, $0x38;
	[tilespmem:$0x18200] =	vst v63  }
0x114: {  	_ =	swait.ge [sflag:s18], $0x100  }
0x115: {  	[sflag:s18] =	ssyncset.done $0x0  }
0x116: {  	[sflag:s18] =	ssyncadd.s32 $0xFFFFFF00  }
0x117: {  	v0 =	vld [tilespmem:$0x130]  }
0x118: {  	v1 =	vld [tilespmem:$0x120]  }
0x119: {  	v2 =	vld [tilespmem:$0x110]  }
0x11a: {  	v3 =	vld [tilespmem:$0x0]  }
0x11b: {  	v4 =	vld [tilespmem:$0x30]  }
0x11c: {  	v5 =	vld [tilespmem:$0x20]  }
0x11d: {  	v6 =	vld [tilespmem:$0x10]  }
0x11e: {  	v7 =	vld [tilespmem:$0x100];
	_ =	sdelay $0x1  }
0x11f: {  	vm0 =	veq.s32 v4, v0  }
0x120: {  	vm1 =	veq.s32 v5, v1;
	v0 =	vsel vm0, $0x2710, v0  }
0x121: {  	vm0 =	veq.s32 v6, v2;
	v1 =	vsel vm1, $0x2710, v1;
	[tilespmem:$0x130] =	vst v0  }
0x122: {  	vm1 =	veq.s32 v3, v7;
	v0 =	vsel vm0, $0x2710, v2;
	[tilespmem:$0x120] =	vst v1  }
0x123: {  	v1 =	vsel vm1, $0x2710, v7;
	[tilespmem:$0x110] =	vst v0  }
0x124: {  	[tilespmem:$0x100] =	vst v1  }
0x125: {  	[tilespmem:s21], [sflag:$0x1] =	stream.indirect.gather [hbm4b:s4+s20], $0x80, s3, s20, $0xb8;
	[tilespmem:$0x18200] =	vst v63  }
0x126: {  	v1 =	vld [tilespmem:$0x80]  }
0x127: {  	v2 =	vld [tilespmem:$0x1B0]  }
0x128: {  	v3 =	vld [tilespmem:$0x90]  }
0x129: {  	v4 =	vld [tilespmem:$0xA0]  }
0x12a: {  	v5 =	vld [tilespmem:$0x190]  }
0x12b: {  	v6 =	vld [tilespmem:$0x1A0]  }
0x12c: {  	v7 =	vld [tilespmem:$0xB0]  }
0x12d: {  	v0 =	vld [tilespmem:$0x180]  }
.Ltmp6:
0x12e: {  	(pc) =	sbr.rel @!p1 .LBB2_3-.Ltmp6, $4  }
0x12f: {  	vm0 =	veq.s32 v3, v5  }
0x130: {  	v3 =	vsel vm0, $0x2710, v5;
	vm0 =	veq.s32 v4, v6  }
0x131: {  	[tilespmem:$0x190] =	vst v3;
	v3 =	vsel vm0, $0x2710, v6;
	vm1 =	veq.s32 v7, v2  }
0x132: {  	vm0 =	veq.s32 v1, v0;
	[tilespmem:$0x1A0] =	vst v3;
	v1 =	vsel vm1, $0x2710, v2  }
0x133: {  	v0 =	vsel vm0, $0x2710, v0;
	[tilespmem:$0x1B0] =	vst v1  }
0x134: {  	[tilespmem:$0x180] =	vst v0  }
0x135: {  	[tilespmem:s23], [sflag:$0x1] =	stream.indirect.gather [hbm4b:s4+s20], $0x80, s22, s20, $0xb8;
	[tilespmem:$0x18200] =	vst v63  }
0x136: {  	_ =	swait.ge [sflag:s24], $0x2000  }
0x137: {  	[sflag:s24] =	ssyncset.done $0x0  }
0x138: {  	[sflag:s24] =	ssyncadd.s32 $0xFFFFE000  }
0x139: {  	[spmem:s1] =	stream.indirect.scatter.add.f32 [tilespmem:s21], [sflag:$0x2], $0x80, s19, s20, $0xb8;
	[tilespmem:$0x18200] =	vst v63  }
0x13a: {  	_ =	swait.ge [sflag:s18], $0x2000  }
0x13b: {  	[sflag:s18] =	ssyncset.done $0x0  }
0x13c: {  	[sflag:s18] =	ssyncadd.s32 $0xFFFFE000  }
0x13d: {  	_ =	swait.ge [sflag:s24], $0x2000  }
0x13e: {  	[sflag:s24] =	ssyncset.done $0x0  }
.Ltmp7:
0x13f: {  	[sflag:s24] =	ssyncadd.s32 $0xFFFFE000;
	(pc) =	sbr.rel .LBB2_10-.Ltmp7, $4  }
0x140: {  	[spmem:s1] =	stream.indirect.scatter.add.f32 [tilespmem:s23], [sflag:$0x2], $0x80, s25, s20, $0xb8;
	[tilespmem:$0x18200] =	vst v63  }
0x141: {  	_ =	swait.ge [sflag:s18], $0x2000  }
0x142: {  	[sflag:s18] =	ssyncset.done $0x0  }
0x143: {  	[sflag:s18] =	ssyncadd.s32 $0xFFFFE000  }
.LBB2_11:
0x144: {  	_ =	sfence.sel $0x180000  }
0x145: {  	[bflag:$0x0] =	sbarrier.arrive $0xFFFF  }
0x146: {  	p0 =	sne.s32 s2, $0x0;
	_ =	strace $0x9000004A  }
0x147: {  	s0 =	sadd.s32 @!p0 $0x100000, s0;
	[bflag:$0x2] =	sbarrier.arrive $0xFFFF  }
0x148: {  	[sflag:s0] =	ssyncadd.tile.s32 @!p0 $0x1;
	_ =	shalt  }
.Lfunc_end2:
_tile_overlayer_lowered:
.L_overlay_start_2:
0x149: {  	(tag) =	ssettag $0x2  }
0x14a: {  	s0 =	rddreg [dreg:$0x0];
	s2 =	stileid.u32  }
0x14b: {  	s1 =	rddreg [dreg:$0x1];
	p0 =	sne.s32 s2, $0x0  }
0x14c: {  	s3 =	rddreg [dreg:$0x2];
	[bflag:$0x3] =	sbarrier.arrive $0xFFFF;
	s2 =	simm.s32 @!p0 $0x1C02  }
0x14d: {  	[timem:s3], [sflag:s2] =	dma.local @!p0 [hbm:s0], s1  }
0x14e: {  	s0 =	simm.s32 @!p0 $0x2  }
0x14f: {  	_ =	swait.ge @!p0 [sflag:s0], s1  }
0x150: {  	s1 =	ssub.s32 @!p0 $0x0, s1;
	[sflag:s0] =	ssyncset.done @!p0 $0x0  }
0x151: {  	[sflag:s0] =	ssyncadd.s32 @!p0 s1  }
0x152: {  	[bflag:$0x3] =	sbarrier.arrive $0xFFFF  }
0x153: {  	_ =	shalt  }

// kernel: kernel.19.cloned.1.call-start
scs
__scs_entry_jumppad:
0x0: {  	(pc) =	sbr.rel $0x88, $3  }
0x1: {  	(tag) =	ssettag $0x0;
	lr =	simm.s32 $0x1  }
0x2: {  	[smem:$0x3F99] =	sst lr;
	_ =	strace $0xD0000000  }
0x3: {  	_ = 	snop  }
0x4: {  	_ = 	snop  }
0x5: {  	_ = 	snop  }
0x6: {  	_ = 	snop  }
0x7: {  	_ = 	snop  }
__scs_overlays_trampoline_lowered:
0x8: {  	[smem:$0x3FA8] =	sst s0  }
0x9: {  	[smem:$0x3FA9] =	sst s1  }
0xa: {  	[smem:$0x3FAA] =	sst s2  }
0xb: {  	[smem:$0x3FAB] =	sst s3  }
0xc: {  	[smem:$0x3FAC] =	sst s4  }
0xd: {  	[smem:$0x3FAD] =	sst s5  }
0xe: {  	[smem:$0x3FAE] =	sst s6  }
0xf: {  	[smem:$0x3FAF] =	sst s7  }
0x10: {  	[smem:$0x3FB0] =	sst s8  }
0x11: {  	[smem:$0x3FB1] =	sst s9;
	s0 =	simm.s32 @!p0 $0x0  }
0x12: {  	s1 =	sld [smem:$0x3F97];
	s0 =	simm.s32 @p0 $0x1  }
0x13: {  	[smem:$0x3FB2] =	sst s0;
	s0 =	simm.s32 @!p1 $0x0  }
0x14: {  	s2 =	sld [smem:$0x3F96];
	s0 =	simm.s32 @p1 $0x1  }
0x15: {  	[smem:$0x3FB3] =	sst s0;
	s0 =	simm.s32 @!p2 $0x0  }
0x16: {  	s3 =	sld [smem:$0x3FDB];
	s0 =	simm.s32 @p2 $0x1  }
0x17: {  	s4 =	simm.s32 $0x1BF5;
	[smem:$0x3FB5] =	sst s0  }
0x18: {  	s0 =	sld [smem:$0x3F98];
	_ =	swait.ge [sflag:s4], $0x0  }
0x19: {  	s7 =	sld [smem:$0x3F99]  }
0x1a: {  	s8 =	sadd.s32 $0xFFFFE003, lr  }
0x1b: {  	s9 =	sadd.s32 $0xFFFFFEF7, lr;
	s5 =	simm.s32 $0xFFFFFFFF;
	p2 =	slt.u32 s8, $0xFFFFF086  }
0x1c: {  	p1 =	slt.u32 s9, $0xF7A;
	s5 =	simm.s32 @!p2 $0x0  }
0x1d: {  	s5 =	simm.s32 @p1 $0x1;
	p0 =	seq.s32 s7, s2  }
0x1e: {  	s7 =	smul.u32 @!p0 $0xF7A, s2;
	p2 =	seq.s32 @!p0 s5, $0x0  }
0x1f: {  	s9 =	smul.u32 $0xF7A, s1;
	s8 =	simm.s32 @!p0 $0x1BF5;
	p2 =	por !p2, p0  }
0x20: {  	[sflag:s8] =	ssyncset.s32 @!p0 $0xFFFFF086;
	s6 =	sadd.s32 @!p0 s3, s7;
	s7 =	simm.s32 @!p0 $0x108  }
0x21: {  	s3 =	sadd.s32 s3, s9;
	s6 =	sadd.s32 @!p0 $0x88, s6;
	s7 =	simm.s32 @p2 $0x1082  }
0x22: {  	[simem:s7], [sflag:s8] =	dma.local @!p0 [hbm:s6], $0xF7A  }
0x23: {  	s9 =	sor.u32 $0xD0000000, s2;
	s6 =	simm.s32 $0x108;
	_ =	swait.ge @!p0 [sflag:s8], $0x0  }
0x24: {  	s3 =	sadd.s32 $0x88, s3;
	s6 =	simm.s32 @!p1 $0x1082;
	[sflag:s4] =	ssyncset.s32 $0xFFFFF086  }
0x25: {  	[simem:s6], [sflag:s4] =	dma.local [hbm:s3], $0xF7A  }
0x26: {  	[smem:$0x3F99] =	sst s1;
	(tag) =	ssettag s2;
	_ =	strace s9  }
0x27: {  	s1 =	sld [smem:$0x3FA9]  }
0x28: {  	s2 =	sld [smem:$0x3FAA]  }
0x29: {  	s4 =	sld [smem:$0x3FAC]  }
0x2a: {  	p0 =	seq.s32 s5, $0x0;
	s5 =	sld [smem:$0x3FAD]  }
0x2b: {  	s6 =	sld [smem:$0x3FAE]  }
0x2c: {  	s7 =	sld [smem:$0x3FAF]  }
0x2d: {  	s3 =	simm.s32 $0x108;
	s8 =	sld [smem:$0x3FB0]  }
0x2e: {  	s3 =	simm.s32 @!p0 $0x1082;
	s9 =	sld [smem:$0x3FB1]  }
0x2f: {  	lr =	sadd.s32 s0, s3;
	s0 =	sld [smem:$0x3FA8]  }
0x30: {  	s3 =	sld [smem:$0x3FAB]  }
0x31: {  	[smem:$0x3FB4] =	sst s10  }
0x32: {  	s10 =	sld [smem:$0x3FB2];
	_ =	sdelay $0x3  }
0x33: {  	p0 =	seq.s32 s10, $0x1;
	s10 =	sld [smem:$0x3FB4];
	_ =	sdelay $0x3  }
0x34: {  	[smem:$0x3FB4] =	sst s10  }
0x35: {  	s10 =	sld [smem:$0x3FB3];
	_ =	sdelay $0x3  }
0x36: {  	p1 =	seq.s32 s10, $0x1;
	s10 =	sld [smem:$0x3FB4];
	_ =	sdelay $0x3  }
0x37: {  	[smem:$0x3FB4] =	sst s10  }
0x38: {  	s10 =	sld [smem:$0x3FB5]  }
0x39: {  	_ = 	snop;
	(pc) =	sbr.ind lr, $3  }
0x3a: {  	_ = 	snop  }
0x3b: {  	_ = 	snop  }
0x3c: {  	p2 =	seq.s32 s10, $0x1;
	s10 =	sld [smem:$0x3FB4]  }
0x3d: {  	_ =	shalt  }
0x3e: {  	_ =	shalt  }
0x3f: {  	_ =	shalt  }
0x40: {  	_ =	shalt  }
0x41: {  	_ =	shalt  }
0x42: {  	_ =	shalt  }
0x43: {  	_ =	shalt  }
0x44: {  	_ =	shalt  }
0x45: {  	_ =	shalt  }
0x46: {  	_ =	shalt  }
0x47: {  	_ =	shalt  }
0x48: {  	_ =	shalt  }
0x49: {  	_ =	shalt  }
0x4a: {  	_ =	shalt  }
0x4b: {  	_ =	shalt  }
0x4c: {  	_ =	shalt  }
0x4d: {  	_ =	shalt  }
0x4e: {  	_ =	shalt  }
0x4f: {  	_ =	shalt  }
0x50: {  	_ =	shalt  }
0x51: {  	_ =	shalt  }
0x52: {  	_ =	shalt  }
0x53: {  	_ =	shalt  }
0x54: {  	_ =	shalt  }
0x55: {  	_ =	shalt  }
0x56: {  	_ =	shalt  }
0x57: {  	_ =	shalt  }
0x58: {  	_ =	shalt  }
0x59: {  	_ =	shalt  }
0x5a: {  	_ =	shalt  }
0x5b: {  	_ =	shalt  }
0x5c: {  	_ =	shalt  }
0x5d: {  	_ =	shalt  }
0x5e: {  	_ =	shalt  }
0x5f: {  	_ =	shalt  }
0x60: {  	_ =	shalt  }
0x61: {  	_ =	shalt  }
0x62: {  	_ =	shalt  }
0x63: {  	_ =	shalt  }
0x64: {  	_ =	shalt  }
0x65: {  	_ =	shalt  }
0x66: {  	_ =	shalt  }
0x67: {  	_ =	shalt  }
0x68: {  	_ =	shalt  }
0x69: {  	_ =	shalt  }
0x6a: {  	_ =	shalt  }
0x6b: {  	_ =	shalt  }
0x6c: {  	_ =	shalt  }
0x6d: {  	_ =	shalt  }
0x6e: {  	_ =	shalt  }
0x6f: {  	_ =	shalt  }
0x70: {  	_ =	shalt  }
0x71: {  	_ =	shalt  }
0x72: {  	_ =	shalt  }
0x73: {  	_ =	shalt  }
0x74: {  	_ =	shalt  }
0x75: {  	_ =	shalt  }
0x76: {  	_ =	shalt  }
0x77: {  	_ =	shalt  }
0x78: {  	_ =	shalt  }
0x79: {  	_ =	shalt  }
0x7a: {  	_ =	shalt  }
0x7b: {  	_ =	shalt  }
0x7c: {  	_ =	shalt  }
0x7d: {  	_ =	shalt  }
0x7e: {  	_ =	shalt  }
0x7f: {  	_ =	shalt  }
0x80: {  	_ =	shalt  }
0x81: {  	_ =	shalt  }
0x82: {  	_ =	shalt  }
0x83: {  	_ =	shalt  }
0x84: {  	_ =	shalt  }
0x85: {  	_ =	shalt  }
0x86: {  	_ =	shalt  }
0x87: {  	_ =	shalt  }
.Lfunc_end0:
.L_simem_size_0:
called_computation.2_lowered:
.L_overlay_start_0:
0x88: {  	s2 =	sld [smem:$0x3FD9]  }
0x89: {  	s3 =	sld [smem:$0x3FFE];
	_ =	sdelay $0x1  }
0x8a: {  	s1 =	srdreg.scid  }
0x8b: {  	s0 =	sand.u32 $0x1, s1  }
0x8c: {  	s17 =	sshll.u32 s0, $0xA;
	s2 =	sadd.s32 s3, s2  }
0x8d: {  	s2 =	sadd.s32 s2, s17  }
0x8e: {  	[smem:$0x3FC0] =	sst s2  }
0x8f: {  	_ = 	snop  }
0x90: {  	s2 =	sld [smem:$0x3FD0];
	(tm) =	ssettm $0x1  }
0x91: {  	s18 =	sld [smem:$0x3FFB];
	_ =	sdelay $0x3  }
0x92: {  	_ =	strace s18  }
0x93: {  	s3 =	sld [smem:$0x3FFC];
	_ =	sdelay $0x3  }
0x94: {  	_ =	strace s3  }
0x95: {  	s3 =	sld [smem:$0x3FFD];
	_ =	sdelay $0x3  }
0x96: {  	_ =	strace s3  }
0x97: {  	_ =	strace $0x8FFFFFFF  }
0x98: {  	s19 =	sld [smem:$0x3FDB];
	_ =	sdelay $0x1  }
0x99: {  	s4 =	simm.s32 $_scs_section_size  }
0x9a: {  	s5 =	simm.s32 $_size__tile_overlayer_lowered;
	s6 =	simm.s32 $_tile_overlayer_lowered  }
0x9b: {  	s22 =	simm.s32 $0x1BFF;
	s21 =	sshll.u32 s6, $0x1;
	s3 =	sadd.s32 s4, s19  }
0x9c: {  	s7 =	simm.s32 $0x0;
	s20 =	sshll.u32 s5, $0x1;
	s5 =	sadd.s32 s21, s3  }
0x9d: {  	[timem:s7], [sflag:s22] =	dma.local [hbm:s5], s20  }
0x9e: {  	_ =	swait.ge [sflag:s22], s20  }
0x9f: {  	s4 =	ssub.s32 $0x0, s20;
	[sflag:s22] =	ssyncset.done $0x0  }
0xa0: {  	[sflag:s22] =	ssyncadd.s32 s4;
	_ =	sdelay $0x1  }
0xa1: {  	s23 =	simm.s32 $0x1B8B  }
0xa2: {  	_ =	swait.ge [sflag:s23], $0x1  }
0xa3: {  	[sflag:s23] =	ssyncset.done $0x0  }
0xa4: {  	s25 =	simm.s32 $0x1B8E;
	s24 =	sld [smem:$0x3FFE];
	[sflag:s23] =	ssyncadd.s32 $0xFFFFFFFF  }
0xa5: {  	s26 =	simm.s32 $execute0_lowered;
	[smem:$0x3FD2] =	sst s25  }
0xa6: {  	s5 =	sshll.u32 s26, $0x1;
	_ =	strace $0x8000004C;
	[dreg:$0x1] =	wrdreg $0xFFFFFFFF  }
0xa7: {  	s28 =	simm.s32 $_size_execute0_lowered;
	s3 =	sadd.s32 s3, s5;
	[dreg:$0x0] =	wrdreg $0x0  }
0xa8: {  	s5 =	sshll.u32 s28, $0x1;
	[dreg:$0x2] =	wrdreg s3  }
0xa9: {  	[dreg:$0x3] =	wrdreg s5  }
0xaa: {  	[dreg:$0x4] =	wrdreg $0xC0  }
0xab: {  	_ =	task [dreg:s7], $0x5FFFF  }
0xac: {  	[dreg:$0x1] =	wrdreg $0xFFFFFFFF  }
0xad: {  	[dreg:$0x0] =	wrdreg $0x60  }
0xae: {  	[dreg:$0x2] =	wrdreg s24  }
0xaf: {  	[dreg:$0x3] =	wrdreg s2  }
0xb0: {  	[dreg:$0x4] =	wrdreg $0x42000  }
0xb1: {  	[dreg:$0x5] =	wrdreg $0x9  }
0xb2: {  	_ =	task.clear_ibuf [dreg:s7], $0x6FFFF;
	_ =	strace $0x9000004C  }
0xb3: {  	s29 =	simm.s32 $0x9;
	_ =	strace $0x8000004E  }
0xb4: {  	_ =	swait.ge [sflag:s29], $0x1  }
0xb5: {  	[sflag:s29] =	ssyncadd.s32 $0xFFFFFFFF  }
0xb6: {  	_ =	strace $0x9000004E  }
0xb7: {  	_ =	sfence  }
0xb8: {  	s30 =	sld [smem:$0x0];
	_ =	sdelay $0x2  }
0xb9: {  	s31 =	sshll.u32 s1, $0xD;
	s1 =	sshrl.u32 s1, $0x2  }
0xba: {  	s3 =	sand.u32 $0x4000, s31;
	s1 =	sadd.s32 s1, s30  }
0xbb: {  	s0 =	sor.u32 s3, s0;
	s1 =	sshll.u32 s1, $0x11  }
0xbc: {  	s0 =	sor.u32 s1, s0  }
0xbd: {  	s0 =	sadd.s32 $0x8F2B, s0  }
0xbe: {  	[sflag:s0] =	ssyncadd.remote.s32 $0x1  }
0xbf: {  	_ =	sfence.sel $0xFFFF  }
0xc0: {  	[dreg:$0x0] =	wrdreg $0xFFFFFFFF;
	(pc) =	sbr.abs _section_cstart, $3  }
0xc1: {  	[dreg:$0x1] =	wrdreg $0xFFFFFFFF  }
0xc2: {  	_ =	task.clear_ibuf [dreg:s7], $0x2FFFF;
	_ =	strace $0x9FFFFFFF  }
0xc3: {  	(tm) =	ssettm $0x7FFFFFFF  }
tec
execute0_lowered:
.L_overlay_start_1:
0x0: {  	(tag) =	ssettag $0x1  }
0x1: {  	s9 =	rddreg [dreg:$0x0]  }
0x2: {  	s15 =	rddreg [dreg:$0x1]  }
0x3: {  	s1 =	rddreg [dreg:$0x2]  }
0x4: {  	s0 =	rddreg [dreg:$0x3]  }
0x5: {  	s2 =	simm.s32 $0x0;
	s3 =	srdreg.scid;
	s20 =	simm.s32 $0x40  }
0x6: {  	s21 =	simm.s32 $0x200;
	s22 =	simm.s32 $0x80;
	s23 =	simm.s32 $0x2200  }
0x7: {  	s24 =	simm.s32 $0x1;
	s25 =	simm.s32 $0x180;
	s26 =	simm.s32 $0x0  }
0x8: {  	[smem:$0x7FF] =	sst s2;
	s11 =	sand.u32 $0x1, s3;
	s4 =	sadd.s32 $0x105A00, s9  }
0x9: {  	s3 =	stileid.u32;
	s5 =	sadd.s32 $0x12DA00, s9;
	s8 =	smul.u32 $0x140000, s11  }
0xa: {  	s16 =	sadd.s32 $0x5200, s9;
	s6 =	sadd.s32 $0x87A00, s9;
	s10 =	smul.u32 $0x14000, s3  }
0xb: {  	s7 =	sadd.s32 $0x1A00, s9;
	_ =	strace $0x8000004D;
	s13 =	smul.u32 $0x50000, s3  }
0xc: {  	s12 =	ssub.s32 $0x2, s11;
	s17 =	smul.u32 $0x6C0, s3;
	s30 =	sshll.u32 s3, $0x6  }
0xd: {  	p0 =	seq.s32 s11, $0x1;
	s19 =	smul.u32 $0x340, s3;
	s28 =	sshrl.u32 s12, $0x1  }
0xe: {  	s8 =	sadd.s32 s10, s8;
	s12 =	ssub.s32 s12, s28;
	s29 =	sshrl.u32 s13, $0x2  }
0xf: {  	s13 =	sadd.s32 s17, s15;
	s31 =	sadd.s32 s19, s15;
	s10 =	sshrl.u32 s8, $0x3  }
.Ltmp0:
0x10: {  	s8 =	sadd.s32 $0x103200, s9;
	s18 =	sadd.s32 s29, s1;
	(pc) =	sbr.rel .LBB2_1-.Ltmp0, $4  }
0x11: {  	s12 =	smax.u32 s12, $0x1;
	s14 =	sadd.s32 s10, s9;
	s9 =	smul.u32 $0x1C00, s3  }
0x12: {  	s10 =	sor.u32 $0x1C02, s30;
	s11 =	sadd.s32 $0xB3200, s14;
	s14 =	sadd.s32 s17, s16  }
0x13: {  	s16 =	sadd.s32 s19, s16;
	s17 =	sshrl.u32 s18, $0x3;
	s18 =	simm.s32 $0x2  }
0x14: {  	s19 =	simm.s32 $0x100;
	s15 =	sadd.s32 $0x6C00, s16;
	s16 =	sadd.s32 $0x6C00, s31  }
.LBB2_9:
0x15: {  	[spmem:s1] =	stream.indirect.scatter.add.f32 [tilespmem:s23], [sflag:$0x2], $0x80, s25, s20, $0xb8;
	[tilespmem:$0x18200] =	vst v63  }
0x16: {  	_ =	swait.ge [sflag:s18], $0x2000  }
0x17: {  	[sflag:s18] =	ssyncset.done $0x0  }
0x18: {  	s28 =	sadd.s32 s6, s29;
	[sflag:s18] =	ssyncadd.s32 $0xFFFFE000  }
0x19: {  	[tilespmem:s2], [sflag:$0x2] =	stream.linear.gather [hbm4b:s28+s2], $0x100, $0x38;
	[tilespmem:$0x18200] =	vst v63  }
0x1a: {  	_ =	swait.ge [sflag:s18], $0x100  }
0x1b: {  	[sflag:s18] =	ssyncset.done $0x0  }
0x1c: {  	s31 =	sadd.s32 s7, s29;
	[sflag:s18] =	ssyncadd.s32 $0xFFFFFF00  }
0x1d: {  	[tilespmem:s19], [sflag:$0x2] =	stream.linear.gather [hbm4b:s31+s2], $0x100, $0x38;
	[tilespmem:$0x18200] =	vst v63  }
0x1e: {  	_ =	swait.ge [sflag:s18], $0x100  }
0x1f: {  	[sflag:s18] =	ssyncset.done $0x0  }
0x20: {  	[sflag:s18] =	ssyncadd.s32 $0xFFFFFF00  }
0x21: {  	[tilespmem:s21], [sflag:$0x1] =	stream.indirect.gather [hbm4b:s5+s20], $0x80, s2, s20, $0xb8;
	[tilespmem:$0x18200] =	vst v63  }
0x22: {  	_ = 	snop  }
0x23: {  	[tilespmem:s23], [sflag:$0x1] =	stream.indirect.gather [hbm4b:s5+s20], $0x80, s22, s20, $0xb8;
	[tilespmem:$0x18200] =	vst v63  }
0x24: {  	_ =	swait.ge [sflag:s24], $0x2000  }
0x25: {  	[sflag:s24] =	ssyncset.done $0x0  }
0x26: {  	[sflag:s24] =	ssyncadd.s32 $0xFFFFE000  }
0x27: {  	[spmem:s1] =	stream.indirect.scatter.add.f32 [tilespmem:s21], [sflag:$0x2], $0x80, s19, s20, $0xb8;
	[tilespmem:$0x18200] =	vst v63  }
0x28: {  	_ =	swait.ge [sflag:s18], $0x2000  }
0x29: {  	[sflag:s18] =	ssyncset.done $0x0  }
0x2a: {  	[sflag:s18] =	ssyncadd.s32 $0xFFFFE000  }
0x2b: {  	_ =	swait.ge [sflag:s24], $0x2000  }
0x2c: {  	[sflag:s24] =	ssyncset.done $0x0  }
0x2d: {  	[sflag:s24] =	ssyncadd.s32 $0xFFFFE000  }
0x2e: {  	[spmem:s1] =	stream.indirect.scatter.add.f32 [tilespmem:s23], [sflag:$0x2], $0x80, s25, s20, $0xb8;
	[tilespmem:$0x18200] =	vst v63  }
0x2f: {  	_ =	swait.ge [sflag:s18], $0x2000  }
0x30: {  	[sflag:s18] =	ssyncset.done $0x0  }
0x31: {  	[sflag:s18] =	ssyncadd.s32 $0xFFFFE000  }
.LBB2_10:
0x32: {  	s26 =	sadd.s32 $0x1, s26  }
0x33: {  	p1 =	sne.s32 s26, s12  }
.Ltmp1:
0x34: {  	[bflag:$0x0] =	sbarrier.arrive $0xFFFF;
	(pc) =	sbr.rel @!p1 .LBB2_11-.Ltmp1, $4  }
0x35: {  	[hbm:s11], [sflag:s10] =	dma.local [spmem:s17], $0x2800  }
0x36: {  	_ =	swait.ge [sflag:s18], $0x2800  }
0x37: {  	[sflag:s18] =	ssyncset.done $0x0  }
0x38: {  	[sflag:s18] =	ssyncadd.s32 $0xFFFFD800  }
.LBB2_1:
0x39: {  	[spmem:s17], [sflag:s10] =	dma.local [hbm:s8], $0x2800  }
.Ltmp2:
0x3a: {  	_ =	swait.ge [sflag:s18], $0x2800;
	(pc) =	sbr.rel @!p0 .LBB2_2-.Ltmp2, $3  }
0x3b: {  	[sflag:s18] =	ssyncset.done $0x0  }
0x3c: {  	[sflag:s18] =	ssyncadd.s32 $0xFFFFD800  }
0x3d: {  	[bflag:$0x0] =	sbarrier.arrive $0xFFFF;
	_ =	sdelay $0x1  }
0x3e: {  	s29 =	sadd.s32 $0x0, s16;
	s28 =	simm.s32 $0x0  }
0x3f: {  	[tilespmem:s28], [sflag:$0x2] =	stream.linear.gather [hbm4b:s29+s28], $0x100, $0x38;
	[tilespmem:$0x18200] =	vst v63  }
0x40: {  	_ =	swait.ge [sflag:s18], $0x100  }
0x41: {  	[sflag:s18] =	ssyncset.done $0x0  }
0x42: {  	s29 =	sadd.s32 $0x0, s15;
	[sflag:s18] =	ssyncadd.s32 $0xFFFFFF00  }
0x43: {  	[tilespmem:s19], [sflag:$0x2] =	stream.linear.gather [hbm4b:s29+s28], $0x100, $0x38;
	[tilespmem:$0x18200] =	vst v63  }
0x44: {  	_ =	swait.ge [sflag:s18], $0x100  }
0x45: {  	[sflag:s18] =	ssyncset.done $0x0  }
0x46: {  	[sflag:s18] =	ssyncadd.s32 $0xFFFFFF00  }
0x47: {  	v0 =	vld [tilespmem:$0x130]  }
0x48: {  	v1 =	vld [tilespmem:$0x120]  }
0x49: {  	v2 =	vld [tilespmem:$0x110]  }
0x4a: {  	v3 =	vld [tilespmem:$0x20]  }
0x4b: {  	v4 =	vld [tilespmem:$0x0]  }
0x4c: {  	v5 =	vld [tilespmem:$0x10]  }
0x4d: {  	v6 =	vld [tilespmem:$0x30]  }
0x4e: {  	v7 =	vld [tilespmem:$0x100];
	_ =	sdelay $0x1  }
0x4f: {  	vm0 =	veq.s32 v3, v1  }
0x50: {  	vm10 =	veq.s32 v5, v2;
	v1 =	vsel vm0, $0x2710, v1  }
0x51: {  	vm11 =	veq.s32 v6, v0;
	v52 =	vsel vm10, $0x2710, v2;
	[tilespmem:$0x120] =	vst v1  }
0x52: {  	vm1 =	veq.s32 v4, v7;
	v0 =	vsel vm11, $0x2710, v0;
	[tilespmem:$0x110] =	vst v52  }
0x53: {  	v53 =	vsel vm1, $0x2710, v7;
	[tilespmem:$0x130] =	vst v0  }
0x54: {  	[tilespmem:$0x100] =	vst v53  }
0x55: {  	[tilespmem:s21], [sflag:$0x1] =	stream.indirect.gather [hbm4b:s4+s20], $0x80, s28, s20, $0xb8;
	[tilespmem:$0x18200] =	vst v63  }
0x56: {  	v54 =	vld [tilespmem:$0x1B0]  }
0x57: {  	v55 =	vld [tilespmem:$0xB0]  }
0x58: {  	v56 =	vld [tilespmem:$0x80]  }
0x59: {  	v57 =	vld [tilespmem:$0x1A0]  }
0x5a: {  	v58 =	vld [tilespmem:$0xA0]  }
0x5b: {  	v59 =	vld [tilespmem:$0x180]  }
0x5c: {  	v60 =	vld [tilespmem:$0x190]  }
0x5d: {  	v61 =	vld [tilespmem:$0x90];
	_ =	sdelay $0x1  }
0x5e: {  	vm12 =	veq.s32 v58, v57  }
0x5f: {  	vm13 =	veq.s32 v55, v54;
	v3 =	vsel vm12, $0x2710, v57  }
0x60: {  	vm14 =	veq.s32 v56, v59;
	v0 =	vsel vm13, $0x2710, v54;
	[tilespmem:$0x1A0] =	vst v3  }
0x61: {  	vm15 =	veq.s32 v61, v60;
	v62 =	vsel vm14, $0x2710, v59;
	[tilespmem:$0x1B0] =	vst v0  }
0x62: {  	v63 =	vsel vm15, $0x2710, v60;
	[tilespmem:$0x180] =	vst v62  }
0x63: {  	s29 =	simm.s32 $0x20;
	[tilespmem:$0x190] =	vst v63  }
.LBB2_6:
0x64: {  	[tilespmem:s23], [sflag:$0x1] =	stream.indirect.gather [hbm4b:s4+s20], $0x80, s22, s20, $0xb8;
	[tilespmem:$0x18200] =	vst v63  }
0x65: {  	s30 =	smov.u32 s29  }
0x66: {  	p1 =	sne.s32 s29, $0x320;
	s29 =	sadd.s32 $0x20, s29;
	_ =	swait.ge [sflag:s24], $0x2000  }
0x67: {  	[sflag:s24] =	ssyncset.done $0x0  }
0x68: {  	[sflag:s24] =	ssyncadd.s32 $0xFFFFE000  }
0x69: {  	[spmem:s1] =	stream.indirect.scatter.add.f32 [tilespmem:s21], [sflag:$0x2], $0x80, s19, s20, $0xb8;
	[tilespmem:$0x18200] =	vst v63  }
0x6a: {  	_ =	swait.ge [sflag:s18], $0x2000  }
0x6b: {  	[sflag:s18] =	ssyncset.done $0x0  }
0x6c: {  	[sflag:s18] =	ssyncadd.s32 $0xFFFFE000  }
0x6d: {  	_ =	swait.ge [sflag:s24], $0x2000  }
0x6e: {  	[sflag:s24] =	ssyncset.done $0x0  }
0x6f: {  	[sflag:s24] =	ssyncadd.s32 $0xFFFFE000  }
0x70: {  	[spmem:s1] =	stream.indirect.scatter.add.f32 [tilespmem:s23], [sflag:$0x2], $0x80, s25, s20, $0xb8;
	[tilespmem:$0x18200] =	vst v63  }
0x71: {  	_ =	swait.ge [sflag:s18], $0x2000  }
0x72: {  	[sflag:s18] =	ssyncset.done $0x0  }
0x73: {  	s31 =	sadd.s32 s30, s16;
	[sflag:s18] =	ssyncadd.s32 $0xFFFFE000  }
0x74: {  	[tilespmem:s28], [sflag:$0x2] =	stream.linear.gather [hbm4b:s31+s28], $0x100, $0x38;
	[tilespmem:$0x18200] =	vst v63  }
0x75: {  	_ =	swait.ge [sflag:s18], $0x100  }
0x76: {  	[sflag:s18] =	ssyncset.done $0x0  }
0x77: {  	s30 =	sadd.s32 s30, s15;
	[sflag:s18] =	ssyncadd.s32 $0xFFFFFF00  }
0x78: {  	[tilespmem:s19], [sflag:$0x2] =	stream.linear.gather [hbm4b:s30+s28], $0x100, $0x38;
	[tilespmem:$0x18200] =	vst v63  }
0x79: {  	_ =	swait.ge [sflag:s18], $0x100  }
0x7a: {  	[sflag:s18] =	ssyncset.done $0x0  }
0x7b: {  	[sflag:s18] =	ssyncadd.s32 $0xFFFFFF00  }
0x7c: {  	v0 =	vld [tilespmem:$0x130]  }
0x7d: {  	v1 =	vld [tilespmem:$0x120]  }
0x7e: {  	v2 =	vld [tilespmem:$0x110]  }
0x7f: {  	v3 =	vld [tilespmem:$0x20]  }
0x80: {  	v4 =	vld [tilespmem:$0x0]  }
0x81: {  	v5 =	vld [tilespmem:$0x10]  }
0x82: {  	v6 =	vld [tilespmem:$0x30]  }
0x83: {  	v7 =	vld [tilespmem:$0x100]  }
0x84: {  	vm0 =	veq.s32 v3, v1  }
0x85: {  	v1 =	vsel vm0, $0x2710, v1  }
0x86: {  	vm0 =	veq.s32 v5, v2;
	[tilespmem:$0x120] =	vst v1  }
0x87: {  	v1 =	vsel vm0, $0x2710, v2;
	vm0 =	veq.s32 v6, v0  }
0x88: {  	vm1 =	veq.s32 v4, v7;
	[tilespmem:$0x110] =	vst v1;
	v0 =	vsel vm0, $0x2710, v0  }
0x89: {  	v1 =	vsel vm1, $0x2710, v7;
	[tilespmem:$0x130] =	vst v0  }
0x8a: {  	[tilespmem:$0x100] =	vst v1  }
0x8b: {  	[tilespmem:s21], [sflag:$0x1] =	stream.indirect.gather [hbm4b:s4+s20], $0x80, s28, s20, $0xb8;
	[tilespmem:$0x18200] =	vst v63  }
0x8c: {  	v0 =	vld [tilespmem:$0x1B0]  }
0x8d: {  	v1 =	vld [tilespmem:$0xB0]  }
0x8e: {  	v2 =	vld [tilespmem:$0x80]  }
0x8f: {  	v3 =	vld [tilespmem:$0x1A0]  }
0x90: {  	v4 =	vld [tilespmem:$0xA0]  }
0x91: {  	v5 =	vld [tilespmem:$0x180]  }
0x92: {  	v6 =	vld [tilespmem:$0x190]  }
0x93: {  	v7 =	vld [tilespmem:$0x90];
	_ =	sdelay $0x1  }
0x94: {  	vm0 =	veq.s32 v4, v3  }
.Ltmp3:
0x95: {  	vm1 =	veq.s32 v2, v5;
	v2 =	vsel vm0, $0x2710, v3;
	vm0 =	veq.s32 v1, v0;
	(pc) =	sbr.rel @p1 .LBB2_6-.Ltmp3, $4  }
0x96: {  	v1 =	vsel vm1, $0x2710, v5;
	[tilespmem:$0x1A0] =	vst v2;
	v0 =	vsel vm0, $0x2710, v0  }
0x97: {  	vm0 =	veq.s32 v7, v6;
	[tilespmem:$0x1B0] =	vst v0  }
0x98: {  	[tilespmem:$0x180] =	vst v1;
	v0 =	vsel vm0, $0x2710, v6  }
0x99: {  	[tilespmem:$0x190] =	vst v0  }
0x9a: {  	[tilespmem:s23], [sflag:$0x1] =	stream.indirect.gather [hbm4b:s4+s20], $0x80, s22, s20, $0xb8;
	[tilespmem:$0x18200] =	vst v63  }
0x9b: {  	_ =	swait.ge [sflag:s24], $0x2000  }
0x9c: {  	[sflag:s24] =	ssyncset.done $0x0  }
0x9d: {  	[sflag:s24] =	ssyncadd.s32 $0xFFFFE000  }
0x9e: {  	[spmem:s1] =	stream.indirect.scatter.add.f32 [tilespmem:s21], [sflag:$0x2], $0x80, s19, s20, $0xb8;
	[tilespmem:$0x18200] =	vst v63  }
0x9f: {  	_ =	swait.ge [sflag:s18], $0x2000  }
0xa0: {  	[sflag:s18] =	ssyncset.done $0x0  }
0xa1: {  	[sflag:s18] =	ssyncadd.s32 $0xFFFFE000  }
0xa2: {  	_ =	swait.ge [sflag:s24], $0x2000  }
0xa3: {  	s29 =	sadd.s32 $0x0, s9;
	[sflag:s24] =	ssyncset.done $0x0  }
0xa4: {  	s28 =	sand.u32 $0x300, s28;
	s29 =	sand.u32 $0x3FC00, s29;
	[sflag:s24] =	ssyncadd.s32 $0xFFFFE000  }
0xa5: {  	[spmem:s1] =	stream.indirect.scatter.add.f32 [tilespmem:s23], [sflag:$0x2], $0x80, s25, s20, $0xb8;
	[tilespmem:$0x18200] =	vst v63  }
0xa6: {  	s28 =	sor.u32 s28, s29;
	_ =	swait.ge [sflag:s18], $0x2000  }
0xa7: {  	s28 =	sshrl.u32 s28, $0x3;
	[sflag:s18] =	ssyncset.done $0x0  }
0xa8: {  	s29 =	sadd.s32 s6, s28;
	[sflag:s18] =	ssyncadd.s32 $0xFFFFE000  }
0xa9: {  	[tilespmem:s2], [sflag:$0x2] =	stream.linear.gather [hbm4b:s29+s2], $0x100, $0x38;
	[tilespmem:$0x18200] =	vst v63  }
0xaa: {  	_ =	swait.ge [sflag:s18], $0x100  }
0xab: {  	[sflag:s18] =	ssyncset.done $0x0  }
0xac: {  	s28 =	sadd.s32 s7, s28;
	[sflag:s18] =	ssyncadd.s32 $0xFFFFFF00  }
0xad: {  	[tilespmem:s19], [sflag:$0x2] =	stream.linear.gather [hbm4b:s28+s2], $0x100, $0x38;
	[tilespmem:$0x18200] =	vst v63  }
0xae: {  	_ =	swait.ge [sflag:s18], $0x100  }
0xaf: {  	[sflag:s18] =	ssyncset.done $0x0  }
0xb0: {  	[sflag:s18] =	ssyncadd.s32 $0xFFFFFF00  }
0xb1: {  	[tilespmem:s21], [sflag:$0x1] =	stream.indirect.gather [hbm4b:s5+s20], $0x80, s2, s20, $0xb8;
	[tilespmem:$0x18200] =	vst v63  }
0xb2: {  	_ = 	snop  }
0xb3: {  	[tilespmem:s23], [sflag:$0x1] =	stream.indirect.gather [hbm4b:s5+s20], $0x80, s22, s20, $0xb8;
	[tilespmem:$0x18200] =	vst v63  }
0xb4: {  	_ =	swait.ge [sflag:s24], $0x2000  }
0xb5: {  	[sflag:s24] =	ssyncset.done $0x0  }
0xb6: {  	[sflag:s24] =	ssyncadd.s32 $0xFFFFE000  }
0xb7: {  	[spmem:s1] =	stream.indirect.scatter.add.f32 [tilespmem:s21], [sflag:$0x2], $0x80, s19, s20, $0xb8;
	[tilespmem:$0x18200] =	vst v63  }
0xb8: {  	_ =	swait.ge [sflag:s18], $0x2000  }
0xb9: {  	[sflag:s18] =	ssyncset.done $0x0  }
0xba: {  	s29 =	sadd.s32 $0x100, s9;
	s28 =	simm.s32 $0x100;
	[sflag:s18] =	ssyncadd.s32 $0xFFFFE000  }
0xbb: {  	s29 =	sand.u32 $0x3FC00, s29;
	s28 =	sand.u32 $0x300, s28;
	_ =	swait.ge [sflag:s24], $0x2000  }
0xbc: {  	s29 =	sor.u32 s28, s29;
	[sflag:s24] =	ssyncset.done $0x0  }
0xbd: {  	s28 =	simm.s32 $0x200;
	s29 =	sshrl.u32 s29, $0x3;
	[sflag:s24] =	ssyncadd.s32 $0xFFFFE000  }
.LBB2_8:
0xbe: {  	[spmem:s1] =	stream.indirect.scatter.add.f32 [tilespmem:s23], [sflag:$0x2], $0x80, s25, s20, $0xb8;
	[tilespmem:$0x18200] =	vst v63  }
0xbf: {  	s30 =	smov.u32 s28  }
0xc0: {  	p1 =	sne.s32 s28, $0x1B00;
	s28 =	sadd.s32 $0x100, s28;
	_ =	swait.ge [sflag:s18], $0x2000  }
0xc1: {  	[sflag:s18] =	ssyncset.done $0x0  }
0xc2: {  	s31 =	sadd.s32 s6, s29;
	[sflag:s18] =	ssyncadd.s32 $0xFFFFE000  }
0xc3: {  	[tilespmem:s2], [sflag:$0x2] =	stream.linear.gather [hbm4b:s31+s2], $0x100, $0x38;
	[tilespmem:$0x18200] =	vst v63  }
0xc4: {  	_ =	swait.ge [sflag:s18], $0x100  }
0xc5: {  	[sflag:s18] =	ssyncset.done $0x0  }
0xc6: {  	s29 =	sadd.s32 s7, s29;
	[sflag:s18] =	ssyncadd.s32 $0xFFFFFF00  }
0xc7: {  	[tilespmem:s19], [sflag:$0x2] =	stream.linear.gather [hbm4b:s29+s2], $0x100, $0x38;
	[tilespmem:$0x18200] =	vst v63  }
0xc8: {  	_ =	swait.ge [sflag:s18], $0x100  }
0xc9: {  	[sflag:s18] =	ssyncset.done $0x0  }
0xca: {  	[sflag:s18] =	ssyncadd.s32 $0xFFFFFF00  }
0xcb: {  	[tilespmem:s21], [sflag:$0x1] =	stream.indirect.gather [hbm4b:s5+s20], $0x80, s2, s20, $0xb8;
	[tilespmem:$0x18200] =	vst v63  }
0xcc: {  	_ = 	snop  }
0xcd: {  	[tilespmem:s23], [sflag:$0x1] =	stream.indirect.gather [hbm4b:s5+s20], $0x80, s22, s20, $0xb8;
	[tilespmem:$0x18200] =	vst v63  }
0xce: {  	_ =	swait.ge [sflag:s24], $0x2000  }
0xcf: {  	[sflag:s24] =	ssyncset.done $0x0  }
0xd0: {  	[sflag:s24] =	ssyncadd.s32 $0xFFFFE000  }
0xd1: {  	[spmem:s1] =	stream.indirect.scatter.add.f32 [tilespmem:s21], [sflag:$0x2], $0x80, s19, s20, $0xb8;
	[tilespmem:$0x18200] =	vst v63  }
0xd2: {  	_ =	swait.ge [sflag:s18], $0x2000  }
.Ltmp4:
0xd3: {  	[sflag:s18] =	ssyncset.done $0x0;
	(pc) =	sbr.rel @p1 .LBB2_8-.Ltmp4, $4  }
0xd4: {  	s29 =	sadd.s32 s30, s9;
	[sflag:s18] =	ssyncadd.s32 $0xFFFFE000  }
0xd5: {  	s30 =	sand.u32 $0x300, s30;
	s29 =	sand.u32 $0x3FC00, s29;
	_ =	swait.ge [sflag:s24], $0x2000  }
0xd6: {  	s29 =	sor.u32 s30, s29;
	[sflag:s24] =	ssyncset.done $0x0  }
0xd7: {  	s29 =	sshrl.u32 s29, $0x3;
	[sflag:s24] =	ssyncadd.s32 $0xFFFFE000  }
.Ltmp5:
0xd8: {  	_ = 	snop;
	(pc) =	sbr.rel .LBB2_9-.Ltmp5, $1  }
0xd9: {  	_ =	sdelay $0x3  }
.LBB2_2:
0xda: {  	s28 =	sadd.s32 $0x0, s13  }
0xdb: {  	[tilespmem:s2], [sflag:$0x2] =	stream.linear.gather [hbm4b:s28+s2], $0x100, $0x38;
	[tilespmem:$0x18200] =	vst v63  }
0xdc: {  	_ =	swait.ge [sflag:s18], $0x100  }
0xdd: {  	[sflag:s18] =	ssyncset.done $0x0  }
0xde: {  	s28 =	sadd.s32 $0x0, s14;
	[sflag:s18] =	ssyncadd.s32 $0xFFFFFF00  }
0xdf: {  	[tilespmem:s19], [sflag:$0x2] =	stream.linear.gather [hbm4b:s28+s2], $0x100, $0x38;
	[tilespmem:$0x18200] =	vst v63  }
0xe0: {  	_ =	swait.ge [sflag:s18], $0x100  }
0xe1: {  	[sflag:s18] =	ssyncset.done $0x0  }
0xe2: {  	[sflag:s18] =	ssyncadd.s32 $0xFFFFFF00  }
0xe3: {  	v0 =	vld [tilespmem:$0x130]  }
0xe4: {  	v1 =	vld [tilespmem:$0x120]  }
0xe5: {  	v2 =	vld [tilespmem:$0x110]  }
0xe6: {  	v3 =	vld [tilespmem:$0x0]  }
0xe7: {  	v4 =	vld [tilespmem:$0x30]  }
0xe8: {  	v5 =	vld [tilespmem:$0x20]  }
0xe9: {  	v6 =	vld [tilespmem:$0x10]  }
0xea: {  	v7 =	vld [tilespmem:$0x100];
	_ =	sdelay $0x1  }
0xeb: {  	vm0 =	veq.s32 v4, v0  }
0xec: {  	vm1 =	veq.s32 v5, v1;
	v0 =	vsel vm0, $0x2710, v0  }
0xed: {  	vm0 =	veq.s32 v6, v2;
	v1 =	vsel vm1, $0x2710, v1;
	[tilespmem:$0x130] =	vst v0  }
0xee: {  	vm1 =	veq.s32 v3, v7;
	v0 =	vsel vm0, $0x2710, v2;
	[tilespmem:$0x120] =	vst v1  }
0xef: {  	v1 =	vsel vm1, $0x2710, v7;
	[tilespmem:$0x110] =	vst v0  }
0xf0: {  	[tilespmem:$0x100] =	vst v1  }
0xf1: {  	[tilespmem:s21], [sflag:$0x1] =	stream.indirect.gather [hbm4b:s4+s20], $0x80, s2, s20, $0xb8;
	[tilespmem:$0x18200] =	vst v63  }
0xf2: {  	v1 =	vld [tilespmem:$0x80]  }
0xf3: {  	v2 =	vld [tilespmem:$0x1B0]  }
0xf4: {  	v3 =	vld [tilespmem:$0x90]  }
0xf5: {  	v60 =	vld [tilespmem:$0xA0]  }
0xf6: {  	v61 =	vld [tilespmem:$0x190]  }
0xf7: {  	v62 =	vld [tilespmem:$0x1A0]  }
0xf8: {  	v63 =	vld [tilespmem:$0xB0]  }
0xf9: {  	v0 =	vld [tilespmem:$0x180];
	_ =	sdelay $0x1  }
0xfa: {  	vm0 =	veq.s32 v3, v61  }
0xfb: {  	v3 =	vsel vm0, $0x2710, v61;
	vm0 =	veq.s32 v60, v62  }
0xfc: {  	vm1 =	veq.s32 v63, v2;
	[tilespmem:$0x190] =	vst v3;
	v3 =	vsel vm0, $0x2710, v62  }
0xfd: {  	s28 =	simm.s32 $0x20;
	vm0 =	veq.s32 v1, v0;
	v1 =	vsel vm1, $0x2710, v2;
	[tilespmem:$0x1A0] =	vst v3  }
.LBB2_3:
0xfe: {  	p1 =	seq.s32 s28, $0x6A0;
	v0 =	vsel vm0, $0x2710, v0;
	[tilespmem:$0x1B0] =	vst v1;
	s29 =	smov.u32 s28;
	s28 =	sadd.s32 $0x20, s28  }
0xff: {  	[tilespmem:$0x180] =	vst v0  }
0x100: {  	[tilespmem:s23], [sflag:$0x1] =	stream.indirect.gather [hbm4b:s4+s20], $0x80, s22, s20, $0xb8;
	[tilespmem:$0x18200] =	vst v63  }
0x101: {  	_ =	swait.ge [sflag:s24], $0x2000  }
0x102: {  	[sflag:s24] =	ssyncset.done $0x0  }
0x103: {  	[sflag:s24] =	ssyncadd.s32 $0xFFFFE000  }
0x104: {  	[spmem:s1] =	stream.indirect.scatter.add.f32 [tilespmem:s21], [sflag:$0x2], $0x80, s19, s20, $0xb8;
	[tilespmem:$0x18200] =	vst v63  }
0x105: {  	_ =	swait.ge [sflag:s18], $0x2000  }
0x106: {  	[sflag:s18] =	ssyncset.done $0x0  }
0x107: {  	[sflag:s18] =	ssyncadd.s32 $0xFFFFE000  }
0x108: {  	_ =	swait.ge [sflag:s24], $0x2000  }
0x109: {  	[sflag:s24] =	ssyncset.done $0x0  }
0x10a: {  	[sflag:s24] =	ssyncadd.s32 $0xFFFFE000  }
0x10b: {  	[spmem:s1] =	stream.indirect.scatter.add.f32 [tilespmem:s23], [sflag:$0x2], $0x80, s25, s20, $0xb8;
	[tilespmem:$0x18200] =	vst v63  }
0x10c: {  	s30 =	sadd.s32 s29, s13;
	_ =	swait.ge [sflag:s18], $0x2000  }
0x10d: {  	[sflag:s18] =	ssyncset.done $0x0  }
0x10e: {  	[sflag:s18] =	ssyncadd.s32 $0xFFFFE000  }
0x10f: {  	[tilespmem:s2], [sflag:$0x2] =	stream.linear.gather [hbm4b:s30+s2], $0x100, $0x38;
	[tilespmem:$0x18200] =	vst v63  }
0x110: {  	_ =	swait.ge [sflag:s18], $0x100  }
0x111: {  	[sflag:s18] =	ssyncset.done $0x0  }
0x112: {  	s29 =	sadd.s32 s29, s14;
	[sflag:s18] =	ssyncadd.s32 $0xFFFFFF00  }
0x113: {  	[tilespmem:s19], [sflag:$0x2] =	stream.linear.gather [hbm4b:s29+s2], $0x100, $0x38;
	[tilespmem:$0x18200] =	vst v63  }
0x114: {  	_ =	swait.ge [sflag:s18], $0x100  }
0x115: {  	[sflag:s18] =	ssyncset.done $0x0  }
0x116: {  	[sflag:s18] =	ssyncadd.s32 $0xFFFFFF00  }
0x117: {  	v0 =	vld [tilespmem:$0x130]  }
0x118: {  	v1 =	vld [tilespmem:$0x120]  }
0x119: {  	v2 =	vld [tilespmem:$0x110]  }
0x11a: {  	v3 =	vld [tilespmem:$0x0]  }
0x11b: {  	v4 =	vld [tilespmem:$0x30]  }
0x11c: {  	v5 =	vld [tilespmem:$0x20]  }
0x11d: {  	v6 =	vld [tilespmem:$0x10]  }
0x11e: {  	v7 =	vld [tilespmem:$0x100];
	_ =	sdelay $0x1  }
0x11f: {  	vm0 =	veq.s32 v4, v0  }
0x120: {  	vm1 =	veq.s32 v5, v1;
	v0 =	vsel vm0, $0x2710, v0  }
0x121: {  	vm0 =	veq.s32 v6, v2;
	v1 =	vsel vm1, $0x2710, v1;
	[tilespmem:$0x130] =	vst v0  }
0x122: {  	vm1 =	veq.s32 v3, v7;
	v0 =	vsel vm0, $0x2710, v2;
	[tilespmem:$0x120] =	vst v1  }
0x123: {  	v1 =	vsel vm1, $0x2710, v7;
	[tilespmem:$0x110] =	vst v0  }
0x124: {  	[tilespmem:$0x100] =	vst v1  }
0x125: {  	[tilespmem:s21], [sflag:$0x1] =	stream.indirect.gather [hbm4b:s4+s20], $0x80, s2, s20, $0xb8;
	[tilespmem:$0x18200] =	vst v63  }
0x126: {  	v1 =	vld [tilespmem:$0x80]  }
0x127: {  	v2 =	vld [tilespmem:$0x1B0]  }
0x128: {  	v3 =	vld [tilespmem:$0x90]  }
0x129: {  	v4 =	vld [tilespmem:$0xA0]  }
0x12a: {  	v5 =	vld [tilespmem:$0x190]  }
0x12b: {  	v6 =	vld [tilespmem:$0x1A0]  }
0x12c: {  	v7 =	vld [tilespmem:$0xB0]  }
0x12d: {  	v0 =	vld [tilespmem:$0x180]  }
.Ltmp6:
0x12e: {  	(pc) =	sbr.rel @!p1 .LBB2_3-.Ltmp6, $4  }
0x12f: {  	vm0 =	veq.s32 v3, v5  }
0x130: {  	v3 =	vsel vm0, $0x2710, v5;
	vm0 =	veq.s32 v4, v6  }
0x131: {  	[tilespmem:$0x190] =	vst v3;
	v3 =	vsel vm0, $0x2710, v6;
	vm1 =	veq.s32 v7, v2  }
0x132: {  	vm0 =	veq.s32 v1, v0;
	[tilespmem:$0x1A0] =	vst v3;
	v1 =	vsel vm1, $0x2710, v2  }
0x133: {  	v0 =	vsel vm0, $0x2710, v0;
	[tilespmem:$0x1B0] =	vst v1  }
0x134: {  	[tilespmem:$0x180] =	vst v0  }
0x135: {  	[tilespmem:s23], [sflag:$0x1] =	stream.indirect.gather [hbm4b:s4+s20], $0x80, s22, s20, $0xb8;
	[tilespmem:$0x18200] =	vst v63  }
0x136: {  	_ =	swait.ge [sflag:s24], $0x2000  }
0x137: {  	[sflag:s24] =	ssyncset.done $0x0  }
0x138: {  	[sflag:s24] =	ssyncadd.s32 $0xFFFFE000  }
0x139: {  	[spmem:s1] =	stream.indirect.scatter.add.f32 [tilespmem:s21], [sflag:$0x2], $0x80, s19, s20, $0xb8;
	[tilespmem:$0x18200] =	vst v63  }
0x13a: {  	_ =	swait.ge [sflag:s18], $0x2000  }
0x13b: {  	[sflag:s18] =	ssyncset.done $0x0  }
0x13c: {  	[sflag:s18] =	ssyncadd.s32 $0xFFFFE000  }
0x13d: {  	_ =	swait.ge [sflag:s24], $0x2000  }
0x13e: {  	[sflag:s24] =	ssyncset.done $0x0  }
.Ltmp7:
0x13f: {  	[sflag:s24] =	ssyncadd.s32 $0xFFFFE000;
	(pc) =	sbr.rel .LBB2_10-.Ltmp7, $4  }
0x140: {  	[spmem:s1] =	stream.indirect.scatter.add.f32 [tilespmem:s23], [sflag:$0x2], $0x80, s25, s20, $0xb8;
	[tilespmem:$0x18200] =	vst v63  }
0x141: {  	_ =	swait.ge [sflag:s18], $0x2000  }
0x142: {  	[sflag:s18] =	ssyncset.done $0x0  }
0x143: {  	[sflag:s18] =	ssyncadd.s32 $0xFFFFE000  }
.LBB2_11:
0x144: {  	_ =	sfence.sel $0x180000  }
0x145: {  	[bflag:$0x0] =	sbarrier.arrive $0xFFFF  }
0x146: {  	p0 =	sne.s32 s3, $0x0;
	_ =	strace $0x9000004D  }
0x147: {  	s0 =	sadd.s32 @!p0 $0x100000, s0;
	[bflag:$0x2] =	sbarrier.arrive $0xFFFF  }
0x148: {  	[sflag:s0] =	ssyncadd.tile.s32 @!p0 $0x1;
	_ =	shalt  }
.Lfunc_end2:
_tile_overlayer_lowered:
.L_overlay_start_2:
0x149: {  	(tag) =	ssettag $0x2  }
0x14a: {  	s0 =	rddreg [dreg:$0x0];
	s2 =	stileid.u32  }
0x14b: {  	s1 =	rddreg [dreg:$0x1];
	p0 =	sne.s32 s2, $0x0  }
0x14c: {  	s3 =	rddreg [dreg:$0x2];
	[bflag:$0x3] =	sbarrier.arrive $0xFFFF;
	s2 =	simm.s32 @!p0 $0x1C02  }
0x14d: {  	[timem:s3], [sflag:s2] =	dma.local @!p0 [hbm:s0], s1  }
0x14e: {  	s0 =	simm.s32 @!p0 $0x2  }
0x14f: {  	_ =	swait.ge @!p0 [sflag:s0], s1  }
0x150: {  	s1 =	ssub.s32 @!p0 $0x0, s1;
	[sflag:s0] =	ssyncset.done @!p0 $0x0  }
0x151: {  	[sflag:s0] =	ssyncadd.s32 @!p0 s1  }
0x152: {  	[bflag:$0x3] =	sbarrier.arrive $0xFFFF  }
0x153: {  	_ =	shalt  }

</sc_bundles>
